<compile_context>
chip_gen: v7x
topology: tpu7x:2x2x1
jax: 0.10.2.dev20260603
libtpu: 0.0.44.dev20260713+nightly
codegen_flags: <defaults>
</compile_context>

<pallas_src>
import functools

import jax
import jax.numpy as jnp
import numpy as np
from jax import lax
from jax.experimental import pallas as pl
from jax.experimental.pallas import tpu as pltpu
from jax.experimental.pallas import tpu_sc as plsc

_XB = (-54.0, 54.0, 0.3)
_YB = (-54.0, 54.0, 0.3)
_ZB = (-10.0, 10.0, 20.0)
_DB = (1.0, 60.0, 1.0)
_IMAGE_SIZE = (256, 704)
_FEATURE_SIZE = (32, 88)
_N_CAM = 6
_C = 80

_DX = np.array([_XB[2], _YB[2], _ZB[2]], np.float32)
_BX = np.array(
    [_XB[0] + _XB[2] / 2.0, _YB[0] + _YB[2] / 2.0, _ZB[0] + _ZB[2] / 2.0],
    np.float32,
)
_OFF = _BX - _DX / 2.0
_NX = (360, 360, 1)

_D_F = int(np.arange(_DB[0], _DB[1], _DB[2]).shape[0])
_PTS_PER_CAM = _D_F * _FEATURE_SIZE[0] * _FEATURE_SIZE[1]
_NPTS = _N_CAM * _PTS_PER_CAM
_GM = _PTS_PER_CAM // 128

_GRID_ROWS = _NX[0] * _NX[1]
_SENTINEL = _GRID_ROWS

def _frustum_arrays():
    iH, iW = _IMAGE_SIZE
    fH, fW = _FEATURE_SIZE
    ds = np.arange(_DB[0], _DB[1], _DB[2], dtype=np.float32).reshape(-1, 1, 1)
    ds = np.broadcast_to(ds, (_D_F, fH, fW))
    xs = np.broadcast_to(
        np.linspace(0, iW - 1, fW, dtype=np.float32).reshape(1, 1, fW),
        (_D_F, fH, fW),
    )
    ys = np.broadcast_to(
        np.linspace(0, iH - 1, fH, dtype=np.float32).reshape(1, fH, 1),
        (_D_F, fH, fW),
    )
    r = lambda a: np.ascontiguousarray(a).reshape(_GM, 128)
    return r(xs), r(ys), r(ds)


_XS, _YS, _DS = _frustum_arrays()


_RCP = np.float32(1.0) / _DX


def _bf(t):
    return t.astype(jnp.bfloat16).astype(jnp.float32)


def _geom_body(params_ref, xs_ref, ys_ref, ds_ref, out_ref):
    n = pl.program_id(0)
    p = lambda k: params_ref[n, k]
    pb = lambda k: _bf(params_ref[n, k])
    x = xs_ref[...]
    y = ys_ref[...]
    d = ds_ref[...]
    f0 = _bf(x - p(9))
    f1 = _bf(y - p(10))
    f2 = _bf(d - p(11))
    u0 = pb(0) * f0 + pb(1) * f1 + pb(2) * f2
    u1 = pb(3) * f0 + pb(4) * f1 + pb(5) * f2
    u2 = pb(6) * f0 + pb(7) * f1 + pb(8) * f2
    v0 = _bf(u0 * u2)
    v1 = _bf(u1 * u2)
    v2 = _bf(u2)
    w0 = pb(12) * v0 + pb(13) * v1 + pb(14) * v2 + p(21)
    w1 = pb(15) * v0 + pb(16) * v1 + pb(17) * v2 + p(22)
    w2 = pb(18) * v0 + pb(19) * v1 + pb(20) * v2 + p(23)
    w0, w1, w2 = _bf(w0), _bf(w1), _bf(w2)
    z0 = pb(24) * w0 + pb(25) * w1 + pb(26) * w2 + p(33)
    z1 = pb(27) * w0 + pb(28) * w1 + pb(29) * w2 + p(34)
    z2 = pb(30) * w0 + pb(31) * w1 + pb(32) * w2 + p(35)
    gx = ((z0 - _OFF[0]) * _RCP[0]).astype(jnp.int32)
    gy = ((z1 - _OFF[1]) * _RCP[1]).astype(jnp.int32)
    gz = ((z2 - _OFF[2]) * _RCP[2]).astype(jnp.int32)
    kept = (
        (gx >= 0) & (gx < _NX[0])
        & (gy >= 0) & (gy < _NX[1])
        & (gz >= 0) & (gz < _NX[2])
    )
    out_ref[...] = jnp.where(kept, gx * _NX[1] + gy, _SENTINEL)[None]


def _voxel_indices(params):
    out = pl.pallas_call(
        _geom_body,
        grid=(_N_CAM,),
        in_specs=[
            pl.BlockSpec(memory_space=pltpu.SMEM),
            pl.BlockSpec((_GM, 128), lambda n: (0, 0)),
            pl.BlockSpec((_GM, 128), lambda n: (0, 0)),
            pl.BlockSpec((_GM, 128), lambda n: (0, 0)),
        ],
        out_specs=pl.BlockSpec((1, _GM, 128), lambda n: (n, 0, 0)),
        out_shape=jax.ShapeDtypeStruct((_N_CAM, _GM, 128), jnp.int32),
    )(params, jnp.asarray(_XS), jnp.asarray(_YS), jnp.asarray(_DS))
    return out.reshape(_NPTS)


_NSUB = 16
_NCORE = 2
_CHUNKS_PER_CORE = 4
_CHUNK = _GRID_ROWS // (_NCORE * _CHUNKS_PER_CORE)
_ACC_ROWS = 16256
_DUMP = _CHUNK
_TPP = _NPTS // _NSUB
_NSUBSL = 11
_SUB = _TPP // _NSUBSL
_NV = _SUB // 16
_KB = 128
_NB_MAX = (_SUB + 2 * _KB - 1) // _KB
_CAP = _NB_MAX * _KB
_NSLOT = 3
_ZR = _ACC_ROWS // _NSUB
_WR = 1016
_WR_LAST = _CHUNK - 15 * _WR


def _sc_body(idx_hbm, feats_hbm, zeros_hbm, out_hbm,
             acc, idxbuf, ids1d, off1d, rows, boff, gsem, ssem):
    c = lax.axis_index("c")
    s = lax.axis_index("s")
    iota16 = lax.iota(jnp.int32, 16)
    pad_ids = jnp.zeros((16,), jnp.int32)
    pad_off = jnp.full((16,), _DUMP, jnp.int32)

    for i in range(_CHUNKS_PER_CORE):
        ck = c * _CHUNKS_PER_CORE + i
        lo = ck * _CHUNK
        pltpu.sync_copy(
            zeros_hbm.at[pl.ds(s * _ZR, _ZR)],
            acc.at[pl.ds(s * _ZR, _ZR)],
        )
        plsc.subcore_barrier()

        def sub_body(h, _carry):
            base = s * _TPP + h * _SUB
            pltpu.sync_copy(idx_hbm.at[pl.ds(base, _SUB)], idxbuf)

            lov = jnp.full((16,), lo, jnp.int32)
            hiv = jnp.full((16,), lo + _CHUNK, jnp.int32)

            def scan_body(t, n, base=base, lov=lov, hiv=hiv):
                v = idxbuf[pl.ds(pl.multiple_of(t * 16, 16), 16)]
                m = (v >= lov) & (v < hiv)
                cs = plsc.cumsum(m.astype(jnp.int32))
                pos = jnp.full((16,), n - 1, jnp.int32) + cs
                pid = jnp.full((16,), base + t * 16, jnp.int32) + iota16
                plsc.store_scatter(ids1d, [pos], pid, mask=m)
                plsc.store_scatter(off1d, [pos], v - lov, mask=m)
                return n + cs[15]

            n = lax.fori_loop(0, _NV, scan_body, jnp.int32(0))
            for j in range(_KB // 16):
                pos = jnp.full((16,), n + j * 16, jnp.int32) + iota16
                plsc.store_scatter(ids1d, [pos], pad_ids)
                plsc.store_scatter(off1d, [pos], pad_off)
            nb = (n + _KB - 1) // _KB

            def start_gather(b, slot):
                o = pl.multiple_of(b * _KB, _KB)
                pltpu.async_copy(
                    feats_hbm.at[ids1d.at[pl.ds(o, _KB)]],
                    rows.at[slot],
                    gsem.at[slot],
                )

            def wait_scatter(slot):
                pltpu.make_async_copy(
                    rows.at[slot], acc.at[boff.at[slot]], ssem.at[slot]
                ).wait()

            @pl.when(nb > 0)
            def _():
                start_gather(0, 0)

            @pl.when(nb > 1)
            def _():
                start_gather(1, 1)

            def batch_body(b, carry, base=base):
                slot = lax.rem(b, _NSLOT)
                o = pl.multiple_of(b * _KB, _KB)

                @pl.when(b + 2 < nb)
                def _():
                    nslot = lax.rem(b + 2, _NSLOT)
                    @pl.when(b >= 1)
                    def _():
                        wait_scatter(nslot)

                    start_gather(b + 2, nslot)

                pltpu.make_async_copy(
                    feats_hbm.at[ids1d.at[pl.ds(o, _KB)]],
                    rows.at[slot],
                    gsem.at[slot],
                ).wait()
                for k in range(_KB // 16):
                    boff[slot, pl.ds(k * 16, 16)] = off1d[
                        pl.ds(pl.multiple_of(o + k * 16, 16), 16)
                    ]
                pltpu.async_copy(
                    rows.at[slot], acc.at[boff.at[slot]], ssem.at[slot],
                    add=True,
                )
                return carry

            lax.fori_loop(0, nb, batch_body, 0)
            for j in range(_NSLOT):
                @pl.when(nb > j)
                def _(j=j):
                    wait_scatter(lax.rem(nb - 1 - j, _NSLOT))

            return _carry

        lax.fori_loop(0, _NSUBSL, sub_body, jnp.int32(0))
        plsc.subcore_barrier()

        @pl.when(s < _NSUB - 1)
        def _():
            pltpu.sync_copy(
                acc.at[pl.ds(s * _WR, _WR)],
                out_hbm.at[pl.ds(lo + s * _WR, _WR)],
            )

        @pl.when(s == _NSUB - 1)
        def _():
            pltpu.sync_copy(
                acc.at[pl.ds((_NSUB - 1) * _WR, _WR_LAST)],
                out_hbm.at[pl.ds(lo + (_NSUB - 1) * _WR, _WR_LAST)],
            )

        plsc.subcore_barrier()


def _bev_pool(idx, feats):
    zeros = jnp.zeros((_ACC_ROWS, _C), jnp.float32)
    mesh = plsc.VectorSubcoreMesh(core_axis_name="c", subcore_axis_name="s")
    kern = functools.partial(
        pl.kernel,
        mesh=mesh,
        compiler_params=pltpu.CompilerParams(
            needs_layout_passes=False, use_tc_tiling_on_sc=False
        ),
        out_type=jax.ShapeDtypeStruct((_GRID_ROWS, _C), jnp.float32),
        scratch_types=[
            pltpu.VMEM_SHARED((_ACC_ROWS, _C), jnp.float32),
            pltpu.VMEM((_SUB,), jnp.int32),
            pltpu.VMEM((_CAP,), jnp.int32),
            pltpu.VMEM((_CAP,), jnp.int32),
            pltpu.VMEM((_NSLOT, _KB, _C), jnp.float32),
            pltpu.VMEM((_NSLOT, _KB), jnp.int32),
            pltpu.SemaphoreType.DMA((_NSLOT,)),
            pltpu.SemaphoreType.DMA((_NSLOT,)),
        ],
    )(_sc_body)
    return kern(idx, feats, zeros)


def kernel(img, points, lidar2image, camera_intrinsics, camera2lidar,
           img_aug_matrix, lidar_aug_matrix, metas,
           camera_intrinsics_inverse, img_aug_matrix_inverse,
           lidar_aug_matrix_inverse, geom_feats_precomputed):
    Bb = img.shape[0]
    intrins = camera_intrinsics[..., :3, :3]
    post_rots = img_aug_matrix[..., :3, :3]
    post_trans = img_aug_matrix[..., :3, 3]
    c2l_rots = camera2lidar[..., :3, :3]
    c2l_trans = camera2lidar[..., :3, 3]
    extra_rots = lidar_aug_matrix[..., :3, :3]
    extra_trans = lidar_aug_matrix[..., :3, 3]
    m1 = jnp.linalg.inv(post_rots)
    combine = jnp.matmul(c2l_rots, jnp.linalg.inv(intrins))
    e_mat = jnp.broadcast_to(extra_rots[:, None], combine.shape)
    e_trans = jnp.broadcast_to(extra_trans[:, None], c2l_trans.shape)
    params = jnp.concatenate(
        [
            m1.reshape(_N_CAM, 9),
            post_trans.reshape(_N_CAM, 3),
            combine.reshape(_N_CAM, 9),
            c2l_trans.reshape(_N_CAM, 3),
            e_mat.reshape(_N_CAM, 9),
            e_trans.reshape(_N_CAM, 3),
        ],
        axis=1,
    )
    idx = _voxel_indices(params)
    feats = img.reshape(_NPTS, _C)
    grid = _bev_pool(idx, feats)
    final = grid.T.reshape(Bb, _C, _NX[0], _NX[1])
    return final

# --- scband reference (transcript-rebuilt; emitter-appended) ---
"""Pipeline reference for scband-base-view-transform-26310969655942 (READ-ONLY COPY).

The authoritative reference and input builder live on the scoring server;
editing this copy changes nothing except your own understanding.
"""

import jax, jax.numpy as jnp
import numpy as np

XB = (-54.0, 54.0, 0.3); YB = (-54.0, 54.0, 0.3); ZB = (-10.0, 10.0, 20.0); DB = (1.0, 60.0, 1.0)
IMAGE_SIZE = (256, 704); FEATURE_SIZE = (32, 88); B = 1; N = 6; C_OUT = 80


def _gen_dx_bx():
    dx = np.array([XB[2], YB[2], ZB[2]], np.float32)
    bx = np.array([XB[0] + XB[2] / 2.0, YB[0] + YB[2] / 2.0, ZB[0] + ZB[2] / 2.0], np.float32)
    nx = np.array([int((XB[1] - XB[0]) / XB[2]), int((YB[1] - YB[0]) / YB[2]), int((ZB[1] - ZB[0]) / ZB[2])], np.int64)
    return dx, bx, nx


def _create_frustum():
    iH, iW = IMAGE_SIZE
    fH, fW = FEATURE_SIZE
    ds = np.arange(DB[0], DB[1], DB[2], dtype=np.float32).reshape(-1, 1, 1)
    D = ds.shape[0]
    ds = np.broadcast_to(ds, (D, fH, fW))
    xs = np.broadcast_to(np.linspace(0, iW - 1, fW, dtype=np.float32).reshape(1, 1, fW), (D, fH, fW))
    ys = np.broadcast_to(np.linspace(0, iH - 1, fH, dtype=np.float32).reshape(1, fH, 1), (D, fH, fW))
    return jnp.asarray(np.stack((xs, ys, ds), -1))


D_FRUSTUM = int(np.arange(DB[0], DB[1], DB[2]).shape[0])


def setup_inputs(seed: int = 0):
    key = jax.random.key(seed)
    ks = jax.random.split(key, 4)
    fH, fW = FEATURE_SIZE
    img = jax.random.normal(ks[0], (B, N, D_FRUSTUM, fH, fW, C_OUT), dtype=jnp.float32)
    points = jax.random.normal(ks[1], (B, 1024, 4), dtype=jnp.float32)
    lidar2image = jax.random.normal(ks[2], (B, N, 4, 4), dtype=jnp.float32)
    K = np.tile(np.eye(4, dtype=np.float32), (B, N, 1, 1))
    K[..., 0, 0] = 400.0; K[..., 1, 1] = 400.0; K[..., 0, 2] = 352.0; K[..., 1, 2] = 128.0
    camera_intrinsics = jnp.asarray(K)
    base = np.array([[0.0, 0.0, 1.0], [-1.0, 0.0, 0.0], [0.0, -1.0, 0.0]], np.float32)
    c2l = np.tile(np.eye(4, dtype=np.float32), (B, N, 1, 1))
    for i in range(N):
        th = 2.0 * np.pi * i / N
        Rz = np.array([[np.cos(th), -np.sin(th), 0.0], [np.sin(th), np.cos(th), 0.0], [0.0, 0.0, 1.0]], np.float32)
        c2l[:, i, :3, :3] = Rz @ base
        c2l[:, i, :3, 3] = np.array([np.cos(th), np.sin(th), 1.5], np.float32)
    camera2lidar = jnp.asarray(c2l)
    img_aug_matrix = jnp.tile(jnp.eye(4, dtype=jnp.float32), (B, N, 1, 1))
    lidar_aug_matrix = jnp.tile(jnp.eye(4, dtype=jnp.float32), (B, 1, 1))
    return {
        "img": img,
        "points": points,
        "lidar2image": lidar2image,
        "camera_intrinsics": camera_intrinsics,
        "camera2lidar": camera2lidar,
        "img_aug_matrix": img_aug_matrix,
        "lidar_aug_matrix": lidar_aug_matrix,
        "metas": 0,
        "camera_intrinsics_inverse": jnp.linalg.inv(camera_intrinsics),
        "img_aug_matrix_inverse": jnp.linalg.inv(img_aug_matrix),
        "lidar_aug_matrix_inverse": jnp.linalg.inv(lidar_aug_matrix),
        "geom_feats_precomputed": 0,
    }


def _forward(img, camera_intrinsics, camera2lidar, img_aug_matrix, lidar_aug_matrix):
    dx, bx, nx = _gen_dx_bx()
    frustum = _create_frustum()
    intrins = camera_intrinsics[..., :3, :3]
    post_rots = img_aug_matrix[..., :3, :3]
    post_trans = img_aug_matrix[..., :3, 3]
    c2l_rots = camera2lidar[..., :3, :3]
    c2l_trans = camera2lidar[..., :3, 3]
    extra_rots = lidar_aug_matrix[..., :3, :3]
    extra_trans = lidar_aug_matrix[..., :3, 3]
    Bb, Nn, _ = c2l_trans.shape
    # get_geometry
    pts = frustum - post_trans.reshape(Bb, Nn, 1, 1, 1, 3)
    pts = jnp.matmul(jnp.linalg.inv(post_rots).reshape(Bb, Nn, 1, 1, 1, 3, 3), pts[..., None])
    pts = jnp.concatenate((pts[..., :2, :] * pts[..., 2:3, :], pts[..., 2:3, :]), axis=-2)
    combine = jnp.matmul(c2l_rots, jnp.linalg.inv(intrins))
    pts = jnp.matmul(combine.reshape(Bb, Nn, 1, 1, 1, 3, 3), pts)[..., 0]
    pts = pts + c2l_trans.reshape(Bb, Nn, 1, 1, 1, 3)
    pts = jnp.matmul(extra_rots.reshape(Bb, 1, 1, 1, 1, 3, 3), pts[..., None])[..., 0]
    pts = pts + extra_trans.reshape(Bb, 1, 1, 1, 1, 3)
    # get_cam_feats is abstract in BaseViewTransform -> identity lift (img is pre-lifted)
    x = img
    Bc, Nc, Dc, Hc, Wc, Cc = x.shape
    Nprime = Bc * Nc * Dc * Hc * Wc
    feats = x.reshape(Nprime, Cc)
    # bev_pool: voxelize + masked scatter-add (equivalent to rank-sorted cumsum pooling)
    gf = ((pts - (jnp.asarray(bx) - jnp.asarray(dx) / 2.0)) / jnp.asarray(dx)).astype(jnp.int32)
    gf = gf.reshape(Nprime, 3)
    batch_ix = jnp.repeat(jnp.arange(Bc, dtype=jnp.int32), Nprime // Bc)
    kept = (gf[:, 0] >= 0) & (gf[:, 0] < int(nx[0])) & (gf[:, 1] >= 0) & (gf[:, 1] < int(nx[1])) & (gf[:, 2] >= 0) & (gf[:, 2] < int(nx[2]))
    gx = jnp.where(kept, gf[:, 0], 0)
    gy = jnp.where(kept, gf[:, 1], 0)
    gz = jnp.where(kept, gf[:, 2], 0)
    fm = feats * kept[:, None].astype(feats.dtype)
    out = jnp.zeros((Bc, int(nx[2]), int(nx[0]), int(nx[1]), Cc), dtype=feats.dtype)
    out = out.at[batch_ix, gz, gx, gy].add(fm)
    out = jnp.transpose(out, (0, 4, 1, 2, 3))  # (B, C, Z, X, Y)
    final = jnp.concatenate([out[:, :, i] for i in range(out.shape[2])], axis=1)
    return final


def reference(img, points, lidar2image, camera_intrinsics, camera2lidar, img_aug_matrix, lidar_aug_matrix, metas, camera_intrinsics_inverse, img_aug_matrix_inverse, lidar_aug_matrix_inverse, geom_feats_precomputed):
    return _forward(img, camera_intrinsics, camera2lidar, img_aug_matrix, lidar_aug_matrix)

if __name__ == "__main__":
    import jax
    _d = setup_inputs()
    print(jax.jit(kernel)(*tuple(_d.values())))

</pallas_src>

<mosaic_0001>
#map = affine_map<(d0, d1) -> (0)>
#map1 = affine_map<(d0, d1) -> (0, 0)>
module attributes {stable_mosaic.version = 14 : i64} {
  func.func @_sc_body(%arg0: i32, %arg1: i32, %arg2: memref<996864xi32, #tpu.memory_space<hbm>>, %arg3: memref<996864x80xf32, #tpu.memory_space<hbm>>, %arg4: memref<16256x80xf32, #tpu.memory_space<hbm>>, %arg5: memref<129600x80xf32, #tpu.memory_space<hbm>>, %arg6: memref<16256x80xf32, #tpu.memory_space<vmem_shared>>, %arg7: memref<5664xi32, #tpu.memory_space<vmem>>, %arg8: memref<5888xi32, #tpu.memory_space<vmem>>, %arg9: memref<5888xi32, #tpu.memory_space<vmem>>, %arg10: memref<3x128x80xf32, #tpu.memory_space<vmem>>, %arg11: memref<3x128xi32, #tpu.memory_space<vmem>>, %arg12: memref<3x!tpu.dma_semaphore, #tpu.memory_space<semaphore_mem>>, %arg13: memref<3x!tpu.dma_semaphore, #tpu.memory_space<semaphore_mem>>) attributes {dimension_semantics = [#tpu.dimension_semantics<core_parallel>, #tpu.dimension_semantics<subcore_parallel>], iteration_bounds = array<i64: 2, 16>, scalar_prefetch = 0 : i64, scratch_operands = 8 : i64, tpu.core_type = #tpu.core_type<sc_vector_subcore>, window_params = [{transform_indices = #map}, {transform_indices = #map1}, {transform_indices = #map1}, {transform_indices = #map1}]} {
    %iota3A = tpu.iota {dimensions = array<i32: 0>} : vector<16xi32>
    %broadcast_in_dim3A = arith.constant 0 : i32
    %broadcast_in_dim3A_0 = vector.broadcast %broadcast_in_dim3A : i32 to vector<16xi32>
    %broadcast_in_dim3A_1 = arith.constant 16200 : i32
    %broadcast_in_dim3A_2 = vector.broadcast %broadcast_in_dim3A_1 : i32 to vector<16xi32>
    %mul3A = arith.constant 4 : i32
    %mul3A_3 = arith.muli %arg0, %mul3A : i32
    %add3A = arith.constant 0 : i32
    %add3A_4 = arith.addi %mul3A_3, %add3A : i32
    %mul3A_5 = arith.constant 16200 : i32
    %mul3A_6 = arith.muli %add3A_4, %mul3A_5 : i32
    %mul3A_7 = arith.constant 1016 : i32
    %mul3A_8 = arith.muli %arg1, %mul3A_7 : i32
    %mul3A_9 = arith.constant 1016 : i32
    %mul3A_10 = arith.muli %arg1, %mul3A_9 : i32
    "tpu.region"() ({
      %run_scoped3A = tpu.sem_alloc : memref<!tpu.dma_semaphore, #tpu.memory_space<semaphore_mem>>
      %dma_start3A = arith.constant 0 : i32
      %dma_start3A_111 = tpu.memref_slice %arg6[%mul3A_10, %dma_start3A] : memref<16256x80xf32, #tpu.memory_space<vmem_shared>> -> memref<1016x80xf32, #tpu.memory_space<vmem_shared>>
      %dma_start3A_112 = arith.constant 0 : i32
      %dma_start3A_113 = tpu.memref_slice %arg4[%mul3A_8, %dma_start3A_112] : memref<16256x80xf32, #tpu.memory_space<hbm>> -> memref<1016x80xf32, #tpu.memory_space<hbm>>
      tpu.enqueue_dma source(%dma_start3A_113 : memref<1016x80xf32, #tpu.memory_space<hbm>>) target(%dma_start3A_111 : memref<1016x80xf32, #tpu.memory_space<vmem_shared>>) target_semaphore(%run_scoped3A : memref<!tpu.dma_semaphore, #tpu.memory_space<semaphore_mem>>)
      %dma_wait3A = arith.constant 0 : i32
      %dma_wait3A_114 = tpu.memref_slice %arg6[%mul3A_10, %dma_wait3A] : memref<16256x80xf32, #tpu.memory_space<vmem_shared>> -> memref<1016x80xf32, #tpu.memory_space<vmem_shared>>
      %dma_wait3A_115 = arith.constant 0 : i32
      %dma_wait3A_116 = tpu.memref_slice %arg4[%mul3A_8, %dma_wait3A_115] : memref<16256x80xf32, #tpu.memory_space<hbm>> -> memref<1016x80xf32, #tpu.memory_space<hbm>>
      tpu.wait_dma2 semaphore(%run_scoped3A : memref<!tpu.dma_semaphore, #tpu.memory_space<semaphore_mem>>) src(%dma_wait3A_116 : memref<1016x80xf32, #tpu.memory_space<hbm>>) dst(%dma_wait3A_114 : memref<1016x80xf32, #tpu.memory_space<vmem_shared>>)
      tpu.yield
    }) : () -> ()
    %barrier3A = arith.constant 0 : index
    tpu.barrier barrier_id(%barrier3A)
    %scan3A = arith.constant 0 : i32
    %scan3A_11 = arith.constant 0 : i32
    %scan3A_12 = arith.constant 11 : i32
    %scan3A_13 = arith.addi %scan3A_11, %scan3A_12 : i32
    %scan3A_14 = arith.constant 1 : i32
    scf.for %scan3A_111 = %scan3A_11 to %scan3A_13 step %scan3A_14  : i32 {
      %mul3A_112 = arith.constant 62304 : i32
      %mul3A_113 = arith.muli %arg1, %mul3A_112 : i32
      %mul3A_114 = arith.constant 5664 : i32
      %mul3A_115 = arith.muli %scan3A_111, %mul3A_114 : i32
      %add3A_116 = arith.addi %mul3A_113, %mul3A_115 : i32
      "tpu.region"() ({
        %run_scoped3A = tpu.sem_alloc : memref<!tpu.dma_semaphore, #tpu.memory_space<semaphore_mem>>
        %dma_start3A = tpu.memref_slice %arg2[%add3A_116] : memref<996864xi32, #tpu.memory_space<hbm>> -> memref<5664xi32, #tpu.memory_space<hbm>>
        %dma_start3A_213 = tpu.memref_slice %arg2[%add3A_116] : memref<996864xi32, #tpu.memory_space<hbm>> -> memref<5664xi32, #tpu.memory_space<hbm>>
        tpu.enqueue_dma source(%dma_start3A_213 : memref<5664xi32, #tpu.memory_space<hbm>>) target(%arg7 : memref<5664xi32, #tpu.memory_space<vmem>>) target_semaphore(%run_scoped3A : memref<!tpu.dma_semaphore, #tpu.memory_space<semaphore_mem>>)
        %dma_wait3A = tpu.memref_slice %arg2[%add3A_116] : memref<996864xi32, #tpu.memory_space<hbm>> -> memref<5664xi32, #tpu.memory_space<hbm>>
        %dma_wait3A_214 = tpu.memref_slice %arg2[%add3A_116] : memref<996864xi32, #tpu.memory_space<hbm>> -> memref<5664xi32, #tpu.memory_space<hbm>>
        tpu.wait_dma2 semaphore(%run_scoped3A : memref<!tpu.dma_semaphore, #tpu.memory_space<semaphore_mem>>) src(%dma_wait3A_214 : memref<5664xi32, #tpu.memory_space<hbm>>) dst(%arg7 : memref<5664xi32, #tpu.memory_space<vmem>>)
        tpu.yield
      }) : () -> ()
      %broadcast_in_dim3A_117 = vector.broadcast %mul3A_6 : i32 to vector<16xi32>
      %add3A_118 = arith.constant 16200 : i32
      %add3A_119 = arith.addi %mul3A_6, %add3A_118 : i32
      %broadcast_in_dim3A_120 = vector.broadcast %add3A_119 : i32 to vector<16xi32>
      %scan3A_121 = arith.constant 0 : i32
      %scan3A_122 = arith.constant 0 : i32
      %scan3A_123 = arith.constant 354 : i32
      %scan3A_124 = arith.addi %scan3A_122, %scan3A_123 : i32
      %scan3A_125 = arith.constant 1 : i32
      %scan3A_126 = scf.for %scan3A_213 = %scan3A_122 to %scan3A_124 step %scan3A_125 iter_args(%scan3A_214 = %scan3A_121) -> (i32)  : i32 {
        %mul3A_215 = arith.constant 16 : i32
        %mul3A_216 = arith.muli %scan3A_213, %mul3A_215 : i32
        %multiple_of3A = tpu.assume_multiple %mul3A_216, 16 : i32
        %get3A = arith.index_cast %multiple_of3A : i32 to index
        %get3A_217 = tpu.vector_load %arg7[%get3A] {strides = array<i32>} : memref<5664xi32, #tpu.memory_space<vmem>>, vector<16xi32>,
        %ge3A = arith.cmpi sge, %get3A_217, %broadcast_in_dim3A_117 : vector<16xi32>
        %lt3A_218 = arith.cmpi slt, %get3A_217, %broadcast_in_dim3A_120 : vector<16xi32>
        %and3A_219 = arith.andi %ge3A, %lt3A_218 : vector<16xi1>
        %convert_element_type3A_220 = arith.extui %and3A_219 : vector<16xi1> to vector<16xi32>
        %broadcast_in_dim3A_221 = arith.constant true
        %broadcast_in_dim3A_222 = vector.broadcast %broadcast_in_dim3A_221 : i1 to vector<16xi1>
        %masked_cumsum3A = tpu.scan <sum>, %convert_element_type3A_220 masked %broadcast_in_dim3A_222 : vector<16xi32>, vector<16xi1> -> vector<16xi32>
        %sub3A_223 = arith.constant 1 : i32
        %sub3A_224 = arith.subi %scan3A_214, %sub3A_223 : i32
        %broadcast_in_dim3A_225 = vector.broadcast %sub3A_224 : i32 to vector<16xi32>
        %add3A_226 = arith.addi %broadcast_in_dim3A_225, %masked_cumsum3A : vector<16xi32>
        %mul3A_227 = arith.constant 16 : i32
        %mul3A_228 = arith.muli %scan3A_213, %mul3A_227 : i32
        %add3A_229 = arith.addi %add3A_116, %mul3A_228 : i32
        %broadcast_in_dim3A_230 = vector.broadcast %add3A_229 : i32 to vector<16xi32>
        %add3A_231 = arith.addi %broadcast_in_dim3A_230, %iota3A : vector<16xi32>
        tpu.vector_store_idx %arg8[%add3A_226], %add3A_231 masked %and3A_219 : memref<5888xi32, #tpu.memory_space<vmem>>[vector<16xi32>], vector<16xi32>, vector<16xi1>
        %sub3A_232 = arith.subi %get3A_217, %broadcast_in_dim3A_117 : vector<16xi32>
        tpu.vector_store_idx %arg9[%add3A_226], %sub3A_232 masked %and3A_219 : memref<5888xi32, #tpu.memory_space<vmem>>[vector<16xi32>], vector<16xi32>, vector<16xi1>
        %slice3A = vector.extract_strided_slice %masked_cumsum3A {offsets = [15], sizes = [1], strides = [1]} : vector<16xi32> to vector<1xi32>
        %squeeze3A = vector.extract %slice3A[0] : i32 from vector<1xi32>
        %add3A_233 = arith.addi %scan3A_214, %squeeze3A : i32
        scf.yield %add3A_233 : i32
      }
      %scan3A_127 = arith.constant 354 : i32
      %add3A_128 = arith.constant 0 : i32
      %add3A_129 = arith.addi %scan3A_126, %add3A_128 : i32
      %broadcast_in_dim3A_130 = vector.broadcast %add3A_129 : i32 to vector<16xi32>
      %add3A_131 = arith.addi %broadcast_in_dim3A_130, %iota3A : vector<16xi32>
      tpu.vector_store_idx %arg8[%add3A_131], %broadcast_in_dim3A_0 : memref<5888xi32, #tpu.memory_space<vmem>>[vector<16xi32>], vector<16xi32>,
      tpu.vector_store_idx %arg9[%add3A_131], %broadcast_in_dim3A_2 : memref<5888xi32, #tpu.memory_space<vmem>>[vector<16xi32>], vector<16xi32>,
      %add3A_132 = arith.constant 16 : i32
      %add3A_133 = arith.addi %scan3A_126, %add3A_132 : i32
      %broadcast_in_dim3A_134 = vector.broadcast %add3A_133 : i32 to vector<16xi32>
      %add3A_135 = arith.addi %broadcast_in_dim3A_134, %iota3A : vector<16xi32>
      tpu.vector_store_idx %arg8[%add3A_135], %broadcast_in_dim3A_0 : memref<5888xi32, #tpu.memory_space<vmem>>[vector<16xi32>], vector<16xi32>,
      tpu.vector_store_idx %arg9[%add3A_135], %broadcast_in_dim3A_2 : memref<5888xi32, #tpu.memory_space<vmem>>[vector<16xi32>], vector<16xi32>,
      %add3A_136 = arith.constant 32 : i32
      %add3A_137 = arith.addi %scan3A_126, %add3A_136 : i32
      %broadcast_in_dim3A_138 = vector.broadcast %add3A_137 : i32 to vector<16xi32>
      %add3A_139 = arith.addi %broadcast_in_dim3A_138, %iota3A : vector<16xi32>
      tpu.vector_store_idx %arg8[%add3A_139], %broadcast_in_dim3A_0 : memref<5888xi32, #tpu.memory_space<vmem>>[vector<16xi32>], vector<16xi32>,
      tpu.vector_store_idx %arg9[%add3A_139], %broadcast_in_dim3A_2 : memref<5888xi32, #tpu.memory_space<vmem>>[vector<16xi32>], vector<16xi32>,
      %add3A_140 = arith.constant 48 : i32
      %add3A_141 = arith.addi %scan3A_126, %add3A_140 : i32
      %broadcast_in_dim3A_142 = vector.broadcast %add3A_141 : i32 to vector<16xi32>
      %add3A_143 = arith.addi %broadcast_in_dim3A_142, %iota3A : vector<16xi32>
      tpu.vector_store_idx %arg8[%add3A_143], %broadcast_in_dim3A_0 : memref<5888xi32, #tpu.memory_space<vmem>>[vector<16xi32>], vector<16xi32>,
      tpu.vector_store_idx %arg9[%add3A_143], %broadcast_in_dim3A_2 : memref<5888xi32, #tpu.memory_space<vmem>>[vector<16xi32>], vector<16xi32>,
      %add3A_144 = arith.constant 64 : i32
      %add3A_145 = arith.addi %scan3A_126, %add3A_144 : i32
      %broadcast_in_dim3A_146 = vector.broadcast %add3A_145 : i32 to vector<16xi32>
      %add3A_147 = arith.addi %broadcast_in_dim3A_146, %iota3A : vector<16xi32>
      tpu.vector_store_idx %arg8[%add3A_147], %broadcast_in_dim3A_0 : memref<5888xi32, #tpu.memory_space<vmem>>[vector<16xi32>], vector<16xi32>,
      tpu.vector_store_idx %arg9[%add3A_147], %broadcast_in_dim3A_2 : memref<5888xi32, #tpu.memory_space<vmem>>[vector<16xi32>], vector<16xi32>,
      %add3A_148 = arith.constant 80 : i32
      %add3A_149 = arith.addi %scan3A_126, %add3A_148 : i32
      %broadcast_in_dim3A_150 = vector.broadcast %add3A_149 : i32 to vector<16xi32>
      %add3A_151 = arith.addi %broadcast_in_dim3A_150, %iota3A : vector<16xi32>
      tpu.vector_store_idx %arg8[%add3A_151], %broadcast_in_dim3A_0 : memref<5888xi32, #tpu.memory_space<vmem>>[vector<16xi32>], vector<16xi32>,
      tpu.vector_store_idx %arg9[%add3A_151], %broadcast_in_dim3A_2 : memref<5888xi32, #tpu.memory_space<vmem>>[vector<16xi32>], vector<16xi32>,
      %add3A_152 = arith.constant 96 : i32
      %add3A_153 = arith.addi %scan3A_126, %add3A_152 : i32
      %broadcast_in_dim3A_154 = vector.broadcast %add3A_153 : i32 to vector<16xi32>
      %add3A_155 = arith.addi %broadcast_in_dim3A_154, %iota3A : vector<16xi32>
      tpu.vector_store_idx %arg8[%add3A_155], %broadcast_in_dim3A_0 : memref<5888xi32, #tpu.memory_space<vmem>>[vector<16xi32>], vector<16xi32>,
      tpu.vector_store_idx %arg9[%add3A_155], %broadcast_in_dim3A_2 : memref<5888xi32, #tpu.memory_space<vmem>>[vector<16xi32>], vector<16xi32>,
      %add3A_156 = arith.constant 112 : i32
      %add3A_157 = arith.addi %scan3A_126, %add3A_156 : i32
      %broadcast_in_dim3A_158 = vector.broadcast %add3A_157 : i32 to vector<16xi32>
      %add3A_159 = arith.addi %broadcast_in_dim3A_158, %iota3A : vector<16xi32>
      tpu.vector_store_idx %arg8[%add3A_159], %broadcast_in_dim3A_0 : memref<5888xi32, #tpu.memory_space<vmem>>[vector<16xi32>], vector<16xi32>,
      tpu.vector_store_idx %arg9[%add3A_159], %broadcast_in_dim3A_2 : memref<5888xi32, #tpu.memory_space<vmem>>[vector<16xi32>], vector<16xi32>,
      %add3A_160 = arith.constant 128 : i32
      %add3A_161 = arith.addi %scan3A_126, %add3A_160 : i32
      %sub3A = arith.constant 1 : i32
      %sub3A_162 = arith.subi %add3A_161, %sub3A : i32
      %jit3A = arith.constant 128 : i32
      %div3A = arith.divsi %sub3A_162, %jit3A : i32
      %sign3A = arith.constant 0 : i32
      %sign3A_163 = arith.cmpi sgt, %sub3A_162, %sign3A : i32
      %sign3A_164 = arith.extui %sign3A_163 : i1 to i32
      %sign3A_165 = arith.constant 0 : i32
      %sign3A_166 = arith.cmpi slt, %sub3A_162, %sign3A_165 : i32
      %sign3A_167 = arith.extui %sign3A_166 : i1 to i32
      %sign3A_168 = arith.subi %sign3A_164, %sign3A_167 : i32
      %sign3A_169 = arith.constant 0 : i32
      %sign3A_170 = arith.cmpi sgt, %jit3A, %sign3A_169 : i32
      %sign3A_171 = arith.extui %sign3A_170 : i1 to i32
      %sign3A_172 = arith.constant 0 : i32
      %sign3A_173 = arith.cmpi slt, %jit3A, %sign3A_172 : i32
      %sign3A_174 = arith.extui %sign3A_173 : i1 to i32
      %sign3A_175 = arith.subi %sign3A_171, %sign3A_174 : i32
      %ne3A = arith.cmpi ne, %sign3A_168, %sign3A_175 : i32
      %rem3A = arith.remsi %sub3A_162, %jit3A : i32
      %ne3A_176 = arith.constant 0 : i32
      %ne3A_177 = arith.cmpi ne, %rem3A, %ne3A_176 : i32
      %and3A = arith.andi %ne3A, %ne3A_177 : i1
      %sub3A_178 = arith.constant 1 : i32
      %sub3A_179 = arith.subi %div3A, %sub3A_178 : i32
      %select_n3A = arith.select %and3A, %sub3A_179, %div3A : i32
      %gt3A = arith.constant 0 : i32
      %gt3A_180 = arith.cmpi sgt, %select_n3A, %gt3A : i32
      %convert_element_type3A_181 = arith.extui %gt3A_180 : i1 to i32
      %cond3A_182 = arith.constant 0 : i32
      %cond3A_183 = arith.cmpi ne, %convert_element_type3A_181, %cond3A_182 : i32
      scf.if %cond3A_183 {
        %multiple_of3A = arith.constant 0 : i32
        %multiple_of3A_213 = tpu.assume_multiple %multiple_of3A, 128 : i32
        %dma_start3A = arith.constant 0 : i32
        %dma_start3A_214 = arith.constant 0 : i32
        %dma_start3A_215 = arith.constant 0 : i32
        %dma_start3A_216 = arith.constant 0 : i32
        %dma_start3A_217 = tpu.memref_slice %arg10[%dma_start3A, %dma_start3A_215, %dma_start3A_216] : memref<3x128x80xf32, #tpu.memory_space<vmem>> -> memref<1x128x80xf32, #tpu.memory_space<vmem>>
        %dma_start3A_218 = tpu.memref_squeeze %dma_start3A_217 : memref<1x128x80xf32, #tpu.memory_space<vmem>> -> memref<128x80xf32, #tpu.memory_space<vmem>>
        %dma_start3A_219 = tpu.memref_slice %arg8[%multiple_of3A_213] : memref<5888xi32, #tpu.memory_space<vmem>> -> memref<128xi32, #tpu.memory_space<vmem>>
        %dma_start3A_220 = arith.constant 0 : i32
        %dma_start3A_221 = arith.constant 0 : i32
        %dma_start3A_222 = tpu.memref_slice %arg3[%dma_start3A_220, %dma_start3A_221] : memref<996864x80xf32, #tpu.memory_space<hbm>> -> memref<996864x80xf32, #tpu.memory_space<hbm>>
        %dma_start3A_223 = tpu.memref_slice %arg12[%dma_start3A_214] : memref<3x!tpu.dma_semaphore, #tpu.memory_space<semaphore_mem>> -> memref<1x!tpu.dma_semaphore, #tpu.memory_space<semaphore_mem>>
        %dma_start3A_224 = tpu.memref_squeeze %dma_start3A_223 : memref<1x!tpu.dma_semaphore, #tpu.memory_space<semaphore_mem>> -> memref<!tpu.dma_semaphore, #tpu.memory_space<semaphore_mem>>
        tpu.enqueue_indirect_dma source(%dma_start3A_222 : memref<996864x80xf32, #tpu.memory_space<hbm>>) target(%dma_start3A_218 : memref<128x80xf32, #tpu.memory_space<vmem>>) offsets(%dma_start3A_219 : memref<128xi32, #tpu.memory_space<vmem>>) semaphore(%dma_start3A_224 : memref<!tpu.dma_semaphore, #tpu.memory_space<semaphore_mem>>)
      } else {
      }
      %gt3A_184 = arith.constant 1 : i32
      %gt3A_185 = arith.cmpi sgt, %select_n3A, %gt3A_184 : i32
      %convert_element_type3A_186 = arith.extui %gt3A_185 : i1 to i32
      %cond3A_187 = arith.constant 0 : i32
      %cond3A_188 = arith.cmpi ne, %convert_element_type3A_186, %cond3A_187 : i32
      scf.if %cond3A_188 {
        %multiple_of3A = arith.constant 128 : i32
        %multiple_of3A_213 = tpu.assume_multiple %multiple_of3A, 128 : i32
        %dma_start3A = arith.constant 1 : i32
        %dma_start3A_214 = arith.constant 1 : i32
        %dma_start3A_215 = arith.constant 0 : i32
        %dma_start3A_216 = arith.constant 0 : i32
        %dma_start3A_217 = tpu.memref_slice %arg10[%dma_start3A, %dma_start3A_215, %dma_start3A_216] : memref<3x128x80xf32, #tpu.memory_space<vmem>> -> memref<1x128x80xf32, #tpu.memory_space<vmem>>
        %dma_start3A_218 = tpu.memref_squeeze %dma_start3A_217 : memref<1x128x80xf32, #tpu.memory_space<vmem>> -> memref<128x80xf32, #tpu.memory_space<vmem>>
        %dma_start3A_219 = tpu.memref_slice %arg8[%multiple_of3A_213] : memref<5888xi32, #tpu.memory_space<vmem>> -> memref<128xi32, #tpu.memory_space<vmem>>
        %dma_start3A_220 = arith.constant 0 : i32
        %dma_start3A_221 = arith.constant 0 : i32
        %dma_start3A_222 = tpu.memref_slice %arg3[%dma_start3A_220, %dma_start3A_221] : memref<996864x80xf32, #tpu.memory_space<hbm>> -> memref<996864x80xf32, #tpu.memory_space<hbm>>
        %dma_start3A_223 = tpu.memref_slice %arg12[%dma_start3A_214] : memref<3x!tpu.dma_semaphore, #tpu.memory_space<semaphore_mem>> -> memref<1x!tpu.dma_semaphore, #tpu.memory_space<semaphore_mem>>
        %dma_start3A_224 = tpu.memref_squeeze %dma_start3A_223 : memref<1x!tpu.dma_semaphore, #tpu.memory_space<semaphore_mem>> -> memref<!tpu.dma_semaphore, #tpu.memory_space<semaphore_mem>>
        tpu.enqueue_indirect_dma source(%dma_start3A_222 : memref<996864x80xf32, #tpu.memory_space<hbm>>) target(%dma_start3A_218 : memref<128x80xf32, #tpu.memory_space<vmem>>) offsets(%dma_start3A_219 : memref<128xi32, #tpu.memory_space<vmem>>) semaphore(%dma_start3A_224 : memref<!tpu.dma_semaphore, #tpu.memory_space<semaphore_mem>>)
      } else {
      }
      %while3A = arith.constant 0 : i32
      %while3A_189 = arith.constant 0 : i32
      %while3A_190 = arith.subi %select_n3A, %while3A_189 : i32
      %while3A_191 = arith.addi %while3A_189, %while3A_190 : i32
      %while3A_192 = arith.constant 1 : i32
      %while3A_193 = arith.divsi %while3A_190, %while3A_192 : i32
      %while3A_194 = arith.muli %while3A_193, %while3A_192 : i32
      %while3A_195 = arith.addi %while3A_189, %while3A_194 : i32
      %while3A_196 = arith.constant 1 : i32
      scf.for %while3A_213 = %while3A_189 to %while3A_195 step %while3A_196  : i32 {
        %rem3A_214 = arith.constant 3 : i32
        %rem3A_215 = arith.remsi %while3A_213, %rem3A_214 : i32
        %mul3A_216 = arith.constant 128 : i32
        %mul3A_217 = arith.muli %while3A_213, %mul3A_216 : i32
        %multiple_of3A = tpu.assume_multiple %mul3A_217, 128 : i32
        %add3A_218 = arith.constant 2 : i32
        %add3A_219 = arith.addi %while3A_213, %add3A_218 : i32
        %lt3A_220 = arith.cmpi slt, %add3A_219, %select_n3A : i32
        %convert_element_type3A_221 = arith.extui %lt3A_220 : i1 to i32
        %cond3A_222 = arith.constant 0 : i32
        %cond3A_223 = arith.cmpi ne, %convert_element_type3A_221, %cond3A_222 : i32
        scf.if %cond3A_223 {
          %add3A_306 = arith.constant 2 : i32
          %add3A_307 = arith.addi %while3A_213, %add3A_306 : i32
          %rem3A_308 = arith.constant 3 : i32
          %rem3A_309 = arith.remsi %add3A_307, %rem3A_308 : i32
          %ge3A = arith.constant 1 : i32
          %ge3A_310 = arith.cmpi sge, %while3A_213, %ge3A : i32
          %convert_element_type3A_311 = arith.extui %ge3A_310 : i1 to i32
          %cond3A_312 = arith.constant 0 : i32
          %cond3A_313 = arith.cmpi ne, %convert_element_type3A_311, %cond3A_312 : i32
          scf.if %cond3A_313 {
            %dma_wait3A_329 = arith.constant 0 : i32
            %dma_wait3A_330 = arith.constant 0 : i32
            %dma_wait3A_331 = tpu.memref_slice %arg10[%rem3A_309, %dma_wait3A_329, %dma_wait3A_330] : memref<3x128x80xf32, #tpu.memory_space<vmem>> -> memref<1x128x80xf32, #tpu.memory_space<vmem>>
            %dma_wait3A_332 = tpu.memref_squeeze %dma_wait3A_331 : memref<1x128x80xf32, #tpu.memory_space<vmem>> -> memref<128x80xf32, #tpu.memory_space<vmem>>
            %dma_wait3A_333 = arith.constant 0 : i32
            %dma_wait3A_334 = tpu.memref_slice %arg11[%rem3A_309, %dma_wait3A_333] : memref<3x128xi32, #tpu.memory_space<vmem>> -> memref<1x128xi32, #tpu.memory_space<vmem>>
            %dma_wait3A_335 = tpu.memref_squeeze %dma_wait3A_334 : memref<1x128xi32, #tpu.memory_space<vmem>> -> memref<128xi32, #tpu.memory_space<vmem>>
            %dma_wait3A_336 = arith.constant 0 : i32
            %dma_wait3A_337 = arith.constant 0 : i32
            %dma_wait3A_338 = tpu.memref_slice %arg6[%dma_wait3A_336, %dma_wait3A_337] : memref<16256x80xf32, #tpu.memory_space<vmem_shared>> -> memref<16256x80xf32, #tpu.memory_space<vmem_shared>>
            %dma_wait3A_339 = tpu.memref_slice %arg13[%rem3A_309] : memref<3x!tpu.dma_semaphore, #tpu.memory_space<semaphore_mem>> -> memref<1x!tpu.dma_semaphore, #tpu.memory_space<semaphore_mem>>
            %dma_wait3A_340 = tpu.memref_squeeze %dma_wait3A_339 : memref<1x!tpu.dma_semaphore, #tpu.memory_space<semaphore_mem>> -> memref<!tpu.dma_semaphore, #tpu.memory_space<semaphore_mem>>
            tpu.wait_indirect_dma semaphore(%dma_wait3A_340 : memref<!tpu.dma_semaphore, #tpu.memory_space<semaphore_mem>>) src(%dma_wait3A_332 : memref<128x80xf32, #tpu.memory_space<vmem>>) dst(%dma_wait3A_338 : memref<16256x80xf32, #tpu.memory_space<vmem_shared>>)
          } else {
          }
          %add3A_314 = arith.constant 2 : i32
          %add3A_315 = arith.addi %while3A_213, %add3A_314 : i32
          %mul3A_316 = arith.constant 128 : i32
          %mul3A_317 = arith.muli %add3A_315, %mul3A_316 : i32
          %multiple_of3A_318 = tpu.assume_multiple %mul3A_317, 128 : i32
          %dma_start3A_319 = arith.constant 0 : i32
          %dma_start3A_320 = arith.constant 0 : i32
          %dma_start3A_321 = tpu.memref_slice %arg10[%rem3A_309, %dma_start3A_319, %dma_start3A_320] : memref<3x128x80xf32, #tpu.memory_space<vmem>> -> memref<1x128x80xf32, #tpu.memory_space<vmem>>
          %dma_start3A_322 = tpu.memref_squeeze %dma_start3A_321 : memref<1x128x80xf32, #tpu.memory_space<vmem>> -> memref<128x80xf32, #tpu.memory_space<vmem>>
          %dma_start3A_323 = tpu.memref_slice %arg8[%multiple_of3A_318] : memref<5888xi32, #tpu.memory_space<vmem>> -> memref<128xi32, #tpu.memory_space<vmem>>
          %dma_start3A_324 = arith.constant 0 : i32
          %dma_start3A_325 = arith.constant 0 : i32
          %dma_start3A_326 = tpu.memref_slice %arg3[%dma_start3A_324, %dma_start3A_325] : memref<996864x80xf32, #tpu.memory_space<hbm>> -> memref<996864x80xf32, #tpu.memory_space<hbm>>
          %dma_start3A_327 = tpu.memref_slice %arg12[%rem3A_309] : memref<3x!tpu.dma_semaphore, #tpu.memory_space<semaphore_mem>> -> memref<1x!tpu.dma_semaphore, #tpu.memory_space<semaphore_mem>>
          %dma_start3A_328 = tpu.memref_squeeze %dma_start3A_327 : memref<1x!tpu.dma_semaphore, #tpu.memory_space<semaphore_mem>> -> memref<!tpu.dma_semaphore, #tpu.memory_space<semaphore_mem>>
          tpu.enqueue_indirect_dma source(%dma_start3A_326 : memref<996864x80xf32, #tpu.memory_space<hbm>>) target(%dma_start3A_322 : memref<128x80xf32, #tpu.memory_space<vmem>>) offsets(%dma_start3A_323 : memref<128xi32, #tpu.memory_space<vmem>>) semaphore(%dma_start3A_328 : memref<!tpu.dma_semaphore, #tpu.memory_space<semaphore_mem>>)
        } else {
        }
        %dma_wait3A = arith.constant 0 : i32
        %dma_wait3A_224 = arith.constant 0 : i32
        %dma_wait3A_225 = tpu.memref_slice %arg10[%rem3A_215, %dma_wait3A, %dma_wait3A_224] : memref<3x128x80xf32, #tpu.memory_space<vmem>> -> memref<1x128x80xf32, #tpu.memory_space<vmem>>
        %dma_wait3A_226 = tpu.memref_squeeze %dma_wait3A_225 : memref<1x128x80xf32, #tpu.memory_space<vmem>> -> memref<128x80xf32, #tpu.memory_space<vmem>>
        %dma_wait3A_227 = tpu.memref_slice %arg8[%multiple_of3A] : memref<5888xi32, #tpu.memory_space<vmem>> -> memref<128xi32, #tpu.memory_space<vmem>>
        %dma_wait3A_228 = arith.constant 0 : i32
        %dma_wait3A_229 = arith.constant 0 : i32
        %dma_wait3A_230 = tpu.memref_slice %arg3[%dma_wait3A_228, %dma_wait3A_229] : memref<996864x80xf32, #tpu.memory_space<hbm>> -> memref<996864x80xf32, #tpu.memory_space<hbm>>
        %dma_wait3A_231 = tpu.memref_slice %arg12[%rem3A_215] : memref<3x!tpu.dma_semaphore, #tpu.memory_space<semaphore_mem>> -> memref<1x!tpu.dma_semaphore, #tpu.memory_space<semaphore_mem>>
        %dma_wait3A_232 = tpu.memref_squeeze %dma_wait3A_231 : memref<1x!tpu.dma_semaphore, #tpu.memory_space<semaphore_mem>> -> memref<!tpu.dma_semaphore, #tpu.memory_space<semaphore_mem>>
        tpu.wait_indirect_dma semaphore(%dma_wait3A_232 : memref<!tpu.dma_semaphore, #tpu.memory_space<semaphore_mem>>) src(%dma_wait3A_230 : memref<996864x80xf32, #tpu.memory_space<hbm>>) dst(%dma_wait3A_226 : memref<128x80xf32, #tpu.memory_space<vmem>>)
        %add3A_233 = arith.constant 0 : i32
        %add3A_234 = arith.addi %multiple_of3A, %add3A_233 : i32
        %multiple_of3A_235 = tpu.assume_multiple %add3A_234, 16 : i32
        %get3A = arith.index_cast %multiple_of3A_235 : i32 to index
        %get3A_236 = tpu.vector_load %arg9[%get3A] {strides = array<i32>} : memref<5888xi32, #tpu.memory_space<vmem>>, vector<16xi32>,
        %swap3A = arith.index_cast %rem3A_215 : i32 to index
        %swap3A_237 = arith.constant 0 : index
        %swap3A_238 = tpu.vector_load %arg11[%swap3A, %swap3A_237] {strides = array<i32>} : memref<3x128xi32, #tpu.memory_space<vmem>>, vector<16xi32>,
        tpu.vector_store %arg11[%swap3A, %swap3A_237], %get3A_236 {strides = array<i32>} : memref<3x128xi32, #tpu.memory_space<vmem>>, vector<16xi32>,
        %add3A_239 = arith.constant 16 : i32
        %add3A_240 = arith.addi %multiple_of3A, %add3A_239 : i32
        %multiple_of3A_241 = tpu.assume_multiple %add3A_240, 16 : i32
        %get3A_242 = arith.index_cast %multiple_of3A_241 : i32 to index
        %get3A_243 = tpu.vector_load %arg9[%get3A_242] {strides = array<i32>} : memref<5888xi32, #tpu.memory_space<vmem>>, vector<16xi32>,
        %swap3A_244 = arith.index_cast %rem3A_215 : i32 to index
        %swap3A_245 = arith.constant 16 : index
        %swap3A_246 = tpu.vector_load %arg11[%swap3A_244, %swap3A_245] {strides = array<i32>} : memref<3x128xi32, #tpu.memory_space<vmem>>, vector<16xi32>,
        tpu.vector_store %arg11[%swap3A_244, %swap3A_245], %get3A_243 {strides = array<i32>} : memref<3x128xi32, #tpu.memory_space<vmem>>, vector<16xi32>,
        %add3A_247 = arith.constant 32 : i32
        %add3A_248 = arith.addi %multiple_of3A, %add3A_247 : i32
        %multiple_of3A_249 = tpu.assume_multiple %add3A_248, 16 : i32
        %get3A_250 = arith.index_cast %multiple_of3A_249 : i32 to index
        %get3A_251 = tpu.vector_load %arg9[%get3A_250] {strides = array<i32>} : memref<5888xi32, #tpu.memory_space<vmem>>, vector<16xi32>,
        %swap3A_252 = arith.index_cast %rem3A_215 : i32 to index
        %swap3A_253 = arith.constant 32 : index
        %swap3A_254 = tpu.vector_load %arg11[%swap3A_252, %swap3A_253] {strides = array<i32>} : memref<3x128xi32, #tpu.memory_space<vmem>>, vector<16xi32>,
        tpu.vector_store %arg11[%swap3A_252, %swap3A_253], %get3A_251 {strides = array<i32>} : memref<3x128xi32, #tpu.memory_space<vmem>>, vector<16xi32>,
        %add3A_255 = arith.constant 48 : i32
        %add3A_256 = arith.addi %multiple_of3A, %add3A_255 : i32
        %multiple_of3A_257 = tpu.assume_multiple %add3A_256, 16 : i32
        %get3A_258 = arith.index_cast %multiple_of3A_257 : i32 to index
        %get3A_259 = tpu.vector_load %arg9[%get3A_258] {strides = array<i32>} : memref<5888xi32, #tpu.memory_space<vmem>>, vector<16xi32>,
        %swap3A_260 = arith.index_cast %rem3A_215 : i32 to index
        %swap3A_261 = arith.constant 48 : index
        %swap3A_262 = tpu.vector_load %arg11[%swap3A_260, %swap3A_261] {strides = array<i32>} : memref<3x128xi32, #tpu.memory_space<vmem>>, vector<16xi32>,
        tpu.vector_store %arg11[%swap3A_260, %swap3A_261], %get3A_259 {strides = array<i32>} : memref<3x128xi32, #tpu.memory_space<vmem>>, vector<16xi32>,
        %add3A_263 = arith.constant 64 : i32
        %add3A_264 = arith.addi %multiple_of3A, %add3A_263 : i32
        %multiple_of3A_265 = tpu.assume_multiple %add3A_264, 16 : i32
        %get3A_266 = arith.index_cast %multiple_of3A_265 : i32 to index
        %get3A_267 = tpu.vector_load %arg9[%get3A_266] {strides = array<i32>} : memref<5888xi32, #tpu.memory_space<vmem>>, vector<16xi32>,
        %swap3A_268 = arith.index_cast %rem3A_215 : i32 to index
        %swap3A_269 = arith.constant 64 : index
        %swap3A_270 = tpu.vector_load %arg11[%swap3A_268, %swap3A_269] {strides = array<i32>} : memref<3x128xi32, #tpu.memory_space<vmem>>, vector<16xi32>,
        tpu.vector_store %arg11[%swap3A_268, %swap3A_269], %get3A_267 {strides = array<i32>} : memref<3x128xi32, #tpu.memory_space<vmem>>, vector<16xi32>,
        %add3A_271 = arith.constant 80 : i32
        %add3A_272 = arith.addi %multiple_of3A, %add3A_271 : i32
        %multiple_of3A_273 = tpu.assume_multiple %add3A_272, 16 : i32
        %get3A_274 = arith.index_cast %multiple_of3A_273 : i32 to index
        %get3A_275 = tpu.vector_load %arg9[%get3A_274] {strides = array<i32>} : memref<5888xi32, #tpu.memory_space<vmem>>, vector<16xi32>,
        %swap3A_276 = arith.index_cast %rem3A_215 : i32 to index
        %swap3A_277 = arith.constant 80 : index
        %swap3A_278 = tpu.vector_load %arg11[%swap3A_276, %swap3A_277] {strides = array<i32>} : memref<3x128xi32, #tpu.memory_space<vmem>>, vector<16xi32>,
        tpu.vector_store %arg11[%swap3A_276, %swap3A_277], %get3A_275 {strides = array<i32>} : memref<3x128xi32, #tpu.memory_space<vmem>>, vector<16xi32>,
        %add3A_279 = arith.constant 96 : i32
        %add3A_280 = arith.addi %multiple_of3A, %add3A_279 : i32
        %multiple_of3A_281 = tpu.assume_multiple %add3A_280, 16 : i32
        %get3A_282 = arith.index_cast %multiple_of3A_281 : i32 to index
        %get3A_283 = tpu.vector_load %arg9[%get3A_282] {strides = array<i32>} : memref<5888xi32, #tpu.memory_space<vmem>>, vector<16xi32>,
        %swap3A_284 = arith.index_cast %rem3A_215 : i32 to index
        %swap3A_285 = arith.constant 96 : index
        %swap3A_286 = tpu.vector_load %arg11[%swap3A_284, %swap3A_285] {strides = array<i32>} : memref<3x128xi32, #tpu.memory_space<vmem>>, vector<16xi32>,
        tpu.vector_store %arg11[%swap3A_284, %swap3A_285], %get3A_283 {strides = array<i32>} : memref<3x128xi32, #tpu.memory_space<vmem>>, vector<16xi32>,
        %add3A_287 = arith.constant 112 : i32
        %add3A_288 = arith.addi %multiple_of3A, %add3A_287 : i32
        %multiple_of3A_289 = tpu.assume_multiple %add3A_288, 16 : i32
        %get3A_290 = arith.index_cast %multiple_of3A_289 : i32 to index
        %get3A_291 = tpu.vector_load %arg9[%get3A_290] {strides = array<i32>} : memref<5888xi32, #tpu.memory_space<vmem>>, vector<16xi32>,
        %swap3A_292 = arith.index_cast %rem3A_215 : i32 to index
        %swap3A_293 = arith.constant 112 : index
        %swap3A_294 = tpu.vector_load %arg11[%swap3A_292, %swap3A_293] {strides = array<i32>} : memref<3x128xi32, #tpu.memory_space<vmem>>, vector<16xi32>,
        tpu.vector_store %arg11[%swap3A_292, %swap3A_293], %get3A_291 {strides = array<i32>} : memref<3x128xi32, #tpu.memory_space<vmem>>, vector<16xi32>,
        %dma_start3A = arith.constant 0 : i32
        %dma_start3A_295 = arith.constant 0 : i32
        %dma_start3A_296 = tpu.memref_slice %arg10[%rem3A_215, %dma_start3A, %dma_start3A_295] : memref<3x128x80xf32, #tpu.memory_space<vmem>> -> memref<1x128x80xf32, #tpu.memory_space<vmem>>
        %dma_start3A_297 = tpu.memref_squeeze %dma_start3A_296 : memref<1x128x80xf32, #tpu.memory_space<vmem>> -> memref<128x80xf32, #tpu.memory_space<vmem>>
        %dma_start3A_298 = arith.constant 0 : i32
        %dma_start3A_299 = tpu.memref_slice %arg11[%rem3A_215, %dma_start3A_298] : memref<3x128xi32, #tpu.memory_space<vmem>> -> memref<1x128xi32, #tpu.memory_space<vmem>>
        %dma_start3A_300 = tpu.memref_squeeze %dma_start3A_299 : memref<1x128xi32, #tpu.memory_space<vmem>> -> memref<128xi32, #tpu.memory_space<vmem>>
        %dma_start3A_301 = arith.constant 0 : i32
        %dma_start3A_302 = arith.constant 0 : i32
        %dma_start3A_303 = tpu.memref_slice %arg6[%dma_start3A_301, %dma_start3A_302] : memref<16256x80xf32, #tpu.memory_space<vmem_shared>> -> memref<16256x80xf32, #tpu.memory_space<vmem_shared>>
        %dma_start3A_304 = tpu.memref_slice %arg13[%rem3A_215] : memref<3x!tpu.dma_semaphore, #tpu.memory_space<semaphore_mem>> -> memref<1x!tpu.dma_semaphore, #tpu.memory_space<semaphore_mem>>
        %dma_start3A_305 = tpu.memref_squeeze %dma_start3A_304 : memref<1x!tpu.dma_semaphore, #tpu.memory_space<semaphore_mem>> -> memref<!tpu.dma_semaphore, #tpu.memory_space<semaphore_mem>>
        tpu.enqueue_indirect_dma source(%dma_start3A_297 : memref<128x80xf32, #tpu.memory_space<vmem>>) target(%dma_start3A_303 : memref<16256x80xf32, #tpu.memory_space<vmem_shared>>) offsets(%dma_start3A_300 : memref<128xi32, #tpu.memory_space<vmem>>) semaphore(%dma_start3A_305 : memref<!tpu.dma_semaphore, #tpu.memory_space<semaphore_mem>>) {add = true}
      }
      %while3A_197 = arith.constant 1 : i32
      scf.for %while3A_213 = %while3A_195 to %while3A_191 step %while3A_197  : i32 {
        %rem3A_214 = arith.constant 3 : i32
        %rem3A_215 = arith.remsi %while3A_213, %rem3A_214 : i32
        %mul3A_216 = arith.constant 128 : i32
        %mul3A_217 = arith.muli %while3A_213, %mul3A_216 : i32
        %multiple_of3A = tpu.assume_multiple %mul3A_217, 128 : i32
        %add3A_218 = arith.constant 2 : i32
        %add3A_219 = arith.addi %while3A_213, %add3A_218 : i32
        %lt3A_220 = arith.cmpi slt, %add3A_219, %select_n3A : i32
        %convert_element_type3A_221 = arith.extui %lt3A_220 : i1 to i32
        %cond3A_222 = arith.constant 0 : i32
        %cond3A_223 = arith.cmpi ne, %convert_element_type3A_221, %cond3A_222 : i32
        scf.if %cond3A_223 {
          %add3A_306 = arith.constant 2 : i32
          %add3A_307 = arith.addi %while3A_213, %add3A_306 : i32
          %rem3A_308 = arith.constant 3 : i32
          %rem3A_309 = arith.remsi %add3A_307, %rem3A_308 : i32
          %ge3A = arith.constant 1 : i32
          %ge3A_310 = arith.cmpi sge, %while3A_213, %ge3A : i32
          %convert_element_type3A_311 = arith.extui %ge3A_310 : i1 to i32
          %cond3A_312 = arith.constant 0 : i32
          %cond3A_313 = arith.cmpi ne, %convert_element_type3A_311, %cond3A_312 : i32
          scf.if %cond3A_313 {
            %dma_wait3A_329 = arith.constant 0 : i32
            %dma_wait3A_330 = arith.constant 0 : i32
            %dma_wait3A_331 = tpu.memref_slice %arg10[%rem3A_309, %dma_wait3A_329, %dma_wait3A_330] : memref<3x128x80xf32, #tpu.memory_space<vmem>> -> memref<1x128x80xf32, #tpu.memory_space<vmem>>
            %dma_wait3A_332 = tpu.memref_squeeze %dma_wait3A_331 : memref<1x128x80xf32, #tpu.memory_space<vmem>> -> memref<128x80xf32, #tpu.memory_space<vmem>>
            %dma_wait3A_333 = arith.constant 0 : i32
            %dma_wait3A_334 = tpu.memref_slice %arg11[%rem3A_309, %dma_wait3A_333] : memref<3x128xi32, #tpu.memory_space<vmem>> -> memref<1x128xi32, #tpu.memory_space<vmem>>
            %dma_wait3A_335 = tpu.memref_squeeze %dma_wait3A_334 : memref<1x128xi32, #tpu.memory_space<vmem>> -> memref<128xi32, #tpu.memory_space<vmem>>
            %dma_wait3A_336 = arith.constant 0 : i32
            %dma_wait3A_337 = arith.constant 0 : i32
            %dma_wait3A_338 = tpu.memref_slice %arg6[%dma_wait3A_336, %dma_wait3A_337] : memref<16256x80xf32, #tpu.memory_space<vmem_shared>> -> memref<16256x80xf32, #tpu.memory_space<vmem_shared>>
            %dma_wait3A_339 = tpu.memref_slice %arg13[%rem3A_309] : memref<3x!tpu.dma_semaphore, #tpu.memory_space<semaphore_mem>> -> memref<1x!tpu.dma_semaphore, #tpu.memory_space<semaphore_mem>>
            %dma_wait3A_340 = tpu.memref_squeeze %dma_wait3A_339 : memref<1x!tpu.dma_semaphore, #tpu.memory_space<semaphore_mem>> -> memref<!tpu.dma_semaphore, #tpu.memory_space<semaphore_mem>>
            tpu.wait_indirect_dma semaphore(%dma_wait3A_340 : memref<!tpu.dma_semaphore, #tpu.memory_space<semaphore_mem>>) src(%dma_wait3A_332 : memref<128x80xf32, #tpu.memory_space<vmem>>) dst(%dma_wait3A_338 : memref<16256x80xf32, #tpu.memory_space<vmem_shared>>)
          } else {
          }
          %add3A_314 = arith.constant 2 : i32
          %add3A_315 = arith.addi %while3A_213, %add3A_314 : i32
          %mul3A_316 = arith.constant 128 : i32
          %mul3A_317 = arith.muli %add3A_315, %mul3A_316 : i32
          %multiple_of3A_318 = tpu.assume_multiple %mul3A_317, 128 : i32
          %dma_start3A_319 = arith.constant 0 : i32
          %dma_start3A_320 = arith.constant 0 : i32
          %dma_start3A_321 = tpu.memref_slice %arg10[%rem3A_309, %dma_start3A_319, %dma_start3A_320] : memref<3x128x80xf32, #tpu.memory_space<vmem>> -> memref<1x128x80xf32, #tpu.memory_space<vmem>>
          %dma_start3A_322 = tpu.memref_squeeze %dma_start3A_321 : memref<1x128x80xf32, #tpu.memory_space<vmem>> -> memref<128x80xf32, #tpu.memory_space<vmem>>
          %dma_start3A_323 = tpu.memref_slice %arg8[%multiple_of3A_318] : memref<5888xi32, #tpu.memory_space<vmem>> -> memref<128xi32, #tpu.memory_space<vmem>>
          %dma_start3A_324 = arith.constant 0 : i32
          %dma_start3A_325 = arith.constant 0 : i32
          %dma_start3A_326 = tpu.memref_slice %arg3[%dma_start3A_324, %dma_start3A_325] : memref<996864x80xf32, #tpu.memory_space<hbm>> -> memref<996864x80xf32, #tpu.memory_space<hbm>>
          %dma_start3A_327 = tpu.memref_slice %arg12[%rem3A_309] : memref<3x!tpu.dma_semaphore, #tpu.memory_space<semaphore_mem>> -> memref<1x!tpu.dma_semaphore, #tpu.memory_space<semaphore_mem>>
          %dma_start3A_328 = tpu.memref_squeeze %dma_start3A_327 : memref<1x!tpu.dma_semaphore, #tpu.memory_space<semaphore_mem>> -> memref<!tpu.dma_semaphore, #tpu.memory_space<semaphore_mem>>
          tpu.enqueue_indirect_dma source(%dma_start3A_326 : memref<996864x80xf32, #tpu.memory_space<hbm>>) target(%dma_start3A_322 : memref<128x80xf32, #tpu.memory_space<vmem>>) offsets(%dma_start3A_323 : memref<128xi32, #tpu.memory_space<vmem>>) semaphore(%dma_start3A_328 : memref<!tpu.dma_semaphore, #tpu.memory_space<semaphore_mem>>)
        } else {
        }
        %dma_wait3A = arith.constant 0 : i32
        %dma_wait3A_224 = arith.constant 0 : i32
        %dma_wait3A_225 = tpu.memref_slice %arg10[%rem3A_215, %dma_wait3A, %dma_wait3A_224] : memref<3x128x80xf32, #tpu.memory_space<vmem>> -> memref<1x128x80xf32, #tpu.memory_space<vmem>>
        %dma_wait3A_226 = tpu.memref_squeeze %dma_wait3A_225 : memref<1x128x80xf32, #tpu.memory_space<vmem>> -> memref<128x80xf32, #tpu.memory_space<vmem>>
        %dma_wait3A_227 = tpu.memref_slice %arg8[%multiple_of3A] : memref<5888xi32, #tpu.memory_space<vmem>> -> memref<128xi32, #tpu.memory_space<vmem>>
        %dma_wait3A_228 = arith.constant 0 : i32
        %dma_wait3A_229 = arith.constant 0 : i32
        %dma_wait3A_230 = tpu.memref_slice %arg3[%dma_wait3A_228, %dma_wait3A_229] : memref<996864x80xf32, #tpu.memory_space<hbm>> -> memref<996864x80xf32, #tpu.memory_space<hbm>>
        %dma_wait3A_231 = tpu.memref_slice %arg12[%rem3A_215] : memref<3x!tpu.dma_semaphore, #tpu.memory_space<semaphore_mem>> -> memref<1x!tpu.dma_semaphore, #tpu.memory_space<semaphore_mem>>
        %dma_wait3A_232 = tpu.memref_squeeze %dma_wait3A_231 : memref<1x!tpu.dma_semaphore, #tpu.memory_space<semaphore_mem>> -> memref<!tpu.dma_semaphore, #tpu.memory_space<semaphore_mem>>
        tpu.wait_indirect_dma semaphore(%dma_wait3A_232 : memref<!tpu.dma_semaphore, #tpu.memory_space<semaphore_mem>>) src(%dma_wait3A_230 : memref<996864x80xf32, #tpu.memory_space<hbm>>) dst(%dma_wait3A_226 : memref<128x80xf32, #tpu.memory_space<vmem>>)
        %add3A_233 = arith.constant 0 : i32
        %add3A_234 = arith.addi %multiple_of3A, %add3A_233 : i32
        %multiple_of3A_235 = tpu.assume_multiple %add3A_234, 16 : i32
        %get3A = arith.index_cast %multiple_of3A_235 : i32 to index
        %get3A_236 = tpu.vector_load %arg9[%get3A] {strides = array<i32>} : memref<5888xi32, #tpu.memory_space<vmem>>, vector<16xi32>,
        %swap3A = arith.index_cast %rem3A_215 : i32 to index
        %swap3A_237 = arith.constant 0 : index
        %swap3A_238 = tpu.vector_load %arg11[%swap3A, %swap3A_237] {strides = array<i32>} : memref<3x128xi32, #tpu.memory_space<vmem>>, vector<16xi32>,
        tpu.vector_store %arg11[%swap3A, %swap3A_237], %get3A_236 {strides = array<i32>} : memref<3x128xi32, #tpu.memory_space<vmem>>, vector<16xi32>,
        %add3A_239 = arith.constant 16 : i32
        %add3A_240 = arith.addi %multiple_of3A, %add3A_239 : i32
        %multiple_of3A_241 = tpu.assume_multiple %add3A_240, 16 : i32
        %get3A_242 = arith.index_cast %multiple_of3A_241 : i32 to index
        %get3A_243 = tpu.vector_load %arg9[%get3A_242] {strides = array<i32>} : memref<5888xi32, #tpu.memory_space<vmem>>, vector<16xi32>,
        %swap3A_244 = arith.index_cast %rem3A_215 : i32 to index
        %swap3A_245 = arith.constant 16 : index
        %swap3A_246 = tpu.vector_load %arg11[%swap3A_244, %swap3A_245] {strides = array<i32>} : memref<3x128xi32, #tpu.memory_space<vmem>>, vector<16xi32>,
        tpu.vector_store %arg11[%swap3A_244, %swap3A_245], %get3A_243 {strides = array<i32>} : memref<3x128xi32, #tpu.memory_space<vmem>>, vector<16xi32>,
        %add3A_247 = arith.constant 32 : i32
        %add3A_248 = arith.addi %multiple_of3A, %add3A_247 : i32
        %multiple_of3A_249 = tpu.assume_multiple %add3A_248, 16 : i32
        %get3A_250 = arith.index_cast %multiple_of3A_249 : i32 to index
        %get3A_251 = tpu.vector_load %arg9[%get3A_250] {strides = array<i32>} : memref<5888xi32, #tpu.memory_space<vmem>>, vector<16xi32>,
        %swap3A_252 = arith.index_cast %rem3A_215 : i32 to index
        %swap3A_253 = arith.constant 32 : index
        %swap3A_254 = tpu.vector_load %arg11[%swap3A_252, %swap3A_253] {strides = array<i32>} : memref<3x128xi32, #tpu.memory_space<vmem>>, vector<16xi32>,
        tpu.vector_store %arg11[%swap3A_252, %swap3A_253], %get3A_251 {strides = array<i32>} : memref<3x128xi32, #tpu.memory_space<vmem>>, vector<16xi32>,
        %add3A_255 = arith.constant 48 : i32
        %add3A_256 = arith.addi %multiple_of3A, %add3A_255 : i32
        %multiple_of3A_257 = tpu.assume_multiple %add3A_256, 16 : i32
        %get3A_258 = arith.index_cast %multiple_of3A_257 : i32 to index
        %get3A_259 = tpu.vector_load %arg9[%get3A_258] {strides = array<i32>} : memref<5888xi32, #tpu.memory_space<vmem>>, vector<16xi32>,
        %swap3A_260 = arith.index_cast %rem3A_215 : i32 to index
        %swap3A_261 = arith.constant 48 : index
        %swap3A_262 = tpu.vector_load %arg11[%swap3A_260, %swap3A_261] {strides = array<i32>} : memref<3x128xi32, #tpu.memory_space<vmem>>, vector<16xi32>,
        tpu.vector_store %arg11[%swap3A_260, %swap3A_261], %get3A_259 {strides = array<i32>} : memref<3x128xi32, #tpu.memory_space<vmem>>, vector<16xi32>,
        %add3A_263 = arith.constant 64 : i32
        %add3A_264 = arith.addi %multiple_of3A, %add3A_263 : i32
        %multiple_of3A_265 = tpu.assume_multiple %add3A_264, 16 : i32
        %get3A_266 = arith.index_cast %multiple_of3A_265 : i32 to index
        %get3A_267 = tpu.vector_load %arg9[%get3A_266] {strides = array<i32>} : memref<5888xi32, #tpu.memory_space<vmem>>, vector<16xi32>,
        %swap3A_268 = arith.index_cast %rem3A_215 : i32 to index
        %swap3A_269 = arith.constant 64 : index
        %swap3A_270 = tpu.vector_load %arg11[%swap3A_268, %swap3A_269] {strides = array<i32>} : memref<3x128xi32, #tpu.memory_space<vmem>>, vector<16xi32>,
        tpu.vector_store %arg11[%swap3A_268, %swap3A_269], %get3A_267 {strides = array<i32>} : memref<3x128xi32, #tpu.memory_space<vmem>>, vector<16xi32>,
        %add3A_271 = arith.constant 80 : i32
        %add3A_272 = arith.addi %multiple_of3A, %add3A_271 : i32
        %multiple_of3A_273 = tpu.assume_multiple %add3A_272, 16 : i32
        %get3A_274 = arith.index_cast %multiple_of3A_273 : i32 to index
        %get3A_275 = tpu.vector_load %arg9[%get3A_274] {strides = array<i32>} : memref<5888xi32, #tpu.memory_space<vmem>>, vector<16xi32>,
        %swap3A_276 = arith.index_cast %rem3A_215 : i32 to index
        %swap3A_277 = arith.constant 80 : index
        %swap3A_278 = tpu.vector_load %arg11[%swap3A_276, %swap3A_277] {strides = array<i32>} : memref<3x128xi32, #tpu.memory_space<vmem>>, vector<16xi32>,
        tpu.vector_store %arg11[%swap3A_276, %swap3A_277], %get3A_275 {strides = array<i32>} : memref<3x128xi32, #tpu.memory_space<vmem>>, vector<16xi32>,
        %add3A_279 = arith.constant 96 : i32
        %add3A_280 = arith.addi %multiple_of3A, %add3A_279 : i32
        %multiple_of3A_281 = tpu.assume_multiple %add3A_280, 16 : i32
        %get3A_282 = arith.index_cast %multiple_of3A_281 : i32 to index
        %get3A_283 = tpu.vector_load %arg9[%get3A_282] {strides = array<i32>} : memref<5888xi32, #tpu.memory_space<vmem>>, vector<16xi32>,
        %swap3A_284 = arith.index_cast %rem3A_215 : i32 to index
        %swap3A_285 = arith.constant 96 : index
        %swap3A_286 = tpu.vector_load %arg11[%swap3A_284, %swap3A_285] {strides = array<i32>} : memref<3x128xi32, #tpu.memory_space<vmem>>, vector<16xi32>,
        tpu.vector_store %arg11[%swap3A_284, %swap3A_285], %get3A_283 {strides = array<i32>} : memref<3x128xi32, #tpu.memory_space<vmem>>, vector<16xi32>,
        %add3A_287 = arith.constant 112 : i32
        %add3A_288 = arith.addi %multiple_of3A, %add3A_287 : i32
        %multiple_of3A_289 = tpu.assume_multiple %add3A_288, 16 : i32
        %get3A_290 = arith.index_cast %multiple_of3A_289 : i32 to index
        %get3A_291 = tpu.vector_load %arg9[%get3A_290] {strides = array<i32>} : memref<5888xi32, #tpu.memory_space<vmem>>, vector<16xi32>,
        %swap3A_292 = arith.index_cast %rem3A_215 : i32 to index
        %swap3A_293 = arith.constant 112 : index
        %swap3A_294 = tpu.vector_load %arg11[%swap3A_292, %swap3A_293] {strides = array<i32>} : memref<3x128xi32, #tpu.memory_space<vmem>>, vector<16xi32>,
        tpu.vector_store %arg11[%swap3A_292, %swap3A_293], %get3A_291 {strides = array<i32>} : memref<3x128xi32, #tpu.memory_space<vmem>>, vector<16xi32>,
        %dma_start3A = arith.constant 0 : i32
        %dma_start3A_295 = arith.constant 0 : i32
        %dma_start3A_296 = tpu.memref_slice %arg10[%rem3A_215, %dma_start3A, %dma_start3A_295] : memref<3x128x80xf32, #tpu.memory_space<vmem>> -> memref<1x128x80xf32, #tpu.memory_space<vmem>>
        %dma_start3A_297 = tpu.memref_squeeze %dma_start3A_296 : memref<1x128x80xf32, #tpu.memory_space<vmem>> -> memref<128x80xf32, #tpu.memory_space<vmem>>
        %dma_start3A_298 = arith.constant 0 : i32
        %dma_start3A_299 = tpu.memref_slice %arg11[%rem3A_215, %dma_start3A_298] : memref<3x128xi32, #tpu.memory_space<vmem>> -> memref<1x128xi32, #tpu.memory_space<vmem>>
        %dma_start3A_300 = tpu.memref_squeeze %dma_start3A_299 : memref<1x128xi32, #tpu.memory_space<vmem>> -> memref<128xi32, #tpu.memory_space<vmem>>
        %dma_start3A_301 = arith.constant 0 : i32
        %dma_start3A_302 = arith.constant 0 : i32
        %dma_start3A_303 = tpu.memref_slice %arg6[%dma_start3A_301, %dma_start3A_302] : memref<16256x80xf32, #tpu.memory_space<vmem_shared>> -> memref<16256x80xf32, #tpu.memory_space<vmem_shared>>
        %dma_start3A_304 = tpu.memref_slice %arg13[%rem3A_215] : memref<3x!tpu.dma_semaphore, #tpu.memory_space<semaphore_mem>> -> memref<1x!tpu.dma_semaphore, #tpu.memory_space<semaphore_mem>>
        %dma_start3A_305 = tpu.memref_squeeze %dma_start3A_304 : memref<1x!tpu.dma_semaphore, #tpu.memory_space<semaphore_mem>> -> memref<!tpu.dma_semaphore, #tpu.memory_space<semaphore_mem>>
        tpu.enqueue_indirect_dma source(%dma_start3A_297 : memref<128x80xf32, #tpu.memory_space<vmem>>) target(%dma_start3A_303 : memref<16256x80xf32, #tpu.memory_space<vmem_shared>>) offsets(%dma_start3A_300 : memref<128xi32, #tpu.memory_space<vmem>>) semaphore(%dma_start3A_305 : memref<!tpu.dma_semaphore, #tpu.memory_space<semaphore_mem>>) {add = true}
      }
      %gt3A_198 = arith.constant 0 : i32
      %gt3A_199 = arith.cmpi sgt, %select_n3A, %gt3A_198 : i32
      %convert_element_type3A_200 = arith.extui %gt3A_199 : i1 to i32
      %cond3A_201 = arith.constant 0 : i32
      %cond3A_202 = arith.cmpi ne, %convert_element_type3A_200, %cond3A_201 : i32
      scf.if %cond3A_202 {
        %sub3A_213 = arith.constant 1 : i32
        %sub3A_214 = arith.subi %select_n3A, %sub3A_213 : i32
        %sub3A_215 = arith.constant 0 : i32
        %sub3A_216 = arith.subi %sub3A_214, %sub3A_215 : i32
        %rem3A_217 = arith.constant 3 : i32
        %rem3A_218 = arith.remsi %sub3A_216, %rem3A_217 : i32
        %dma_wait3A = arith.constant 0 : i32
        %dma_wait3A_219 = arith.constant 0 : i32
        %dma_wait3A_220 = tpu.memref_slice %arg10[%rem3A_218, %dma_wait3A, %dma_wait3A_219] : memref<3x128x80xf32, #tpu.memory_space<vmem>> -> memref<1x128x80xf32, #tpu.memory_space<vmem>>
        %dma_wait3A_221 = tpu.memref_squeeze %dma_wait3A_220 : memref<1x128x80xf32, #tpu.memory_space<vmem>> -> memref<128x80xf32, #tpu.memory_space<vmem>>
        %dma_wait3A_222 = arith.constant 0 : i32
        %dma_wait3A_223 = tpu.memref_slice %arg11[%rem3A_218, %dma_wait3A_222] : memref<3x128xi32, #tpu.memory_space<vmem>> -> memref<1x128xi32, #tpu.memory_space<vmem>>
        %dma_wait3A_224 = tpu.memref_squeeze %dma_wait3A_223 : memref<1x128xi32, #tpu.memory_space<vmem>> -> memref<128xi32, #tpu.memory_space<vmem>>
        %dma_wait3A_225 = arith.constant 0 : i32
        %dma_wait3A_226 = arith.constant 0 : i32
        %dma_wait3A_227 = tpu.memref_slice %arg6[%dma_wait3A_225, %dma_wait3A_226] : memref<16256x80xf32, #tpu.memory_space<vmem_shared>> -> memref<16256x80xf32, #tpu.memory_space<vmem_shared>>
        %dma_wait3A_228 = tpu.memref_slice %arg13[%rem3A_218] : memref<3x!tpu.dma_semaphore, #tpu.memory_space<semaphore_mem>> -> memref<1x!tpu.dma_semaphore, #tpu.memory_space<semaphore_mem>>
        %dma_wait3A_229 = tpu.memref_squeeze %dma_wait3A_228 : memref<1x!tpu.dma_semaphore, #tpu.memory_space<semaphore_mem>> -> memref<!tpu.dma_semaphore, #tpu.memory_space<semaphore_mem>>
        tpu.wait_indirect_dma semaphore(%dma_wait3A_229 : memref<!tpu.dma_semaphore, #tpu.memory_space<semaphore_mem>>) src(%dma_wait3A_221 : memref<128x80xf32, #tpu.memory_space<vmem>>) dst(%dma_wait3A_227 : memref<16256x80xf32, #tpu.memory_space<vmem_shared>>)
      } else {
      }
      %gt3A_203 = arith.constant 1 : i32
      %gt3A_204 = arith.cmpi sgt, %select_n3A, %gt3A_203 : i32
      %convert_element_type3A_205 = arith.extui %gt3A_204 : i1 to i32
      %cond3A_206 = arith.constant 0 : i32
      %cond3A_207 = arith.cmpi ne, %convert_element_type3A_205, %cond3A_206 : i32
      scf.if %cond3A_207 {
        %sub3A_213 = arith.constant 1 : i32
        %sub3A_214 = arith.subi %select_n3A, %sub3A_213 : i32
        %sub3A_215 = arith.constant 1 : i32
        %sub3A_216 = arith.subi %sub3A_214, %sub3A_215 : i32
        %rem3A_217 = arith.constant 3 : i32
        %rem3A_218 = arith.remsi %sub3A_216, %rem3A_217 : i32
        %dma_wait3A = arith.constant 0 : i32
        %dma_wait3A_219 = arith.constant 0 : i32
        %dma_wait3A_220 = tpu.memref_slice %arg10[%rem3A_218, %dma_wait3A, %dma_wait3A_219] : memref<3x128x80xf32, #tpu.memory_space<vmem>> -> memref<1x128x80xf32, #tpu.memory_space<vmem>>
        %dma_wait3A_221 = tpu.memref_squeeze %dma_wait3A_220 : memref<1x128x80xf32, #tpu.memory_space<vmem>> -> memref<128x80xf32, #tpu.memory_space<vmem>>
        %dma_wait3A_222 = arith.constant 0 : i32
        %dma_wait3A_223 = tpu.memref_slice %arg11[%rem3A_218, %dma_wait3A_222] : memref<3x128xi32, #tpu.memory_space<vmem>> -> memref<1x128xi32, #tpu.memory_space<vmem>>
        %dma_wait3A_224 = tpu.memref_squeeze %dma_wait3A_223 : memref<1x128xi32, #tpu.memory_space<vmem>> -> memref<128xi32, #tpu.memory_space<vmem>>
        %dma_wait3A_225 = arith.constant 0 : i32
        %dma_wait3A_226 = arith.constant 0 : i32
        %dma_wait3A_227 = tpu.memref_slice %arg6[%dma_wait3A_225, %dma_wait3A_226] : memref<16256x80xf32, #tpu.memory_space<vmem_shared>> -> memref<16256x80xf32, #tpu.memory_space<vmem_shared>>
        %dma_wait3A_228 = tpu.memref_slice %arg13[%rem3A_218] : memref<3x!tpu.dma_semaphore, #tpu.memory_space<semaphore_mem>> -> memref<1x!tpu.dma_semaphore, #tpu.memory_space<semaphore_mem>>
        %dma_wait3A_229 = tpu.memref_squeeze %dma_wait3A_228 : memref<1x!tpu.dma_semaphore, #tpu.memory_space<semaphore_mem>> -> memref<!tpu.dma_semaphore, #tpu.memory_space<semaphore_mem>>
        tpu.wait_indirect_dma semaphore(%dma_wait3A_229 : memref<!tpu.dma_semaphore, #tpu.memory_space<semaphore_mem>>) src(%dma_wait3A_221 : memref<128x80xf32, #tpu.memory_space<vmem>>) dst(%dma_wait3A_227 : memref<16256x80xf32, #tpu.memory_space<vmem_shared>>)
      } else {
      }
      %gt3A_208 = arith.constant 2 : i32
      %gt3A_209 = arith.cmpi sgt, %select_n3A, %gt3A_208 : i32
      %convert_element_type3A_210 = arith.extui %gt3A_209 : i1 to i32
      %cond3A_211 = arith.constant 0 : i32
      %cond3A_212 = arith.cmpi ne, %convert_element_type3A_210, %cond3A_211 : i32
      scf.if %cond3A_212 {
        %sub3A_213 = arith.constant 1 : i32
        %sub3A_214 = arith.subi %select_n3A, %sub3A_213 : i32
        %sub3A_215 = arith.constant 2 : i32
        %sub3A_216 = arith.subi %sub3A_214, %sub3A_215 : i32
        %rem3A_217 = arith.constant 3 : i32
        %rem3A_218 = arith.remsi %sub3A_216, %rem3A_217 : i32
        %dma_wait3A = arith.constant 0 : i32
        %dma_wait3A_219 = arith.constant 0 : i32
        %dma_wait3A_220 = tpu.memref_slice %arg10[%rem3A_218, %dma_wait3A, %dma_wait3A_219] : memref<3x128x80xf32, #tpu.memory_space<vmem>> -> memref<1x128x80xf32, #tpu.memory_space<vmem>>
        %dma_wait3A_221 = tpu.memref_squeeze %dma_wait3A_220 : memref<1x128x80xf32, #tpu.memory_space<vmem>> -> memref<128x80xf32, #tpu.memory_space<vmem>>
        %dma_wait3A_222 = arith.constant 0 : i32
        %dma_wait3A_223 = tpu.memref_slice %arg11[%rem3A_218, %dma_wait3A_222] : memref<3x128xi32, #tpu.memory_space<vmem>> -> memref<1x128xi32, #tpu.memory_space<vmem>>
        %dma_wait3A_224 = tpu.memref_squeeze %dma_wait3A_223 : memref<1x128xi32, #tpu.memory_space<vmem>> -> memref<128xi32, #tpu.memory_space<vmem>>
        %dma_wait3A_225 = arith.constant 0 : i32
        %dma_wait3A_226 = arith.constant 0 : i32
        %dma_wait3A_227 = tpu.memref_slice %arg6[%dma_wait3A_225, %dma_wait3A_226] : memref<16256x80xf32, #tpu.memory_space<vmem_shared>> -> memref<16256x80xf32, #tpu.memory_space<vmem_shared>>
        %dma_wait3A_228 = tpu.memref_slice %arg13[%rem3A_218] : memref<3x!tpu.dma_semaphore, #tpu.memory_space<semaphore_mem>> -> memref<1x!tpu.dma_semaphore, #tpu.memory_space<semaphore_mem>>
        %dma_wait3A_229 = tpu.memref_squeeze %dma_wait3A_228 : memref<1x!tpu.dma_semaphore, #tpu.memory_space<semaphore_mem>> -> memref<!tpu.dma_semaphore, #tpu.memory_space<semaphore_mem>>
        tpu.wait_indirect_dma semaphore(%dma_wait3A_229 : memref<!tpu.dma_semaphore, #tpu.memory_space<semaphore_mem>>) src(%dma_wait3A_221 : memref<128x80xf32, #tpu.memory_space<vmem>>) dst(%dma_wait3A_227 : memref<16256x80xf32, #tpu.memory_space<vmem_shared>>)
      } else {
      }
    }
    %scan3A_15 = arith.constant 11 : i32
    %barrier3A_16 = arith.constant 0 : index
    tpu.barrier barrier_id(%barrier3A_16)
    %lt3A = arith.constant 15 : i32
    %lt3A_17 = arith.cmpi slt, %arg1, %lt3A : i32
    %convert_element_type3A = arith.extui %lt3A_17 : i1 to i32
    %cond3A = arith.constant 0 : i32
    %cond3A_18 = arith.cmpi ne, %convert_element_type3A, %cond3A : i32
    scf.if %cond3A_18 {
      %mul3A_111 = arith.constant 1016 : i32
      %mul3A_112 = arith.muli %arg1, %mul3A_111 : i32
      %mul3A_113 = arith.constant 1016 : i32
      %mul3A_114 = arith.muli %arg1, %mul3A_113 : i32
      %add3A_115 = arith.addi %mul3A_6, %mul3A_114 : i32
      "tpu.region"() ({
        %run_scoped3A = tpu.sem_alloc : memref<!tpu.dma_semaphore, #tpu.memory_space<semaphore_mem>>
        %dma_start3A = arith.constant 0 : i32
        %dma_start3A_116 = tpu.memref_slice %arg5[%add3A_115, %dma_start3A] : memref<129600x80xf32, #tpu.memory_space<hbm>> -> memref<1016x80xf32, #tpu.memory_space<hbm>>
        %dma_start3A_117 = arith.constant 0 : i32
        %dma_start3A_118 = tpu.memref_slice %arg6[%mul3A_112, %dma_start3A_117] : memref<16256x80xf32, #tpu.memory_space<vmem_shared>> -> memref<1016x80xf32, #tpu.memory_space<vmem_shared>>
        tpu.enqueue_dma source(%dma_start3A_118 : memref<1016x80xf32, #tpu.memory_space<vmem_shared>>) target(%dma_start3A_116 : memref<1016x80xf32, #tpu.memory_space<hbm>>) target_semaphore(%run_scoped3A : memref<!tpu.dma_semaphore, #tpu.memory_space<semaphore_mem>>)
        %dma_wait3A = arith.constant 0 : i32
        %dma_wait3A_119 = tpu.memref_slice %arg5[%add3A_115, %dma_wait3A] : memref<129600x80xf32, #tpu.memory_space<hbm>> -> memref<1016x80xf32, #tpu.memory_space<hbm>>
        %dma_wait3A_120 = arith.constant 0 : i32
        %dma_wait3A_121 = tpu.memref_slice %arg6[%mul3A_112, %dma_wait3A_120] : memref<16256x80xf32, #tpu.memory_space<vmem_shared>> -> memref<1016x80xf32, #tpu.memory_space<vmem_shared>>
        tpu.wait_dma2 semaphore(%run_scoped3A : memref<!tpu.dma_semaphore, #tpu.memory_space<semaphore_mem>>) src(%dma_wait3A_121 : memref<1016x80xf32, #tpu.memory_space<vmem_shared>>) dst(%dma_wait3A_119 : memref<1016x80xf32, #tpu.memory_space<hbm>>)
        tpu.yield
      }) : () -> ()
    } else {
    }
    %eq3A = arith.constant 15 : i32
    %eq3A_19 = arith.cmpi eq, %arg1, %eq3A : i32
    %convert_element_type3A_20 = arith.extui %eq3A_19 : i1 to i32
    %cond3A_21 = arith.constant 0 : i32
    %cond3A_22 = arith.cmpi ne, %convert_element_type3A_20, %cond3A_21 : i32
    scf.if %cond3A_22 {
      %add3A_111 = arith.constant 15240 : i32
      %add3A_112 = arith.addi %mul3A_6, %add3A_111 : i32
      "tpu.region"() ({
        %run_scoped3A = tpu.sem_alloc : memref<!tpu.dma_semaphore, #tpu.memory_space<semaphore_mem>>
        %dma_start3A = arith.constant 0 : i32
        %dma_start3A_113 = tpu.memref_slice %arg5[%add3A_112, %dma_start3A] : memref<129600x80xf32, #tpu.memory_space<hbm>> -> memref<960x80xf32, #tpu.memory_space<hbm>>
        %dma_start3A_114 = arith.constant 15240 : i32
        %dma_start3A_115 = arith.constant 0 : i32
        %dma_start3A_116 = tpu.memref_slice %arg6[%dma_start3A_114, %dma_start3A_115] : memref<16256x80xf32, #tpu.memory_space<vmem_shared>> -> memref<960x80xf32, #tpu.memory_space<vmem_shared>>
        tpu.enqueue_dma source(%dma_start3A_116 : memref<960x80xf32, #tpu.memory_space<vmem_shared>>) target(%dma_start3A_113 : memref<960x80xf32, #tpu.memory_space<hbm>>) target_semaphore(%run_scoped3A : memref<!tpu.dma_semaphore, #tpu.memory_space<semaphore_mem>>)
        %dma_wait3A = arith.constant 0 : i32
        %dma_wait3A_117 = tpu.memref_slice %arg5[%add3A_112, %dma_wait3A] : memref<129600x80xf32, #tpu.memory_space<hbm>> -> memref<960x80xf32, #tpu.memory_space<hbm>>
        %dma_wait3A_118 = arith.constant 15240 : i32
        %dma_wait3A_119 = arith.constant 0 : i32
        %dma_wait3A_120 = tpu.memref_slice %arg6[%dma_wait3A_118, %dma_wait3A_119] : memref<16256x80xf32, #tpu.memory_space<vmem_shared>> -> memref<960x80xf32, #tpu.memory_space<vmem_shared>>
        tpu.wait_dma2 semaphore(%run_scoped3A : memref<!tpu.dma_semaphore, #tpu.memory_space<semaphore_mem>>) src(%dma_wait3A_120 : memref<960x80xf32, #tpu.memory_space<vmem_shared>>) dst(%dma_wait3A_117 : memref<960x80xf32, #tpu.memory_space<hbm>>)
        tpu.yield
      }) : () -> ()
    } else {
    }
    %barrier3A_23 = arith.constant 0 : index
    tpu.barrier barrier_id(%barrier3A_23)
    %mul3A_24 = arith.constant 4 : i32
    %mul3A_25 = arith.muli %arg0, %mul3A_24 : i32
    %add3A_26 = arith.constant 1 : i32
    %add3A_27 = arith.addi %mul3A_25, %add3A_26 : i32
    %mul3A_28 = arith.constant 16200 : i32
    %mul3A_29 = arith.muli %add3A_27, %mul3A_28 : i32
    %mul3A_30 = arith.constant 1016 : i32
    %mul3A_31 = arith.muli %arg1, %mul3A_30 : i32
    %mul3A_32 = arith.constant 1016 : i32
    %mul3A_33 = arith.muli %arg1, %mul3A_32 : i32
    "tpu.region"() ({
      %run_scoped3A = tpu.sem_alloc : memref<!tpu.dma_semaphore, #tpu.memory_space<semaphore_mem>>
      %dma_start3A = arith.constant 0 : i32
      %dma_start3A_111 = tpu.memref_slice %arg6[%mul3A_33, %dma_start3A] : memref<16256x80xf32, #tpu.memory_space<vmem_shared>> -> memref<1016x80xf32, #tpu.memory_space<vmem_shared>>
      %dma_start3A_112 = arith.constant 0 : i32
      %dma_start3A_113 = tpu.memref_slice %arg4[%mul3A_31, %dma_start3A_112] : memref<16256x80xf32, #tpu.memory_space<hbm>> -> memref<1016x80xf32, #tpu.memory_space<hbm>>
      tpu.enqueue_dma source(%dma_start3A_113 : memref<1016x80xf32, #tpu.memory_space<hbm>>) target(%dma_start3A_111 : memref<1016x80xf32, #tpu.memory_space<vmem_shared>>) target_semaphore(%run_scoped3A : memref<!tpu.dma_semaphore, #tpu.memory_space<semaphore_mem>>)
      %dma_wait3A = arith.constant 0 : i32
      %dma_wait3A_114 = tpu.memref_slice %arg6[%mul3A_33, %dma_wait3A] : memref<16256x80xf32, #tpu.memory_space<vmem_shared>> -> memref<1016x80xf32, #tpu.memory_space<vmem_shared>>
      %dma_wait3A_115 = arith.constant 0 : i32
      %dma_wait3A_116 = tpu.memref_slice %arg4[%mul3A_31, %dma_wait3A_115] : memref<16256x80xf32, #tpu.memory_space<hbm>> -> memref<1016x80xf32, #tpu.memory_space<hbm>>
      tpu.wait_dma2 semaphore(%run_scoped3A : memref<!tpu.dma_semaphore, #tpu.memory_space<semaphore_mem>>) src(%dma_wait3A_116 : memref<1016x80xf32, #tpu.memory_space<hbm>>) dst(%dma_wait3A_114 : memref<1016x80xf32, #tpu.memory_space<vmem_shared>>)
      tpu.yield
    }) : () -> ()
    %barrier3A_34 = arith.constant 0 : index
    tpu.barrier barrier_id(%barrier3A_34)
    %scan3A_35 = arith.constant 0 : i32
    %scan3A_36 = arith.constant 0 : i32
    %scan3A_37 = arith.constant 11 : i32
    %scan3A_38 = arith.addi %scan3A_36, %scan3A_37 : i32
    %scan3A_39 = arith.constant 1 : i32
    scf.for %scan3A_111 = %scan3A_36 to %scan3A_38 step %scan3A_39  : i32 {
      %mul3A_112 = arith.constant 62304 : i32
      %mul3A_113 = arith.muli %arg1, %mul3A_112 : i32
      %mul3A_114 = arith.constant 5664 : i32
      %mul3A_115 = arith.muli %scan3A_111, %mul3A_114 : i32
      %add3A_116 = arith.addi %mul3A_113, %mul3A_115 : i32
      "tpu.region"() ({
        %run_scoped3A = tpu.sem_alloc : memref<!tpu.dma_semaphore, #tpu.memory_space<semaphore_mem>>
        %dma_start3A = tpu.memref_slice %arg2[%add3A_116] : memref<996864xi32, #tpu.memory_space<hbm>> -> memref<5664xi32, #tpu.memory_space<hbm>>
        %dma_start3A_213 = tpu.memref_slice %arg2[%add3A_116] : memref<996864xi32, #tpu.memory_space<hbm>> -> memref<5664xi32, #tpu.memory_space<hbm>>
        tpu.enqueue_dma source(%dma_start3A_213 : memref<5664xi32, #tpu.memory_space<hbm>>) target(%arg7 : memref<5664xi32, #tpu.memory_space<vmem>>) target_semaphore(%run_scoped3A : memref<!tpu.dma_semaphore, #tpu.memory_space<semaphore_mem>>)
        %dma_wait3A = tpu.memref_slice %arg2[%add3A_116] : memref<996864xi32, #tpu.memory_space<hbm>> -> memref<5664xi32, #tpu.memory_space<hbm>>
        %dma_wait3A_214 = tpu.memref_slice %arg2[%add3A_116] : memref<996864xi32, #tpu.memory_space<hbm>> -> memref<5664xi32, #tpu.memory_space<hbm>>
        tpu.wait_dma2 semaphore(%run_scoped3A : memref<!tpu.dma_semaphore, #tpu.memory_space<semaphore_mem>>) src(%dma_wait3A_214 : memref<5664xi32, #tpu.memory_space<hbm>>) dst(%arg7 : memref<5664xi32, #tpu.memory_space<vmem>>)
        tpu.yield
      }) : () -> ()
      %broadcast_in_dim3A_117 = vector.broadcast %mul3A_29 : i32 to vector<16xi32>
      %add3A_118 = arith.constant 16200 : i32
      %add3A_119 = arith.addi %mul3A_29, %add3A_118 : i32
      %broadcast_in_dim3A_120 = vector.broadcast %add3A_119 : i32 to vector<16xi32>
      %scan3A_121 = arith.constant 0 : i32
      %scan3A_122 = arith.constant 0 : i32
      %scan3A_123 = arith.constant 354 : i32
      %scan3A_124 = arith.addi %scan3A_122, %scan3A_123 : i32
      %scan3A_125 = arith.constant 1 : i32
      %scan3A_126 = scf.for %scan3A_213 = %scan3A_122 to %scan3A_124 step %scan3A_125 iter_args(%scan3A_214 = %scan3A_121) -> (i32)  : i32 {
        %mul3A_215 = arith.constant 16 : i32
        %mul3A_216 = arith.muli %scan3A_213, %mul3A_215 : i32
        %multiple_of3A = tpu.assume_multiple %mul3A_216, 16 : i32
        %get3A = arith.index_cast %multiple_of3A : i32 to index
        %get3A_217 = tpu.vector_load %arg7[%get3A] {strides = array<i32>} : memref<5664xi32, #tpu.memory_space<vmem>>, vector<16xi32>,
        %ge3A = arith.cmpi sge, %get3A_217, %broadcast_in_dim3A_117 : vector<16xi32>
        %lt3A_218 = arith.cmpi slt, %get3A_217, %broadcast_in_dim3A_120 : vector<16xi32>
        %and3A_219 = arith.andi %ge3A, %lt3A_218 : vector<16xi1>
        %convert_element_type3A_220 = arith.extui %and3A_219 : vector<16xi1> to vector<16xi32>
        %broadcast_in_dim3A_221 = arith.constant true
        %broadcast_in_dim3A_222 = vector.broadcast %broadcast_in_dim3A_221 : i1 to vector<16xi1>
        %masked_cumsum3A = tpu.scan <sum>, %convert_element_type3A_220 masked %broadcast_in_dim3A_222 : vector<16xi32>, vector<16xi1> -> vector<16xi32>
        %sub3A_223 = arith.constant 1 : i32
        %sub3A_224 = arith.subi %scan3A_214, %sub3A_223 : i32
        %broadcast_in_dim3A_225 = vector.broadcast %sub3A_224 : i32 to vector<16xi32>
        %add3A_226 = arith.addi %broadcast_in_dim3A_225, %masked_cumsum3A : vector<16xi32>
        %mul3A_227 = arith.constant 16 : i32
        %mul3A_228 = arith.muli %scan3A_213, %mul3A_227 : i32
        %add3A_229 = arith.addi %add3A_116, %mul3A_228 : i32
        %broadcast_in_dim3A_230 = vector.broadcast %add3A_229 : i32 to vector<16xi32>
        %add3A_231 = arith.addi %broadcast_in_dim3A_230, %iota3A : vector<16xi32>
        tpu.vector_store_idx %arg8[%add3A_226], %add3A_231 masked %and3A_219 : memref<5888xi32, #tpu.memory_space<vmem>>[vector<16xi32>], vector<16xi32>, vector<16xi1>
        %sub3A_232 = arith.subi %get3A_217, %broadcast_in_dim3A_117 : vector<16xi32>
        tpu.vector_store_idx %arg9[%add3A_226], %sub3A_232 masked %and3A_219 : memref<5888xi32, #tpu.memory_space<vmem>>[vector<16xi32>], vector<16xi32>, vector<16xi1>
        %slice3A = vector.extract_strided_slice %masked_cumsum3A {offsets = [15], sizes = [1], strides = [1]} : vector<16xi32> to vector<1xi32>
        %squeeze3A = vector.extract %slice3A[0] : i32 from vector<1xi32>
        %add3A_233 = arith.addi %scan3A_214, %squeeze3A : i32
        scf.yield %add3A_233 : i32
      }
      %scan3A_127 = arith.constant 354 : i32
      %add3A_128 = arith.constant 0 : i32
      %add3A_129 = arith.addi %scan3A_126, %add3A_128 : i32
      %broadcast_in_dim3A_130 = vector.broadcast %add3A_129 : i32 to vector<16xi32>
      %add3A_131 = arith.addi %broadcast_in_dim3A_130, %iota3A : vector<16xi32>
      tpu.vector_store_idx %arg8[%add3A_131], %broadcast_in_dim3A_0 : memref<5888xi32, #tpu.memory_space<vmem>>[vector<16xi32>], vector<16xi32>,
      tpu.vector_store_idx %arg9[%add3A_131], %broadcast_in_dim3A_2 : memref<5888xi32, #tpu.memory_space<vmem>>[vector<16xi32>], vector<16xi32>,
      %add3A_132 = arith.constant 16 : i32
      %add3A_133 = arith.addi %scan3A_126, %add3A_132 : i32
      %broadcast_in_dim3A_134 = vector.broadcast %add3A_133 : i32 to vector<16xi32>
      %add3A_135 = arith.addi %broadcast_in_dim3A_134, %iota3A : vector<16xi32>
      tpu.vector_store_idx %arg8[%add3A_135], %broadcast_in_dim3A_0 : memref<5888xi32, #tpu.memory_space<vmem>>[vector<16xi32>], vector<16xi32>,
      tpu.vector_store_idx %arg9[%add3A_135], %broadcast_in_dim3A_2 : memref<5888xi32, #tpu.memory_space<vmem>>[vector<16xi32>], vector<16xi32>,
      %add3A_136 = arith.constant 32 : i32
      %add3A_137 = arith.addi %scan3A_126, %add3A_136 : i32
      %broadcast_in_dim3A_138 = vector.broadcast %add3A_137 : i32 to vector<16xi32>
      %add3A_139 = arith.addi %broadcast_in_dim3A_138, %iota3A : vector<16xi32>
      tpu.vector_store_idx %arg8[%add3A_139], %broadcast_in_dim3A_0 : memref<5888xi32, #tpu.memory_space<vmem>>[vector<16xi32>], vector<16xi32>,
      tpu.vector_store_idx %arg9[%add3A_139], %broadcast_in_dim3A_2 : memref<5888xi32, #tpu.memory_space<vmem>>[vector<16xi32>], vector<16xi32>,
      %add3A_140 = arith.constant 48 : i32
      %add3A_141 = arith.addi %scan3A_126, %add3A_140 : i32
      %broadcast_in_dim3A_142 = vector.broadcast %add3A_141 : i32 to vector<16xi32>
      %add3A_143 = arith.addi %broadcast_in_dim3A_142, %iota3A : vector<16xi32>
      tpu.vector_store_idx %arg8[%add3A_143], %broadcast_in_dim3A_0 : memref<5888xi32, #tpu.memory_space<vmem>>[vector<16xi32>], vector<16xi32>,
      tpu.vector_store_idx %arg9[%add3A_143], %broadcast_in_dim3A_2 : memref<5888xi32, #tpu.memory_space<vmem>>[vector<16xi32>], vector<16xi32>,
      %add3A_144 = arith.constant 64 : i32
      %add3A_145 = arith.addi %scan3A_126, %add3A_144 : i32
      %broadcast_in_dim3A_146 = vector.broadcast %add3A_145 : i32 to vector<16xi32>
      %add3A_147 = arith.addi %broadcast_in_dim3A_146, %iota3A : vector<16xi32>
      tpu.vector_store_idx %arg8[%add3A_147], %broadcast_in_dim3A_0 : memref<5888xi32, #tpu.memory_space<vmem>>[vector<16xi32>], vector<16xi32>,
      tpu.vector_store_idx %arg9[%add3A_147], %broadcast_in_dim3A_2 : memref<5888xi32, #tpu.memory_space<vmem>>[vector<16xi32>], vector<16xi32>,
      %add3A_148 = arith.constant 80 : i32
      %add3A_149 = arith.addi %scan3A_126, %add3A_148 : i32
      %broadcast_in_dim3A_150 = vector.broadcast %add3A_149 : i32 to vector<16xi32>
      %add3A_151 = arith.addi %broadcast_in_dim3A_150, %iota3A : vector<16xi32>
      tpu.vector_store_idx %arg8[%add3A_151], %broadcast_in_dim3A_0 : memref<5888xi32, #tpu.memory_space<vmem>>[vector<16xi32>], vector<16xi32>,
      tpu.vector_store_idx %arg9[%add3A_151], %broadcast_in_dim3A_2 : memref<5888xi32, #tpu.memory_space<vmem>>[vector<16xi32>], vector<16xi32>,
      %add3A_152 = arith.constant 96 : i32
      %add3A_153 = arith.addi %scan3A_126, %add3A_152 : i32
      %broadcast_in_dim3A_154 = vector.broadcast %add3A_153 : i32 to vector<16xi32>
      %add3A_155 = arith.addi %broadcast_in_dim3A_154, %iota3A : vector<16xi32>
      tpu.vector_store_idx %arg8[%add3A_155], %broadcast_in_dim3A_0 : memref<5888xi32, #tpu.memory_space<vmem>>[vector<16xi32>], vector<16xi32>,
      tpu.vector_store_idx %arg9[%add3A_155], %broadcast_in_dim3A_2 : memref<5888xi32, #tpu.memory_space<vmem>>[vector<16xi32>], vector<16xi32>,
      %add3A_156 = arith.constant 112 : i32
      %add3A_157 = arith.addi %scan3A_126, %add3A_156 : i32
      %broadcast_in_dim3A_158 = vector.broadcast %add3A_157 : i32 to vector<16xi32>
      %add3A_159 = arith.addi %broadcast_in_dim3A_158, %iota3A : vector<16xi32>
      tpu.vector_store_idx %arg8[%add3A_159], %broadcast_in_dim3A_0 : memref<5888xi32, #tpu.memory_space<vmem>>[vector<16xi32>], vector<16xi32>,
      tpu.vector_store_idx %arg9[%add3A_159], %broadcast_in_dim3A_2 : memref<5888xi32, #tpu.memory_space<vmem>>[vector<16xi32>], vector<16xi32>,
      %add3A_160 = arith.constant 128 : i32
      %add3A_161 = arith.addi %scan3A_126, %add3A_160 : i32
      %sub3A = arith.constant 1 : i32
      %sub3A_162 = arith.subi %add3A_161, %sub3A : i32
      %jit3A = arith.constant 128 : i32
      %div3A = arith.divsi %sub3A_162, %jit3A : i32
      %sign3A = arith.constant 0 : i32
      %sign3A_163 = arith.cmpi sgt, %sub3A_162, %sign3A : i32
      %sign3A_164 = arith.extui %sign3A_163 : i1 to i32
      %sign3A_165 = arith.constant 0 : i32
      %sign3A_166 = arith.cmpi slt, %sub3A_162, %sign3A_165 : i32
      %sign3A_167 = arith.extui %sign3A_166 : i1 to i32
      %sign3A_168 = arith.subi %sign3A_164, %sign3A_167 : i32
      %sign3A_169 = arith.constant 0 : i32
      %sign3A_170 = arith.cmpi sgt, %jit3A, %sign3A_169 : i32
      %sign3A_171 = arith.extui %sign3A_170 : i1 to i32
      %sign3A_172 = arith.constant 0 : i32
      %sign3A_173 = arith.cmpi slt, %jit3A, %sign3A_172 : i32
      %sign3A_174 = arith.extui %sign3A_173 : i1 to i32
      %sign3A_175 = arith.subi %sign3A_171, %sign3A_174 : i32
      %ne3A = arith.cmpi ne, %sign3A_168, %sign3A_175 : i32
      %rem3A = arith.remsi %sub3A_162, %jit3A : i32
      %ne3A_176 = arith.constant 0 : i32
      %ne3A_177 = arith.cmpi ne, %rem3A, %ne3A_176 : i32
      %and3A = arith.andi %ne3A, %ne3A_177 : i1
      %sub3A_178 = arith.constant 1 : i32
      %sub3A_179 = arith.subi %div3A, %sub3A_178 : i32
      %select_n3A = arith.select %and3A, %sub3A_179, %div3A : i32
      %gt3A = arith.constant 0 : i32
      %gt3A_180 = arith.cmpi sgt, %select_n3A, %gt3A : i32
      %convert_element_type3A_181 = arith.extui %gt3A_180 : i1 to i32
      %cond3A_182 = arith.constant 0 : i32
      %cond3A_183 = arith.cmpi ne, %convert_element_type3A_181, %cond3A_182 : i32
      scf.if %cond3A_183 {
        %multiple_of3A = arith.constant 0 : i32
        %multiple_of3A_213 = tpu.assume_multiple %multiple_of3A, 128 : i32
        %dma_start3A = arith.constant 0 : i32
        %dma_start3A_214 = arith.constant 0 : i32
        %dma_start3A_215 = arith.constant 0 : i32
        %dma_start3A_216 = arith.constant 0 : i32
        %dma_start3A_217 = tpu.memref_slice %arg10[%dma_start3A, %dma_start3A_215, %dma_start3A_216] : memref<3x128x80xf32, #tpu.memory_space<vmem>> -> memref<1x128x80xf32, #tpu.memory_space<vmem>>
        %dma_start3A_218 = tpu.memref_squeeze %dma_start3A_217 : memref<1x128x80xf32, #tpu.memory_space<vmem>> -> memref<128x80xf32, #tpu.memory_space<vmem>>
        %dma_start3A_219 = tpu.memref_slice %arg8[%multiple_of3A_213] : memref<5888xi32, #tpu.memory_space<vmem>> -> memref<128xi32, #tpu.memory_space<vmem>>
        %dma_start3A_220 = arith.constant 0 : i32
        %dma_start3A_221 = arith.constant 0 : i32
        %dma_start3A_222 = tpu.memref_slice %arg3[%dma_start3A_220, %dma_start3A_221] : memref<996864x80xf32, #tpu.memory_space<hbm>> -> memref<996864x80xf32, #tpu.memory_space<hbm>>
        %dma_start3A_223 = tpu.memref_slice %arg12[%dma_start3A_214] : memref<3x!tpu.dma_semaphore, #tpu.memory_space<semaphore_mem>> -> memref<1x!tpu.dma_semaphore, #tpu.memory_space<semaphore_mem>>
        %dma_start3A_224 = tpu.memref_squeeze %dma_start3A_223 : memref<1x!tpu.dma_semaphore, #tpu.memory_space<semaphore_mem>> -> memref<!tpu.dma_semaphore, #tpu.memory_space<semaphore_mem>>
        tpu.enqueue_indirect_dma source(%dma_start3A_222 : memref<996864x80xf32, #tpu.memory_space<hbm>>) target(%dma_start3A_218 : memref<128x80xf32, #tpu.memory_space<vmem>>) offsets(%dma_start3A_219 : memref<128xi32, #tpu.memory_space<vmem>>) semaphore(%dma_start3A_224 : memref<!tpu.dma_semaphore, #tpu.memory_space<semaphore_mem>>)
      } else {
      }
      %gt3A_184 = arith.constant 1 : i32
      %gt3A_185 = arith.cmpi sgt, %select_n3A, %gt3A_184 : i32
      %convert_element_type3A_186 = arith.extui %gt3A_185 : i1 to i32
      %cond3A_187 = arith.constant 0 : i32
      %cond3A_188 = arith.cmpi ne, %convert_element_type3A_186, %cond3A_187 : i32
      scf.if %cond3A_188 {
        %multiple_of3A = arith.constant 128 : i32
        %multiple_of3A_213 = tpu.assume_multiple %multiple_of3A, 128 : i32
        %dma_start3A = arith.constant 1 : i32
        %dma_start3A_214 = arith.constant 1 : i32
        %dma_start3A_215 = arith.constant 0 : i32
        %dma_start3A_216 = arith.constant 0 : i32
        %dma_start3A_217 = tpu.memref_slice %arg10[%dma_start3A, %dma_start3A_215, %dma_start3A_216] : memref<3x128x80xf32, #tpu.memory_space<vmem>> -> memref<1x128x80xf32, #tpu.memory_space<vmem>>
        %dma_start3A_218 = tpu.memref_squeeze %dma_start3A_217 : memref<1x128x80xf32, #tpu.memory_space<vmem>> -> memref<128x80xf32, #tpu.memory_space<vmem>>
        %dma_start3A_219 = tpu.memref_slice %arg8[%multiple_of3A_213] : memref<5888xi32, #tpu.memory_space<vmem>> -> memref<128xi32, #tpu.memory_space<vmem>>
        %dma_start3A_220 = arith.constant 0 : i32
        %dma_start3A_221 = arith.constant 0 : i32
        %dma_start3A_222 = tpu.memref_slice %arg3[%dma_start3A_220, %dma_start3A_221] : memref<996864x80xf32, #tpu.memory_space<hbm>> -> memref<996864x80xf32, #tpu.memory_space<hbm>>
        %dma_start3A_223 = tpu.memref_slice %arg12[%dma_start3A_214] : memref<3x!tpu.dma_semaphore, #tpu.memory_space<semaphore_mem>> -> memref<1x!tpu.dma_semaphore, #tpu.memory_space<semaphore_mem>>
        %dma_start3A_224 = tpu.memref_squeeze %dma_start3A_223 : memref<1x!tpu.dma_semaphore, #tpu.memory_space<semaphore_mem>> -> memref<!tpu.dma_semaphore, #tpu.memory_space<semaphore_mem>>
        tpu.enqueue_indirect_dma source(%dma_start3A_222 : memref<996864x80xf32, #tpu.memory_space<hbm>>) target(%dma_start3A_218 : memref<128x80xf32, #tpu.memory_space<vmem>>) offsets(%dma_start3A_219 : memref<128xi32, #tpu.memory_space<vmem>>) semaphore(%dma_start3A_224 : memref<!tpu.dma_semaphore, #tpu.memory_space<semaphore_mem>>)
      } else {
      }
      %while3A = arith.constant 0 : i32
      %while3A_189 = arith.constant 0 : i32
      %while3A_190 = arith.subi %select_n3A, %while3A_189 : i32
      %while3A_191 = arith.addi %while3A_189, %while3A_190 : i32
      %while3A_192 = arith.constant 1 : i32
      %while3A_193 = arith.divsi %while3A_190, %while3A_192 : i32
      %while3A_194 = arith.muli %while3A_193, %while3A_192 : i32
      %while3A_195 = arith.addi %while3A_189, %while3A_194 : i32
      %while3A_196 = arith.constant 1 : i32
      scf.for %while3A_213 = %while3A_189 to %while3A_195 step %while3A_196  : i32 {
        %rem3A_214 = arith.constant 3 : i32
        %rem3A_215 = arith.remsi %while3A_213, %rem3A_214 : i32
        %mul3A_216 = arith.constant 128 : i32
        %mul3A_217 = arith.muli %while3A_213, %mul3A_216 : i32
        %multiple_of3A = tpu.assume_multiple %mul3A_217, 128 : i32
        %add3A_218 = arith.constant 2 : i32
        %add3A_219 = arith.addi %while3A_213, %add3A_218 : i32
        %lt3A_220 = arith.cmpi slt, %add3A_219, %select_n3A : i32
        %convert_element_type3A_221 = arith.extui %lt3A_220 : i1 to i32
        %cond3A_222 = arith.constant 0 : i32
        %cond3A_223 = arith.cmpi ne, %convert_element_type3A_221, %cond3A_222 : i32
        scf.if %cond3A_223 {
          %add3A_306 = arith.constant 2 : i32
          %add3A_307 = arith.addi %while3A_213, %add3A_306 : i32
          %rem3A_308 = arith.constant 3 : i32
          %rem3A_309 = arith.remsi %add3A_307, %rem3A_308 : i32
          %ge3A = arith.constant 1 : i32
          %ge3A_310 = arith.cmpi sge, %while3A_213, %ge3A : i32
          %convert_element_type3A_311 = arith.extui %ge3A_310 : i1 to i32
          %cond3A_312 = arith.constant 0 : i32
          %cond3A_313 = arith.cmpi ne, %convert_element_type3A_311, %cond3A_312 : i32
          scf.if %cond3A_313 {
            %dma_wait3A_329 = arith.constant 0 : i32
            %dma_wait3A_330 = arith.constant 0 : i32
            %dma_wait3A_331 = tpu.memref_slice %arg10[%rem3A_309, %dma_wait3A_329, %dma_wait3A_330] : memref<3x128x80xf32, #tpu.memory_space<vmem>> -> memref<1x128x80xf32, #tpu.memory_space<vmem>>
            %dma_wait3A_332 = tpu.memref_squeeze %dma_wait3A_331 : memref<1x128x80xf32, #tpu.memory_space<vmem>> -> memref<128x80xf32, #tpu.memory_space<vmem>>
            %dma_wait3A_333 = arith.constant 0 : i32
            %dma_wait3A_334 = tpu.memref_slice %arg11[%rem3A_309, %dma_wait3A_333] : memref<3x128xi32, #tpu.memory_space<vmem>> -> memref<1x128xi32, #tpu.memory_space<vmem>>
            %dma_wait3A_335 = tpu.memref_squeeze %dma_wait3A_334 : memref<1x128xi32, #tpu.memory_space<vmem>> -> memref<128xi32, #tpu.memory_space<vmem>>
            %dma_wait3A_336 = arith.constant 0 : i32
            %dma_wait3A_337 = arith.constant 0 : i32
            %dma_wait3A_338 = tpu.memref_slice %arg6[%dma_wait3A_336, %dma_wait3A_337] : memref<16256x80xf32, #tpu.memory_space<vmem_shared>> -> memref<16256x80xf32, #tpu.memory_space<vmem_shared>>
            %dma_wait3A_339 = tpu.memref_slice %arg13[%rem3A_309] : memref<3x!tpu.dma_semaphore, #tpu.memory_space<semaphore_mem>> -> memref<1x!tpu.dma_semaphore, #tpu.memory_space<semaphore_mem>>
            %dma_wait3A_340 = tpu.memref_squeeze %dma_wait3A_339 : memref<1x!tpu.dma_semaphore, #tpu.memory_space<semaphore_mem>> -> memref<!tpu.dma_semaphore, #tpu.memory_space<semaphore_mem>>
            tpu.wait_indirect_dma semaphore(%dma_wait3A_340 : memref<!tpu.dma_semaphore, #tpu.memory_space<semaphore_mem>>) src(%dma_wait3A_332 : memref<128x80xf32, #tpu.memory_space<vmem>>) dst(%dma_wait3A_338 : memref<16256x80xf32, #tpu.memory_space<vmem_shared>>)
          } else {
          }
          %add3A_314 = arith.constant 2 : i32
          %add3A_315 = arith.addi %while3A_213, %add3A_314 : i32
          %mul3A_316 = arith.constant 128 : i32
          %mul3A_317 = arith.muli %add3A_315, %mul3A_316 : i32
          %multiple_of3A_318 = tpu.assume_multiple %mul3A_317, 128 : i32
          %dma_start3A_319 = arith.constant 0 : i32
          %dma_start3A_320 = arith.constant 0 : i32
          %dma_start3A_321 = tpu.memref_slice %arg10[%rem3A_309, %dma_start3A_319, %dma_start3A_320] : memref<3x128x80xf32, #tpu.memory_space<vmem>> -> memref<1x128x80xf32, #tpu.memory_space<vmem>>
          %dma_start3A_322 = tpu.memref_squeeze %dma_start3A_321 : memref<1x128x80xf32, #tpu.memory_space<vmem>> -> memref<128x80xf32, #tpu.memory_space<vmem>>
          %dma_start3A_323 = tpu.memref_slice %arg8[%multiple_of3A_318] : memref<5888xi32, #tpu.memory_space<vmem>> -> memref<128xi32, #tpu.memory_space<vmem>>
          %dma_start3A_324 = arith.constant 0 : i32
          %dma_start3A_325 = arith.constant 0 : i32
          %dma_start3A_326 = tpu.memref_slice %arg3[%dma_start3A_324, %dma_start3A_325] : memref<996864x80xf32, #tpu.memory_space<hbm>> -> memref<996864x80xf32, #tpu.memory_space<hbm>>
          %dma_start3A_327 = tpu.memref_slice %arg12[%rem3A_309] : memref<3x!tpu.dma_semaphore, #tpu.memory_space<semaphore_mem>> -> memref<1x!tpu.dma_semaphore, #tpu.memory_space<semaphore_mem>>
          %dma_start3A_328 = tpu.memref_squeeze %dma_start3A_327 : memref<1x!tpu.dma_semaphore, #tpu.memory_space<semaphore_mem>> -> memref<!tpu.dma_semaphore, #tpu.memory_space<semaphore_mem>>
          tpu.enqueue_indirect_dma source(%dma_start3A_326 : memref<996864x80xf32, #tpu.memory_space<hbm>>) target(%dma_start3A_322 : memref<128x80xf32, #tpu.memory_space<vmem>>) offsets(%dma_start3A_323 : memref<128xi32, #tpu.memory_space<vmem>>) semaphore(%dma_start3A_328 : memref<!tpu.dma_semaphore, #tpu.memory_space<semaphore_mem>>)
        } else {
        }
        %dma_wait3A = arith.constant 0 : i32
        %dma_wait3A_224 = arith.constant 0 : i32
        %dma_wait3A_225 = tpu.memref_slice %arg10[%rem3A_215, %dma_wait3A, %dma_wait3A_224] : memref<3x128x80xf32, #tpu.memory_space<vmem>> -> memref<1x128x80xf32, #tpu.memory_space<vmem>>
        %dma_wait3A_226 = tpu.memref_squeeze %dma_wait3A_225 : memref<1x128x80xf32, #tpu.memory_space<vmem>> -> memref<128x80xf32, #tpu.memory_space<vmem>>
        %dma_wait3A_227 = tpu.memref_slice %arg8[%multiple_of3A] : memref<5888xi32, #tpu.memory_space<vmem>> -> memref<128xi32, #tpu.memory_space<vmem>>
        %dma_wait3A_228 = arith.constant 0 : i32
        %dma_wait3A_229 = arith.constant 0 : i32
        %dma_wait3A_230 = tpu.memref_slice %arg3[%dma_wait3A_228, %dma_wait3A_229] : memref<996864x80xf32, #tpu.memory_space<hbm>> -> memref<996864x80xf32, #tpu.memory_space<hbm>>
        %dma_wait3A_231 = tpu.memref_slice %arg12[%rem3A_215] : memref<3x!tpu.dma_semaphore, #tpu.memory_space<semaphore_mem>> -> memref<1x!tpu.dma_semaphore, #tpu.memory_space<semaphore_mem>>
        %dma_wait3A_232 = tpu.memref_squeeze %dma_wait3A_231 : memref<1x!tpu.dma_semaphore, #tpu.memory_space<semaphore_mem>> -> memref<!tpu.dma_semaphore, #tpu.memory_space<semaphore_mem>>
        tpu.wait_indirect_dma semaphore(%dma_wait3A_232 : memref<!tpu.dma_semaphore, #tpu.memory_space<semaphore_mem>>) src(%dma_wait3A_230 : memref<996864x80xf32, #tpu.memory_space<hbm>>) dst(%dma_wait3A_226 : memref<128x80xf32, #tpu.memory_space<vmem>>)
        %add3A_233 = arith.constant 0 : i32
        %add3A_234 = arith.addi %multiple_of3A, %add3A_233 : i32
        %multiple_of3A_235 = tpu.assume_multiple %add3A_234, 16 : i32
        %get3A = arith.index_cast %multiple_of3A_235 : i32 to index
        %get3A_236 = tpu.vector_load %arg9[%get3A] {strides = array<i32>} : memref<5888xi32, #tpu.memory_space<vmem>>, vector<16xi32>,
        %swap3A = arith.index_cast %rem3A_215 : i32 to index
        %swap3A_237 = arith.constant 0 : index
        %swap3A_238 = tpu.vector_load %arg11[%swap3A, %swap3A_237] {strides = array<i32>} : memref<3x128xi32, #tpu.memory_space<vmem>>, vector<16xi32>,
        tpu.vector_store %arg11[%swap3A, %swap3A_237], %get3A_236 {strides = array<i32>} : memref<3x128xi32, #tpu.memory_space<vmem>>, vector<16xi32>,
        %add3A_239 = arith.constant 16 : i32
        %add3A_240 = arith.addi %multiple_of3A, %add3A_239 : i32
        %multiple_of3A_241 = tpu.assume_multiple %add3A_240, 16 : i32
        %get3A_242 = arith.index_cast %multiple_of3A_241 : i32 to index
        %get3A_243 = tpu.vector_load %arg9[%get3A_242] {strides = array<i32>} : memref<5888xi32, #tpu.memory_space<vmem>>, vector<16xi32>,
        %swap3A_244 = arith.index_cast %rem3A_215 : i32 to index
        %swap3A_245 = arith.constant 16 : index
        %swap3A_246 = tpu.vector_load %arg11[%swap3A_244, %swap3A_245] {strides = array<i32>} : memref<3x128xi32, #tpu.memory_space<vmem>>, vector<16xi32>,
        tpu.vector_store %arg11[%swap3A_244, %swap3A_245], %get3A_243 {strides = array<i32>} : memref<3x128xi32, #tpu.memory_space<vmem>>, vector<16xi32>,
        %add3A_247 = arith.constant 32 : i32
        %add3A_248 = arith.addi %multiple_of3A, %add3A_247 : i32
        %multiple_of3A_249 = tpu.assume_multiple %add3A_248, 16 : i32
        %get3A_250 = arith.index_cast %multiple_of3A_249 : i32 to index
        %get3A_251 = tpu.vector_load %arg9[%get3A_250] {strides = array<i32>} : memref<5888xi32, #tpu.memory_space<vmem>>, vector<16xi32>,
        %swap3A_252 = arith.index_cast %rem3A_215 : i32 to index
        %swap3A_253 = arith.constant 32 : index
        %swap3A_254 = tpu.vector_load %arg11[%swap3A_252, %swap3A_253] {strides = array<i32>} : memref<3x128xi32, #tpu.memory_space<vmem>>, vector<16xi32>,
        tpu.vector_store %arg11[%swap3A_252, %swap3A_253], %get3A_251 {strides = array<i32>} : memref<3x128xi32, #tpu.memory_space<vmem>>, vector<16xi32>,
        %add3A_255 = arith.constant 48 : i32
        %add3A_256 = arith.addi %multiple_of3A, %add3A_255 : i32
        %multiple_of3A_257 = tpu.assume_multiple %add3A_256, 16 : i32
        %get3A_258 = arith.index_cast %multiple_of3A_257 : i32 to index
        %get3A_259 = tpu.vector_load %arg9[%get3A_258] {strides = array<i32>} : memref<5888xi32, #tpu.memory_space<vmem>>, vector<16xi32>,
        %swap3A_260 = arith.index_cast %rem3A_215 : i32 to index
        %swap3A_261 = arith.constant 48 : index
        %swap3A_262 = tpu.vector_load %arg11[%swap3A_260, %swap3A_261] {strides = array<i32>} : memref<3x128xi32, #tpu.memory_space<vmem>>, vector<16xi32>,
        tpu.vector_store %arg11[%swap3A_260, %swap3A_261], %get3A_259 {strides = array<i32>} : memref<3x128xi32, #tpu.memory_space<vmem>>, vector<16xi32>,
        %add3A_263 = arith.constant 64 : i32
        %add3A_264 = arith.addi %multiple_of3A, %add3A_263 : i32
        %multiple_of3A_265 = tpu.assume_multiple %add3A_264, 16 : i32
        %get3A_266 = arith.index_cast %multiple_of3A_265 : i32 to index
        %get3A_267 = tpu.vector_load %arg9[%get3A_266] {strides = array<i32>} : memref<5888xi32, #tpu.memory_space<vmem>>, vector<16xi32>,
        %swap3A_268 = arith.index_cast %rem3A_215 : i32 to index
        %swap3A_269 = arith.constant 64 : index
        %swap3A_270 = tpu.vector_load %arg11[%swap3A_268, %swap3A_269] {strides = array<i32>} : memref<3x128xi32, #tpu.memory_space<vmem>>, vector<16xi32>,
        tpu.vector_store %arg11[%swap3A_268, %swap3A_269], %get3A_267 {strides = array<i32>} : memref<3x128xi32, #tpu.memory_space<vmem>>, vector<16xi32>,
        %add3A_271 = arith.constant 80 : i32
        %add3A_272 = arith.addi %multiple_of3A, %add3A_271 : i32
        %multiple_of3A_273 = tpu.assume_multiple %add3A_272, 16 : i32
        %get3A_274 = arith.index_cast %multiple_of3A_273 : i32 to index
        %get3A_275 = tpu.vector_load %arg9[%get3A_274] {strides = array<i32>} : memref<5888xi32, #tpu.memory_space<vmem>>, vector<16xi32>,
        %swap3A_276 = arith.index_cast %rem3A_215 : i32 to index
        %swap3A_277 = arith.constant 80 : index
        %swap3A_278 = tpu.vector_load %arg11[%swap3A_276, %swap3A_277] {strides = array<i32>} : memref<3x128xi32, #tpu.memory_space<vmem>>, vector<16xi32>,
        tpu.vector_store %arg11[%swap3A_276, %swap3A_277], %get3A_275 {strides = array<i32>} : memref<3x128xi32, #tpu.memory_space<vmem>>, vector<16xi32>,
        %add3A_279 = arith.constant 96 : i32
        %add3A_280 = arith.addi %multiple_of3A, %add3A_279 : i32
        %multiple_of3A_281 = tpu.assume_multiple %add3A_280, 16 : i32
        %get3A_282 = arith.index_cast %multiple_of3A_281 : i32 to index
        %get3A_283 = tpu.vector_load %arg9[%get3A_282] {strides = array<i32>} : memref<5888xi32, #tpu.memory_space<vmem>>, vector<16xi32>,
        %swap3A_284 = arith.index_cast %rem3A_215 : i32 to index
        %swap3A_285 = arith.constant 96 : index
        %swap3A_286 = tpu.vector_load %arg11[%swap3A_284, %swap3A_285] {strides = array<i32>} : memref<3x128xi32, #tpu.memory_space<vmem>>, vector<16xi32>,
        tpu.vector_store %arg11[%swap3A_284, %swap3A_285], %get3A_283 {strides = array<i32>} : memref<3x128xi32, #tpu.memory_space<vmem>>, vector<16xi32>,
        %add3A_287 = arith.constant 112 : i32
        %add3A_288 = arith.addi %multiple_of3A, %add3A_287 : i32
        %multiple_of3A_289 = tpu.assume_multiple %add3A_288, 16 : i32
        %get3A_290 = arith.index_cast %multiple_of3A_289 : i32 to index
        %get3A_291 = tpu.vector_load %arg9[%get3A_290] {strides = array<i32>} : memref<5888xi32, #tpu.memory_space<vmem>>, vector<16xi32>,
        %swap3A_292 = arith.index_cast %rem3A_215 : i32 to index
        %swap3A_293 = arith.constant 112 : index
        %swap3A_294 = tpu.vector_load %arg11[%swap3A_292, %swap3A_293] {strides = array<i32>} : memref<3x128xi32, #tpu.memory_space<vmem>>, vector<16xi32>,
        tpu.vector_store %arg11[%swap3A_292, %swap3A_293], %get3A_291 {strides = array<i32>} : memref<3x128xi32, #tpu.memory_space<vmem>>, vector<16xi32>,
        %dma_start3A = arith.constant 0 : i32
        %dma_start3A_295 = arith.constant 0 : i32
        %dma_start3A_296 = tpu.memref_slice %arg10[%rem3A_215, %dma_start3A, %dma_start3A_295] : memref<3x128x80xf32, #tpu.memory_space<vmem>> -> memref<1x128x80xf32, #tpu.memory_space<vmem>>
        %dma_start3A_297 = tpu.memref_squeeze %dma_start3A_296 : memref<1x128x80xf32, #tpu.memory_space<vmem>> -> memref<128x80xf32, #tpu.memory_space<vmem>>
        %dma_start3A_298 = arith.constant 0 : i32
        %dma_start3A_299 = tpu.memref_slice %arg11[%rem3A_215, %dma_start3A_298] : memref<3x128xi32, #tpu.memory_space<vmem>> -> memref<1x128xi32, #tpu.memory_space<vmem>>
        %dma_start3A_300 = tpu.memref_squeeze %dma_start3A_299 : memref<1x128xi32, #tpu.memory_space<vmem>> -> memref<128xi32, #tpu.memory_space<vmem>>
        %dma_start3A_301 = arith.constant 0 : i32
        %dma_start3A_302 = arith.constant 0 : i32
        %dma_start3A_303 = tpu.memref_slice %arg6[%dma_start3A_301, %dma_start3A_302] : memref<16256x80xf32, #tpu.memory_space<vmem_shared>> -> memref<16256x80xf32, #tpu.memory_space<vmem_shared>>
        %dma_start3A_304 = tpu.memref_slice %arg13[%rem3A_215] : memref<3x!tpu.dma_semaphore, #tpu.memory_space<semaphore_mem>> -> memref<1x!tpu.dma_semaphore, #tpu.memory_space<semaphore_mem>>
        %dma_start3A_305 = tpu.memref_squeeze %dma_start3A_304 : memref<1x!tpu.dma_semaphore, #tpu.memory_space<semaphore_mem>> -> memref<!tpu.dma_semaphore, #tpu.memory_space<semaphore_mem>>
        tpu.enqueue_indirect_dma source(%dma_start3A_297 : memref<128x80xf32, #tpu.memory_space<vmem>>) target(%dma_start3A_303 : memref<16256x80xf32, #tpu.memory_space<vmem_shared>>) offsets(%dma_start3A_300 : memref<128xi32, #tpu.memory_space<vmem>>) semaphore(%dma_start3A_305 : memref<!tpu.dma_semaphore, #tpu.memory_space<semaphore_mem>>) {add = true}
      }
      %while3A_197 = arith.constant 1 : i32
      scf.for %while3A_213 = %while3A_195 to %while3A_191 step %while3A_197  : i32 {
        %rem3A_214 = arith.constant 3 : i32
        %rem3A_215 = arith.remsi %while3A_213, %rem3A_214 : i32
        %mul3A_216 = arith.constant 128 : i32
        %mul3A_217 = arith.muli %while3A_213, %mul3A_216 : i32
        %multiple_of3A = tpu.assume_multiple %mul3A_217, 128 : i32
        %add3A_218 = arith.constant 2 : i32
        %add3A_219 = arith.addi %while3A_213, %add3A_218 : i32
        %lt3A_220 = arith.cmpi slt, %add3A_219, %select_n3A : i32
        %convert_element_type3A_221 = arith.extui %lt3A_220 : i1 to i32
        %cond3A_222 = arith.constant 0 : i32
        %cond3A_223 = arith.cmpi ne, %convert_element_type3A_221, %cond3A_222 : i32
        scf.if %cond3A_223 {
          %add3A_306 = arith.constant 2 : i32
          %add3A_307 = arith.addi %while3A_213, %add3A_306 : i32
          %rem3A_308 = arith.constant 3 : i32
          %rem3A_309 = arith.remsi %add3A_307, %rem3A_308 : i32
          %ge3A = arith.constant 1 : i32
          %ge3A_310 = arith.cmpi sge, %while3A_213, %ge3A : i32
          %convert_element_type3A_311 = arith.extui %ge3A_310 : i1 to i32
          %cond3A_312 = arith.constant 0 : i32
          %cond3A_313 = arith.cmpi ne, %convert_element_type3A_311, %cond3A_312 : i32
          scf.if %cond3A_313 {
            %dma_wait3A_329 = arith.constant 0 : i32
            %dma_wait3A_330 = arith.constant 0 : i32
            %dma_wait3A_331 = tpu.memref_slice %arg10[%rem3A_309, %dma_wait3A_329, %dma_wait3A_330] : memref<3x128x80xf32, #tpu.memory_space<vmem>> -> memref<1x128x80xf32, #tpu.memory_space<vmem>>
            %dma_wait3A_332 = tpu.memref_squeeze %dma_wait3A_331 : memref<1x128x80xf32, #tpu.memory_space<vmem>> -> memref<128x80xf32, #tpu.memory_space<vmem>>
            %dma_wait3A_333 = arith.constant 0 : i32
            %dma_wait3A_334 = tpu.memref_slice %arg11[%rem3A_309, %dma_wait3A_333] : memref<3x128xi32, #tpu.memory_space<vmem>> -> memref<1x128xi32, #tpu.memory_space<vmem>>
            %dma_wait3A_335 = tpu.memref_squeeze %dma_wait3A_334 : memref<1x128xi32, #tpu.memory_space<vmem>> -> memref<128xi32, #tpu.memory_space<vmem>>
            %dma_wait3A_336 = arith.constant 0 : i32
            %dma_wait3A_337 = arith.constant 0 : i32
            %dma_wait3A_338 = tpu.memref_slice %arg6[%dma_wait3A_336, %dma_wait3A_337] : memref<16256x80xf32, #tpu.memory_space<vmem_shared>> -> memref<16256x80xf32, #tpu.memory_space<vmem_shared>>
            %dma_wait3A_339 = tpu.memref_slice %arg13[%rem3A_309] : memref<3x!tpu.dma_semaphore, #tpu.memory_space<semaphore_mem>> -> memref<1x!tpu.dma_semaphore, #tpu.memory_space<semaphore_mem>>
            %dma_wait3A_340 = tpu.memref_squeeze %dma_wait3A_339 : memref<1x!tpu.dma_semaphore, #tpu.memory_space<semaphore_mem>> -> memref<!tpu.dma_semaphore, #tpu.memory_space<semaphore_mem>>
            tpu.wait_indirect_dma semaphore(%dma_wait3A_340 : memref<!tpu.dma_semaphore, #tpu.memory_space<semaphore_mem>>) src(%dma_wait3A_332 : memref<128x80xf32, #tpu.memory_space<vmem>>) dst(%dma_wait3A_338 : memref<16256x80xf32, #tpu.memory_space<vmem_shared>>)
          } else {
          }
          %add3A_314 = arith.constant 2 : i32
          %add3A_315 = arith.addi %while3A_213, %add3A_314 : i32
          %mul3A_316 = arith.constant 128 : i32
          %mul3A_317 = arith.muli %add3A_315, %mul3A_316 : i32
          %multiple_of3A_318 = tpu.assume_multiple %mul3A_317, 128 : i32
          %dma_start3A_319 = arith.constant 0 : i32
          %dma_start3A_320 = arith.constant 0 : i32
          %dma_start3A_321 = tpu.memref_slice %arg10[%rem3A_309, %dma_start3A_319, %dma_start3A_320] : memref<3x128x80xf32, #tpu.memory_space<vmem>> -> memref<1x128x80xf32, #tpu.memory_space<vmem>>
          %dma_start3A_322 = tpu.memref_squeeze %dma_start3A_321 : memref<1x128x80xf32, #tpu.memory_space<vmem>> -> memref<128x80xf32, #tpu.memory_space<vmem>>
          %dma_start3A_323 = tpu.memref_slice %arg8[%multiple_of3A_318] : memref<5888xi32, #tpu.memory_space<vmem>> -> memref<128xi32, #tpu.memory_space<vmem>>
          %dma_start3A_324 = arith.constant 0 : i32
          %dma_start3A_325 = arith.constant 0 : i32
          %dma_start3A_326 = tpu.memref_slice %arg3[%dma_start3A_324, %dma_start3A_325] : memref<996864x80xf32, #tpu.memory_space<hbm>> -> memref<996864x80xf32, #tpu.memory_space<hbm>>
          %dma_start3A_327 = tpu.memref_slice %arg12[%rem3A_309] : memref<3x!tpu.dma_semaphore, #tpu.memory_space<semaphore_mem>> -> memref<1x!tpu.dma_semaphore, #tpu.memory_space<semaphore_mem>>
          %dma_start3A_328 = tpu.memref_squeeze %dma_start3A_327 : memref<1x!tpu.dma_semaphore, #tpu.memory_space<semaphore_mem>> -> memref<!tpu.dma_semaphore, #tpu.memory_space<semaphore_mem>>
          tpu.enqueue_indirect_dma source(%dma_start3A_326 : memref<996864x80xf32, #tpu.memory_space<hbm>>) target(%dma_start3A_322 : memref<128x80xf32, #tpu.memory_space<vmem>>) offsets(%dma_start3A_323 : memref<128xi32, #tpu.memory_space<vmem>>) semaphore(%dma_start3A_328 : memref<!tpu.dma_semaphore, #tpu.memory_space<semaphore_mem>>)
        } else {
        }
        %dma_wait3A = arith.constant 0 : i32
        %dma_wait3A_224 = arith.constant 0 : i32
        %dma_wait3A_225 = tpu.memref_slice %arg10[%rem3A_215, %dma_wait3A, %dma_wait3A_224] : memref<3x128x80xf32, #tpu.memory_space<vmem>> -> memref<1x128x80xf32, #tpu.memory_space<vmem>>
        %dma_wait3A_226 = tpu.memref_squeeze %dma_wait3A_225 : memref<1x128x80xf32, #tpu.memory_space<vmem>> -> memref<128x80xf32, #tpu.memory_space<vmem>>
        %dma_wait3A_227 = tpu.memref_slice %arg8[%multiple_of3A] : memref<5888xi32, #tpu.memory_space<vmem>> -> memref<128xi32, #tpu.memory_space<vmem>>
        %dma_wait3A_228 = arith.constant 0 : i32
        %dma_wait3A_229 = arith.constant 0 : i32
        %dma_wait3A_230 = tpu.memref_slice %arg3[%dma_wait3A_228, %dma_wait3A_229] : memref<996864x80xf32, #tpu.memory_space<hbm>> -> memref<996864x80xf32, #tpu.memory_space<hbm>>
        %dma_wait3A_231 = tpu.memref_slice %arg12[%rem3A_215] : memref<3x!tpu.dma_semaphore, #tpu.memory_space<semaphore_mem>> -> memref<1x!tpu.dma_semaphore, #tpu.memory_space<semaphore_mem>>
        %dma_wait3A_232 = tpu.memref_squeeze %dma_wait3A_231 : memref<1x!tpu.dma_semaphore, #tpu.memory_space<semaphore_mem>> -> memref<!tpu.dma_semaphore, #tpu.memory_space<semaphore_mem>>
        tpu.wait_indirect_dma semaphore(%dma_wait3A_232 : memref<!tpu.dma_semaphore, #tpu.memory_space<semaphore_mem>>) src(%dma_wait3A_230 : memref<996864x80xf32, #tpu.memory_space<hbm>>) dst(%dma_wait3A_226 : memref<128x80xf32, #tpu.memory_space<vmem>>)
        %add3A_233 = arith.constant 0 : i32
        %add3A_234 = arith.addi %multiple_of3A, %add3A_233 : i32
        %multiple_of3A_235 = tpu.assume_multiple %add3A_234, 16 : i32
        %get3A = arith.index_cast %multiple_of3A_235 : i32 to index
        %get3A_236 = tpu.vector_load %arg9[%get3A] {strides = array<i32>} : memref<5888xi32, #tpu.memory_space<vmem>>, vector<16xi32>,
        %swap3A = arith.index_cast %rem3A_215 : i32 to index
        %swap3A_237 = arith.constant 0 : index
        %swap3A_238 = tpu.vector_load %arg11[%swap3A, %swap3A_237] {strides = array<i32>} : memref<3x128xi32, #tpu.memory_space<vmem>>, vector<16xi32>,
        tpu.vector_store %arg11[%swap3A, %swap3A_237], %get3A_236 {strides = array<i32>} : memref<3x128xi32, #tpu.memory_space<vmem>>, vector<16xi32>,
        %add3A_239 = arith.constant 16 : i32
        %add3A_240 = arith.addi %multiple_of3A, %add3A_239 : i32
        %multiple_of3A_241 = tpu.assume_multiple %add3A_240, 16 : i32
        %get3A_242 = arith.index_cast %multiple_of3A_241 : i32 to index
        %get3A_243 = tpu.vector_load %arg9[%get3A_242] {strides = array<i32>} : memref<5888xi32, #tpu.memory_space<vmem>>, vector<16xi32>,
        %swap3A_244 = arith.index_cast %rem3A_215 : i32 to index
        %swap3A_245 = arith.constant 16 : index
        %swap3A_246 = tpu.vector_load %arg11[%swap3A_244, %swap3A_245] {strides = array<i32>} : memref<3x128xi32, #tpu.memory_space<vmem>>, vector<16xi32>,
        tpu.vector_store %arg11[%swap3A_244, %swap3A_245], %get3A_243 {strides = array<i32>} : memref<3x128xi32, #tpu.memory_space<vmem>>, vector<16xi32>,
        %add3A_247 = arith.constant 32 : i32
        %add3A_248 = arith.addi %multiple_of3A, %add3A_247 : i32
        %multiple_of3A_249 = tpu.assume_multiple %add3A_248, 16 : i32
        %get3A_250 = arith.index_cast %multiple_of3A_249 : i32 to index
        %get3A_251 = tpu.vector_load %arg9[%get3A_250] {strides = array<i32>} : memref<5888xi32, #tpu.memory_space<vmem>>, vector<16xi32>,
        %swap3A_252 = arith.index_cast %rem3A_215 : i32 to index
        %swap3A_253 = arith.constant 32 : index
        %swap3A_254 = tpu.vector_load %arg11[%swap3A_252, %swap3A_253] {strides = array<i32>} : memref<3x128xi32, #tpu.memory_space<vmem>>, vector<16xi32>,
        tpu.vector_store %arg11[%swap3A_252, %swap3A_253], %get3A_251 {strides = array<i32>} : memref<3x128xi32, #tpu.memory_space<vmem>>, vector<16xi32>,
        %add3A_255 = arith.constant 48 : i32
        %add3A_256 = arith.addi %multiple_of3A, %add3A_255 : i32
        %multiple_of3A_257 = tpu.assume_multiple %add3A_256, 16 : i32
        %get3A_258 = arith.index_cast %multiple_of3A_257 : i32 to index
        %get3A_259 = tpu.vector_load %arg9[%get3A_258] {strides = array<i32>} : memref<5888xi32, #tpu.memory_space<vmem>>, vector<16xi32>,
        %swap3A_260 = arith.index_cast %rem3A_215 : i32 to index
        %swap3A_261 = arith.constant 48 : index
        %swap3A_262 = tpu.vector_load %arg11[%swap3A_260, %swap3A_261] {strides = array<i32>} : memref<3x128xi32, #tpu.memory_space<vmem>>, vector<16xi32>,
        tpu.vector_store %arg11[%swap3A_260, %swap3A_261], %get3A_259 {strides = array<i32>} : memref<3x128xi32, #tpu.memory_space<vmem>>, vector<16xi32>,
        %add3A_263 = arith.constant 64 : i32
        %add3A_264 = arith.addi %multiple_of3A, %add3A_263 : i32
        %multiple_of3A_265 = tpu.assume_multiple %add3A_264, 16 : i32
        %get3A_266 = arith.index_cast %multiple_of3A_265 : i32 to index
        %get3A_267 = tpu.vector_load %arg9[%get3A_266] {strides = array<i32>} : memref<5888xi32, #tpu.memory_space<vmem>>, vector<16xi32>,
        %swap3A_268 = arith.index_cast %rem3A_215 : i32 to index
        %swap3A_269 = arith.constant 64 : index
        %swap3A_270 = tpu.vector_load %arg11[%swap3A_268, %swap3A_269] {strides = array<i32>} : memref<3x128xi32, #tpu.memory_space<vmem>>, vector<16xi32>,
        tpu.vector_store %arg11[%swap3A_268, %swap3A_269], %get3A_267 {strides = array<i32>} : memref<3x128xi32, #tpu.memory_space<vmem>>, vector<16xi32>,
        %add3A_271 = arith.constant 80 : i32
        %add3A_272 = arith.addi %multiple_of3A, %add3A_271 : i32
        %multiple_of3A_273 = tpu.assume_multiple %add3A_272, 16 : i32
        %get3A_274 = arith.index_cast %multiple_of3A_273 : i32 to index
        %get3A_275 = tpu.vector_load %arg9[%get3A_274] {strides = array<i32>} : memref<5888xi32, #tpu.memory_space<vmem>>, vector<16xi32>,
        %swap3A_276 = arith.index_cast %rem3A_215 : i32 to index
        %swap3A_277 = arith.constant 80 : index
        %swap3A_278 = tpu.vector_load %arg11[%swap3A_276, %swap3A_277] {strides = array<i32>} : memref<3x128xi32, #tpu.memory_space<vmem>>, vector<16xi32>,
        tpu.vector_store %arg11[%swap3A_276, %swap3A_277], %get3A_275 {strides = array<i32>} : memref<3x128xi32, #tpu.memory_space<vmem>>, vector<16xi32>,
        %add3A_279 = arith.constant 96 : i32
        %add3A_280 = arith.addi %multiple_of3A, %add3A_279 : i32
        %multiple_of3A_281 = tpu.assume_multiple %add3A_280, 16 : i32
        %get3A_282 = arith.index_cast %multiple_of3A_281 : i32 to index
        %get3A_283 = tpu.vector_load %arg9[%get3A_282] {strides = array<i32>} : memref<5888xi32, #tpu.memory_space<vmem>>, vector<16xi32>,
        %swap3A_284 = arith.index_cast %rem3A_215 : i32 to index
        %swap3A_285 = arith.constant 96 : index
        %swap3A_286 = tpu.vector_load %arg11[%swap3A_284, %swap3A_285] {strides = array<i32>} : memref<3x128xi32, #tpu.memory_space<vmem>>, vector<16xi32>,
        tpu.vector_store %arg11[%swap3A_284, %swap3A_285], %get3A_283 {strides = array<i32>} : memref<3x128xi32, #tpu.memory_space<vmem>>, vector<16xi32>,
        %add3A_287 = arith.constant 112 : i32
        %add3A_288 = arith.addi %multiple_of3A, %add3A_287 : i32
        %multiple_of3A_289 = tpu.assume_multiple %add3A_288, 16 : i32
        %get3A_290 = arith.index_cast %multiple_of3A_289 : i32 to index
        %get3A_291 = tpu.vector_load %arg9[%get3A_290] {strides = array<i32>} : memref<5888xi32, #tpu.memory_space<vmem>>, vector<16xi32>,
        %swap3A_292 = arith.index_cast %rem3A_215 : i32 to index
        %swap3A_293 = arith.constant 112 : index
        %swap3A_294 = tpu.vector_load %arg11[%swap3A_292, %swap3A_293] {strides = array<i32>} : memref<3x128xi32, #tpu.memory_space<vmem>>, vector<16xi32>,
        tpu.vector_store %arg11[%swap3A_292, %swap3A_293], %get3A_291 {strides = array<i32>} : memref<3x128xi32, #tpu.memory_space<vmem>>, vector<16xi32>,
        %dma_start3A = arith.constant 0 : i32
        %dma_start3A_295 = arith.constant 0 : i32
        %dma_start3A_296 = tpu.memref_slice %arg10[%rem3A_215, %dma_start3A, %dma_start3A_295] : memref<3x128x80xf32, #tpu.memory_space<vmem>> -> memref<1x128x80xf32, #tpu.memory_space<vmem>>
        %dma_start3A_297 = tpu.memref_squeeze %dma_start3A_296 : memref<1x128x80xf32, #tpu.memory_space<vmem>> -> memref<128x80xf32, #tpu.memory_space<vmem>>
        %dma_start3A_298 = arith.constant 0 : i32
        %dma_start3A_299 = tpu.memref_slice %arg11[%rem3A_215, %dma_start3A_298] : memref<3x128xi32, #tpu.memory_space<vmem>> -> memref<1x128xi32, #tpu.memory_space<vmem>>
        %dma_start3A_300 = tpu.memref_squeeze %dma_start3A_299 : memref<1x128xi32, #tpu.memory_space<vmem>> -> memref<128xi32, #tpu.memory_space<vmem>>
        %dma_start3A_301 = arith.constant 0 : i32
        %dma_start3A_302 = arith.constant 0 : i32
        %dma_start3A_303 = tpu.memref_slice %arg6[%dma_start3A_301, %dma_start3A_302] : memref<16256x80xf32, #tpu.memory_space<vmem_shared>> -> memref<16256x80xf32, #tpu.memory_space<vmem_shared>>
        %dma_start3A_304 = tpu.memref_slice %arg13[%rem3A_215] : memref<3x!tpu.dma_semaphore, #tpu.memory_space<semaphore_mem>> -> memref<1x!tpu.dma_semaphore, #tpu.memory_space<semaphore_mem>>
        %dma_start3A_305 = tpu.memref_squeeze %dma_start3A_304 : memref<1x!tpu.dma_semaphore, #tpu.memory_space<semaphore_mem>> -> memref<!tpu.dma_semaphore, #tpu.memory_space<semaphore_mem>>
        tpu.enqueue_indirect_dma source(%dma_start3A_297 : memref<128x80xf32, #tpu.memory_space<vmem>>) target(%dma_start3A_303 : memref<16256x80xf32, #tpu.memory_space<vmem_shared>>) offsets(%dma_start3A_300 : memref<128xi32, #tpu.memory_space<vmem>>) semaphore(%dma_start3A_305 : memref<!tpu.dma_semaphore, #tpu.memory_space<semaphore_mem>>) {add = true}
      }
      %gt3A_198 = arith.constant 0 : i32
      %gt3A_199 = arith.cmpi sgt, %select_n3A, %gt3A_198 : i32
      %convert_element_type3A_200 = arith.extui %gt3A_199 : i1 to i32
      %cond3A_201 = arith.constant 0 : i32
      %cond3A_202 = arith.cmpi ne, %convert_element_type3A_200, %cond3A_201 : i32
      scf.if %cond3A_202 {
        %sub3A_213 = arith.constant 1 : i32
        %sub3A_214 = arith.subi %select_n3A, %sub3A_213 : i32
        %sub3A_215 = arith.constant 0 : i32
        %sub3A_216 = arith.subi %sub3A_214, %sub3A_215 : i32
        %rem3A_217 = arith.constant 3 : i32
        %rem3A_218 = arith.remsi %sub3A_216, %rem3A_217 : i32
        %dma_wait3A = arith.constant 0 : i32
        %dma_wait3A_219 = arith.constant 0 : i32
        %dma_wait3A_220 = tpu.memref_slice %arg10[%rem3A_218, %dma_wait3A, %dma_wait3A_219] : memref<3x128x80xf32, #tpu.memory_space<vmem>> -> memref<1x128x80xf32, #tpu.memory_space<vmem>>
        %dma_wait3A_221 = tpu.memref_squeeze %dma_wait3A_220 : memref<1x128x80xf32, #tpu.memory_space<vmem>> -> memref<128x80xf32, #tpu.memory_space<vmem>>
        %dma_wait3A_222 = arith.constant 0 : i32
        %dma_wait3A_223 = tpu.memref_slice %arg11[%rem3A_218, %dma_wait3A_222] : memref<3x128xi32, #tpu.memory_space<vmem>> -> memref<1x128xi32, #tpu.memory_space<vmem>>
        %dma_wait3A_224 = tpu.memref_squeeze %dma_wait3A_223 : memref<1x128xi32, #tpu.memory_space<vmem>> -> memref<128xi32, #tpu.memory_space<vmem>>
        %dma_wait3A_225 = arith.constant 0 : i32
        %dma_wait3A_226 = arith.constant 0 : i32
        %dma_wait3A_227 = tpu.memref_slice %arg6[%dma_wait3A_225, %dma_wait3A_226] : memref<16256x80xf32, #tpu.memory_space<vmem_shared>> -> memref<16256x80xf32, #tpu.memory_space<vmem_shared>>
        %dma_wait3A_228 = tpu.memref_slice %arg13[%rem3A_218] : memref<3x!tpu.dma_semaphore, #tpu.memory_space<semaphore_mem>> -> memref<1x!tpu.dma_semaphore, #tpu.memory_space<semaphore_mem>>
        %dma_wait3A_229 = tpu.memref_squeeze %dma_wait3A_228 : memref<1x!tpu.dma_semaphore, #tpu.memory_space<semaphore_mem>> -> memref<!tpu.dma_semaphore, #tpu.memory_space<semaphore_mem>>
        tpu.wait_indirect_dma semaphore(%dma_wait3A_229 : memref<!tpu.dma_semaphore, #tpu.memory_space<semaphore_mem>>) src(%dma_wait3A_221 : memref<128x80xf32, #tpu.memory_space<vmem>>) dst(%dma_wait3A_227 : memref<16256x80xf32, #tpu.memory_space<vmem_shared>>)
      } else {
      }
      %gt3A_203 = arith.constant 1 : i32
      %gt3A_204 = arith.cmpi sgt, %select_n3A, %gt3A_203 : i32
      %convert_element_type3A_205 = arith.extui %gt3A_204 : i1 to i32
      %cond3A_206 = arith.constant 0 : i32
      %cond3A_207 = arith.cmpi ne, %convert_element_type3A_205, %cond3A_206 : i32
      scf.if %cond3A_207 {
        %sub3A_213 = arith.constant 1 : i32
        %sub3A_214 = arith.subi %select_n3A, %sub3A_213 : i32
        %sub3A_215 = arith.constant 1 : i32
        %sub3A_216 = arith.subi %sub3A_214, %sub3A_215 : i32
        %rem3A_217 = arith.constant 3 : i32
        %rem3A_218 = arith.remsi %sub3A_216, %rem3A_217 : i32
        %dma_wait3A = arith.constant 0 : i32
        %dma_wait3A_219 = arith.constant 0 : i32
        %dma_wait3A_220 = tpu.memref_slice %arg10[%rem3A_218, %dma_wait3A, %dma_wait3A_219] : memref<3x128x80xf32, #tpu.memory_space<vmem>> -> memref<1x128x80xf32, #tpu.memory_space<vmem>>
        %dma_wait3A_221 = tpu.memref_squeeze %dma_wait3A_220 : memref<1x128x80xf32, #tpu.memory_space<vmem>> -> memref<128x80xf32, #tpu.memory_space<vmem>>
        %dma_wait3A_222 = arith.constant 0 : i32
        %dma_wait3A_223 = tpu.memref_slice %arg11[%rem3A_218, %dma_wait3A_222] : memref<3x128xi32, #tpu.memory_space<vmem>> -> memref<1x128xi32, #tpu.memory_space<vmem>>
        %dma_wait3A_224 = tpu.memref_squeeze %dma_wait3A_223 : memref<1x128xi32, #tpu.memory_space<vmem>> -> memref<128xi32, #tpu.memory_space<vmem>>
        %dma_wait3A_225 = arith.constant 0 : i32
        %dma_wait3A_226 = arith.constant 0 : i32
        %dma_wait3A_227 = tpu.memref_slice %arg6[%dma_wait3A_225, %dma_wait3A_226] : memref<16256x80xf32, #tpu.memory_space<vmem_shared>> -> memref<16256x80xf32, #tpu.memory_space<vmem_shared>>
        %dma_wait3A_228 = tpu.memref_slice %arg13[%rem3A_218] : memref<3x!tpu.dma_semaphore, #tpu.memory_space<semaphore_mem>> -> memref<1x!tpu.dma_semaphore, #tpu.memory_space<semaphore_mem>>
        %dma_wait3A_229 = tpu.memref_squeeze %dma_wait3A_228 : memref<1x!tpu.dma_semaphore, #tpu.memory_space<semaphore_mem>> -> memref<!tpu.dma_semaphore, #tpu.memory_space<semaphore_mem>>
        tpu.wait_indirect_dma semaphore(%dma_wait3A_229 : memref<!tpu.dma_semaphore, #tpu.memory_space<semaphore_mem>>) src(%dma_wait3A_221 : memref<128x80xf32, #tpu.memory_space<vmem>>) dst(%dma_wait3A_227 : memref<16256x80xf32, #tpu.memory_space<vmem_shared>>)
      } else {
      }
      %gt3A_208 = arith.constant 2 : i32
      %gt3A_209 = arith.cmpi sgt, %select_n3A, %gt3A_208 : i32
      %convert_element_type3A_210 = arith.extui %gt3A_209 : i1 to i32
      %cond3A_211 = arith.constant 0 : i32
      %cond3A_212 = arith.cmpi ne, %convert_element_type3A_210, %cond3A_211 : i32
      scf.if %cond3A_212 {
        %sub3A_213 = arith.constant 1 : i32
        %sub3A_214 = arith.subi %select_n3A, %sub3A_213 : i32
        %sub3A_215 = arith.constant 2 : i32
        %sub3A_216 = arith.subi %sub3A_214, %sub3A_215 : i32
        %rem3A_217 = arith.constant 3 : i32
        %rem3A_218 = arith.remsi %sub3A_216, %rem3A_217 : i32
        %dma_wait3A = arith.constant 0 : i32
        %dma_wait3A_219 = arith.constant 0 : i32
        %dma_wait3A_220 = tpu.memref_slice %arg10[%rem3A_218, %dma_wait3A, %dma_wait3A_219] : memref<3x128x80xf32, #tpu.memory_space<vmem>> -> memref<1x128x80xf32, #tpu.memory_space<vmem>>
        %dma_wait3A_221 = tpu.memref_squeeze %dma_wait3A_220 : memref<1x128x80xf32, #tpu.memory_space<vmem>> -> memref<128x80xf32, #tpu.memory_space<vmem>>
        %dma_wait3A_222 = arith.constant 0 : i32
        %dma_wait3A_223 = tpu.memref_slice %arg11[%rem3A_218, %dma_wait3A_222] : memref<3x128xi32, #tpu.memory_space<vmem>> -> memref<1x128xi32, #tpu.memory_space<vmem>>
        %dma_wait3A_224 = tpu.memref_squeeze %dma_wait3A_223 : memref<1x128xi32, #tpu.memory_space<vmem>> -> memref<128xi32, #tpu.memory_space<vmem>>
        %dma_wait3A_225 = arith.constant 0 : i32
        %dma_wait3A_226 = arith.constant 0 : i32
        %dma_wait3A_227 = tpu.memref_slice %arg6[%dma_wait3A_225, %dma_wait3A_226] : memref<16256x80xf32, #tpu.memory_space<vmem_shared>> -> memref<16256x80xf32, #tpu.memory_space<vmem_shared>>
        %dma_wait3A_228 = tpu.memref_slice %arg13[%rem3A_218] : memref<3x!tpu.dma_semaphore, #tpu.memory_space<semaphore_mem>> -> memref<1x!tpu.dma_semaphore, #tpu.memory_space<semaphore_mem>>
        %dma_wait3A_229 = tpu.memref_squeeze %dma_wait3A_228 : memref<1x!tpu.dma_semaphore, #tpu.memory_space<semaphore_mem>> -> memref<!tpu.dma_semaphore, #tpu.memory_space<semaphore_mem>>
        tpu.wait_indirect_dma semaphore(%dma_wait3A_229 : memref<!tpu.dma_semaphore, #tpu.memory_space<semaphore_mem>>) src(%dma_wait3A_221 : memref<128x80xf32, #tpu.memory_space<vmem>>) dst(%dma_wait3A_227 : memref<16256x80xf32, #tpu.memory_space<vmem_shared>>)
      } else {
      }
    }
    %scan3A_40 = arith.constant 11 : i32
    %barrier3A_41 = arith.constant 0 : index
    tpu.barrier barrier_id(%barrier3A_41)
    %lt3A_42 = arith.constant 15 : i32
    %lt3A_43 = arith.cmpi slt, %arg1, %lt3A_42 : i32
    %convert_element_type3A_44 = arith.extui %lt3A_43 : i1 to i32
    %cond3A_45 = arith.constant 0 : i32
    %cond3A_46 = arith.cmpi ne, %convert_element_type3A_44, %cond3A_45 : i32
    scf.if %cond3A_46 {
      %mul3A_111 = arith.constant 1016 : i32
      %mul3A_112 = arith.muli %arg1, %mul3A_111 : i32
      %mul3A_113 = arith.constant 1016 : i32
      %mul3A_114 = arith.muli %arg1, %mul3A_113 : i32
      %add3A_115 = arith.addi %mul3A_29, %mul3A_114 : i32
      "tpu.region"() ({
        %run_scoped3A = tpu.sem_alloc : memref<!tpu.dma_semaphore, #tpu.memory_space<semaphore_mem>>
        %dma_start3A = arith.constant 0 : i32
        %dma_start3A_116 = tpu.memref_slice %arg5[%add3A_115, %dma_start3A] : memref<129600x80xf32, #tpu.memory_space<hbm>> -> memref<1016x80xf32, #tpu.memory_space<hbm>>
        %dma_start3A_117 = arith.constant 0 : i32
        %dma_start3A_118 = tpu.memref_slice %arg6[%mul3A_112, %dma_start3A_117] : memref<16256x80xf32, #tpu.memory_space<vmem_shared>> -> memref<1016x80xf32, #tpu.memory_space<vmem_shared>>
        tpu.enqueue_dma source(%dma_start3A_118 : memref<1016x80xf32, #tpu.memory_space<vmem_shared>>) target(%dma_start3A_116 : memref<1016x80xf32, #tpu.memory_space<hbm>>) target_semaphore(%run_scoped3A : memref<!tpu.dma_semaphore, #tpu.memory_space<semaphore_mem>>)
        %dma_wait3A = arith.constant 0 : i32
        %dma_wait3A_119 = tpu.memref_slice %arg5[%add3A_115, %dma_wait3A] : memref<129600x80xf32, #tpu.memory_space<hbm>> -> memref<1016x80xf32, #tpu.memory_space<hbm>>
        %dma_wait3A_120 = arith.constant 0 : i32
        %dma_wait3A_121 = tpu.memref_slice %arg6[%mul3A_112, %dma_wait3A_120] : memref<16256x80xf32, #tpu.memory_space<vmem_shared>> -> memref<1016x80xf32, #tpu.memory_space<vmem_shared>>
        tpu.wait_dma2 semaphore(%run_scoped3A : memref<!tpu.dma_semaphore, #tpu.memory_space<semaphore_mem>>) src(%dma_wait3A_121 : memref<1016x80xf32, #tpu.memory_space<vmem_shared>>) dst(%dma_wait3A_119 : memref<1016x80xf32, #tpu.memory_space<hbm>>)
        tpu.yield
      }) : () -> ()
    } else {
    }
    %eq3A_47 = arith.constant 15 : i32
    %eq3A_48 = arith.cmpi eq, %arg1, %eq3A_47 : i32
    %convert_element_type3A_49 = arith.extui %eq3A_48 : i1 to i32
    %cond3A_50 = arith.constant 0 : i32
    %cond3A_51 = arith.cmpi ne, %convert_element_type3A_49, %cond3A_50 : i32
    scf.if %cond3A_51 {
      %add3A_111 = arith.constant 15240 : i32
      %add3A_112 = arith.addi %mul3A_29, %add3A_111 : i32
      "tpu.region"() ({
        %run_scoped3A = tpu.sem_alloc : memref<!tpu.dma_semaphore, #tpu.memory_space<semaphore_mem>>
        %dma_start3A = arith.constant 0 : i32
        %dma_start3A_113 = tpu.memref_slice %arg5[%add3A_112, %dma_start3A] : memref<129600x80xf32, #tpu.memory_space<hbm>> -> memref<960x80xf32, #tpu.memory_space<hbm>>
        %dma_start3A_114 = arith.constant 15240 : i32
        %dma_start3A_115 = arith.constant 0 : i32
        %dma_start3A_116 = tpu.memref_slice %arg6[%dma_start3A_114, %dma_start3A_115] : memref<16256x80xf32, #tpu.memory_space<vmem_shared>> -> memref<960x80xf32, #tpu.memory_space<vmem_shared>>
        tpu.enqueue_dma source(%dma_start3A_116 : memref<960x80xf32, #tpu.memory_space<vmem_shared>>) target(%dma_start3A_113 : memref<960x80xf32, #tpu.memory_space<hbm>>) target_semaphore(%run_scoped3A : memref<!tpu.dma_semaphore, #tpu.memory_space<semaphore_mem>>)
        %dma_wait3A = arith.constant 0 : i32
        %dma_wait3A_117 = tpu.memref_slice %arg5[%add3A_112, %dma_wait3A] : memref<129600x80xf32, #tpu.memory_space<hbm>> -> memref<960x80xf32, #tpu.memory_space<hbm>>
        %dma_wait3A_118 = arith.constant 15240 : i32
        %dma_wait3A_119 = arith.constant 0 : i32
        %dma_wait3A_120 = tpu.memref_slice %arg6[%dma_wait3A_118, %dma_wait3A_119] : memref<16256x80xf32, #tpu.memory_space<vmem_shared>> -> memref<960x80xf32, #tpu.memory_space<vmem_shared>>
        tpu.wait_dma2 semaphore(%run_scoped3A : memref<!tpu.dma_semaphore, #tpu.memory_space<semaphore_mem>>) src(%dma_wait3A_120 : memref<960x80xf32, #tpu.memory_space<vmem_shared>>) dst(%dma_wait3A_117 : memref<960x80xf32, #tpu.memory_space<hbm>>)
        tpu.yield
      }) : () -> ()
    } else {
    }
    %barrier3A_52 = arith.constant 0 : index
    tpu.barrier barrier_id(%barrier3A_52)
    %mul3A_53 = arith.constant 4 : i32
    %mul3A_54 = arith.muli %arg0, %mul3A_53 : i32
    %add3A_55 = arith.constant 2 : i32
    %add3A_56 = arith.addi %mul3A_54, %add3A_55 : i32
    %mul3A_57 = arith.constant 16200 : i32
    %mul3A_58 = arith.muli %add3A_56, %mul3A_57 : i32
    %mul3A_59 = arith.constant 1016 : i32
    %mul3A_60 = arith.muli %arg1, %mul3A_59 : i32
    %mul3A_61 = arith.constant 1016 : i32
    %mul3A_62 = arith.muli %arg1, %mul3A_61 : i32
    "tpu.region"() ({
      %run_scoped3A = tpu.sem_alloc : memref<!tpu.dma_semaphore, #tpu.memory_space<semaphore_mem>>
      %dma_start3A = arith.constant 0 : i32
      %dma_start3A_111 = tpu.memref_slice %arg6[%mul3A_62, %dma_start3A] : memref<16256x80xf32, #tpu.memory_space<vmem_shared>> -> memref<1016x80xf32, #tpu.memory_space<vmem_shared>>
      %dma_start3A_112 = arith.constant 0 : i32
      %dma_start3A_113 = tpu.memref_slice %arg4[%mul3A_60, %dma_start3A_112] : memref<16256x80xf32, #tpu.memory_space<hbm>> -> memref<1016x80xf32, #tpu.memory_space<hbm>>
      tpu.enqueue_dma source(%dma_start3A_113 : memref<1016x80xf32, #tpu.memory_space<hbm>>) target(%dma_start3A_111 : memref<1016x80xf32, #tpu.memory_space<vmem_shared>>) target_semaphore(%run_scoped3A : memref<!tpu.dma_semaphore, #tpu.memory_space<semaphore_mem>>)
      %dma_wait3A = arith.constant 0 : i32
      %dma_wait3A_114 = tpu.memref_slice %arg6[%mul3A_62, %dma_wait3A] : memref<16256x80xf32, #tpu.memory_space<vmem_shared>> -> memref<1016x80xf32, #tpu.memory_space<vmem_shared>>
      %dma_wait3A_115 = arith.constant 0 : i32
      %dma_wait3A_116 = tpu.memref_slice %arg4[%mul3A_60, %dma_wait3A_115] : memref<16256x80xf32, #tpu.memory_space<hbm>> -> memref<1016x80xf32, #tpu.memory_space<hbm>>
      tpu.wait_dma2 semaphore(%run_scoped3A : memref<!tpu.dma_semaphore, #tpu.memory_space<semaphore_mem>>) src(%dma_wait3A_116 : memref<1016x80xf32, #tpu.memory_space<hbm>>) dst(%dma_wait3A_114 : memref<1016x80xf32, #tpu.memory_space<vmem_shared>>)
      tpu.yield
    }) : () -> ()
    %barrier3A_63 = arith.constant 0 : index
    tpu.barrier barrier_id(%barrier3A_63)
    %scan3A_64 = arith.constant 0 : i32
    %scan3A_65 = arith.constant 0 : i32
    %scan3A_66 = arith.constant 11 : i32
    %scan3A_67 = arith.addi %scan3A_65, %scan3A_66 : i32
    %scan3A_68 = arith.constant 1 : i32
    scf.for %scan3A_111 = %scan3A_65 to %scan3A_67 step %scan3A_68  : i32 {
      %mul3A_112 = arith.constant 62304 : i32
      %mul3A_113 = arith.muli %arg1, %mul3A_112 : i32
      %mul3A_114 = arith.constant 5664 : i32
      %mul3A_115 = arith.muli %scan3A_111, %mul3A_114 : i32
      %add3A_116 = arith.addi %mul3A_113, %mul3A_115 : i32
      "tpu.region"() ({
        %run_scoped3A = tpu.sem_alloc : memref<!tpu.dma_semaphore, #tpu.memory_space<semaphore_mem>>
        %dma_start3A = tpu.memref_slice %arg2[%add3A_116] : memref<996864xi32, #tpu.memory_space<hbm>> -> memref<5664xi32, #tpu.memory_space<hbm>>
        %dma_start3A_213 = tpu.memref_slice %arg2[%add3A_116] : memref<996864xi32, #tpu.memory_space<hbm>> -> memref<5664xi32, #tpu.memory_space<hbm>>
        tpu.enqueue_dma source(%dma_start3A_213 : memref<5664xi32, #tpu.memory_space<hbm>>) target(%arg7 : memref<5664xi32, #tpu.memory_space<vmem>>) target_semaphore(%run_scoped3A : memref<!tpu.dma_semaphore, #tpu.memory_space<semaphore_mem>>)
        %dma_wait3A = tpu.memref_slice %arg2[%add3A_116] : memref<996864xi32, #tpu.memory_space<hbm>> -> memref<5664xi32, #tpu.memory_space<hbm>>
        %dma_wait3A_214 = tpu.memref_slice %arg2[%add3A_116] : memref<996864xi32, #tpu.memory_space<hbm>> -> memref<5664xi32, #tpu.memory_space<hbm>>
        tpu.wait_dma2 semaphore(%run_scoped3A : memref<!tpu.dma_semaphore, #tpu.memory_space<semaphore_mem>>) src(%dma_wait3A_214 : memref<5664xi32, #tpu.memory_space<hbm>>) dst(%arg7 : memref<5664xi32, #tpu.memory_space<vmem>>)
        tpu.yield
      }) : () -> ()
      %broadcast_in_dim3A_117 = vector.broadcast %mul3A_58 : i32 to vector<16xi32>
      %add3A_118 = arith.constant 16200 : i32
      %add3A_119 = arith.addi %mul3A_58, %add3A_118 : i32
      %broadcast_in_dim3A_120 = vector.broadcast %add3A_119 : i32 to vector<16xi32>
      %scan3A_121 = arith.constant 0 : i32
      %scan3A_122 = arith.constant 0 : i32
      %scan3A_123 = arith.constant 354 : i32
      %scan3A_124 = arith.addi %scan3A_122, %scan3A_123 : i32
      %scan3A_125 = arith.constant 1 : i32
      %scan3A_126 = scf.for %scan3A_213 = %scan3A_122 to %scan3A_124 step %scan3A_125 iter_args(%scan3A_214 = %scan3A_121) -> (i32)  : i32 {
        %mul3A_215 = arith.constant 16 : i32
        %mul3A_216 = arith.muli %scan3A_213, %mul3A_215 : i32
        %multiple_of3A = tpu.assume_multiple %mul3A_216, 16 : i32
        %get3A = arith.index_cast %multiple_of3A : i32 to index
        %get3A_217 = tpu.vector_load %arg7[%get3A] {strides = array<i32>} : memref<5664xi32, #tpu.memory_space<vmem>>, vector<16xi32>,
        %ge3A = arith.cmpi sge, %get3A_217, %broadcast_in_dim3A_117 : vector<16xi32>
        %lt3A_218 = arith.cmpi slt, %get3A_217, %broadcast_in_dim3A_120 : vector<16xi32>
        %and3A_219 = arith.andi %ge3A, %lt3A_218 : vector<16xi1>
        %convert_element_type3A_220 = arith.extui %and3A_219 : vector<16xi1> to vector<16xi32>
        %broadcast_in_dim3A_221 = arith.constant true
        %broadcast_in_dim3A_222 = vector.broadcast %broadcast_in_dim3A_221 : i1 to vector<16xi1>
        %masked_cumsum3A = tpu.scan <sum>, %convert_element_type3A_220 masked %broadcast_in_dim3A_222 : vector<16xi32>, vector<16xi1> -> vector<16xi32>
        %sub3A_223 = arith.constant 1 : i32
        %sub3A_224 = arith.subi %scan3A_214, %sub3A_223 : i32
        %broadcast_in_dim3A_225 = vector.broadcast %sub3A_224 : i32 to vector<16xi32>
        %add3A_226 = arith.addi %broadcast_in_dim3A_225, %masked_cumsum3A : vector<16xi32>
        %mul3A_227 = arith.constant 16 : i32
        %mul3A_228 = arith.muli %scan3A_213, %mul3A_227 : i32
        %add3A_229 = arith.addi %add3A_116, %mul3A_228 : i32
        %broadcast_in_dim3A_230 = vector.broadcast %add3A_229 : i32 to vector<16xi32>
        %add3A_231 = arith.addi %broadcast_in_dim3A_230, %iota3A : vector<16xi32>
        tpu.vector_store_idx %arg8[%add3A_226], %add3A_231 masked %and3A_219 : memref<5888xi32, #tpu.memory_space<vmem>>[vector<16xi32>], vector<16xi32>, vector<16xi1>
        %sub3A_232 = arith.subi %get3A_217, %broadcast_in_dim3A_117 : vector<16xi32>
        tpu.vector_store_idx %arg9[%add3A_226], %sub3A_232 masked %and3A_219 : memref<5888xi32, #tpu.memory_space<vmem>>[vector<16xi32>], vector<16xi32>, vector<16xi1>
        %slice3A = vector.extract_strided_slice %masked_cumsum3A {offsets = [15], sizes = [1], strides = [1]} : vector<16xi32> to vector<1xi32>
        %squeeze3A = vector.extract %slice3A[0] : i32 from vector<1xi32>
        %add3A_233 = arith.addi %scan3A_214, %squeeze3A : i32
        scf.yield %add3A_233 : i32
      }
      %scan3A_127 = arith.constant 354 : i32
      %add3A_128 = arith.constant 0 : i32
      %add3A_129 = arith.addi %scan3A_126, %add3A_128 : i32
      %broadcast_in_dim3A_130 = vector.broadcast %add3A_129 : i32 to vector<16xi32>
      %add3A_131 = arith.addi %broadcast_in_dim3A_130, %iota3A : vector<16xi32>
      tpu.vector_store_idx %arg8[%add3A_131], %broadcast_in_dim3A_0 : memref<5888xi32, #tpu.memory_space<vmem>>[vector<16xi32>], vector<16xi32>,
      tpu.vector_store_idx %arg9[%add3A_131], %broadcast_in_dim3A_2 : memref<5888xi32, #tpu.memory_space<vmem>>[vector<16xi32>], vector<16xi32>,
      %add3A_132 = arith.constant 16 : i32
      %add3A_133 = arith.addi %scan3A_126, %add3A_132 : i32
      %broadcast_in_dim3A_134 = vector.broadcast %add3A_133 : i32 to vector<16xi32>
      %add3A_135 = arith.addi %broadcast_in_dim3A_134, %iota3A : vector<16xi32>
      tpu.vector_store_idx %arg8[%add3A_135], %broadcast_in_dim3A_0 : memref<5888xi32, #tpu.memory_space<vmem>>[vector<16xi32>], vector<16xi32>,
      tpu.vector_store_idx %arg9[%add3A_135], %broadcast_in_dim3A_2 : memref<5888xi32, #tpu.memory_space<vmem>>[vector<16xi32>], vector<16xi32>,
      %add3A_136 = arith.constant 32 : i32
      %add3A_137 = arith.addi %scan3A_126, %add3A_136 : i32
      %broadcast_in_dim3A_138 = vector.broadcast %add3A_137 : i32 to vector<16xi32>
      %add3A_139 = arith.addi %broadcast_in_dim3A_138, %iota3A : vector<16xi32>
      tpu.vector_store_idx %arg8[%add3A_139], %broadcast_in_dim3A_0 : memref<5888xi32, #tpu.memory_space<vmem>>[vector<16xi32>], vector<16xi32>,
      tpu.vector_store_idx %arg9[%add3A_139], %broadcast_in_dim3A_2 : memref<5888xi32, #tpu.memory_space<vmem>>[vector<16xi32>], vector<16xi32>,
      %add3A_140 = arith.constant 48 : i32
      %add3A_141 = arith.addi %scan3A_126, %add3A_140 : i32
      %broadcast_in_dim3A_142 = vector.broadcast %add3A_141 : i32 to vector<16xi32>
      %add3A_143 = arith.addi %broadcast_in_dim3A_142, %iota3A : vector<16xi32>
      tpu.vector_store_idx %arg8[%add3A_143], %broadcast_in_dim3A_0 : memref<5888xi32, #tpu.memory_space<vmem>>[vector<16xi32>], vector<16xi32>,
      tpu.vector_store_idx %arg9[%add3A_143], %broadcast_in_dim3A_2 : memref<5888xi32, #tpu.memory_space<vmem>>[vector<16xi32>], vector<16xi32>,
      %add3A_144 = arith.constant 64 : i32
      %add3A_145 = arith.addi %scan3A_126, %add3A_144 : i32
      %broadcast_in_dim3A_146 = vector.broadcast %add3A_145 : i32 to vector<16xi32>
      %add3A_147 = arith.addi %broadcast_in_dim3A_146, %iota3A : vector<16xi32>
      tpu.vector_store_idx %arg8[%add3A_147], %broadcast_in_dim3A_0 : memref<5888xi32, #tpu.memory_space<vmem>>[vector<16xi32>], vector<16xi32>,
      tpu.vector_store_idx %arg9[%add3A_147], %broadcast_in_dim3A_2 : memref<5888xi32, #tpu.memory_space<vmem>>[vector<16xi32>], vector<16xi32>,
      %add3A_148 = arith.constant 80 : i32
      %add3A_149 = arith.addi %scan3A_126, %add3A_148 : i32
      %broadcast_in_dim3A_150 = vector.broadcast %add3A_149 : i32 to vector<16xi32>
      %add3A_151 = arith.addi %broadcast_in_dim3A_150, %iota3A : vector<16xi32>
      tpu.vector_store_idx %arg8[%add3A_151], %broadcast_in_dim3A_0 : memref<5888xi32, #tpu.memory_space<vmem>>[vector<16xi32>], vector<16xi32>,
      tpu.vector_store_idx %arg9[%add3A_151], %broadcast_in_dim3A_2 : memref<5888xi32, #tpu.memory_space<vmem>>[vector<16xi32>], vector<16xi32>,
      %add3A_152 = arith.constant 96 : i32
      %add3A_153 = arith.addi %scan3A_126, %add3A_152 : i32
      %broadcast_in_dim3A_154 = vector.broadcast %add3A_153 : i32 to vector<16xi32>
      %add3A_155 = arith.addi %broadcast_in_dim3A_154, %iota3A : vector<16xi32>
      tpu.vector_store_idx %arg8[%add3A_155], %broadcast_in_dim3A_0 : memref<5888xi32, #tpu.memory_space<vmem>>[vector<16xi32>], vector<16xi32>,
      tpu.vector_store_idx %arg9[%add3A_155], %broadcast_in_dim3A_2 : memref<5888xi32, #tpu.memory_space<vmem>>[vector<16xi32>], vector<16xi32>,
      %add3A_156 = arith.constant 112 : i32
      %add3A_157 = arith.addi %scan3A_126, %add3A_156 : i32
      %broadcast_in_dim3A_158 = vector.broadcast %add3A_157 : i32 to vector<16xi32>
      %add3A_159 = arith.addi %broadcast_in_dim3A_158, %iota3A : vector<16xi32>
      tpu.vector_store_idx %arg8[%add3A_159], %broadcast_in_dim3A_0 : memref<5888xi32, #tpu.memory_space<vmem>>[vector<16xi32>], vector<16xi32>,
      tpu.vector_store_idx %arg9[%add3A_159], %broadcast_in_dim3A_2 : memref<5888xi32, #tpu.memory_space<vmem>>[vector<16xi32>], vector<16xi32>,
      %add3A_160 = arith.constant 128 : i32
      %add3A_161 = arith.addi %scan3A_126, %add3A_160 : i32
      %sub3A = arith.constant 1 : i32
      %sub3A_162 = arith.subi %add3A_161, %sub3A : i32
      %jit3A = arith.constant 128 : i32
      %div3A = arith.divsi %sub3A_162, %jit3A : i32
      %sign3A = arith.constant 0 : i32
      %sign3A_163 = arith.cmpi sgt, %sub3A_162, %sign3A : i32
      %sign3A_164 = arith.extui %sign3A_163 : i1 to i32
      %sign3A_165 = arith.constant 0 : i32
      %sign3A_166 = arith.cmpi slt, %sub3A_162, %sign3A_165 : i32
      %sign3A_167 = arith.extui %sign3A_166 : i1 to i32
      %sign3A_168 = arith.subi %sign3A_164, %sign3A_167 : i32
      %sign3A_169 = arith.constant 0 : i32
      %sign3A_170 = arith.cmpi sgt, %jit3A, %sign3A_169 : i32
      %sign3A_171 = arith.extui %sign3A_170 : i1 to i32
      %sign3A_172 = arith.constant 0 : i32
      %sign3A_173 = arith.cmpi slt, %jit3A, %sign3A_172 : i32
      %sign3A_174 = arith.extui %sign3A_173 : i1 to i32
      %sign3A_175 = arith.subi %sign3A_171, %sign3A_174 : i32
      %ne3A = arith.cmpi ne, %sign3A_168, %sign3A_175 : i32
      %rem3A = arith.remsi %sub3A_162, %jit3A : i32
      %ne3A_176 = arith.constant 0 : i32
      %ne3A_177 = arith.cmpi ne, %rem3A, %ne3A_176 : i32
      %and3A = arith.andi %ne3A, %ne3A_177 : i1
      %sub3A_178 = arith.constant 1 : i32
      %sub3A_179 = arith.subi %div3A, %sub3A_178 : i32
      %select_n3A = arith.select %and3A, %sub3A_179, %div3A : i32
      %gt3A = arith.constant 0 : i32
      %gt3A_180 = arith.cmpi sgt, %select_n3A, %gt3A : i32
      %convert_element_type3A_181 = arith.extui %gt3A_180 : i1 to i32
      %cond3A_182 = arith.constant 0 : i32
      %cond3A_183 = arith.cmpi ne, %convert_element_type3A_181, %cond3A_182 : i32
      scf.if %cond3A_183 {
        %multiple_of3A = arith.constant 0 : i32
        %multiple_of3A_213 = tpu.assume_multiple %multiple_of3A, 128 : i32
        %dma_start3A = arith.constant 0 : i32
        %dma_start3A_214 = arith.constant 0 : i32
        %dma_start3A_215 = arith.constant 0 : i32
        %dma_start3A_216 = arith.constant 0 : i32
        %dma_start3A_217 = tpu.memref_slice %arg10[%dma_start3A, %dma_start3A_215, %dma_start3A_216] : memref<3x128x80xf32, #tpu.memory_space<vmem>> -> memref<1x128x80xf32, #tpu.memory_space<vmem>>
        %dma_start3A_218 = tpu.memref_squeeze %dma_start3A_217 : memref<1x128x80xf32, #tpu.memory_space<vmem>> -> memref<128x80xf32, #tpu.memory_space<vmem>>
        %dma_start3A_219 = tpu.memref_slice %arg8[%multiple_of3A_213] : memref<5888xi32, #tpu.memory_space<vmem>> -> memref<128xi32, #tpu.memory_space<vmem>>
        %dma_start3A_220 = arith.constant 0 : i32
        %dma_start3A_221 = arith.constant 0 : i32
        %dma_start3A_222 = tpu.memref_slice %arg3[%dma_start3A_220, %dma_start3A_221] : memref<996864x80xf32, #tpu.memory_space<hbm>> -> memref<996864x80xf32, #tpu.memory_space<hbm>>
        %dma_start3A_223 = tpu.memref_slice %arg12[%dma_start3A_214] : memref<3x!tpu.dma_semaphore, #tpu.memory_space<semaphore_mem>> -> memref<1x!tpu.dma_semaphore, #tpu.memory_space<semaphore_mem>>
        %dma_start3A_224 = tpu.memref_squeeze %dma_start3A_223 : memref<1x!tpu.dma_semaphore, #tpu.memory_space<semaphore_mem>> -> memref<!tpu.dma_semaphore, #tpu.memory_space<semaphore_mem>>
        tpu.enqueue_indirect_dma source(%dma_start3A_222 : memref<996864x80xf32, #tpu.memory_space<hbm>>) target(%dma_start3A_218 : memref<128x80xf32, #tpu.memory_space<vmem>>) offsets(%dma_start3A_219 : memref<128xi32, #tpu.memory_space<vmem>>) semaphore(%dma_start3A_224 : memref<!tpu.dma_semaphore, #tpu.memory_space<semaphore_mem>>)
      } else {
      }
      %gt3A_184 = arith.constant 1 : i32
      %gt3A_185 = arith.cmpi sgt, %select_n3A, %gt3A_184 : i32
      %convert_element_type3A_186 = arith.extui %gt3A_185 : i1 to i32
      %cond3A_187 = arith.constant 0 : i32
      %cond3A_188 = arith.cmpi ne, %convert_element_type3A_186, %cond3A_187 : i32
      scf.if %cond3A_188 {
        %multiple_of3A = arith.constant 128 : i32
        %multiple_of3A_213 = tpu.assume_multiple %multiple_of3A, 128 : i32
        %dma_start3A = arith.constant 1 : i32
        %dma_start3A_214 = arith.constant 1 : i32
        %dma_start3A_215 = arith.constant 0 : i32
        %dma_start3A_216 = arith.constant 0 : i32
        %dma_start3A_217 = tpu.memref_slice %arg10[%dma_start3A, %dma_start3A_215, %dma_start3A_216] : memref<3x128x80xf32, #tpu.memory_space<vmem>> -> memref<1x128x80xf32, #tpu.memory_space<vmem>>
        %dma_start3A_218 = tpu.memref_squeeze %dma_start3A_217 : memref<1x128x80xf32, #tpu.memory_space<vmem>> -> memref<128x80xf32, #tpu.memory_space<vmem>>
        %dma_start3A_219 = tpu.memref_slice %arg8[%multiple_of3A_213] : memref<5888xi32, #tpu.memory_space<vmem>> -> memref<128xi32, #tpu.memory_space<vmem>>
        %dma_start3A_220 = arith.constant 0 : i32
        %dma_start3A_221 = arith.constant 0 : i32
        %dma_start3A_222 = tpu.memref_slice %arg3[%dma_start3A_220, %dma_start3A_221] : memref<996864x80xf32, #tpu.memory_space<hbm>> -> memref<996864x80xf32, #tpu.memory_space<hbm>>
        %dma_start3A_223 = tpu.memref_slice %arg12[%dma_start3A_214] : memref<3x!tpu.dma_semaphore, #tpu.memory_space<semaphore_mem>> -> memref<1x!tpu.dma_semaphore, #tpu.memory_space<semaphore_mem>>
        %dma_start3A_224 = tpu.memref_squeeze %dma_start3A_223 : memref<1x!tpu.dma_semaphore, #tpu.memory_space<semaphore_mem>> -> memref<!tpu.dma_semaphore, #tpu.memory_space<semaphore_mem>>
        tpu.enqueue_indirect_dma source(%dma_start3A_222 : memref<996864x80xf32, #tpu.memory_space<hbm>>) target(%dma_start3A_218 : memref<128x80xf32, #tpu.memory_space<vmem>>) offsets(%dma_start3A_219 : memref<128xi32, #tpu.memory_space<vmem>>) semaphore(%dma_start3A_224 : memref<!tpu.dma_semaphore, #tpu.memory_space<semaphore_mem>>)
      } else {
      }
      %while3A = arith.constant 0 : i32
      %while3A_189 = arith.constant 0 : i32
      %while3A_190 = arith.subi %select_n3A, %while3A_189 : i32
      %while3A_191 = arith.addi %while3A_189, %while3A_190 : i32
      %while3A_192 = arith.constant 1 : i32
      %while3A_193 = arith.divsi %while3A_190, %while3A_192 : i32
      %while3A_194 = arith.muli %while3A_193, %while3A_192 : i32
      %while3A_195 = arith.addi %while3A_189, %while3A_194 : i32
      %while3A_196 = arith.constant 1 : i32
      scf.for %while3A_213 = %while3A_189 to %while3A_195 step %while3A_196  : i32 {
        %rem3A_214 = arith.constant 3 : i32
        %rem3A_215 = arith.remsi %while3A_213, %rem3A_214 : i32
        %mul3A_216 = arith.constant 128 : i32
        %mul3A_217 = arith.muli %while3A_213, %mul3A_216 : i32
        %multiple_of3A = tpu.assume_multiple %mul3A_217, 128 : i32
        %add3A_218 = arith.constant 2 : i32
        %add3A_219 = arith.addi %while3A_213, %add3A_218 : i32
        %lt3A_220 = arith.cmpi slt, %add3A_219, %select_n3A : i32
        %convert_element_type3A_221 = arith.extui %lt3A_220 : i1 to i32
        %cond3A_222 = arith.constant 0 : i32
        %cond3A_223 = arith.cmpi ne, %convert_element_type3A_221, %cond3A_222 : i32
        scf.if %cond3A_223 {
          %add3A_306 = arith.constant 2 : i32
          %add3A_307 = arith.addi %while3A_213, %add3A_306 : i32
          %rem3A_308 = arith.constant 3 : i32
          %rem3A_309 = arith.remsi %add3A_307, %rem3A_308 : i32
          %ge3A = arith.constant 1 : i32
          %ge3A_310 = arith.cmpi sge, %while3A_213, %ge3A : i32
          %convert_element_type3A_311 = arith.extui %ge3A_310 : i1 to i32
          %cond3A_312 = arith.constant 0 : i32
          %cond3A_313 = arith.cmpi ne, %convert_element_type3A_311, %cond3A_312 : i32
          scf.if %cond3A_313 {
            %dma_wait3A_329 = arith.constant 0 : i32
            %dma_wait3A_330 = arith.constant 0 : i32
            %dma_wait3A_331 = tpu.memref_slice %arg10[%rem3A_309, %dma_wait3A_329, %dma_wait3A_330] : memref<3x128x80xf32, #tpu.memory_space<vmem>> -> memref<1x128x80xf32, #tpu.memory_space<vmem>>
            %dma_wait3A_332 = tpu.memref_squeeze %dma_wait3A_331 : memref<1x128x80xf32, #tpu.memory_space<vmem>> -> memref<128x80xf32, #tpu.memory_space<vmem>>
            %dma_wait3A_333 = arith.constant 0 : i32
            %dma_wait3A_334 = tpu.memref_slice %arg11[%rem3A_309, %dma_wait3A_333] : memref<3x128xi32, #tpu.memory_space<vmem>> -> memref<1x128xi32, #tpu.memory_space<vmem>>
            %dma_wait3A_335 = tpu.memref_squeeze %dma_wait3A_334 : memref<1x128xi32, #tpu.memory_space<vmem>> -> memref<128xi32, #tpu.memory_space<vmem>>
            %dma_wait3A_336 = arith.constant 0 : i32
            %dma_wait3A_337 = arith.constant 0 : i32
            %dma_wait3A_338 = tpu.memref_slice %arg6[%dma_wait3A_336, %dma_wait3A_337] : memref<16256x80xf32, #tpu.memory_space<vmem_shared>> -> memref<16256x80xf32, #tpu.memory_space<vmem_shared>>
            %dma_wait3A_339 = tpu.memref_slice %arg13[%rem3A_309] : memref<3x!tpu.dma_semaphore, #tpu.memory_space<semaphore_mem>> -> memref<1x!tpu.dma_semaphore, #tpu.memory_space<semaphore_mem>>
            %dma_wait3A_340 = tpu.memref_squeeze %dma_wait3A_339 : memref<1x!tpu.dma_semaphore, #tpu.memory_space<semaphore_mem>> -> memref<!tpu.dma_semaphore, #tpu.memory_space<semaphore_mem>>
            tpu.wait_indirect_dma semaphore(%dma_wait3A_340 : memref<!tpu.dma_semaphore, #tpu.memory_space<semaphore_mem>>) src(%dma_wait3A_332 : memref<128x80xf32, #tpu.memory_space<vmem>>) dst(%dma_wait3A_338 : memref<16256x80xf32, #tpu.memory_space<vmem_shared>>)
          } else {
          }
          %add3A_314 = arith.constant 2 : i32
          %add3A_315 = arith.addi %while3A_213, %add3A_314 : i32
          %mul3A_316 = arith.constant 128 : i32
          %mul3A_317 = arith.muli %add3A_315, %mul3A_316 : i32
          %multiple_of3A_318 = tpu.assume_multiple %mul3A_317, 128 : i32
          %dma_start3A_319 = arith.constant 0 : i32
          %dma_start3A_320 = arith.constant 0 : i32
          %dma_start3A_321 = tpu.memref_slice %arg10[%rem3A_309, %dma_start3A_319, %dma_start3A_320] : memref<3x128x80xf32, #tpu.memory_space<vmem>> -> memref<1x128x80xf32, #tpu.memory_space<vmem>>
          %dma_start3A_322 = tpu.memref_squeeze %dma_start3A_321 : memref<1x128x80xf32, #tpu.memory_space<vmem>> -> memref<128x80xf32, #tpu.memory_space<vmem>>
          %dma_start3A_323 = tpu.memref_slice %arg8[%multiple_of3A_318] : memref<5888xi32, #tpu.memory_space<vmem>> -> memref<128xi32, #tpu.memory_space<vmem>>
          %dma_start3A_324 = arith.constant 0 : i32
          %dma_start3A_325 = arith.constant 0 : i32
          %dma_start3A_326 = tpu.memref_slice %arg3[%dma_start3A_324, %dma_start3A_325] : memref<996864x80xf32, #tpu.memory_space<hbm>> -> memref<996864x80xf32, #tpu.memory_space<hbm>>
          %dma_start3A_327 = tpu.memref_slice %arg12[%rem3A_309] : memref<3x!tpu.dma_semaphore, #tpu.memory_space<semaphore_mem>> -> memref<1x!tpu.dma_semaphore, #tpu.memory_space<semaphore_mem>>
          %dma_start3A_328 = tpu.memref_squeeze %dma_start3A_327 : memref<1x!tpu.dma_semaphore, #tpu.memory_space<semaphore_mem>> -> memref<!tpu.dma_semaphore, #tpu.memory_space<semaphore_mem>>
          tpu.enqueue_indirect_dma source(%dma_start3A_326 : memref<996864x80xf32, #tpu.memory_space<hbm>>) target(%dma_start3A_322 : memref<128x80xf32, #tpu.memory_space<vmem>>) offsets(%dma_start3A_323 : memref<128xi32, #tpu.memory_space<vmem>>) semaphore(%dma_start3A_328 : memref<!tpu.dma_semaphore, #tpu.memory_space<semaphore_mem>>)
        } else {
        }
        %dma_wait3A = arith.constant 0 : i32
        %dma_wait3A_224 = arith.constant 0 : i32
        %dma_wait3A_225 = tpu.memref_slice %arg10[%rem3A_215, %dma_wait3A, %dma_wait3A_224] : memref<3x128x80xf32, #tpu.memory_space<vmem>> -> memref<1x128x80xf32, #tpu.memory_space<vmem>>
        %dma_wait3A_226 = tpu.memref_squeeze %dma_wait3A_225 : memref<1x128x80xf32, #tpu.memory_space<vmem>> -> memref<128x80xf32, #tpu.memory_space<vmem>>
        %dma_wait3A_227 = tpu.memref_slice %arg8[%multiple_of3A] : memref<5888xi32, #tpu.memory_space<vmem>> -> memref<128xi32, #tpu.memory_space<vmem>>
        %dma_wait3A_228 = arith.constant 0 : i32
        %dma_wait3A_229 = arith.constant 0 : i32
        %dma_wait3A_230 = tpu.memref_slice %arg3[%dma_wait3A_228, %dma_wait3A_229] : memref<996864x80xf32, #tpu.memory_space<hbm>> -> memref<996864x80xf32, #tpu.memory_space<hbm>>
        %dma_wait3A_231 = tpu.memref_slice %arg12[%rem3A_215] : memref<3x!tpu.dma_semaphore, #tpu.memory_space<semaphore_mem>> -> memref<1x!tpu.dma_semaphore, #tpu.memory_space<semaphore_mem>>
        %dma_wait3A_232 = tpu.memref_squeeze %dma_wait3A_231 : memref<1x!tpu.dma_semaphore, #tpu.memory_space<semaphore_mem>> -> memref<!tpu.dma_semaphore, #tpu.memory_space<semaphore_mem>>
        tpu.wait_indirect_dma semaphore(%dma_wait3A_232 : memref<!tpu.dma_semaphore, #tpu.memory_space<semaphore_mem>>) src(%dma_wait3A_230 : memref<996864x80xf32, #tpu.memory_space<hbm>>) dst(%dma_wait3A_226 : memref<128x80xf32, #tpu.memory_space<vmem>>)
        %add3A_233 = arith.constant 0 : i32
        %add3A_234 = arith.addi %multiple_of3A, %add3A_233 : i32
        %multiple_of3A_235 = tpu.assume_multiple %add3A_234, 16 : i32
        %get3A = arith.index_cast %multiple_of3A_235 : i32 to index
        %get3A_236 = tpu.vector_load %arg9[%get3A] {strides = array<i32>} : memref<5888xi32, #tpu.memory_space<vmem>>, vector<16xi32>,
        %swap3A = arith.index_cast %rem3A_215 : i32 to index
        %swap3A_237 = arith.constant 0 : index
        %swap3A_238 = tpu.vector_load %arg11[%swap3A, %swap3A_237] {strides = array<i32>} : memref<3x128xi32, #tpu.memory_space<vmem>>, vector<16xi32>,
        tpu.vector_store %arg11[%swap3A, %swap3A_237], %get3A_236 {strides = array<i32>} : memref<3x128xi32, #tpu.memory_space<vmem>>, vector<16xi32>,
        %add3A_239 = arith.constant 16 : i32
        %add3A_240 = arith.addi %multiple_of3A, %add3A_239 : i32
        %multiple_of3A_241 = tpu.assume_multiple %add3A_240, 16 : i32
        %get3A_242 = arith.index_cast %multiple_of3A_241 : i32 to index
        %get3A_243 = tpu.vector_load %arg9[%get3A_242] {strides = array<i32>} : memref<5888xi32, #tpu.memory_space<vmem>>, vector<16xi32>,
        %swap3A_244 = arith.index_cast %rem3A_215 : i32 to index
        %swap3A_245 = arith.constant 16 : index
        %swap3A_246 = tpu.vector_load %arg11[%swap3A_244, %swap3A_245] {strides = array<i32>} : memref<3x128xi32, #tpu.memory_space<vmem>>, vector<16xi32>,
        tpu.vector_store %arg11[%swap3A_244, %swap3A_245], %get3A_243 {strides = array<i32>} : memref<3x128xi32, #tpu.memory_space<vmem>>, vector<16xi32>,
        %add3A_247 = arith.constant 32 : i32
        %add3A_248 = arith.addi %multiple_of3A, %add3A_247 : i32
        %multiple_of3A_249 = tpu.assume_multiple %add3A_248, 16 : i32
        %get3A_250 = arith.index_cast %multiple_of3A_249 : i32 to index
        %get3A_251 = tpu.vector_load %arg9[%get3A_250] {strides = array<i32>} : memref<5888xi32, #tpu.memory_space<vmem>>, vector<16xi32>,
        %swap3A_252 = arith.index_cast %rem3A_215 : i32 to index
        %swap3A_253 = arith.constant 32 : index
        %swap3A_254 = tpu.vector_load %arg11[%swap3A_252, %swap3A_253] {strides = array<i32>} : memref<3x128xi32, #tpu.memory_space<vmem>>, vector<16xi32>,
        tpu.vector_store %arg11[%swap3A_252, %swap3A_253], %get3A_251 {strides = array<i32>} : memref<3x128xi32, #tpu.memory_space<vmem>>, vector<16xi32>,
        %add3A_255 = arith.constant 48 : i32
        %add3A_256 = arith.addi %multiple_of3A, %add3A_255 : i32
        %multiple_of3A_257 = tpu.assume_multiple %add3A_256, 16 : i32
        %get3A_258 = arith.index_cast %multiple_of3A_257 : i32 to index
        %get3A_259 = tpu.vector_load %arg9[%get3A_258] {strides = array<i32>} : memref<5888xi32, #tpu.memory_space<vmem>>, vector<16xi32>,
        %swap3A_260 = arith.index_cast %rem3A_215 : i32 to index
        %swap3A_261 = arith.constant 48 : index
        %swap3A_262 = tpu.vector_load %arg11[%swap3A_260, %swap3A_261] {strides = array<i32>} : memref<3x128xi32, #tpu.memory_space<vmem>>, vector<16xi32>,
        tpu.vector_store %arg11[%swap3A_260, %swap3A_261], %get3A_259 {strides = array<i32>} : memref<3x128xi32, #tpu.memory_space<vmem>>, vector<16xi32>,
        %add3A_263 = arith.constant 64 : i32
        %add3A_264 = arith.addi %multiple_of3A, %add3A_263 : i32
        %multiple_of3A_265 = tpu.assume_multiple %add3A_264, 16 : i32
        %get3A_266 = arith.index_cast %multiple_of3A_265 : i32 to index
        %get3A_267 = tpu.vector_load %arg9[%get3A_266] {strides = array<i32>} : memref<5888xi32, #tpu.memory_space<vmem>>, vector<16xi32>,
        %swap3A_268 = arith.index_cast %rem3A_215 : i32 to index
        %swap3A_269 = arith.constant 64 : index
        %swap3A_270 = tpu.vector_load %arg11[%swap3A_268, %swap3A_269] {strides = array<i32>} : memref<3x128xi32, #tpu.memory_space<vmem>>, vector<16xi32>,
        tpu.vector_store %arg11[%swap3A_268, %swap3A_269], %get3A_267 {strides = array<i32>} : memref<3x128xi32, #tpu.memory_space<vmem>>, vector<16xi32>,
        %add3A_271 = arith.constant 80 : i32
        %add3A_272 = arith.addi %multiple_of3A, %add3A_271 : i32
        %multiple_of3A_273 = tpu.assume_multiple %add3A_272, 16 : i32
        %get3A_274 = arith.index_cast %multiple_of3A_273 : i32 to index
        %get3A_275 = tpu.vector_load %arg9[%get3A_274] {strides = array<i32>} : memref<5888xi32, #tpu.memory_space<vmem>>, vector<16xi32>,
        %swap3A_276 = arith.index_cast %rem3A_215 : i32 to index
        %swap3A_277 = arith.constant 80 : index
        %swap3A_278 = tpu.vector_load %arg11[%swap3A_276, %swap3A_277] {strides = array<i32>} : memref<3x128xi32, #tpu.memory_space<vmem>>, vector<16xi32>,
        tpu.vector_store %arg11[%swap3A_276, %swap3A_277], %get3A_275 {strides = array<i32>} : memref<3x128xi32, #tpu.memory_space<vmem>>, vector<16xi32>,
        %add3A_279 = arith.constant 96 : i32
        %add3A_280 = arith.addi %multiple_of3A, %add3A_279 : i32
        %multiple_of3A_281 = tpu.assume_multiple %add3A_280, 16 : i32
        %get3A_282 = arith.index_cast %multiple_of3A_281 : i32 to index
        %get3A_283 = tpu.vector_load %arg9[%get3A_282] {strides = array<i32>} : memref<5888xi32, #tpu.memory_space<vmem>>, vector<16xi32>,
        %swap3A_284 = arith.index_cast %rem3A_215 : i32 to index
        %swap3A_285 = arith.constant 96 : index
        %swap3A_286 = tpu.vector_load %arg11[%swap3A_284, %swap3A_285] {strides = array<i32>} : memref<3x128xi32, #tpu.memory_space<vmem>>, vector<16xi32>,
        tpu.vector_store %arg11[%swap3A_284, %swap3A_285], %get3A_283 {strides = array<i32>} : memref<3x128xi32, #tpu.memory_space<vmem>>, vector<16xi32>,
        %add3A_287 = arith.constant 112 : i32
        %add3A_288 = arith.addi %multiple_of3A, %add3A_287 : i32
        %multiple_of3A_289 = tpu.assume_multiple %add3A_288, 16 : i32
        %get3A_290 = arith.index_cast %multiple_of3A_289 : i32 to index
        %get3A_291 = tpu.vector_load %arg9[%get3A_290] {strides = array<i32>} : memref<5888xi32, #tpu.memory_space<vmem>>, vector<16xi32>,
        %swap3A_292 = arith.index_cast %rem3A_215 : i32 to index
        %swap3A_293 = arith.constant 112 : index
        %swap3A_294 = tpu.vector_load %arg11[%swap3A_292, %swap3A_293] {strides = array<i32>} : memref<3x128xi32, #tpu.memory_space<vmem>>, vector<16xi32>,
        tpu.vector_store %arg11[%swap3A_292, %swap3A_293], %get3A_291 {strides = array<i32>} : memref<3x128xi32, #tpu.memory_space<vmem>>, vector<16xi32>,
        %dma_start3A = arith.constant 0 : i32
        %dma_start3A_295 = arith.constant 0 : i32
        %dma_start3A_296 = tpu.memref_slice %arg10[%rem3A_215, %dma_start3A, %dma_start3A_295] : memref<3x128x80xf32, #tpu.memory_space<vmem>> -> memref<1x128x80xf32, #tpu.memory_space<vmem>>
        %dma_start3A_297 = tpu.memref_squeeze %dma_start3A_296 : memref<1x128x80xf32, #tpu.memory_space<vmem>> -> memref<128x80xf32, #tpu.memory_space<vmem>>
        %dma_start3A_298 = arith.constant 0 : i32
        %dma_start3A_299 = tpu.memref_slice %arg11[%rem3A_215, %dma_start3A_298] : memref<3x128xi32, #tpu.memory_space<vmem>> -> memref<1x128xi32, #tpu.memory_space<vmem>>
        %dma_start3A_300 = tpu.memref_squeeze %dma_start3A_299 : memref<1x128xi32, #tpu.memory_space<vmem>> -> memref<128xi32, #tpu.memory_space<vmem>>
        %dma_start3A_301 = arith.constant 0 : i32
        %dma_start3A_302 = arith.constant 0 : i32
        %dma_start3A_303 = tpu.memref_slice %arg6[%dma_start3A_301, %dma_start3A_302] : memref<16256x80xf32, #tpu.memory_space<vmem_shared>> -> memref<16256x80xf32, #tpu.memory_space<vmem_shared>>
        %dma_start3A_304 = tpu.memref_slice %arg13[%rem3A_215] : memref<3x!tpu.dma_semaphore, #tpu.memory_space<semaphore_mem>> -> memref<1x!tpu.dma_semaphore, #tpu.memory_space<semaphore_mem>>
        %dma_start3A_305 = tpu.memref_squeeze %dma_start3A_304 : memref<1x!tpu.dma_semaphore, #tpu.memory_space<semaphore_mem>> -> memref<!tpu.dma_semaphore, #tpu.memory_space<semaphore_mem>>
        tpu.enqueue_indirect_dma source(%dma_start3A_297 : memref<128x80xf32, #tpu.memory_space<vmem>>) target(%dma_start3A_303 : memref<16256x80xf32, #tpu.memory_space<vmem_shared>>) offsets(%dma_start3A_300 : memref<128xi32, #tpu.memory_space<vmem>>) semaphore(%dma_start3A_305 : memref<!tpu.dma_semaphore, #tpu.memory_space<semaphore_mem>>) {add = true}
      }
      %while3A_197 = arith.constant 1 : i32
      scf.for %while3A_213 = %while3A_195 to %while3A_191 step %while3A_197  : i32 {
        %rem3A_214 = arith.constant 3 : i32
        %rem3A_215 = arith.remsi %while3A_213, %rem3A_214 : i32
        %mul3A_216 = arith.constant 128 : i32
        %mul3A_217 = arith.muli %while3A_213, %mul3A_216 : i32
        %multiple_of3A = tpu.assume_multiple %mul3A_217, 128 : i32
        %add3A_218 = arith.constant 2 : i32
        %add3A_219 = arith.addi %while3A_213, %add3A_218 : i32
        %lt3A_220 = arith.cmpi slt, %add3A_219, %select_n3A : i32
        %convert_element_type3A_221 = arith.extui %lt3A_220 : i1 to i32
        %cond3A_222 = arith.constant 0 : i32
        %cond3A_223 = arith.cmpi ne, %convert_element_type3A_221, %cond3A_222 : i32
        scf.if %cond3A_223 {
          %add3A_306 = arith.constant 2 : i32
          %add3A_307 = arith.addi %while3A_213, %add3A_306 : i32
          %rem3A_308 = arith.constant 3 : i32
          %rem3A_309 = arith.remsi %add3A_307, %rem3A_308 : i32
          %ge3A = arith.constant 1 : i32
          %ge3A_310 = arith.cmpi sge, %while3A_213, %ge3A : i32
          %convert_element_type3A_311 = arith.extui %ge3A_310 : i1 to i32
          %cond3A_312 = arith.constant 0 : i32
          %cond3A_313 = arith.cmpi ne, %convert_element_type3A_311, %cond3A_312 : i32
          scf.if %cond3A_313 {
            %dma_wait3A_329 = arith.constant 0 : i32
            %dma_wait3A_330 = arith.constant 0 : i32
            %dma_wait3A_331 = tpu.memref_slice %arg10[%rem3A_309, %dma_wait3A_329, %dma_wait3A_330] : memref<3x128x80xf32, #tpu.memory_space<vmem>> -> memref<1x128x80xf32, #tpu.memory_space<vmem>>
            %dma_wait3A_332 = tpu.memref_squeeze %dma_wait3A_331 : memref<1x128x80xf32, #tpu.memory_space<vmem>> -> memref<128x80xf32, #tpu.memory_space<vmem>>
            %dma_wait3A_333 = arith.constant 0 : i32
            %dma_wait3A_334 = tpu.memref_slice %arg11[%rem3A_309, %dma_wait3A_333] : memref<3x128xi32, #tpu.memory_space<vmem>> -> memref<1x128xi32, #tpu.memory_space<vmem>>
            %dma_wait3A_335 = tpu.memref_squeeze %dma_wait3A_334 : memref<1x128xi32, #tpu.memory_space<vmem>> -> memref<128xi32, #tpu.memory_space<vmem>>
            %dma_wait3A_336 = arith.constant 0 : i32
            %dma_wait3A_337 = arith.constant 0 : i32
            %dma_wait3A_338 = tpu.memref_slice %arg6[%dma_wait3A_336, %dma_wait3A_337] : memref<16256x80xf32, #tpu.memory_space<vmem_shared>> -> memref<16256x80xf32, #tpu.memory_space<vmem_shared>>
            %dma_wait3A_339 = tpu.memref_slice %arg13[%rem3A_309] : memref<3x!tpu.dma_semaphore, #tpu.memory_space<semaphore_mem>> -> memref<1x!tpu.dma_semaphore, #tpu.memory_space<semaphore_mem>>
            %dma_wait3A_340 = tpu.memref_squeeze %dma_wait3A_339 : memref<1x!tpu.dma_semaphore, #tpu.memory_space<semaphore_mem>> -> memref<!tpu.dma_semaphore, #tpu.memory_space<semaphore_mem>>
            tpu.wait_indirect_dma semaphore(%dma_wait3A_340 : memref<!tpu.dma_semaphore, #tpu.memory_space<semaphore_mem>>) src(%dma_wait3A_332 : memref<128x80xf32, #tpu.memory_space<vmem>>) dst(%dma_wait3A_338 : memref<16256x80xf32, #tpu.memory_space<vmem_shared>>)
          } else {
          }
          %add3A_314 = arith.constant 2 : i32
          %add3A_315 = arith.addi %while3A_213, %add3A_314 : i32
          %mul3A_316 = arith.constant 128 : i32
          %mul3A_317 = arith.muli %add3A_315, %mul3A_316 : i32
          %multiple_of3A_318 = tpu.assume_multiple %mul3A_317, 128 : i32
          %dma_start3A_319 = arith.constant 0 : i32
          %dma_start3A_320 = arith.constant 0 : i32
          %dma_start3A_321 = tpu.memref_slice %arg10[%rem3A_309, %dma_start3A_319, %dma_start3A_320] : memref<3x128x80xf32, #tpu.memory_space<vmem>> -> memref<1x128x80xf32, #tpu.memory_space<vmem>>
          %dma_start3A_322 = tpu.memref_squeeze %dma_start3A_321 : memref<1x128x80xf32, #tpu.memory_space<vmem>> -> memref<128x80xf32, #tpu.memory_space<vmem>>
          %dma_start3A_323 = tpu.memref_slice %arg8[%multiple_of3A_318] : memref<5888xi32, #tpu.memory_space<vmem>> -> memref<128xi32, #tpu.memory_space<vmem>>
          %dma_start3A_324 = arith.constant 0 : i32
          %dma_start3A_325 = arith.constant 0 : i32
          %dma_start3A_326 = tpu.memref_slice %arg3[%dma_start3A_324, %dma_start3A_325] : memref<996864x80xf32, #tpu.memory_space<hbm>> -> memref<996864x80xf32, #tpu.memory_space<hbm>>
          %dma_start3A_327 = tpu.memref_slice %arg12[%rem3A_309] : memref<3x!tpu.dma_semaphore, #tpu.memory_space<semaphore_mem>> -> memref<1x!tpu.dma_semaphore, #tpu.memory_space<semaphore_mem>>
          %dma_start3A_328 = tpu.memref_squeeze %dma_start3A_327 : memref<1x!tpu.dma_semaphore, #tpu.memory_space<semaphore_mem>> -> memref<!tpu.dma_semaphore, #tpu.memory_space<semaphore_mem>>
          tpu.enqueue_indirect_dma source(%dma_start3A_326 : memref<996864x80xf32, #tpu.memory_space<hbm>>) target(%dma_start3A_322 : memref<128x80xf32, #tpu.memory_space<vmem>>) offsets(%dma_start3A_323 : memref<128xi32, #tpu.memory_space<vmem>>) semaphore(%dma_start3A_328 : memref<!tpu.dma_semaphore, #tpu.memory_space<semaphore_mem>>)
        } else {
        }
        %dma_wait3A = arith.constant 0 : i32
        %dma_wait3A_224 = arith.constant 0 : i32
        %dma_wait3A_225 = tpu.memref_slice %arg10[%rem3A_215, %dma_wait3A, %dma_wait3A_224] : memref<3x128x80xf32, #tpu.memory_space<vmem>> -> memref<1x128x80xf32, #tpu.memory_space<vmem>>
        %dma_wait3A_226 = tpu.memref_squeeze %dma_wait3A_225 : memref<1x128x80xf32, #tpu.memory_space<vmem>> -> memref<128x80xf32, #tpu.memory_space<vmem>>
        %dma_wait3A_227 = tpu.memref_slice %arg8[%multiple_of3A] : memref<5888xi32, #tpu.memory_space<vmem>> -> memref<128xi32, #tpu.memory_space<vmem>>
        %dma_wait3A_228 = arith.constant 0 : i32
        %dma_wait3A_229 = arith.constant 0 : i32
        %dma_wait3A_230 = tpu.memref_slice %arg3[%dma_wait3A_228, %dma_wait3A_229] : memref<996864x80xf32, #tpu.memory_space<hbm>> -> memref<996864x80xf32, #tpu.memory_space<hbm>>
        %dma_wait3A_231 = tpu.memref_slice %arg12[%rem3A_215] : memref<3x!tpu.dma_semaphore, #tpu.memory_space<semaphore_mem>> -> memref<1x!tpu.dma_semaphore, #tpu.memory_space<semaphore_mem>>
        %dma_wait3A_232 = tpu.memref_squeeze %dma_wait3A_231 : memref<1x!tpu.dma_semaphore, #tpu.memory_space<semaphore_mem>> -> memref<!tpu.dma_semaphore, #tpu.memory_space<semaphore_mem>>
        tpu.wait_indirect_dma semaphore(%dma_wait3A_232 : memref<!tpu.dma_semaphore, #tpu.memory_space<semaphore_mem>>) src(%dma_wait3A_230 : memref<996864x80xf32, #tpu.memory_space<hbm>>) dst(%dma_wait3A_226 : memref<128x80xf32, #tpu.memory_space<vmem>>)
        %add3A_233 = arith.constant 0 : i32
        %add3A_234 = arith.addi %multiple_of3A, %add3A_233 : i32
        %multiple_of3A_235 = tpu.assume_multiple %add3A_234, 16 : i32
        %get3A = arith.index_cast %multiple_of3A_235 : i32 to index
        %get3A_236 = tpu.vector_load %arg9[%get3A] {strides = array<i32>} : memref<5888xi32, #tpu.memory_space<vmem>>, vector<16xi32>,
        %swap3A = arith.index_cast %rem3A_215 : i32 to index
        %swap3A_237 = arith.constant 0 : index
        %swap3A_238 = tpu.vector_load %arg11[%swap3A, %swap3A_237] {strides = array<i32>} : memref<3x128xi32, #tpu.memory_space<vmem>>, vector<16xi32>,
        tpu.vector_store %arg11[%swap3A, %swap3A_237], %get3A_236 {strides = array<i32>} : memref<3x128xi32, #tpu.memory_space<vmem>>, vector<16xi32>,
        %add3A_239 = arith.constant 16 : i32
        %add3A_240 = arith.addi %multiple_of3A, %add3A_239 : i32
        %multiple_of3A_241 = tpu.assume_multiple %add3A_240, 16 : i32
        %get3A_242 = arith.index_cast %multiple_of3A_241 : i32 to index
        %get3A_243 = tpu.vector_load %arg9[%get3A_242] {strides = array<i32>} : memref<5888xi32, #tpu.memory_space<vmem>>, vector<16xi32>,
        %swap3A_244 = arith.index_cast %rem3A_215 : i32 to index
        %swap3A_245 = arith.constant 16 : index
        %swap3A_246 = tpu.vector_load %arg11[%swap3A_244, %swap3A_245] {strides = array<i32>} : memref<3x128xi32, #tpu.memory_space<vmem>>, vector<16xi32>,
        tpu.vector_store %arg11[%swap3A_244, %swap3A_245], %get3A_243 {strides = array<i32>} : memref<3x128xi32, #tpu.memory_space<vmem>>, vector<16xi32>,
        %add3A_247 = arith.constant 32 : i32
        %add3A_248 = arith.addi %multiple_of3A, %add3A_247 : i32
        %multiple_of3A_249 = tpu.assume_multiple %add3A_248, 16 : i32
        %get3A_250 = arith.index_cast %multiple_of3A_249 : i32 to index
        %get3A_251 = tpu.vector_load %arg9[%get3A_250] {strides = array<i32>} : memref<5888xi32, #tpu.memory_space<vmem>>, vector<16xi32>,
        %swap3A_252 = arith.index_cast %rem3A_215 : i32 to index
        %swap3A_253 = arith.constant 32 : index
        %swap3A_254 = tpu.vector_load %arg11[%swap3A_252, %swap3A_253] {strides = array<i32>} : memref<3x128xi32, #tpu.memory_space<vmem>>, vector<16xi32>,
        tpu.vector_store %arg11[%swap3A_252, %swap3A_253], %get3A_251 {strides = array<i32>} : memref<3x128xi32, #tpu.memory_space<vmem>>, vector<16xi32>,
        %add3A_255 = arith.constant 48 : i32
        %add3A_256 = arith.addi %multiple_of3A, %add3A_255 : i32
        %multiple_of3A_257 = tpu.assume_multiple %add3A_256, 16 : i32
        %get3A_258 = arith.index_cast %multiple_of3A_257 : i32 to index
        %get3A_259 = tpu.vector_load %arg9[%get3A_258] {strides = array<i32>} : memref<5888xi32, #tpu.memory_space<vmem>>, vector<16xi32>,
        %swap3A_260 = arith.index_cast %rem3A_215 : i32 to index
        %swap3A_261 = arith.constant 48 : index
        %swap3A_262 = tpu.vector_load %arg11[%swap3A_260, %swap3A_261] {strides = array<i32>} : memref<3x128xi32, #tpu.memory_space<vmem>>, vector<16xi32>,
        tpu.vector_store %arg11[%swap3A_260, %swap3A_261], %get3A_259 {strides = array<i32>} : memref<3x128xi32, #tpu.memory_space<vmem>>, vector<16xi32>,
        %add3A_263 = arith.constant 64 : i32
        %add3A_264 = arith.addi %multiple_of3A, %add3A_263 : i32
        %multiple_of3A_265 = tpu.assume_multiple %add3A_264, 16 : i32
        %get3A_266 = arith.index_cast %multiple_of3A_265 : i32 to index
        %get3A_267 = tpu.vector_load %arg9[%get3A_266] {strides = array<i32>} : memref<5888xi32, #tpu.memory_space<vmem>>, vector<16xi32>,
        %swap3A_268 = arith.index_cast %rem3A_215 : i32 to index
        %swap3A_269 = arith.constant 64 : index
        %swap3A_270 = tpu.vector_load %arg11[%swap3A_268, %swap3A_269] {strides = array<i32>} : memref<3x128xi32, #tpu.memory_space<vmem>>, vector<16xi32>,
        tpu.vector_store %arg11[%swap3A_268, %swap3A_269], %get3A_267 {strides = array<i32>} : memref<3x128xi32, #tpu.memory_space<vmem>>, vector<16xi32>,
        %add3A_271 = arith.constant 80 : i32
        %add3A_272 = arith.addi %multiple_of3A, %add3A_271 : i32
        %multiple_of3A_273 = tpu.assume_multiple %add3A_272, 16 : i32
        %get3A_274 = arith.index_cast %multiple_of3A_273 : i32 to index
        %get3A_275 = tpu.vector_load %arg9[%get3A_274] {strides = array<i32>} : memref<5888xi32, #tpu.memory_space<vmem>>, vector<16xi32>,
        %swap3A_276 = arith.index_cast %rem3A_215 : i32 to index
        %swap3A_277 = arith.constant 80 : index
        %swap3A_278 = tpu.vector_load %arg11[%swap3A_276, %swap3A_277] {strides = array<i32>} : memref<3x128xi32, #tpu.memory_space<vmem>>, vector<16xi32>,
        tpu.vector_store %arg11[%swap3A_276, %swap3A_277], %get3A_275 {strides = array<i32>} : memref<3x128xi32, #tpu.memory_space<vmem>>, vector<16xi32>,
        %add3A_279 = arith.constant 96 : i32
        %add3A_280 = arith.addi %multiple_of3A, %add3A_279 : i32
        %multiple_of3A_281 = tpu.assume_multiple %add3A_280, 16 : i32
        %get3A_282 = arith.index_cast %multiple_of3A_281 : i32 to index
        %get3A_283 = tpu.vector_load %arg9[%get3A_282] {strides = array<i32>} : memref<5888xi32, #tpu.memory_space<vmem>>, vector<16xi32>,
        %swap3A_284 = arith.index_cast %rem3A_215 : i32 to index
        %swap3A_285 = arith.constant 96 : index
        %swap3A_286 = tpu.vector_load %arg11[%swap3A_284, %swap3A_285] {strides = array<i32>} : memref<3x128xi32, #tpu.memory_space<vmem>>, vector<16xi32>,
        tpu.vector_store %arg11[%swap3A_284, %swap3A_285], %get3A_283 {strides = array<i32>} : memref<3x128xi32, #tpu.memory_space<vmem>>, vector<16xi32>,
        %add3A_287 = arith.constant 112 : i32
        %add3A_288 = arith.addi %multiple_of3A, %add3A_287 : i32
        %multiple_of3A_289 = tpu.assume_multiple %add3A_288, 16 : i32
        %get3A_290 = arith.index_cast %multiple_of3A_289 : i32 to index
        %get3A_291 = tpu.vector_load %arg9[%get3A_290] {strides = array<i32>} : memref<5888xi32, #tpu.memory_space<vmem>>, vector<16xi32>,
        %swap3A_292 = arith.index_cast %rem3A_215 : i32 to index
        %swap3A_293 = arith.constant 112 : index
        %swap3A_294 = tpu.vector_load %arg11[%swap3A_292, %swap3A_293] {strides = array<i32>} : memref<3x128xi32, #tpu.memory_space<vmem>>, vector<16xi32>,
        tpu.vector_store %arg11[%swap3A_292, %swap3A_293], %get3A_291 {strides = array<i32>} : memref<3x128xi32, #tpu.memory_space<vmem>>, vector<16xi32>,
        %dma_start3A = arith.constant 0 : i32
        %dma_start3A_295 = arith.constant 0 : i32
        %dma_start3A_296 = tpu.memref_slice %arg10[%rem3A_215, %dma_start3A, %dma_start3A_295] : memref<3x128x80xf32, #tpu.memory_space<vmem>> -> memref<1x128x80xf32, #tpu.memory_space<vmem>>
        %dma_start3A_297 = tpu.memref_squeeze %dma_start3A_296 : memref<1x128x80xf32, #tpu.memory_space<vmem>> -> memref<128x80xf32, #tpu.memory_space<vmem>>
        %dma_start3A_298 = arith.constant 0 : i32
        %dma_start3A_299 = tpu.memref_slice %arg11[%rem3A_215, %dma_start3A_298] : memref<3x128xi32, #tpu.memory_space<vmem>> -> memref<1x128xi32, #tpu.memory_space<vmem>>
        %dma_start3A_300 = tpu.memref_squeeze %dma_start3A_299 : memref<1x128xi32, #tpu.memory_space<vmem>> -> memref<128xi32, #tpu.memory_space<vmem>>
        %dma_start3A_301 = arith.constant 0 : i32
        %dma_start3A_302 = arith.constant 0 : i32
        %dma_start3A_303 = tpu.memref_slice %arg6[%dma_start3A_301, %dma_start3A_302] : memref<16256x80xf32, #tpu.memory_space<vmem_shared>> -> memref<16256x80xf32, #tpu.memory_space<vmem_shared>>
        %dma_start3A_304 = tpu.memref_slice %arg13[%rem3A_215] : memref<3x!tpu.dma_semaphore, #tpu.memory_space<semaphore_mem>> -> memref<1x!tpu.dma_semaphore, #tpu.memory_space<semaphore_mem>>
        %dma_start3A_305 = tpu.memref_squeeze %dma_start3A_304 : memref<1x!tpu.dma_semaphore, #tpu.memory_space<semaphore_mem>> -> memref<!tpu.dma_semaphore, #tpu.memory_space<semaphore_mem>>
        tpu.enqueue_indirect_dma source(%dma_start3A_297 : memref<128x80xf32, #tpu.memory_space<vmem>>) target(%dma_start3A_303 : memref<16256x80xf32, #tpu.memory_space<vmem_shared>>) offsets(%dma_start3A_300 : memref<128xi32, #tpu.memory_space<vmem>>) semaphore(%dma_start3A_305 : memref<!tpu.dma_semaphore, #tpu.memory_space<semaphore_mem>>) {add = true}
      }
      %gt3A_198 = arith.constant 0 : i32
      %gt3A_199 = arith.cmpi sgt, %select_n3A, %gt3A_198 : i32
      %convert_element_type3A_200 = arith.extui %gt3A_199 : i1 to i32
      %cond3A_201 = arith.constant 0 : i32
      %cond3A_202 = arith.cmpi ne, %convert_element_type3A_200, %cond3A_201 : i32
      scf.if %cond3A_202 {
        %sub3A_213 = arith.constant 1 : i32
        %sub3A_214 = arith.subi %select_n3A, %sub3A_213 : i32
        %sub3A_215 = arith.constant 0 : i32
        %sub3A_216 = arith.subi %sub3A_214, %sub3A_215 : i32
        %rem3A_217 = arith.constant 3 : i32
        %rem3A_218 = arith.remsi %sub3A_216, %rem3A_217 : i32
        %dma_wait3A = arith.constant 0 : i32
        %dma_wait3A_219 = arith.constant 0 : i32
        %dma_wait3A_220 = tpu.memref_slice %arg10[%rem3A_218, %dma_wait3A, %dma_wait3A_219] : memref<3x128x80xf32, #tpu.memory_space<vmem>> -> memref<1x128x80xf32, #tpu.memory_space<vmem>>
        %dma_wait3A_221 = tpu.memref_squeeze %dma_wait3A_220 : memref<1x128x80xf32, #tpu.memory_space<vmem>> -> memref<128x80xf32, #tpu.memory_space<vmem>>
        %dma_wait3A_222 = arith.constant 0 : i32
        %dma_wait3A_223 = tpu.memref_slice %arg11[%rem3A_218, %dma_wait3A_222] : memref<3x128xi32, #tpu.memory_space<vmem>> -> memref<1x128xi32, #tpu.memory_space<vmem>>
        %dma_wait3A_224 = tpu.memref_squeeze %dma_wait3A_223 : memref<1x128xi32, #tpu.memory_space<vmem>> -> memref<128xi32, #tpu.memory_space<vmem>>
        %dma_wait3A_225 = arith.constant 0 : i32
        %dma_wait3A_226 = arith.constant 0 : i32
        %dma_wait3A_227 = tpu.memref_slice %arg6[%dma_wait3A_225, %dma_wait3A_226] : memref<16256x80xf32, #tpu.memory_space<vmem_shared>> -> memref<16256x80xf32, #tpu.memory_space<vmem_shared>>
        %dma_wait3A_228 = tpu.memref_slice %arg13[%rem3A_218] : memref<3x!tpu.dma_semaphore, #tpu.memory_space<semaphore_mem>> -> memref<1x!tpu.dma_semaphore, #tpu.memory_space<semaphore_mem>>
        %dma_wait3A_229 = tpu.memref_squeeze %dma_wait3A_228 : memref<1x!tpu.dma_semaphore, #tpu.memory_space<semaphore_mem>> -> memref<!tpu.dma_semaphore, #tpu.memory_space<semaphore_mem>>
        tpu.wait_indirect_dma semaphore(%dma_wait3A_229 : memref<!tpu.dma_semaphore, #tpu.memory_space<semaphore_mem>>) src(%dma_wait3A_221 : memref<128x80xf32, #tpu.memory_space<vmem>>) dst(%dma_wait3A_227 : memref<16256x80xf32, #tpu.memory_space<vmem_shared>>)
      } else {
      }
      %gt3A_203 = arith.constant 1 : i32
      %gt3A_204 = arith.cmpi sgt, %select_n3A, %gt3A_203 : i32
      %convert_element_type3A_205 = arith.extui %gt3A_204 : i1 to i32
      %cond3A_206 = arith.constant 0 : i32
      %cond3A_207 = arith.cmpi ne, %convert_element_type3A_205, %cond3A_206 : i32
      scf.if %cond3A_207 {
        %sub3A_213 = arith.constant 1 : i32
        %sub3A_214 = arith.subi %select_n3A, %sub3A_213 : i32
        %sub3A_215 = arith.constant 1 : i32
        %sub3A_216 = arith.subi %sub3A_214, %sub3A_215 : i32
        %rem3A_217 = arith.constant 3 : i32
        %rem3A_218 = arith.remsi %sub3A_216, %rem3A_217 : i32
        %dma_wait3A = arith.constant 0 : i32
        %dma_wait3A_219 = arith.constant 0 : i32
        %dma_wait3A_220 = tpu.memref_slice %arg10[%rem3A_218, %dma_wait3A, %dma_wait3A_219] : memref<3x128x80xf32, #tpu.memory_space<vmem>> -> memref<1x128x80xf32, #tpu.memory_space<vmem>>
        %dma_wait3A_221 = tpu.memref_squeeze %dma_wait3A_220 : memref<1x128x80xf32, #tpu.memory_space<vmem>> -> memref<128x80xf32, #tpu.memory_space<vmem>>
        %dma_wait3A_222 = arith.constant 0 : i32
        %dma_wait3A_223 = tpu.memref_slice %arg11[%rem3A_218, %dma_wait3A_222] : memref<3x128xi32, #tpu.memory_space<vmem>> -> memref<1x128xi32, #tpu.memory_space<vmem>>
        %dma_wait3A_224 = tpu.memref_squeeze %dma_wait3A_223 : memref<1x128xi32, #tpu.memory_space<vmem>> -> memref<128xi32, #tpu.memory_space<vmem>>
        %dma_wait3A_225 = arith.constant 0 : i32
        %dma_wait3A_226 = arith.constant 0 : i32
        %dma_wait3A_227 = tpu.memref_slice %arg6[%dma_wait3A_225, %dma_wait3A_226] : memref<16256x80xf32, #tpu.memory_space<vmem_shared>> -> memref<16256x80xf32, #tpu.memory_space<vmem_shared>>
        %dma_wait3A_228 = tpu.memref_slice %arg13[%rem3A_218] : memref<3x!tpu.dma_semaphore, #tpu.memory_space<semaphore_mem>> -> memref<1x!tpu.dma_semaphore, #tpu.memory_space<semaphore_mem>>
        %dma_wait3A_229 = tpu.memref_squeeze %dma_wait3A_228 : memref<1x!tpu.dma_semaphore, #tpu.memory_space<semaphore_mem>> -> memref<!tpu.dma_semaphore, #tpu.memory_space<semaphore_mem>>
        tpu.wait_indirect_dma semaphore(%dma_wait3A_229 : memref<!tpu.dma_semaphore, #tpu.memory_space<semaphore_mem>>) src(%dma_wait3A_221 : memref<128x80xf32, #tpu.memory_space<vmem>>) dst(%dma_wait3A_227 : memref<16256x80xf32, #tpu.memory_space<vmem_shared>>)
      } else {
      }
      %gt3A_208 = arith.constant 2 : i32
      %gt3A_209 = arith.cmpi sgt, %select_n3A, %gt3A_208 : i32
      %convert_element_type3A_210 = arith.extui %gt3A_209 : i1 to i32
      %cond3A_211 = arith.constant 0 : i32
      %cond3A_212 = arith.cmpi ne, %convert_element_type3A_210, %cond3A_211 : i32
      scf.if %cond3A_212 {
        %sub3A_213 = arith.constant 1 : i32
        %sub3A_214 = arith.subi %select_n3A, %sub3A_213 : i32
        %sub3A_215 = arith.constant 2 : i32
        %sub3A_216 = arith.subi %sub3A_214, %sub3A_215 : i32
        %rem3A_217 = arith.constant 3 : i32
        %rem3A_218 = arith.remsi %sub3A_216, %rem3A_217 : i32
        %dma_wait3A = arith.constant 0 : i32
        %dma_wait3A_219 = arith.constant 0 : i32
        %dma_wait3A_220 = tpu.memref_slice %arg10[%rem3A_218, %dma_wait3A, %dma_wait3A_219] : memref<3x128x80xf32, #tpu.memory_space<vmem>> -> memref<1x128x80xf32, #tpu.memory_space<vmem>>
        %dma_wait3A_221 = tpu.memref_squeeze %dma_wait3A_220 : memref<1x128x80xf32, #tpu.memory_space<vmem>> -> memref<128x80xf32, #tpu.memory_space<vmem>>
        %dma_wait3A_222 = arith.constant 0 : i32
        %dma_wait3A_223 = tpu.memref_slice %arg11[%rem3A_218, %dma_wait3A_222] : memref<3x128xi32, #tpu.memory_space<vmem>> -> memref<1x128xi32, #tpu.memory_space<vmem>>
        %dma_wait3A_224 = tpu.memref_squeeze %dma_wait3A_223 : memref<1x128xi32, #tpu.memory_space<vmem>> -> memref<128xi32, #tpu.memory_space<vmem>>
        %dma_wait3A_225 = arith.constant 0 : i32
        %dma_wait3A_226 = arith.constant 0 : i32
        %dma_wait3A_227 = tpu.memref_slice %arg6[%dma_wait3A_225, %dma_wait3A_226] : memref<16256x80xf32, #tpu.memory_space<vmem_shared>> -> memref<16256x80xf32, #tpu.memory_space<vmem_shared>>
        %dma_wait3A_228 = tpu.memref_slice %arg13[%rem3A_218] : memref<3x!tpu.dma_semaphore, #tpu.memory_space<semaphore_mem>> -> memref<1x!tpu.dma_semaphore, #tpu.memory_space<semaphore_mem>>
        %dma_wait3A_229 = tpu.memref_squeeze %dma_wait3A_228 : memref<1x!tpu.dma_semaphore, #tpu.memory_space<semaphore_mem>> -> memref<!tpu.dma_semaphore, #tpu.memory_space<semaphore_mem>>
        tpu.wait_indirect_dma semaphore(%dma_wait3A_229 : memref<!tpu.dma_semaphore, #tpu.memory_space<semaphore_mem>>) src(%dma_wait3A_221 : memref<128x80xf32, #tpu.memory_space<vmem>>) dst(%dma_wait3A_227 : memref<16256x80xf32, #tpu.memory_space<vmem_shared>>)
      } else {
      }
    }
    %scan3A_69 = arith.constant 11 : i32
    %barrier3A_70 = arith.constant 0 : index
    tpu.barrier barrier_id(%barrier3A_70)
    %lt3A_71 = arith.constant 15 : i32
    %lt3A_72 = arith.cmpi slt, %arg1, %lt3A_71 : i32
    %convert_element_type3A_73 = arith.extui %lt3A_72 : i1 to i32
    %cond3A_74 = arith.constant 0 : i32
    %cond3A_75 = arith.cmpi ne, %convert_element_type3A_73, %cond3A_74 : i32
    scf.if %cond3A_75 {
      %mul3A_111 = arith.constant 1016 : i32
      %mul3A_112 = arith.muli %arg1, %mul3A_111 : i32
      %mul3A_113 = arith.constant 1016 : i32
      %mul3A_114 = arith.muli %arg1, %mul3A_113 : i32
      %add3A_115 = arith.addi %mul3A_58, %mul3A_114 : i32
      "tpu.region"() ({
        %run_scoped3A = tpu.sem_alloc : memref<!tpu.dma_semaphore, #tpu.memory_space<semaphore_mem>>
        %dma_start3A = arith.constant 0 : i32
        %dma_start3A_116 = tpu.memref_slice %arg5[%add3A_115, %dma_start3A] : memref<129600x80xf32, #tpu.memory_space<hbm>> -> memref<1016x80xf32, #tpu.memory_space<hbm>>
        %dma_start3A_117 = arith.constant 0 : i32
        %dma_start3A_118 = tpu.memref_slice %arg6[%mul3A_112, %dma_start3A_117] : memref<16256x80xf32, #tpu.memory_space<vmem_shared>> -> memref<1016x80xf32, #tpu.memory_space<vmem_shared>>
        tpu.enqueue_dma source(%dma_start3A_118 : memref<1016x80xf32, #tpu.memory_space<vmem_shared>>) target(%dma_start3A_116 : memref<1016x80xf32, #tpu.memory_space<hbm>>) target_semaphore(%run_scoped3A : memref<!tpu.dma_semaphore, #tpu.memory_space<semaphore_mem>>)
        %dma_wait3A = arith.constant 0 : i32
        %dma_wait3A_119 = tpu.memref_slice %arg5[%add3A_115, %dma_wait3A] : memref<129600x80xf32, #tpu.memory_space<hbm>> -> memref<1016x80xf32, #tpu.memory_space<hbm>>
        %dma_wait3A_120 = arith.constant 0 : i32
        %dma_wait3A_121 = tpu.memref_slice %arg6[%mul3A_112, %dma_wait3A_120] : memref<16256x80xf32, #tpu.memory_space<vmem_shared>> -> memref<1016x80xf32, #tpu.memory_space<vmem_shared>>
        tpu.wait_dma2 semaphore(%run_scoped3A : memref<!tpu.dma_semaphore, #tpu.memory_space<semaphore_mem>>) src(%dma_wait3A_121 : memref<1016x80xf32, #tpu.memory_space<vmem_shared>>) dst(%dma_wait3A_119 : memref<1016x80xf32, #tpu.memory_space<hbm>>)
        tpu.yield
      }) : () -> ()
    } else {
    }
    %eq3A_76 = arith.constant 15 : i32
    %eq3A_77 = arith.cmpi eq, %arg1, %eq3A_76 : i32
    %convert_element_type3A_78 = arith.extui %eq3A_77 : i1 to i32
    %cond3A_79 = arith.constant 0 : i32
    %cond3A_80 = arith.cmpi ne, %convert_element_type3A_78, %cond3A_79 : i32
    scf.if %cond3A_80 {
      %add3A_111 = arith.constant 15240 : i32
      %add3A_112 = arith.addi %mul3A_58, %add3A_111 : i32
      "tpu.region"() ({
        %run_scoped3A = tpu.sem_alloc : memref<!tpu.dma_semaphore, #tpu.memory_space<semaphore_mem>>
        %dma_start3A = arith.constant 0 : i32
        %dma_start3A_113 = tpu.memref_slice %arg5[%add3A_112, %dma_start3A] : memref<129600x80xf32, #tpu.memory_space<hbm>> -> memref<960x80xf32, #tpu.memory_space<hbm>>
        %dma_start3A_114 = arith.constant 15240 : i32
        %dma_start3A_115 = arith.constant 0 : i32
        %dma_start3A_116 = tpu.memref_slice %arg6[%dma_start3A_114, %dma_start3A_115] : memref<16256x80xf32, #tpu.memory_space<vmem_shared>> -> memref<960x80xf32, #tpu.memory_space<vmem_shared>>
        tpu.enqueue_dma source(%dma_start3A_116 : memref<960x80xf32, #tpu.memory_space<vmem_shared>>) target(%dma_start3A_113 : memref<960x80xf32, #tpu.memory_space<hbm>>) target_semaphore(%run_scoped3A : memref<!tpu.dma_semaphore, #tpu.memory_space<semaphore_mem>>)
        %dma_wait3A = arith.constant 0 : i32
        %dma_wait3A_117 = tpu.memref_slice %arg5[%add3A_112, %dma_wait3A] : memref<129600x80xf32, #tpu.memory_space<hbm>> -> memref<960x80xf32, #tpu.memory_space<hbm>>
        %dma_wait3A_118 = arith.constant 15240 : i32
        %dma_wait3A_119 = arith.constant 0 : i32
        %dma_wait3A_120 = tpu.memref_slice %arg6[%dma_wait3A_118, %dma_wait3A_119] : memref<16256x80xf32, #tpu.memory_space<vmem_shared>> -> memref<960x80xf32, #tpu.memory_space<vmem_shared>>
        tpu.wait_dma2 semaphore(%run_scoped3A : memref<!tpu.dma_semaphore, #tpu.memory_space<semaphore_mem>>) src(%dma_wait3A_120 : memref<960x80xf32, #tpu.memory_space<vmem_shared>>) dst(%dma_wait3A_117 : memref<960x80xf32, #tpu.memory_space<hbm>>)
        tpu.yield
      }) : () -> ()
    } else {
    }
    %barrier3A_81 = arith.constant 0 : index
    tpu.barrier barrier_id(%barrier3A_81)
    %mul3A_82 = arith.constant 4 : i32
    %mul3A_83 = arith.muli %arg0, %mul3A_82 : i32
    %add3A_84 = arith.constant 3 : i32
    %add3A_85 = arith.addi %mul3A_83, %add3A_84 : i32
    %mul3A_86 = arith.constant 16200 : i32
    %mul3A_87 = arith.muli %add3A_85, %mul3A_86 : i32
    %mul3A_88 = arith.constant 1016 : i32
    %mul3A_89 = arith.muli %arg1, %mul3A_88 : i32
    %mul3A_90 = arith.constant 1016 : i32
    %mul3A_91 = arith.muli %arg1, %mul3A_90 : i32
    "tpu.region"() ({
      %run_scoped3A = tpu.sem_alloc : memref<!tpu.dma_semaphore, #tpu.memory_space<semaphore_mem>>
      %dma_start3A = arith.constant 0 : i32
      %dma_start3A_111 = tpu.memref_slice %arg6[%mul3A_91, %dma_start3A] : memref<16256x80xf32, #tpu.memory_space<vmem_shared>> -> memref<1016x80xf32, #tpu.memory_space<vmem_shared>>
      %dma_start3A_112 = arith.constant 0 : i32
      %dma_start3A_113 = tpu.memref_slice %arg4[%mul3A_89, %dma_start3A_112] : memref<16256x80xf32, #tpu.memory_space<hbm>> -> memref<1016x80xf32, #tpu.memory_space<hbm>>
      tpu.enqueue_dma source(%dma_start3A_113 : memref<1016x80xf32, #tpu.memory_space<hbm>>) target(%dma_start3A_111 : memref<1016x80xf32, #tpu.memory_space<vmem_shared>>) target_semaphore(%run_scoped3A : memref<!tpu.dma_semaphore, #tpu.memory_space<semaphore_mem>>)
      %dma_wait3A = arith.constant 0 : i32
      %dma_wait3A_114 = tpu.memref_slice %arg6[%mul3A_91, %dma_wait3A] : memref<16256x80xf32, #tpu.memory_space<vmem_shared>> -> memref<1016x80xf32, #tpu.memory_space<vmem_shared>>
      %dma_wait3A_115 = arith.constant 0 : i32
      %dma_wait3A_116 = tpu.memref_slice %arg4[%mul3A_89, %dma_wait3A_115] : memref<16256x80xf32, #tpu.memory_space<hbm>> -> memref<1016x80xf32, #tpu.memory_space<hbm>>
      tpu.wait_dma2 semaphore(%run_scoped3A : memref<!tpu.dma_semaphore, #tpu.memory_space<semaphore_mem>>) src(%dma_wait3A_116 : memref<1016x80xf32, #tpu.memory_space<hbm>>) dst(%dma_wait3A_114 : memref<1016x80xf32, #tpu.memory_space<vmem_shared>>)
      tpu.yield
    }) : () -> ()
    %barrier3A_92 = arith.constant 0 : index
    tpu.barrier barrier_id(%barrier3A_92)
    %scan3A_93 = arith.constant 0 : i32
    %scan3A_94 = arith.constant 0 : i32
    %scan3A_95 = arith.constant 11 : i32
    %scan3A_96 = arith.addi %scan3A_94, %scan3A_95 : i32
    %scan3A_97 = arith.constant 1 : i32
    scf.for %scan3A_111 = %scan3A_94 to %scan3A_96 step %scan3A_97  : i32 {
      %mul3A_112 = arith.constant 62304 : i32
      %mul3A_113 = arith.muli %arg1, %mul3A_112 : i32
      %mul3A_114 = arith.constant 5664 : i32
      %mul3A_115 = arith.muli %scan3A_111, %mul3A_114 : i32
      %add3A_116 = arith.addi %mul3A_113, %mul3A_115 : i32
      "tpu.region"() ({
        %run_scoped3A = tpu.sem_alloc : memref<!tpu.dma_semaphore, #tpu.memory_space<semaphore_mem>>
        %dma_start3A = tpu.memref_slice %arg2[%add3A_116] : memref<996864xi32, #tpu.memory_space<hbm>> -> memref<5664xi32, #tpu.memory_space<hbm>>
        %dma_start3A_213 = tpu.memref_slice %arg2[%add3A_116] : memref<996864xi32, #tpu.memory_space<hbm>> -> memref<5664xi32, #tpu.memory_space<hbm>>
        tpu.enqueue_dma source(%dma_start3A_213 : memref<5664xi32, #tpu.memory_space<hbm>>) target(%arg7 : memref<5664xi32, #tpu.memory_space<vmem>>) target_semaphore(%run_scoped3A : memref<!tpu.dma_semaphore, #tpu.memory_space<semaphore_mem>>)
        %dma_wait3A = tpu.memref_slice %arg2[%add3A_116] : memref<996864xi32, #tpu.memory_space<hbm>> -> memref<5664xi32, #tpu.memory_space<hbm>>
        %dma_wait3A_214 = tpu.memref_slice %arg2[%add3A_116] : memref<996864xi32, #tpu.memory_space<hbm>> -> memref<5664xi32, #tpu.memory_space<hbm>>
        tpu.wait_dma2 semaphore(%run_scoped3A : memref<!tpu.dma_semaphore, #tpu.memory_space<semaphore_mem>>) src(%dma_wait3A_214 : memref<5664xi32, #tpu.memory_space<hbm>>) dst(%arg7 : memref<5664xi32, #tpu.memory_space<vmem>>)
        tpu.yield
      }) : () -> ()
      %broadcast_in_dim3A_117 = vector.broadcast %mul3A_87 : i32 to vector<16xi32>
      %add3A_118 = arith.constant 16200 : i32
      %add3A_119 = arith.addi %mul3A_87, %add3A_118 : i32
      %broadcast_in_dim3A_120 = vector.broadcast %add3A_119 : i32 to vector<16xi32>
      %scan3A_121 = arith.constant 0 : i32
      %scan3A_122 = arith.constant 0 : i32
      %scan3A_123 = arith.constant 354 : i32
      %scan3A_124 = arith.addi %scan3A_122, %scan3A_123 : i32
      %scan3A_125 = arith.constant 1 : i32
      %scan3A_126 = scf.for %scan3A_213 = %scan3A_122 to %scan3A_124 step %scan3A_125 iter_args(%scan3A_214 = %scan3A_121) -> (i32)  : i32 {
        %mul3A_215 = arith.constant 16 : i32
        %mul3A_216 = arith.muli %scan3A_213, %mul3A_215 : i32
        %multiple_of3A = tpu.assume_multiple %mul3A_216, 16 : i32
        %get3A = arith.index_cast %multiple_of3A : i32 to index
        %get3A_217 = tpu.vector_load %arg7[%get3A] {strides = array<i32>} : memref<5664xi32, #tpu.memory_space<vmem>>, vector<16xi32>,
        %ge3A = arith.cmpi sge, %get3A_217, %broadcast_in_dim3A_117 : vector<16xi32>
        %lt3A_218 = arith.cmpi slt, %get3A_217, %broadcast_in_dim3A_120 : vector<16xi32>
        %and3A_219 = arith.andi %ge3A, %lt3A_218 : vector<16xi1>
        %convert_element_type3A_220 = arith.extui %and3A_219 : vector<16xi1> to vector<16xi32>
        %broadcast_in_dim3A_221 = arith.constant true
        %broadcast_in_dim3A_222 = vector.broadcast %broadcast_in_dim3A_221 : i1 to vector<16xi1>
        %masked_cumsum3A = tpu.scan <sum>, %convert_element_type3A_220 masked %broadcast_in_dim3A_222 : vector<16xi32>, vector<16xi1> -> vector<16xi32>
        %sub3A_223 = arith.constant 1 : i32
        %sub3A_224 = arith.subi %scan3A_214, %sub3A_223 : i32
        %broadcast_in_dim3A_225 = vector.broadcast %sub3A_224 : i32 to vector<16xi32>
        %add3A_226 = arith.addi %broadcast_in_dim3A_225, %masked_cumsum3A : vector<16xi32>
        %mul3A_227 = arith.constant 16 : i32
        %mul3A_228 = arith.muli %scan3A_213, %mul3A_227 : i32
        %add3A_229 = arith.addi %add3A_116, %mul3A_228 : i32
        %broadcast_in_dim3A_230 = vector.broadcast %add3A_229 : i32 to vector<16xi32>
        %add3A_231 = arith.addi %broadcast_in_dim3A_230, %iota3A : vector<16xi32>
        tpu.vector_store_idx %arg8[%add3A_226], %add3A_231 masked %and3A_219 : memref<5888xi32, #tpu.memory_space<vmem>>[vector<16xi32>], vector<16xi32>, vector<16xi1>
        %sub3A_232 = arith.subi %get3A_217, %broadcast_in_dim3A_117 : vector<16xi32>
        tpu.vector_store_idx %arg9[%add3A_226], %sub3A_232 masked %and3A_219 : memref<5888xi32, #tpu.memory_space<vmem>>[vector<16xi32>], vector<16xi32>, vector<16xi1>
        %slice3A = vector.extract_strided_slice %masked_cumsum3A {offsets = [15], sizes = [1], strides = [1]} : vector<16xi32> to vector<1xi32>
        %squeeze3A = vector.extract %slice3A[0] : i32 from vector<1xi32>
        %add3A_233 = arith.addi %scan3A_214, %squeeze3A : i32
        scf.yield %add3A_233 : i32
      }
      %scan3A_127 = arith.constant 354 : i32
      %add3A_128 = arith.constant 0 : i32
      %add3A_129 = arith.addi %scan3A_126, %add3A_128 : i32
      %broadcast_in_dim3A_130 = vector.broadcast %add3A_129 : i32 to vector<16xi32>
      %add3A_131 = arith.addi %broadcast_in_dim3A_130, %iota3A : vector<16xi32>
      tpu.vector_store_idx %arg8[%add3A_131], %broadcast_in_dim3A_0 : memref<5888xi32, #tpu.memory_space<vmem>>[vector<16xi32>], vector<16xi32>,
      tpu.vector_store_idx %arg9[%add3A_131], %broadcast_in_dim3A_2 : memref<5888xi32, #tpu.memory_space<vmem>>[vector<16xi32>], vector<16xi32>,
      %add3A_132 = arith.constant 16 : i32
      %add3A_133 = arith.addi %scan3A_126, %add3A_132 : i32
      %broadcast_in_dim3A_134 = vector.broadcast %add3A_133 : i32 to vector<16xi32>
      %add3A_135 = arith.addi %broadcast_in_dim3A_134, %iota3A : vector<16xi32>
      tpu.vector_store_idx %arg8[%add3A_135], %broadcast_in_dim3A_0 : memref<5888xi32, #tpu.memory_space<vmem>>[vector<16xi32>], vector<16xi32>,
      tpu.vector_store_idx %arg9[%add3A_135], %broadcast_in_dim3A_2 : memref<5888xi32, #tpu.memory_space<vmem>>[vector<16xi32>], vector<16xi32>,
      %add3A_136 = arith.constant 32 : i32
      %add3A_137 = arith.addi %scan3A_126, %add3A_136 : i32
      %broadcast_in_dim3A_138 = vector.broadcast %add3A_137 : i32 to vector<16xi32>
      %add3A_139 = arith.addi %broadcast_in_dim3A_138, %iota3A : vector<16xi32>
      tpu.vector_store_idx %arg8[%add3A_139], %broadcast_in_dim3A_0 : memref<5888xi32, #tpu.memory_space<vmem>>[vector<16xi32>], vector<16xi32>,
      tpu.vector_store_idx %arg9[%add3A_139], %broadcast_in_dim3A_2 : memref<5888xi32, #tpu.memory_space<vmem>>[vector<16xi32>], vector<16xi32>,
      %add3A_140 = arith.constant 48 : i32
      %add3A_141 = arith.addi %scan3A_126, %add3A_140 : i32
      %broadcast_in_dim3A_142 = vector.broadcast %add3A_141 : i32 to vector<16xi32>
      %add3A_143 = arith.addi %broadcast_in_dim3A_142, %iota3A : vector<16xi32>
      tpu.vector_store_idx %arg8[%add3A_143], %broadcast_in_dim3A_0 : memref<5888xi32, #tpu.memory_space<vmem>>[vector<16xi32>], vector<16xi32>,
      tpu.vector_store_idx %arg9[%add3A_143], %broadcast_in_dim3A_2 : memref<5888xi32, #tpu.memory_space<vmem>>[vector<16xi32>], vector<16xi32>,
      %add3A_144 = arith.constant 64 : i32
      %add3A_145 = arith.addi %scan3A_126, %add3A_144 : i32
      %broadcast_in_dim3A_146 = vector.broadcast %add3A_145 : i32 to vector<16xi32>
      %add3A_147 = arith.addi %broadcast_in_dim3A_146, %iota3A : vector<16xi32>
      tpu.vector_store_idx %arg8[%add3A_147], %broadcast_in_dim3A_0 : memref<5888xi32, #tpu.memory_space<vmem>>[vector<16xi32>], vector<16xi32>,
      tpu.vector_store_idx %arg9[%add3A_147], %broadcast_in_dim3A_2 : memref<5888xi32, #tpu.memory_space<vmem>>[vector<16xi32>], vector<16xi32>,
      %add3A_148 = arith.constant 80 : i32
      %add3A_149 = arith.addi %scan3A_126, %add3A_148 : i32
      %broadcast_in_dim3A_150 = vector.broadcast %add3A_149 : i32 to vector<16xi32>
      %add3A_151 = arith.addi %broadcast_in_dim3A_150, %iota3A : vector<16xi32>
      tpu.vector_store_idx %arg8[%add3A_151], %broadcast_in_dim3A_0 : memref<5888xi32, #tpu.memory_space<vmem>>[vector<16xi32>], vector<16xi32>,
      tpu.vector_store_idx %arg9[%add3A_151], %broadcast_in_dim3A_2 : memref<5888xi32, #tpu.memory_space<vmem>>[vector<16xi32>], vector<16xi32>,
      %add3A_152 = arith.constant 96 : i32
      %add3A_153 = arith.addi %scan3A_126, %add3A_152 : i32
      %broadcast_in_dim3A_154 = vector.broadcast %add3A_153 : i32 to vector<16xi32>
      %add3A_155 = arith.addi %broadcast_in_dim3A_154, %iota3A : vector<16xi32>
      tpu.vector_store_idx %arg8[%add3A_155], %broadcast_in_dim3A_0 : memref<5888xi32, #tpu.memory_space<vmem>>[vector<16xi32>], vector<16xi32>,
      tpu.vector_store_idx %arg9[%add3A_155], %broadcast_in_dim3A_2 : memref<5888xi32, #tpu.memory_space<vmem>>[vector<16xi32>], vector<16xi32>,
      %add3A_156 = arith.constant 112 : i32
      %add3A_157 = arith.addi %scan3A_126, %add3A_156 : i32
      %broadcast_in_dim3A_158 = vector.broadcast %add3A_157 : i32 to vector<16xi32>
      %add3A_159 = arith.addi %broadcast_in_dim3A_158, %iota3A : vector<16xi32>
      tpu.vector_store_idx %arg8[%add3A_159], %broadcast_in_dim3A_0 : memref<5888xi32, #tpu.memory_space<vmem>>[vector<16xi32>], vector<16xi32>,
      tpu.vector_store_idx %arg9[%add3A_159], %broadcast_in_dim3A_2 : memref<5888xi32, #tpu.memory_space<vmem>>[vector<16xi32>], vector<16xi32>,
      %add3A_160 = arith.constant 128 : i32
      %add3A_161 = arith.addi %scan3A_126, %add3A_160 : i32
      %sub3A = arith.constant 1 : i32
      %sub3A_162 = arith.subi %add3A_161, %sub3A : i32
      %jit3A = arith.constant 128 : i32
      %div3A = arith.divsi %sub3A_162, %jit3A : i32
      %sign3A = arith.constant 0 : i32
      %sign3A_163 = arith.cmpi sgt, %sub3A_162, %sign3A : i32
      %sign3A_164 = arith.extui %sign3A_163 : i1 to i32
      %sign3A_165 = arith.constant 0 : i32
      %sign3A_166 = arith.cmpi slt, %sub3A_162, %sign3A_165 : i32
      %sign3A_167 = arith.extui %sign3A_166 : i1 to i32
      %sign3A_168 = arith.subi %sign3A_164, %sign3A_167 : i32
      %sign3A_169 = arith.constant 0 : i32
      %sign3A_170 = arith.cmpi sgt, %jit3A, %sign3A_169 : i32
      %sign3A_171 = arith.extui %sign3A_170 : i1 to i32
      %sign3A_172 = arith.constant 0 : i32
      %sign3A_173 = arith.cmpi slt, %jit3A, %sign3A_172 : i32
      %sign3A_174 = arith.extui %sign3A_173 : i1 to i32
      %sign3A_175 = arith.subi %sign3A_171, %sign3A_174 : i32
      %ne3A = arith.cmpi ne, %sign3A_168, %sign3A_175 : i32
      %rem3A = arith.remsi %sub3A_162, %jit3A : i32
      %ne3A_176 = arith.constant 0 : i32
      %ne3A_177 = arith.cmpi ne, %rem3A, %ne3A_176 : i32
      %and3A = arith.andi %ne3A, %ne3A_177 : i1
      %sub3A_178 = arith.constant 1 : i32
      %sub3A_179 = arith.subi %div3A, %sub3A_178 : i32
      %select_n3A = arith.select %and3A, %sub3A_179, %div3A : i32
      %gt3A = arith.constant 0 : i32
      %gt3A_180 = arith.cmpi sgt, %select_n3A, %gt3A : i32
      %convert_element_type3A_181 = arith.extui %gt3A_180 : i1 to i32
      %cond3A_182 = arith.constant 0 : i32
      %cond3A_183 = arith.cmpi ne, %convert_element_type3A_181, %cond3A_182 : i32
      scf.if %cond3A_183 {
        %multiple_of3A = arith.constant 0 : i32
        %multiple_of3A_213 = tpu.assume_multiple %multiple_of3A, 128 : i32
        %dma_start3A = arith.constant 0 : i32
        %dma_start3A_214 = arith.constant 0 : i32
        %dma_start3A_215 = arith.constant 0 : i32
        %dma_start3A_216 = arith.constant 0 : i32
        %dma_start3A_217 = tpu.memref_slice %arg10[%dma_start3A, %dma_start3A_215, %dma_start3A_216] : memref<3x128x80xf32, #tpu.memory_space<vmem>> -> memref<1x128x80xf32, #tpu.memory_space<vmem>>
        %dma_start3A_218 = tpu.memref_squeeze %dma_start3A_217 : memref<1x128x80xf32, #tpu.memory_space<vmem>> -> memref<128x80xf32, #tpu.memory_space<vmem>>
        %dma_start3A_219 = tpu.memref_slice %arg8[%multiple_of3A_213] : memref<5888xi32, #tpu.memory_space<vmem>> -> memref<128xi32, #tpu.memory_space<vmem>>
        %dma_start3A_220 = arith.constant 0 : i32
        %dma_start3A_221 = arith.constant 0 : i32
        %dma_start3A_222 = tpu.memref_slice %arg3[%dma_start3A_220, %dma_start3A_221] : memref<996864x80xf32, #tpu.memory_space<hbm>> -> memref<996864x80xf32, #tpu.memory_space<hbm>>
        %dma_start3A_223 = tpu.memref_slice %arg12[%dma_start3A_214] : memref<3x!tpu.dma_semaphore, #tpu.memory_space<semaphore_mem>> -> memref<1x!tpu.dma_semaphore, #tpu.memory_space<semaphore_mem>>
        %dma_start3A_224 = tpu.memref_squeeze %dma_start3A_223 : memref<1x!tpu.dma_semaphore, #tpu.memory_space<semaphore_mem>> -> memref<!tpu.dma_semaphore, #tpu.memory_space<semaphore_mem>>
        tpu.enqueue_indirect_dma source(%dma_start3A_222 : memref<996864x80xf32, #tpu.memory_space<hbm>>) target(%dma_start3A_218 : memref<128x80xf32, #tpu.memory_space<vmem>>) offsets(%dma_start3A_219 : memref<128xi32, #tpu.memory_space<vmem>>) semaphore(%dma_start3A_224 : memref<!tpu.dma_semaphore, #tpu.memory_space<semaphore_mem>>)
      } else {
      }
      %gt3A_184 = arith.constant 1 : i32
      %gt3A_185 = arith.cmpi sgt, %select_n3A, %gt3A_184 : i32
      %convert_element_type3A_186 = arith.extui %gt3A_185 : i1 to i32
      %cond3A_187 = arith.constant 0 : i32
      %cond3A_188 = arith.cmpi ne, %convert_element_type3A_186, %cond3A_187 : i32
      scf.if %cond3A_188 {
        %multiple_of3A = arith.constant 128 : i32
        %multiple_of3A_213 = tpu.assume_multiple %multiple_of3A, 128 : i32
        %dma_start3A = arith.constant 1 : i32
        %dma_start3A_214 = arith.constant 1 : i32
        %dma_start3A_215 = arith.constant 0 : i32
        %dma_start3A_216 = arith.constant 0 : i32
        %dma_start3A_217 = tpu.memref_slice %arg10[%dma_start3A, %dma_start3A_215, %dma_start3A_216] : memref<3x128x80xf32, #tpu.memory_space<vmem>> -> memref<1x128x80xf32, #tpu.memory_space<vmem>>
        %dma_start3A_218 = tpu.memref_squeeze %dma_start3A_217 : memref<1x128x80xf32, #tpu.memory_space<vmem>> -> memref<128x80xf32, #tpu.memory_space<vmem>>
        %dma_start3A_219 = tpu.memref_slice %arg8[%multiple_of3A_213] : memref<5888xi32, #tpu.memory_space<vmem>> -> memref<128xi32, #tpu.memory_space<vmem>>
        %dma_start3A_220 = arith.constant 0 : i32
        %dma_start3A_221 = arith.constant 0 : i32
        %dma_start3A_222 = tpu.memref_slice %arg3[%dma_start3A_220, %dma_start3A_221] : memref<996864x80xf32, #tpu.memory_space<hbm>> -> memref<996864x80xf32, #tpu.memory_space<hbm>>
        %dma_start3A_223 = tpu.memref_slice %arg12[%dma_start3A_214] : memref<3x!tpu.dma_semaphore, #tpu.memory_space<semaphore_mem>> -> memref<1x!tpu.dma_semaphore, #tpu.memory_space<semaphore_mem>>
        %dma_start3A_224 = tpu.memref_squeeze %dma_start3A_223 : memref<1x!tpu.dma_semaphore, #tpu.memory_space<semaphore_mem>> -> memref<!tpu.dma_semaphore, #tpu.memory_space<semaphore_mem>>
        tpu.enqueue_indirect_dma source(%dma_start3A_222 : memref<996864x80xf32, #tpu.memory_space<hbm>>) target(%dma_start3A_218 : memref<128x80xf32, #tpu.memory_space<vmem>>) offsets(%dma_start3A_219 : memref<128xi32, #tpu.memory_space<vmem>>) semaphore(%dma_start3A_224 : memref<!tpu.dma_semaphore, #tpu.memory_space<semaphore_mem>>)
      } else {
      }
      %while3A = arith.constant 0 : i32
      %while3A_189 = arith.constant 0 : i32
      %while3A_190 = arith.subi %select_n3A, %while3A_189 : i32
      %while3A_191 = arith.addi %while3A_189, %while3A_190 : i32
      %while3A_192 = arith.constant 1 : i32
      %while3A_193 = arith.divsi %while3A_190, %while3A_192 : i32
      %while3A_194 = arith.muli %while3A_193, %while3A_192 : i32
      %while3A_195 = arith.addi %while3A_189, %while3A_194 : i32
      %while3A_196 = arith.constant 1 : i32
      scf.for %while3A_213 = %while3A_189 to %while3A_195 step %while3A_196  : i32 {
        %rem3A_214 = arith.constant 3 : i32
        %rem3A_215 = arith.remsi %while3A_213, %rem3A_214 : i32
        %mul3A_216 = arith.constant 128 : i32
        %mul3A_217 = arith.muli %while3A_213, %mul3A_216 : i32
        %multiple_of3A = tpu.assume_multiple %mul3A_217, 128 : i32
        %add3A_218 = arith.constant 2 : i32
        %add3A_219 = arith.addi %while3A_213, %add3A_218 : i32
        %lt3A_220 = arith.cmpi slt, %add3A_219, %select_n3A : i32
        %convert_element_type3A_221 = arith.extui %lt3A_220 : i1 to i32
        %cond3A_222 = arith.constant 0 : i32
        %cond3A_223 = arith.cmpi ne, %convert_element_type3A_221, %cond3A_222 : i32
        scf.if %cond3A_223 {
          %add3A_306 = arith.constant 2 : i32
          %add3A_307 = arith.addi %while3A_213, %add3A_306 : i32
          %rem3A_308 = arith.constant 3 : i32
          %rem3A_309 = arith.remsi %add3A_307, %rem3A_308 : i32
          %ge3A = arith.constant 1 : i32
          %ge3A_310 = arith.cmpi sge, %while3A_213, %ge3A : i32
          %convert_element_type3A_311 = arith.extui %ge3A_310 : i1 to i32
          %cond3A_312 = arith.constant 0 : i32
          %cond3A_313 = arith.cmpi ne, %convert_element_type3A_311, %cond3A_312 : i32
          scf.if %cond3A_313 {
            %dma_wait3A_329 = arith.constant 0 : i32
            %dma_wait3A_330 = arith.constant 0 : i32
            %dma_wait3A_331 = tpu.memref_slice %arg10[%rem3A_309, %dma_wait3A_329, %dma_wait3A_330] : memref<3x128x80xf32, #tpu.memory_space<vmem>> -> memref<1x128x80xf32, #tpu.memory_space<vmem>>
            %dma_wait3A_332 = tpu.memref_squeeze %dma_wait3A_331 : memref<1x128x80xf32, #tpu.memory_space<vmem>> -> memref<128x80xf32, #tpu.memory_space<vmem>>
            %dma_wait3A_333 = arith.constant 0 : i32
            %dma_wait3A_334 = tpu.memref_slice %arg11[%rem3A_309, %dma_wait3A_333] : memref<3x128xi32, #tpu.memory_space<vmem>> -> memref<1x128xi32, #tpu.memory_space<vmem>>
            %dma_wait3A_335 = tpu.memref_squeeze %dma_wait3A_334 : memref<1x128xi32, #tpu.memory_space<vmem>> -> memref<128xi32, #tpu.memory_space<vmem>>
            %dma_wait3A_336 = arith.constant 0 : i32
            %dma_wait3A_337 = arith.constant 0 : i32
            %dma_wait3A_338 = tpu.memref_slice %arg6[%dma_wait3A_336, %dma_wait3A_337] : memref<16256x80xf32, #tpu.memory_space<vmem_shared>> -> memref<16256x80xf32, #tpu.memory_space<vmem_shared>>
            %dma_wait3A_339 = tpu.memref_slice %arg13[%rem3A_309] : memref<3x!tpu.dma_semaphore, #tpu.memory_space<semaphore_mem>> -> memref<1x!tpu.dma_semaphore, #tpu.memory_space<semaphore_mem>>
            %dma_wait3A_340 = tpu.memref_squeeze %dma_wait3A_339 : memref<1x!tpu.dma_semaphore, #tpu.memory_space<semaphore_mem>> -> memref<!tpu.dma_semaphore, #tpu.memory_space<semaphore_mem>>
            tpu.wait_indirect_dma semaphore(%dma_wait3A_340 : memref<!tpu.dma_semaphore, #tpu.memory_space<semaphore_mem>>) src(%dma_wait3A_332 : memref<128x80xf32, #tpu.memory_space<vmem>>) dst(%dma_wait3A_338 : memref<16256x80xf32, #tpu.memory_space<vmem_shared>>)
          } else {
          }
          %add3A_314 = arith.constant 2 : i32
          %add3A_315 = arith.addi %while3A_213, %add3A_314 : i32
          %mul3A_316 = arith.constant 128 : i32
          %mul3A_317 = arith.muli %add3A_315, %mul3A_316 : i32
          %multiple_of3A_318 = tpu.assume_multiple %mul3A_317, 128 : i32
          %dma_start3A_319 = arith.constant 0 : i32
          %dma_start3A_320 = arith.constant 0 : i32
          %dma_start3A_321 = tpu.memref_slice %arg10[%rem3A_309, %dma_start3A_319, %dma_start3A_320] : memref<3x128x80xf32, #tpu.memory_space<vmem>> -> memref<1x128x80xf32, #tpu.memory_space<vmem>>
          %dma_start3A_322 = tpu.memref_squeeze %dma_start3A_321 : memref<1x128x80xf32, #tpu.memory_space<vmem>> -> memref<128x80xf32, #tpu.memory_space<vmem>>
          %dma_start3A_323 = tpu.memref_slice %arg8[%multiple_of3A_318] : memref<5888xi32, #tpu.memory_space<vmem>> -> memref<128xi32, #tpu.memory_space<vmem>>
          %dma_start3A_324 = arith.constant 0 : i32
          %dma_start3A_325 = arith.constant 0 : i32
          %dma_start3A_326 = tpu.memref_slice %arg3[%dma_start3A_324, %dma_start3A_325] : memref<996864x80xf32, #tpu.memory_space<hbm>> -> memref<996864x80xf32, #tpu.memory_space<hbm>>
          %dma_start3A_327 = tpu.memref_slice %arg12[%rem3A_309] : memref<3x!tpu.dma_semaphore, #tpu.memory_space<semaphore_mem>> -> memref<1x!tpu.dma_semaphore, #tpu.memory_space<semaphore_mem>>
          %dma_start3A_328 = tpu.memref_squeeze %dma_start3A_327 : memref<1x!tpu.dma_semaphore, #tpu.memory_space<semaphore_mem>> -> memref<!tpu.dma_semaphore, #tpu.memory_space<semaphore_mem>>
          tpu.enqueue_indirect_dma source(%dma_start3A_326 : memref<996864x80xf32, #tpu.memory_space<hbm>>) target(%dma_start3A_322 : memref<128x80xf32, #tpu.memory_space<vmem>>) offsets(%dma_start3A_323 : memref<128xi32, #tpu.memory_space<vmem>>) semaphore(%dma_start3A_328 : memref<!tpu.dma_semaphore, #tpu.memory_space<semaphore_mem>>)
        } else {
        }
        %dma_wait3A = arith.constant 0 : i32
        %dma_wait3A_224 = arith.constant 0 : i32
        %dma_wait3A_225 = tpu.memref_slice %arg10[%rem3A_215, %dma_wait3A, %dma_wait3A_224] : memref<3x128x80xf32, #tpu.memory_space<vmem>> -> memref<1x128x80xf32, #tpu.memory_space<vmem>>
        %dma_wait3A_226 = tpu.memref_squeeze %dma_wait3A_225 : memref<1x128x80xf32, #tpu.memory_space<vmem>> -> memref<128x80xf32, #tpu.memory_space<vmem>>
        %dma_wait3A_227 = tpu.memref_slice %arg8[%multiple_of3A] : memref<5888xi32, #tpu.memory_space<vmem>> -> memref<128xi32, #tpu.memory_space<vmem>>
        %dma_wait3A_228 = arith.constant 0 : i32
        %dma_wait3A_229 = arith.constant 0 : i32
        %dma_wait3A_230 = tpu.memref_slice %arg3[%dma_wait3A_228, %dma_wait3A_229] : memref<996864x80xf32, #tpu.memory_space<hbm>> -> memref<996864x80xf32, #tpu.memory_space<hbm>>
        %dma_wait3A_231 = tpu.memref_slice %arg12[%rem3A_215] : memref<3x!tpu.dma_semaphore, #tpu.memory_space<semaphore_mem>> -> memref<1x!tpu.dma_semaphore, #tpu.memory_space<semaphore_mem>>
        %dma_wait3A_232 = tpu.memref_squeeze %dma_wait3A_231 : memref<1x!tpu.dma_semaphore, #tpu.memory_space<semaphore_mem>> -> memref<!tpu.dma_semaphore, #tpu.memory_space<semaphore_mem>>
        tpu.wait_indirect_dma semaphore(%dma_wait3A_232 : memref<!tpu.dma_semaphore, #tpu.memory_space<semaphore_mem>>) src(%dma_wait3A_230 : memref<996864x80xf32, #tpu.memory_space<hbm>>) dst(%dma_wait3A_226 : memref<128x80xf32, #tpu.memory_space<vmem>>)
        %add3A_233 = arith.constant 0 : i32
        %add3A_234 = arith.addi %multiple_of3A, %add3A_233 : i32
        %multiple_of3A_235 = tpu.assume_multiple %add3A_234, 16 : i32
        %get3A = arith.index_cast %multiple_of3A_235 : i32 to index
        %get3A_236 = tpu.vector_load %arg9[%get3A] {strides = array<i32>} : memref<5888xi32, #tpu.memory_space<vmem>>, vector<16xi32>,
        %swap3A = arith.index_cast %rem3A_215 : i32 to index
        %swap3A_237 = arith.constant 0 : index
        %swap3A_238 = tpu.vector_load %arg11[%swap3A, %swap3A_237] {strides = array<i32>} : memref<3x128xi32, #tpu.memory_space<vmem>>, vector<16xi32>,
        tpu.vector_store %arg11[%swap3A, %swap3A_237], %get3A_236 {strides = array<i32>} : memref<3x128xi32, #tpu.memory_space<vmem>>, vector<16xi32>,
        %add3A_239 = arith.constant 16 : i32
        %add3A_240 = arith.addi %multiple_of3A, %add3A_239 : i32
        %multiple_of3A_241 = tpu.assume_multiple %add3A_240, 16 : i32
        %get3A_242 = arith.index_cast %multiple_of3A_241 : i32 to index
        %get3A_243 = tpu.vector_load %arg9[%get3A_242] {strides = array<i32>} : memref<5888xi32, #tpu.memory_space<vmem>>, vector<16xi32>,
        %swap3A_244 = arith.index_cast %rem3A_215 : i32 to index
        %swap3A_245 = arith.constant 16 : index
        %swap3A_246 = tpu.vector_load %arg11[%swap3A_244, %swap3A_245] {strides = array<i32>} : memref<3x128xi32, #tpu.memory_space<vmem>>, vector<16xi32>,
        tpu.vector_store %arg11[%swap3A_244, %swap3A_245], %get3A_243 {strides = array<i32>} : memref<3x128xi32, #tpu.memory_space<vmem>>, vector<16xi32>,
        %add3A_247 = arith.constant 32 : i32
        %add3A_248 = arith.addi %multiple_of3A, %add3A_247 : i32
        %multiple_of3A_249 = tpu.assume_multiple %add3A_248, 16 : i32
        %get3A_250 = arith.index_cast %multiple_of3A_249 : i32 to index
        %get3A_251 = tpu.vector_load %arg9[%get3A_250] {strides = array<i32>} : memref<5888xi32, #tpu.memory_space<vmem>>, vector<16xi32>,
        %swap3A_252 = arith.index_cast %rem3A_215 : i32 to index
        %swap3A_253 = arith.constant 32 : index
        %swap3A_254 = tpu.vector_load %arg11[%swap3A_252, %swap3A_253] {strides = array<i32>} : memref<3x128xi32, #tpu.memory_space<vmem>>, vector<16xi32>,
        tpu.vector_store %arg11[%swap3A_252, %swap3A_253], %get3A_251 {strides = array<i32>} : memref<3x128xi32, #tpu.memory_space<vmem>>, vector<16xi32>,
        %add3A_255 = arith.constant 48 : i32
        %add3A_256 = arith.addi %multiple_of3A, %add3A_255 : i32
        %multiple_of3A_257 = tpu.assume_multiple %add3A_256, 16 : i32
        %get3A_258 = arith.index_cast %multiple_of3A_257 : i32 to index
        %get3A_259 = tpu.vector_load %arg9[%get3A_258] {strides = array<i32>} : memref<5888xi32, #tpu.memory_space<vmem>>, vector<16xi32>,
        %swap3A_260 = arith.index_cast %rem3A_215 : i32 to index
        %swap3A_261 = arith.constant 48 : index
        %swap3A_262 = tpu.vector_load %arg11[%swap3A_260, %swap3A_261] {strides = array<i32>} : memref<3x128xi32, #tpu.memory_space<vmem>>, vector<16xi32>,
        tpu.vector_store %arg11[%swap3A_260, %swap3A_261], %get3A_259 {strides = array<i32>} : memref<3x128xi32, #tpu.memory_space<vmem>>, vector<16xi32>,
        %add3A_263 = arith.constant 64 : i32
        %add3A_264 = arith.addi %multiple_of3A, %add3A_263 : i32
        %multiple_of3A_265 = tpu.assume_multiple %add3A_264, 16 : i32
        %get3A_266 = arith.index_cast %multiple_of3A_265 : i32 to index
        %get3A_267 = tpu.vector_load %arg9[%get3A_266] {strides = array<i32>} : memref<5888xi32, #tpu.memory_space<vmem>>, vector<16xi32>,
        %swap3A_268 = arith.index_cast %rem3A_215 : i32 to index
        %swap3A_269 = arith.constant 64 : index
        %swap3A_270 = tpu.vector_load %arg11[%swap3A_268, %swap3A_269] {strides = array<i32>} : memref<3x128xi32, #tpu.memory_space<vmem>>, vector<16xi32>,
        tpu.vector_store %arg11[%swap3A_268, %swap3A_269], %get3A_267 {strides = array<i32>} : memref<3x128xi32, #tpu.memory_space<vmem>>, vector<16xi32>,
        %add3A_271 = arith.constant 80 : i32
        %add3A_272 = arith.addi %multiple_of3A, %add3A_271 : i32
        %multiple_of3A_273 = tpu.assume_multiple %add3A_272, 16 : i32
        %get3A_274 = arith.index_cast %multiple_of3A_273 : i32 to index
        %get3A_275 = tpu.vector_load %arg9[%get3A_274] {strides = array<i32>} : memref<5888xi32, #tpu.memory_space<vmem>>, vector<16xi32>,
        %swap3A_276 = arith.index_cast %rem3A_215 : i32 to index
        %swap3A_277 = arith.constant 80 : index
        %swap3A_278 = tpu.vector_load %arg11[%swap3A_276, %swap3A_277] {strides = array<i32>} : memref<3x128xi32, #tpu.memory_space<vmem>>, vector<16xi32>,
        tpu.vector_store %arg11[%swap3A_276, %swap3A_277], %get3A_275 {strides = array<i32>} : memref<3x128xi32, #tpu.memory_space<vmem>>, vector<16xi32>,
        %add3A_279 = arith.constant 96 : i32
        %add3A_280 = arith.addi %multiple_of3A, %add3A_279 : i32
        %multiple_of3A_281 = tpu.assume_multiple %add3A_280, 16 : i32
        %get3A_282 = arith.index_cast %multiple_of3A_281 : i32 to index
        %get3A_283 = tpu.vector_load %arg9[%get3A_282] {strides = array<i32>} : memref<5888xi32, #tpu.memory_space<vmem>>, vector<16xi32>,
        %swap3A_284 = arith.index_cast %rem3A_215 : i32 to index
        %swap3A_285 = arith.constant 96 : index
        %swap3A_286 = tpu.vector_load %arg11[%swap3A_284, %swap3A_285] {strides = array<i32>} : memref<3x128xi32, #tpu.memory_space<vmem>>, vector<16xi32>,
        tpu.vector_store %arg11[%swap3A_284, %swap3A_285], %get3A_283 {strides = array<i32>} : memref<3x128xi32, #tpu.memory_space<vmem>>, vector<16xi32>,
        %add3A_287 = arith.constant 112 : i32
        %add3A_288 = arith.addi %multiple_of3A, %add3A_287 : i32
        %multiple_of3A_289 = tpu.assume_multiple %add3A_288, 16 : i32
        %get3A_290 = arith.index_cast %multiple_of3A_289 : i32 to index
        %get3A_291 = tpu.vector_load %arg9[%get3A_290] {strides = array<i32>} : memref<5888xi32, #tpu.memory_space<vmem>>, vector<16xi32>,
        %swap3A_292 = arith.index_cast %rem3A_215 : i32 to index
        %swap3A_293 = arith.constant 112 : index
        %swap3A_294 = tpu.vector_load %arg11[%swap3A_292, %swap3A_293] {strides = array<i32>} : memref<3x128xi32, #tpu.memory_space<vmem>>, vector<16xi32>,
        tpu.vector_store %arg11[%swap3A_292, %swap3A_293], %get3A_291 {strides = array<i32>} : memref<3x128xi32, #tpu.memory_space<vmem>>, vector<16xi32>,
        %dma_start3A = arith.constant 0 : i32
        %dma_start3A_295 = arith.constant 0 : i32
        %dma_start3A_296 = tpu.memref_slice %arg10[%rem3A_215, %dma_start3A, %dma_start3A_295] : memref<3x128x80xf32, #tpu.memory_space<vmem>> -> memref<1x128x80xf32, #tpu.memory_space<vmem>>
        %dma_start3A_297 = tpu.memref_squeeze %dma_start3A_296 : memref<1x128x80xf32, #tpu.memory_space<vmem>> -> memref<128x80xf32, #tpu.memory_space<vmem>>
        %dma_start3A_298 = arith.constant 0 : i32
        %dma_start3A_299 = tpu.memref_slice %arg11[%rem3A_215, %dma_start3A_298] : memref<3x128xi32, #tpu.memory_space<vmem>> -> memref<1x128xi32, #tpu.memory_space<vmem>>
        %dma_start3A_300 = tpu.memref_squeeze %dma_start3A_299 : memref<1x128xi32, #tpu.memory_space<vmem>> -> memref<128xi32, #tpu.memory_space<vmem>>
        %dma_start3A_301 = arith.constant 0 : i32
        %dma_start3A_302 = arith.constant 0 : i32
        %dma_start3A_303 = tpu.memref_slice %arg6[%dma_start3A_301, %dma_start3A_302] : memref<16256x80xf32, #tpu.memory_space<vmem_shared>> -> memref<16256x80xf32, #tpu.memory_space<vmem_shared>>
        %dma_start3A_304 = tpu.memref_slice %arg13[%rem3A_215] : memref<3x!tpu.dma_semaphore, #tpu.memory_space<semaphore_mem>> -> memref<1x!tpu.dma_semaphore, #tpu.memory_space<semaphore_mem>>
        %dma_start3A_305 = tpu.memref_squeeze %dma_start3A_304 : memref<1x!tpu.dma_semaphore, #tpu.memory_space<semaphore_mem>> -> memref<!tpu.dma_semaphore, #tpu.memory_space<semaphore_mem>>
        tpu.enqueue_indirect_dma source(%dma_start3A_297 : memref<128x80xf32, #tpu.memory_space<vmem>>) target(%dma_start3A_303 : memref<16256x80xf32, #tpu.memory_space<vmem_shared>>) offsets(%dma_start3A_300 : memref<128xi32, #tpu.memory_space<vmem>>) semaphore(%dma_start3A_305 : memref<!tpu.dma_semaphore, #tpu.memory_space<semaphore_mem>>) {add = true}
      }
      %while3A_197 = arith.constant 1 : i32
      scf.for %while3A_213 = %while3A_195 to %while3A_191 step %while3A_197  : i32 {
        %rem3A_214 = arith.constant 3 : i32
        %rem3A_215 = arith.remsi %while3A_213, %rem3A_214 : i32
        %mul3A_216 = arith.constant 128 : i32
        %mul3A_217 = arith.muli %while3A_213, %mul3A_216 : i32
        %multiple_of3A = tpu.assume_multiple %mul3A_217, 128 : i32
        %add3A_218 = arith.constant 2 : i32
        %add3A_219 = arith.addi %while3A_213, %add3A_218 : i32
        %lt3A_220 = arith.cmpi slt, %add3A_219, %select_n3A : i32
        %convert_element_type3A_221 = arith.extui %lt3A_220 : i1 to i32
        %cond3A_222 = arith.constant 0 : i32
        %cond3A_223 = arith.cmpi ne, %convert_element_type3A_221, %cond3A_222 : i32
        scf.if %cond3A_223 {
          %add3A_306 = arith.constant 2 : i32
          %add3A_307 = arith.addi %while3A_213, %add3A_306 : i32
          %rem3A_308 = arith.constant 3 : i32
          %rem3A_309 = arith.remsi %add3A_307, %rem3A_308 : i32
          %ge3A = arith.constant 1 : i32
          %ge3A_310 = arith.cmpi sge, %while3A_213, %ge3A : i32
          %convert_element_type3A_311 = arith.extui %ge3A_310 : i1 to i32
          %cond3A_312 = arith.constant 0 : i32
          %cond3A_313 = arith.cmpi ne, %convert_element_type3A_311, %cond3A_312 : i32
          scf.if %cond3A_313 {
            %dma_wait3A_329 = arith.constant 0 : i32
            %dma_wait3A_330 = arith.constant 0 : i32
            %dma_wait3A_331 = tpu.memref_slice %arg10[%rem3A_309, %dma_wait3A_329, %dma_wait3A_330] : memref<3x128x80xf32, #tpu.memory_space<vmem>> -> memref<1x128x80xf32, #tpu.memory_space<vmem>>
            %dma_wait3A_332 = tpu.memref_squeeze %dma_wait3A_331 : memref<1x128x80xf32, #tpu.memory_space<vmem>> -> memref<128x80xf32, #tpu.memory_space<vmem>>
            %dma_wait3A_333 = arith.constant 0 : i32
            %dma_wait3A_334 = tpu.memref_slice %arg11[%rem3A_309, %dma_wait3A_333] : memref<3x128xi32, #tpu.memory_space<vmem>> -> memref<1x128xi32, #tpu.memory_space<vmem>>
            %dma_wait3A_335 = tpu.memref_squeeze %dma_wait3A_334 : memref<1x128xi32, #tpu.memory_space<vmem>> -> memref<128xi32, #tpu.memory_space<vmem>>
            %dma_wait3A_336 = arith.constant 0 : i32
            %dma_wait3A_337 = arith.constant 0 : i32
            %dma_wait3A_338 = tpu.memref_slice %arg6[%dma_wait3A_336, %dma_wait3A_337] : memref<16256x80xf32, #tpu.memory_space<vmem_shared>> -> memref<16256x80xf32, #tpu.memory_space<vmem_shared>>
            %dma_wait3A_339 = tpu.memref_slice %arg13[%rem3A_309] : memref<3x!tpu.dma_semaphore, #tpu.memory_space<semaphore_mem>> -> memref<1x!tpu.dma_semaphore, #tpu.memory_space<semaphore_mem>>
            %dma_wait3A_340 = tpu.memref_squeeze %dma_wait3A_339 : memref<1x!tpu.dma_semaphore, #tpu.memory_space<semaphore_mem>> -> memref<!tpu.dma_semaphore, #tpu.memory_space<semaphore_mem>>
            tpu.wait_indirect_dma semaphore(%dma_wait3A_340 : memref<!tpu.dma_semaphore, #tpu.memory_space<semaphore_mem>>) src(%dma_wait3A_332 : memref<128x80xf32, #tpu.memory_space<vmem>>) dst(%dma_wait3A_338 : memref<16256x80xf32, #tpu.memory_space<vmem_shared>>)
          } else {
          }
          %add3A_314 = arith.constant 2 : i32
          %add3A_315 = arith.addi %while3A_213, %add3A_314 : i32
          %mul3A_316 = arith.constant 128 : i32
          %mul3A_317 = arith.muli %add3A_315, %mul3A_316 : i32
          %multiple_of3A_318 = tpu.assume_multiple %mul3A_317, 128 : i32
          %dma_start3A_319 = arith.constant 0 : i32
          %dma_start3A_320 = arith.constant 0 : i32
          %dma_start3A_321 = tpu.memref_slice %arg10[%rem3A_309, %dma_start3A_319, %dma_start3A_320] : memref<3x128x80xf32, #tpu.memory_space<vmem>> -> memref<1x128x80xf32, #tpu.memory_space<vmem>>
          %dma_start3A_322 = tpu.memref_squeeze %dma_start3A_321 : memref<1x128x80xf32, #tpu.memory_space<vmem>> -> memref<128x80xf32, #tpu.memory_space<vmem>>
          %dma_start3A_323 = tpu.memref_slice %arg8[%multiple_of3A_318] : memref<5888xi32, #tpu.memory_space<vmem>> -> memref<128xi32, #tpu.memory_space<vmem>>
          %dma_start3A_324 = arith.constant 0 : i32
          %dma_start3A_325 = arith.constant 0 : i32
          %dma_start3A_326 = tpu.memref_slice %arg3[%dma_start3A_324, %dma_start3A_325] : memref<996864x80xf32, #tpu.memory_space<hbm>> -> memref<996864x80xf32, #tpu.memory_space<hbm>>
          %dma_start3A_327 = tpu.memref_slice %arg12[%rem3A_309] : memref<3x!tpu.dma_semaphore, #tpu.memory_space<semaphore_mem>> -> memref<1x!tpu.dma_semaphore, #tpu.memory_space<semaphore_mem>>
          %dma_start3A_328 = tpu.memref_squeeze %dma_start3A_327 : memref<1x!tpu.dma_semaphore, #tpu.memory_space<semaphore_mem>> -> memref<!tpu.dma_semaphore, #tpu.memory_space<semaphore_mem>>
          tpu.enqueue_indirect_dma source(%dma_start3A_326 : memref<996864x80xf32, #tpu.memory_space<hbm>>) target(%dma_start3A_322 : memref<128x80xf32, #tpu.memory_space<vmem>>) offsets(%dma_start3A_323 : memref<128xi32, #tpu.memory_space<vmem>>) semaphore(%dma_start3A_328 : memref<!tpu.dma_semaphore, #tpu.memory_space<semaphore_mem>>)
        } else {
        }
        %dma_wait3A = arith.constant 0 : i32
        %dma_wait3A_224 = arith.constant 0 : i32
        %dma_wait3A_225 = tpu.memref_slice %arg10[%rem3A_215, %dma_wait3A, %dma_wait3A_224] : memref<3x128x80xf32, #tpu.memory_space<vmem>> -> memref<1x128x80xf32, #tpu.memory_space<vmem>>
        %dma_wait3A_226 = tpu.memref_squeeze %dma_wait3A_225 : memref<1x128x80xf32, #tpu.memory_space<vmem>> -> memref<128x80xf32, #tpu.memory_space<vmem>>
        %dma_wait3A_227 = tpu.memref_slice %arg8[%multiple_of3A] : memref<5888xi32, #tpu.memory_space<vmem>> -> memref<128xi32, #tpu.memory_space<vmem>>
        %dma_wait3A_228 = arith.constant 0 : i32
        %dma_wait3A_229 = arith.constant 0 : i32
        %dma_wait3A_230 = tpu.memref_slice %arg3[%dma_wait3A_228, %dma_wait3A_229] : memref<996864x80xf32, #tpu.memory_space<hbm>> -> memref<996864x80xf32, #tpu.memory_space<hbm>>
        %dma_wait3A_231 = tpu.memref_slice %arg12[%rem3A_215] : memref<3x!tpu.dma_semaphore, #tpu.memory_space<semaphore_mem>> -> memref<1x!tpu.dma_semaphore, #tpu.memory_space<semaphore_mem>>
        %dma_wait3A_232 = tpu.memref_squeeze %dma_wait3A_231 : memref<1x!tpu.dma_semaphore, #tpu.memory_space<semaphore_mem>> -> memref<!tpu.dma_semaphore, #tpu.memory_space<semaphore_mem>>
        tpu.wait_indirect_dma semaphore(%dma_wait3A_232 : memref<!tpu.dma_semaphore, #tpu.memory_space<semaphore_mem>>) src(%dma_wait3A_230 : memref<996864x80xf32, #tpu.memory_space<hbm>>) dst(%dma_wait3A_226 : memref<128x80xf32, #tpu.memory_space<vmem>>)
        %add3A_233 = arith.constant 0 : i32
        %add3A_234 = arith.addi %multiple_of3A, %add3A_233 : i32
        %multiple_of3A_235 = tpu.assume_multiple %add3A_234, 16 : i32
        %get3A = arith.index_cast %multiple_of3A_235 : i32 to index
        %get3A_236 = tpu.vector_load %arg9[%get3A] {strides = array<i32>} : memref<5888xi32, #tpu.memory_space<vmem>>, vector<16xi32>,
        %swap3A = arith.index_cast %rem3A_215 : i32 to index
        %swap3A_237 = arith.constant 0 : index
        %swap3A_238 = tpu.vector_load %arg11[%swap3A, %swap3A_237] {strides = array<i32>} : memref<3x128xi32, #tpu.memory_space<vmem>>, vector<16xi32>,
        tpu.vector_store %arg11[%swap3A, %swap3A_237], %get3A_236 {strides = array<i32>} : memref<3x128xi32, #tpu.memory_space<vmem>>, vector<16xi32>,
        %add3A_239 = arith.constant 16 : i32
        %add3A_240 = arith.addi %multiple_of3A, %add3A_239 : i32
        %multiple_of3A_241 = tpu.assume_multiple %add3A_240, 16 : i32
        %get3A_242 = arith.index_cast %multiple_of3A_241 : i32 to index
        %get3A_243 = tpu.vector_load %arg9[%get3A_242] {strides = array<i32>} : memref<5888xi32, #tpu.memory_space<vmem>>, vector<16xi32>,
        %swap3A_244 = arith.index_cast %rem3A_215 : i32 to index
        %swap3A_245 = arith.constant 16 : index
        %swap3A_246 = tpu.vector_load %arg11[%swap3A_244, %swap3A_245] {strides = array<i32>} : memref<3x128xi32, #tpu.memory_space<vmem>>, vector<16xi32>,
        tpu.vector_store %arg11[%swap3A_244, %swap3A_245], %get3A_243 {strides = array<i32>} : memref<3x128xi32, #tpu.memory_space<vmem>>, vector<16xi32>,
        %add3A_247 = arith.constant 32 : i32
        %add3A_248 = arith.addi %multiple_of3A, %add3A_247 : i32
        %multiple_of3A_249 = tpu.assume_multiple %add3A_248, 16 : i32
        %get3A_250 = arith.index_cast %multiple_of3A_249 : i32 to index
        %get3A_251 = tpu.vector_load %arg9[%get3A_250] {strides = array<i32>} : memref<5888xi32, #tpu.memory_space<vmem>>, vector<16xi32>,
        %swap3A_252 = arith.index_cast %rem3A_215 : i32 to index
        %swap3A_253 = arith.constant 32 : index
        %swap3A_254 = tpu.vector_load %arg11[%swap3A_252, %swap3A_253] {strides = array<i32>} : memref<3x128xi32, #tpu.memory_space<vmem>>, vector<16xi32>,
        tpu.vector_store %arg11[%swap3A_252, %swap3A_253], %get3A_251 {strides = array<i32>} : memref<3x128xi32, #tpu.memory_space<vmem>>, vector<16xi32>,
        %add3A_255 = arith.constant 48 : i32
        %add3A_256 = arith.addi %multiple_of3A, %add3A_255 : i32
        %multiple_of3A_257 = tpu.assume_multiple %add3A_256, 16 : i32
        %get3A_258 = arith.index_cast %multiple_of3A_257 : i32 to index
        %get3A_259 = tpu.vector_load %arg9[%get3A_258] {strides = array<i32>} : memref<5888xi32, #tpu.memory_space<vmem>>, vector<16xi32>,
        %swap3A_260 = arith.index_cast %rem3A_215 : i32 to index
        %swap3A_261 = arith.constant 48 : index
        %swap3A_262 = tpu.vector_load %arg11[%swap3A_260, %swap3A_261] {strides = array<i32>} : memref<3x128xi32, #tpu.memory_space<vmem>>, vector<16xi32>,
        tpu.vector_store %arg11[%swap3A_260, %swap3A_261], %get3A_259 {strides = array<i32>} : memref<3x128xi32, #tpu.memory_space<vmem>>, vector<16xi32>,
        %add3A_263 = arith.constant 64 : i32
        %add3A_264 = arith.addi %multiple_of3A, %add3A_263 : i32
        %multiple_of3A_265 = tpu.assume_multiple %add3A_264, 16 : i32
        %get3A_266 = arith.index_cast %multiple_of3A_265 : i32 to index
        %get3A_267 = tpu.vector_load %arg9[%get3A_266] {strides = array<i32>} : memref<5888xi32, #tpu.memory_space<vmem>>, vector<16xi32>,
        %swap3A_268 = arith.index_cast %rem3A_215 : i32 to index
        %swap3A_269 = arith.constant 64 : index
        %swap3A_270 = tpu.vector_load %arg11[%swap3A_268, %swap3A_269] {strides = array<i32>} : memref<3x128xi32, #tpu.memory_space<vmem>>, vector<16xi32>,
        tpu.vector_store %arg11[%swap3A_268, %swap3A_269], %get3A_267 {strides = array<i32>} : memref<3x128xi32, #tpu.memory_space<vmem>>, vector<16xi32>,
        %add3A_271 = arith.constant 80 : i32
        %add3A_272 = arith.addi %multiple_of3A, %add3A_271 : i32
        %multiple_of3A_273 = tpu.assume_multiple %add3A_272, 16 : i32
        %get3A_274 = arith.index_cast %multiple_of3A_273 : i32 to index
        %get3A_275 = tpu.vector_load %arg9[%get3A_274] {strides = array<i32>} : memref<5888xi32, #tpu.memory_space<vmem>>, vector<16xi32>,
        %swap3A_276 = arith.index_cast %rem3A_215 : i32 to index
        %swap3A_277 = arith.constant 80 : index
        %swap3A_278 = tpu.vector_load %arg11[%swap3A_276, %swap3A_277] {strides = array<i32>} : memref<3x128xi32, #tpu.memory_space<vmem>>, vector<16xi32>,
        tpu.vector_store %arg11[%swap3A_276, %swap3A_277], %get3A_275 {strides = array<i32>} : memref<3x128xi32, #tpu.memory_space<vmem>>, vector<16xi32>,
        %add3A_279 = arith.constant 96 : i32
        %add3A_280 = arith.addi %multiple_of3A, %add3A_279 : i32
        %multiple_of3A_281 = tpu.assume_multiple %add3A_280, 16 : i32
        %get3A_282 = arith.index_cast %multiple_of3A_281 : i32 to index
        %get3A_283 = tpu.vector_load %arg9[%get3A_282] {strides = array<i32>} : memref<5888xi32, #tpu.memory_space<vmem>>, vector<16xi32>,
        %swap3A_284 = arith.index_cast %rem3A_215 : i32 to index
        %swap3A_285 = arith.constant 96 : index
        %swap3A_286 = tpu.vector_load %arg11[%swap3A_284, %swap3A_285] {strides = array<i32>} : memref<3x128xi32, #tpu.memory_space<vmem>>, vector<16xi32>,
        tpu.vector_store %arg11[%swap3A_284, %swap3A_285], %get3A_283 {strides = array<i32>} : memref<3x128xi32, #tpu.memory_space<vmem>>, vector<16xi32>,
        %add3A_287 = arith.constant 112 : i32
        %add3A_288 = arith.addi %multiple_of3A, %add3A_287 : i32
        %multiple_of3A_289 = tpu.assume_multiple %add3A_288, 16 : i32
        %get3A_290 = arith.index_cast %multiple_of3A_289 : i32 to index
        %get3A_291 = tpu.vector_load %arg9[%get3A_290] {strides = array<i32>} : memref<5888xi32, #tpu.memory_space<vmem>>, vector<16xi32>,
        %swap3A_292 = arith.index_cast %rem3A_215 : i32 to index
        %swap3A_293 = arith.constant 112 : index
        %swap3A_294 = tpu.vector_load %arg11[%swap3A_292, %swap3A_293] {strides = array<i32>} : memref<3x128xi32, #tpu.memory_space<vmem>>, vector<16xi32>,
        tpu.vector_store %arg11[%swap3A_292, %swap3A_293], %get3A_291 {strides = array<i32>} : memref<3x128xi32, #tpu.memory_space<vmem>>, vector<16xi32>,
        %dma_start3A = arith.constant 0 : i32
        %dma_start3A_295 = arith.constant 0 : i32
        %dma_start3A_296 = tpu.memref_slice %arg10[%rem3A_215, %dma_start3A, %dma_start3A_295] : memref<3x128x80xf32, #tpu.memory_space<vmem>> -> memref<1x128x80xf32, #tpu.memory_space<vmem>>
        %dma_start3A_297 = tpu.memref_squeeze %dma_start3A_296 : memref<1x128x80xf32, #tpu.memory_space<vmem>> -> memref<128x80xf32, #tpu.memory_space<vmem>>
        %dma_start3A_298 = arith.constant 0 : i32
        %dma_start3A_299 = tpu.memref_slice %arg11[%rem3A_215, %dma_start3A_298] : memref<3x128xi32, #tpu.memory_space<vmem>> -> memref<1x128xi32, #tpu.memory_space<vmem>>
        %dma_start3A_300 = tpu.memref_squeeze %dma_start3A_299 : memref<1x128xi32, #tpu.memory_space<vmem>> -> memref<128xi32, #tpu.memory_space<vmem>>
        %dma_start3A_301 = arith.constant 0 : i32
        %dma_start3A_302 = arith.constant 0 : i32
        %dma_start3A_303 = tpu.memref_slice %arg6[%dma_start3A_301, %dma_start3A_302] : memref<16256x80xf32, #tpu.memory_space<vmem_shared>> -> memref<16256x80xf32, #tpu.memory_space<vmem_shared>>
        %dma_start3A_304 = tpu.memref_slice %arg13[%rem3A_215] : memref<3x!tpu.dma_semaphore, #tpu.memory_space<semaphore_mem>> -> memref<1x!tpu.dma_semaphore, #tpu.memory_space<semaphore_mem>>
        %dma_start3A_305 = tpu.memref_squeeze %dma_start3A_304 : memref<1x!tpu.dma_semaphore, #tpu.memory_space<semaphore_mem>> -> memref<!tpu.dma_semaphore, #tpu.memory_space<semaphore_mem>>
        tpu.enqueue_indirect_dma source(%dma_start3A_297 : memref<128x80xf32, #tpu.memory_space<vmem>>) target(%dma_start3A_303 : memref<16256x80xf32, #tpu.memory_space<vmem_shared>>) offsets(%dma_start3A_300 : memref<128xi32, #tpu.memory_space<vmem>>) semaphore(%dma_start3A_305 : memref<!tpu.dma_semaphore, #tpu.memory_space<semaphore_mem>>) {add = true}
      }
      %gt3A_198 = arith.constant 0 : i32
      %gt3A_199 = arith.cmpi sgt, %select_n3A, %gt3A_198 : i32
      %convert_element_type3A_200 = arith.extui %gt3A_199 : i1 to i32
      %cond3A_201 = arith.constant 0 : i32
      %cond3A_202 = arith.cmpi ne, %convert_element_type3A_200, %cond3A_201 : i32
      scf.if %cond3A_202 {
        %sub3A_213 = arith.constant 1 : i32
        %sub3A_214 = arith.subi %select_n3A, %sub3A_213 : i32
        %sub3A_215 = arith.constant 0 : i32
        %sub3A_216 = arith.subi %sub3A_214, %sub3A_215 : i32
        %rem3A_217 = arith.constant 3 : i32
        %rem3A_218 = arith.remsi %sub3A_216, %rem3A_217 : i32
        %dma_wait3A = arith.constant 0 : i32
        %dma_wait3A_219 = arith.constant 0 : i32
        %dma_wait3A_220 = tpu.memref_slice %arg10[%rem3A_218, %dma_wait3A, %dma_wait3A_219] : memref<3x128x80xf32, #tpu.memory_space<vmem>> -> memref<1x128x80xf32, #tpu.memory_space<vmem>>
        %dma_wait3A_221 = tpu.memref_squeeze %dma_wait3A_220 : memref<1x128x80xf32, #tpu.memory_space<vmem>> -> memref<128x80xf32, #tpu.memory_space<vmem>>
        %dma_wait3A_222 = arith.constant 0 : i32
        %dma_wait3A_223 = tpu.memref_slice %arg11[%rem3A_218, %dma_wait3A_222] : memref<3x128xi32, #tpu.memory_space<vmem>> -> memref<1x128xi32, #tpu.memory_space<vmem>>
        %dma_wait3A_224 = tpu.memref_squeeze %dma_wait3A_223 : memref<1x128xi32, #tpu.memory_space<vmem>> -> memref<128xi32, #tpu.memory_space<vmem>>
        %dma_wait3A_225 = arith.constant 0 : i32
        %dma_wait3A_226 = arith.constant 0 : i32
        %dma_wait3A_227 = tpu.memref_slice %arg6[%dma_wait3A_225, %dma_wait3A_226] : memref<16256x80xf32, #tpu.memory_space<vmem_shared>> -> memref<16256x80xf32, #tpu.memory_space<vmem_shared>>
        %dma_wait3A_228 = tpu.memref_slice %arg13[%rem3A_218] : memref<3x!tpu.dma_semaphore, #tpu.memory_space<semaphore_mem>> -> memref<1x!tpu.dma_semaphore, #tpu.memory_space<semaphore_mem>>
        %dma_wait3A_229 = tpu.memref_squeeze %dma_wait3A_228 : memref<1x!tpu.dma_semaphore, #tpu.memory_space<semaphore_mem>> -> memref<!tpu.dma_semaphore, #tpu.memory_space<semaphore_mem>>
        tpu.wait_indirect_dma semaphore(%dma_wait3A_229 : memref<!tpu.dma_semaphore, #tpu.memory_space<semaphore_mem>>) src(%dma_wait3A_221 : memref<128x80xf32, #tpu.memory_space<vmem>>) dst(%dma_wait3A_227 : memref<16256x80xf32, #tpu.memory_space<vmem_shared>>)
      } else {
      }
      %gt3A_203 = arith.constant 1 : i32
      %gt3A_204 = arith.cmpi sgt, %select_n3A, %gt3A_203 : i32
      %convert_element_type3A_205 = arith.extui %gt3A_204 : i1 to i32
      %cond3A_206 = arith.constant 0 : i32
      %cond3A_207 = arith.cmpi ne, %convert_element_type3A_205, %cond3A_206 : i32
      scf.if %cond3A_207 {
        %sub3A_213 = arith.constant 1 : i32
        %sub3A_214 = arith.subi %select_n3A, %sub3A_213 : i32
        %sub3A_215 = arith.constant 1 : i32
        %sub3A_216 = arith.subi %sub3A_214, %sub3A_215 : i32
        %rem3A_217 = arith.constant 3 : i32
        %rem3A_218 = arith.remsi %sub3A_216, %rem3A_217 : i32
        %dma_wait3A = arith.constant 0 : i32
        %dma_wait3A_219 = arith.constant 0 : i32
        %dma_wait3A_220 = tpu.memref_slice %arg10[%rem3A_218, %dma_wait3A, %dma_wait3A_219] : memref<3x128x80xf32, #tpu.memory_space<vmem>> -> memref<1x128x80xf32, #tpu.memory_space<vmem>>
        %dma_wait3A_221 = tpu.memref_squeeze %dma_wait3A_220 : memref<1x128x80xf32, #tpu.memory_space<vmem>> -> memref<128x80xf32, #tpu.memory_space<vmem>>
        %dma_wait3A_222 = arith.constant 0 : i32
        %dma_wait3A_223 = tpu.memref_slice %arg11[%rem3A_218, %dma_wait3A_222] : memref<3x128xi32, #tpu.memory_space<vmem>> -> memref<1x128xi32, #tpu.memory_space<vmem>>
        %dma_wait3A_224 = tpu.memref_squeeze %dma_wait3A_223 : memref<1x128xi32, #tpu.memory_space<vmem>> -> memref<128xi32, #tpu.memory_space<vmem>>
        %dma_wait3A_225 = arith.constant 0 : i32
        %dma_wait3A_226 = arith.constant 0 : i32
        %dma_wait3A_227 = tpu.memref_slice %arg6[%dma_wait3A_225, %dma_wait3A_226] : memref<16256x80xf32, #tpu.memory_space<vmem_shared>> -> memref<16256x80xf32, #tpu.memory_space<vmem_shared>>
        %dma_wait3A_228 = tpu.memref_slice %arg13[%rem3A_218] : memref<3x!tpu.dma_semaphore, #tpu.memory_space<semaphore_mem>> -> memref<1x!tpu.dma_semaphore, #tpu.memory_space<semaphore_mem>>
        %dma_wait3A_229 = tpu.memref_squeeze %dma_wait3A_228 : memref<1x!tpu.dma_semaphore, #tpu.memory_space<semaphore_mem>> -> memref<!tpu.dma_semaphore, #tpu.memory_space<semaphore_mem>>
        tpu.wait_indirect_dma semaphore(%dma_wait3A_229 : memref<!tpu.dma_semaphore, #tpu.memory_space<semaphore_mem>>) src(%dma_wait3A_221 : memref<128x80xf32, #tpu.memory_space<vmem>>) dst(%dma_wait3A_227 : memref<16256x80xf32, #tpu.memory_space<vmem_shared>>)
      } else {
      }
      %gt3A_208 = arith.constant 2 : i32
      %gt3A_209 = arith.cmpi sgt, %select_n3A, %gt3A_208 : i32
      %convert_element_type3A_210 = arith.extui %gt3A_209 : i1 to i32
      %cond3A_211 = arith.constant 0 : i32
      %cond3A_212 = arith.cmpi ne, %convert_element_type3A_210, %cond3A_211 : i32
      scf.if %cond3A_212 {
        %sub3A_213 = arith.constant 1 : i32
        %sub3A_214 = arith.subi %select_n3A, %sub3A_213 : i32
        %sub3A_215 = arith.constant 2 : i32
        %sub3A_216 = arith.subi %sub3A_214, %sub3A_215 : i32
        %rem3A_217 = arith.constant 3 : i32
        %rem3A_218 = arith.remsi %sub3A_216, %rem3A_217 : i32
        %dma_wait3A = arith.constant 0 : i32
        %dma_wait3A_219 = arith.constant 0 : i32
        %dma_wait3A_220 = tpu.memref_slice %arg10[%rem3A_218, %dma_wait3A, %dma_wait3A_219] : memref<3x128x80xf32, #tpu.memory_space<vmem>> -> memref<1x128x80xf32, #tpu.memory_space<vmem>>
        %dma_wait3A_221 = tpu.memref_squeeze %dma_wait3A_220 : memref<1x128x80xf32, #tpu.memory_space<vmem>> -> memref<128x80xf32, #tpu.memory_space<vmem>>
        %dma_wait3A_222 = arith.constant 0 : i32
        %dma_wait3A_223 = tpu.memref_slice %arg11[%rem3A_218, %dma_wait3A_222] : memref<3x128xi32, #tpu.memory_space<vmem>> -> memref<1x128xi32, #tpu.memory_space<vmem>>
        %dma_wait3A_224 = tpu.memref_squeeze %dma_wait3A_223 : memref<1x128xi32, #tpu.memory_space<vmem>> -> memref<128xi32, #tpu.memory_space<vmem>>
        %dma_wait3A_225 = arith.constant 0 : i32
        %dma_wait3A_226 = arith.constant 0 : i32
        %dma_wait3A_227 = tpu.memref_slice %arg6[%dma_wait3A_225, %dma_wait3A_226] : memref<16256x80xf32, #tpu.memory_space<vmem_shared>> -> memref<16256x80xf32, #tpu.memory_space<vmem_shared>>
        %dma_wait3A_228 = tpu.memref_slice %arg13[%rem3A_218] : memref<3x!tpu.dma_semaphore, #tpu.memory_space<semaphore_mem>> -> memref<1x!tpu.dma_semaphore, #tpu.memory_space<semaphore_mem>>
        %dma_wait3A_229 = tpu.memref_squeeze %dma_wait3A_228 : memref<1x!tpu.dma_semaphore, #tpu.memory_space<semaphore_mem>> -> memref<!tpu.dma_semaphore, #tpu.memory_space<semaphore_mem>>
        tpu.wait_indirect_dma semaphore(%dma_wait3A_229 : memref<!tpu.dma_semaphore, #tpu.memory_space<semaphore_mem>>) src(%dma_wait3A_221 : memref<128x80xf32, #tpu.memory_space<vmem>>) dst(%dma_wait3A_227 : memref<16256x80xf32, #tpu.memory_space<vmem_shared>>)
      } else {
      }
    }
    %scan3A_98 = arith.constant 11 : i32
    %barrier3A_99 = arith.constant 0 : index
    tpu.barrier barrier_id(%barrier3A_99)
    %lt3A_100 = arith.constant 15 : i32
    %lt3A_101 = arith.cmpi slt, %arg1, %lt3A_100 : i32
    %convert_element_type3A_102 = arith.extui %lt3A_101 : i1 to i32
    %cond3A_103 = arith.constant 0 : i32
    %cond3A_104 = arith.cmpi ne, %convert_element_type3A_102, %cond3A_103 : i32
    scf.if %cond3A_104 {
      %mul3A_111 = arith.constant 1016 : i32
      %mul3A_112 = arith.muli %arg1, %mul3A_111 : i32
      %mul3A_113 = arith.constant 1016 : i32
      %mul3A_114 = arith.muli %arg1, %mul3A_113 : i32
      %add3A_115 = arith.addi %mul3A_87, %mul3A_114 : i32
      "tpu.region"() ({
        %run_scoped3A = tpu.sem_alloc : memref<!tpu.dma_semaphore, #tpu.memory_space<semaphore_mem>>
        %dma_start3A = arith.constant 0 : i32
        %dma_start3A_116 = tpu.memref_slice %arg5[%add3A_115, %dma_start3A] : memref<129600x80xf32, #tpu.memory_space<hbm>> -> memref<1016x80xf32, #tpu.memory_space<hbm>>
        %dma_start3A_117 = arith.constant 0 : i32
        %dma_start3A_118 = tpu.memref_slice %arg6[%mul3A_112, %dma_start3A_117] : memref<16256x80xf32, #tpu.memory_space<vmem_shared>> -> memref<1016x80xf32, #tpu.memory_space<vmem_shared>>
        tpu.enqueue_dma source(%dma_start3A_118 : memref<1016x80xf32, #tpu.memory_space<vmem_shared>>) target(%dma_start3A_116 : memref<1016x80xf32, #tpu.memory_space<hbm>>) target_semaphore(%run_scoped3A : memref<!tpu.dma_semaphore, #tpu.memory_space<semaphore_mem>>)
        %dma_wait3A = arith.constant 0 : i32
        %dma_wait3A_119 = tpu.memref_slice %arg5[%add3A_115, %dma_wait3A] : memref<129600x80xf32, #tpu.memory_space<hbm>> -> memref<1016x80xf32, #tpu.memory_space<hbm>>
        %dma_wait3A_120 = arith.constant 0 : i32
        %dma_wait3A_121 = tpu.memref_slice %arg6[%mul3A_112, %dma_wait3A_120] : memref<16256x80xf32, #tpu.memory_space<vmem_shared>> -> memref<1016x80xf32, #tpu.memory_space<vmem_shared>>
        tpu.wait_dma2 semaphore(%run_scoped3A : memref<!tpu.dma_semaphore, #tpu.memory_space<semaphore_mem>>) src(%dma_wait3A_121 : memref<1016x80xf32, #tpu.memory_space<vmem_shared>>) dst(%dma_wait3A_119 : memref<1016x80xf32, #tpu.memory_space<hbm>>)
        tpu.yield
      }) : () -> ()
    } else {
    }
    %eq3A_105 = arith.constant 15 : i32
    %eq3A_106 = arith.cmpi eq, %arg1, %eq3A_105 : i32
    %convert_element_type3A_107 = arith.extui %eq3A_106 : i1 to i32
    %cond3A_108 = arith.constant 0 : i32
    %cond3A_109 = arith.cmpi ne, %convert_element_type3A_107, %cond3A_108 : i32
    scf.if %cond3A_109 {
      %add3A_111 = arith.constant 15240 : i32
      %add3A_112 = arith.addi %mul3A_87, %add3A_111 : i32
      "tpu.region"() ({
        %run_scoped3A = tpu.sem_alloc : memref<!tpu.dma_semaphore, #tpu.memory_space<semaphore_mem>>
        %dma_start3A = arith.constant 0 : i32
        %dma_start3A_113 = tpu.memref_slice %arg5[%add3A_112, %dma_start3A] : memref<129600x80xf32, #tpu.memory_space<hbm>> -> memref<960x80xf32, #tpu.memory_space<hbm>>
        %dma_start3A_114 = arith.constant 15240 : i32
        %dma_start3A_115 = arith.constant 0 : i32
        %dma_start3A_116 = tpu.memref_slice %arg6[%dma_start3A_114, %dma_start3A_115] : memref<16256x80xf32, #tpu.memory_space<vmem_shared>> -> memref<960x80xf32, #tpu.memory_space<vmem_shared>>
        tpu.enqueue_dma source(%dma_start3A_116 : memref<960x80xf32, #tpu.memory_space<vmem_shared>>) target(%dma_start3A_113 : memref<960x80xf32, #tpu.memory_space<hbm>>) target_semaphore(%run_scoped3A : memref<!tpu.dma_semaphore, #tpu.memory_space<semaphore_mem>>)
        %dma_wait3A = arith.constant 0 : i32
        %dma_wait3A_117 = tpu.memref_slice %arg5[%add3A_112, %dma_wait3A] : memref<129600x80xf32, #tpu.memory_space<hbm>> -> memref<960x80xf32, #tpu.memory_space<hbm>>
        %dma_wait3A_118 = arith.constant 15240 : i32
        %dma_wait3A_119 = arith.constant 0 : i32
        %dma_wait3A_120 = tpu.memref_slice %arg6[%dma_wait3A_118, %dma_wait3A_119] : memref<16256x80xf32, #tpu.memory_space<vmem_shared>> -> memref<960x80xf32, #tpu.memory_space<vmem_shared>>
        tpu.wait_dma2 semaphore(%run_scoped3A : memref<!tpu.dma_semaphore, #tpu.memory_space<semaphore_mem>>) src(%dma_wait3A_120 : memref<960x80xf32, #tpu.memory_space<vmem_shared>>) dst(%dma_wait3A_117 : memref<960x80xf32, #tpu.memory_space<hbm>>)
        tpu.yield
      }) : () -> ()
    } else {
    }
    %barrier3A_110 = arith.constant 0 : index
    tpu.barrier barrier_id(%barrier3A_110)
    return
  }
}

module attributes {stable_mosaic.version = 14 : i64} {
  func.func @_geom_body(%arg0: i32, %arg1: memref<6x36xf32, #tpu.memory_space<smem>>, %arg2: memref<1298x128xf32, #tpu.memory_space<vmem>>, %arg3: memref<1298x128xf32, #tpu.memory_space<vmem>>, %arg4: memref<1298x128xf32, #tpu.memory_space<vmem>>, %arg5: memref<1x1298x128xi32, #tpu.memory_space<vmem>>) attributes {dimension_semantics = [#tpu.dimension_semantics<arbitrary>], iteration_bounds = array<i64: 6>, scalar_prefetch = 0 : i64, scratch_operands = 0 : i64, tpu.core_type = #tpu.core_type<tc>, window_params = [{transform_indices = @transform_0, window_bounds = array<i64: 6, 36>}, {pipeline_mode = #tpu.pipeline_mode<synchronous>, transform_indices = @transform_1, window_bounds = array<i64: 1298, 128>}, {pipeline_mode = #tpu.pipeline_mode<synchronous>, transform_indices = @transform_2, window_bounds = array<i64: 1298, 128>}, {pipeline_mode = #tpu.pipeline_mode<synchronous>, transform_indices = @transform_3, window_bounds = array<i64: 1298, 128>}, {transform_indices = @transform_4, window_bounds = array<i64: 1, 1298, 128>}]} {
    %get3A = arith.constant 0 : index
    %get3A_0 = arith.constant 0 : index
    %get3A_1 = vector.load %arg2[%get3A, %get3A_0] : memref<1298x128xf32, #tpu.memory_space<vmem>>, vector<1298x128xf32>
    %get3A_2 = arith.constant 0 : index
    %get3A_3 = arith.constant 0 : index
    %get3A_4 = vector.load %arg3[%get3A_2, %get3A_3] : memref<1298x128xf32, #tpu.memory_space<vmem>>, vector<1298x128xf32>
    %get3A_5 = arith.constant 0 : index
    %get3A_6 = arith.constant 0 : index
    %get3A_7 = vector.load %arg4[%get3A_5, %get3A_6] : memref<1298x128xf32, #tpu.memory_space<vmem>>, vector<1298x128xf32>
    %get3A_8 = arith.index_cast %arg0 : i32 to index
    %get3A_9 = arith.constant 9 : index
    %get3A_10 = memref.load %arg1[%get3A_8, %get3A_9] : memref<6x36xf32, #tpu.memory_space<smem>>
    %sub3A = vector.broadcast %get3A_10 : f32 to vector<1298x128xf32>
    %sub3A_11 = arith.subf %get3A_1, %sub3A : vector<1298x128xf32>
    %convert_element_type3A = arith.truncf %sub3A_11 : vector<1298x128xf32> to vector<1298x128xbf16>
    %convert_element_type3A_12 = arith.extf %convert_element_type3A : vector<1298x128xbf16> to vector<1298x128xf32>
    %get3A_13 = arith.index_cast %arg0 : i32 to index
    %get3A_14 = arith.constant 10 : index
    %get3A_15 = memref.load %arg1[%get3A_13, %get3A_14] : memref<6x36xf32, #tpu.memory_space<smem>>
    %sub3A_16 = vector.broadcast %get3A_15 : f32 to vector<1298x128xf32>
    %sub3A_17 = arith.subf %get3A_4, %sub3A_16 : vector<1298x128xf32>
    %convert_element_type3A_18 = arith.truncf %sub3A_17 : vector<1298x128xf32> to vector<1298x128xbf16>
    %convert_element_type3A_19 = arith.extf %convert_element_type3A_18 : vector<1298x128xbf16> to vector<1298x128xf32>
    %get3A_20 = arith.index_cast %arg0 : i32 to index
    %get3A_21 = arith.constant 11 : index
    %get3A_22 = memref.load %arg1[%get3A_20, %get3A_21] : memref<6x36xf32, #tpu.memory_space<smem>>
    %sub3A_23 = vector.broadcast %get3A_22 : f32 to vector<1298x128xf32>
    %sub3A_24 = arith.subf %get3A_7, %sub3A_23 : vector<1298x128xf32>
    %convert_element_type3A_25 = arith.truncf %sub3A_24 : vector<1298x128xf32> to vector<1298x128xbf16>
    %convert_element_type3A_26 = arith.extf %convert_element_type3A_25 : vector<1298x128xbf16> to vector<1298x128xf32>
    %get3A_27 = arith.index_cast %arg0 : i32 to index
    %get3A_28 = arith.constant 0 : index
    %get3A_29 = memref.load %arg1[%get3A_27, %get3A_28] : memref<6x36xf32, #tpu.memory_space<smem>>
    %convert_element_type3A_30 = arith.truncf %get3A_29 : f32 to bf16
    %convert_element_type3A_31 = arith.extf %convert_element_type3A_30 : bf16 to f32
    %mul3A = vector.broadcast %convert_element_type3A_31 : f32 to vector<1298x128xf32>
    %mul3A_32 = arith.mulf %mul3A, %convert_element_type3A_12 : vector<1298x128xf32>
    %get3A_33 = arith.index_cast %arg0 : i32 to index
    %get3A_34 = arith.constant 1 : index
    %get3A_35 = memref.load %arg1[%get3A_33, %get3A_34] : memref<6x36xf32, #tpu.memory_space<smem>>
    %convert_element_type3A_36 = arith.truncf %get3A_35 : f32 to bf16
    %convert_element_type3A_37 = arith.extf %convert_element_type3A_36 : bf16 to f32
    %mul3A_38 = vector.broadcast %convert_element_type3A_37 : f32 to vector<1298x128xf32>
    %mul3A_39 = arith.mulf %mul3A_38, %convert_element_type3A_19 : vector<1298x128xf32>
    %add3A = arith.addf %mul3A_32, %mul3A_39 : vector<1298x128xf32>
    %get3A_40 = arith.index_cast %arg0 : i32 to index
    %get3A_41 = arith.constant 2 : index
    %get3A_42 = memref.load %arg1[%get3A_40, %get3A_41] : memref<6x36xf32, #tpu.memory_space<smem>>
    %convert_element_type3A_43 = arith.truncf %get3A_42 : f32 to bf16
    %convert_element_type3A_44 = arith.extf %convert_element_type3A_43 : bf16 to f32
    %mul3A_45 = vector.broadcast %convert_element_type3A_44 : f32 to vector<1298x128xf32>
    %mul3A_46 = arith.mulf %mul3A_45, %convert_element_type3A_26 : vector<1298x128xf32>
    %add3A_47 = arith.addf %add3A, %mul3A_46 : vector<1298x128xf32>
    %get3A_48 = arith.index_cast %arg0 : i32 to index
    %get3A_49 = arith.constant 3 : index
    %get3A_50 = memref.load %arg1[%get3A_48, %get3A_49] : memref<6x36xf32, #tpu.memory_space<smem>>
    %convert_element_type3A_51 = arith.truncf %get3A_50 : f32 to bf16
    %convert_element_type3A_52 = arith.extf %convert_element_type3A_51 : bf16 to f32
    %mul3A_53 = vector.broadcast %convert_element_type3A_52 : f32 to vector<1298x128xf32>
    %mul3A_54 = arith.mulf %mul3A_53, %convert_element_type3A_12 : vector<1298x128xf32>
    %get3A_55 = arith.index_cast %arg0 : i32 to index
    %get3A_56 = arith.constant 4 : index
    %get3A_57 = memref.load %arg1[%get3A_55, %get3A_56] : memref<6x36xf32, #tpu.memory_space<smem>>
    %convert_element_type3A_58 = arith.truncf %get3A_57 : f32 to bf16
    %convert_element_type3A_59 = arith.extf %convert_element_type3A_58 : bf16 to f32
    %mul3A_60 = vector.broadcast %convert_element_type3A_59 : f32 to vector<1298x128xf32>
    %mul3A_61 = arith.mulf %mul3A_60, %convert_element_type3A_19 : vector<1298x128xf32>
    %add3A_62 = arith.addf %mul3A_54, %mul3A_61 : vector<1298x128xf32>
    %get3A_63 = arith.index_cast %arg0 : i32 to index
    %get3A_64 = arith.constant 5 : index
    %get3A_65 = memref.load %arg1[%get3A_63, %get3A_64] : memref<6x36xf32, #tpu.memory_space<smem>>
    %convert_element_type3A_66 = arith.truncf %get3A_65 : f32 to bf16
    %convert_element_type3A_67 = arith.extf %convert_element_type3A_66 : bf16 to f32
    %mul3A_68 = vector.broadcast %convert_element_type3A_67 : f32 to vector<1298x128xf32>
    %mul3A_69 = arith.mulf %mul3A_68, %convert_element_type3A_26 : vector<1298x128xf32>
    %add3A_70 = arith.addf %add3A_62, %mul3A_69 : vector<1298x128xf32>
    %get3A_71 = arith.index_cast %arg0 : i32 to index
    %get3A_72 = arith.constant 6 : index
    %get3A_73 = memref.load %arg1[%get3A_71, %get3A_72] : memref<6x36xf32, #tpu.memory_space<smem>>
    %convert_element_type3A_74 = arith.truncf %get3A_73 : f32 to bf16
    %convert_element_type3A_75 = arith.extf %convert_element_type3A_74 : bf16 to f32
    %mul3A_76 = vector.broadcast %convert_element_type3A_75 : f32 to vector<1298x128xf32>
    %mul3A_77 = arith.mulf %mul3A_76, %convert_element_type3A_12 : vector<1298x128xf32>
    %get3A_78 = arith.index_cast %arg0 : i32 to index
    %get3A_79 = arith.constant 7 : index
    %get3A_80 = memref.load %arg1[%get3A_78, %get3A_79] : memref<6x36xf32, #tpu.memory_space<smem>>
    %convert_element_type3A_81 = arith.truncf %get3A_80 : f32 to bf16
    %convert_element_type3A_82 = arith.extf %convert_element_type3A_81 : bf16 to f32
    %mul3A_83 = vector.broadcast %convert_element_type3A_82 : f32 to vector<1298x128xf32>
    %mul3A_84 = arith.mulf %mul3A_83, %convert_element_type3A_19 : vector<1298x128xf32>
    %add3A_85 = arith.addf %mul3A_77, %mul3A_84 : vector<1298x128xf32>
    %get3A_86 = arith.index_cast %arg0 : i32 to index
    %get3A_87 = arith.constant 8 : index
    %get3A_88 = memref.load %arg1[%get3A_86, %get3A_87] : memref<6x36xf32, #tpu.memory_space<smem>>
    %convert_element_type3A_89 = arith.truncf %get3A_88 : f32 to bf16
    %convert_element_type3A_90 = arith.extf %convert_element_type3A_89 : bf16 to f32
    %mul3A_91 = vector.broadcast %convert_element_type3A_90 : f32 to vector<1298x128xf32>
    %mul3A_92 = arith.mulf %mul3A_91, %convert_element_type3A_26 : vector<1298x128xf32>
    %add3A_93 = arith.addf %add3A_85, %mul3A_92 : vector<1298x128xf32>
    %mul3A_94 = arith.mulf %add3A_47, %add3A_93 : vector<1298x128xf32>
    %convert_element_type3A_95 = arith.truncf %mul3A_94 : vector<1298x128xf32> to vector<1298x128xbf16>
    %convert_element_type3A_96 = arith.extf %convert_element_type3A_95 : vector<1298x128xbf16> to vector<1298x128xf32>
    %mul3A_97 = arith.mulf %add3A_70, %add3A_93 : vector<1298x128xf32>
    %convert_element_type3A_98 = arith.truncf %mul3A_97 : vector<1298x128xf32> to vector<1298x128xbf16>
    %convert_element_type3A_99 = arith.extf %convert_element_type3A_98 : vector<1298x128xbf16> to vector<1298x128xf32>
    %convert_element_type3A_100 = arith.truncf %add3A_93 : vector<1298x128xf32> to vector<1298x128xbf16>
    %convert_element_type3A_101 = arith.extf %convert_element_type3A_100 : vector<1298x128xbf16> to vector<1298x128xf32>
    %get3A_102 = arith.index_cast %arg0 : i32 to index
    %get3A_103 = arith.constant 12 : index
    %get3A_104 = memref.load %arg1[%get3A_102, %get3A_103] : memref<6x36xf32, #tpu.memory_space<smem>>
    %convert_element_type3A_105 = arith.truncf %get3A_104 : f32 to bf16
    %convert_element_type3A_106 = arith.extf %convert_element_type3A_105 : bf16 to f32
    %mul3A_107 = vector.broadcast %convert_element_type3A_106 : f32 to vector<1298x128xf32>
    %mul3A_108 = arith.mulf %mul3A_107, %convert_element_type3A_96 : vector<1298x128xf32>
    %get3A_109 = arith.index_cast %arg0 : i32 to index
    %get3A_110 = arith.constant 13 : index
    %get3A_111 = memref.load %arg1[%get3A_109, %get3A_110] : memref<6x36xf32, #tpu.memory_space<smem>>
    %convert_element_type3A_112 = arith.truncf %get3A_111 : f32 to bf16
    %convert_element_type3A_113 = arith.extf %convert_element_type3A_112 : bf16 to f32
    %mul3A_114 = vector.broadcast %convert_element_type3A_113 : f32 to vector<1298x128xf32>
    %mul3A_115 = arith.mulf %mul3A_114, %convert_element_type3A_99 : vector<1298x128xf32>
    %add3A_116 = arith.addf %mul3A_108, %mul3A_115 : vector<1298x128xf32>
    %get3A_117 = arith.index_cast %arg0 : i32 to index
    %get3A_118 = arith.constant 14 : index
    %get3A_119 = memref.load %arg1[%get3A_117, %get3A_118] : memref<6x36xf32, #tpu.memory_space<smem>>
    %convert_element_type3A_120 = arith.truncf %get3A_119 : f32 to bf16
    %convert_element_type3A_121 = arith.extf %convert_element_type3A_120 : bf16 to f32
    %mul3A_122 = vector.broadcast %convert_element_type3A_121 : f32 to vector<1298x128xf32>
    %mul3A_123 = arith.mulf %mul3A_122, %convert_element_type3A_101 : vector<1298x128xf32>
    %add3A_124 = arith.addf %add3A_116, %mul3A_123 : vector<1298x128xf32>
    %get3A_125 = arith.index_cast %arg0 : i32 to index
    %get3A_126 = arith.constant 21 : index
    %get3A_127 = memref.load %arg1[%get3A_125, %get3A_126] : memref<6x36xf32, #tpu.memory_space<smem>>
    %add3A_128 = vector.broadcast %get3A_127 : f32 to vector<1298x128xf32>
    %add3A_129 = arith.addf %add3A_124, %add3A_128 : vector<1298x128xf32>
    %get3A_130 = arith.index_cast %arg0 : i32 to index
    %get3A_131 = arith.constant 15 : index
    %get3A_132 = memref.load %arg1[%get3A_130, %get3A_131] : memref<6x36xf32, #tpu.memory_space<smem>>
    %convert_element_type3A_133 = arith.truncf %get3A_132 : f32 to bf16
    %convert_element_type3A_134 = arith.extf %convert_element_type3A_133 : bf16 to f32
    %mul3A_135 = vector.broadcast %convert_element_type3A_134 : f32 to vector<1298x128xf32>
    %mul3A_136 = arith.mulf %mul3A_135, %convert_element_type3A_96 : vector<1298x128xf32>
    %get3A_137 = arith.index_cast %arg0 : i32 to index
    %get3A_138 = arith.constant 16 : index
    %get3A_139 = memref.load %arg1[%get3A_137, %get3A_138] : memref<6x36xf32, #tpu.memory_space<smem>>
    %convert_element_type3A_140 = arith.truncf %get3A_139 : f32 to bf16
    %convert_element_type3A_141 = arith.extf %convert_element_type3A_140 : bf16 to f32
    %mul3A_142 = vector.broadcast %convert_element_type3A_141 : f32 to vector<1298x128xf32>
    %mul3A_143 = arith.mulf %mul3A_142, %convert_element_type3A_99 : vector<1298x128xf32>
    %add3A_144 = arith.addf %mul3A_136, %mul3A_143 : vector<1298x128xf32>
    %get3A_145 = arith.index_cast %arg0 : i32 to index
    %get3A_146 = arith.constant 17 : index
    %get3A_147 = memref.load %arg1[%get3A_145, %get3A_146] : memref<6x36xf32, #tpu.memory_space<smem>>
    %convert_element_type3A_148 = arith.truncf %get3A_147 : f32 to bf16
    %convert_element_type3A_149 = arith.extf %convert_element_type3A_148 : bf16 to f32
    %mul3A_150 = vector.broadcast %convert_element_type3A_149 : f32 to vector<1298x128xf32>
    %mul3A_151 = arith.mulf %mul3A_150, %convert_element_type3A_101 : vector<1298x128xf32>
    %add3A_152 = arith.addf %add3A_144, %mul3A_151 : vector<1298x128xf32>
    %get3A_153 = arith.index_cast %arg0 : i32 to index
    %get3A_154 = arith.constant 22 : index
    %get3A_155 = memref.load %arg1[%get3A_153, %get3A_154] : memref<6x36xf32, #tpu.memory_space<smem>>
    %add3A_156 = vector.broadcast %get3A_155 : f32 to vector<1298x128xf32>
    %add3A_157 = arith.addf %add3A_152, %add3A_156 : vector<1298x128xf32>
    %get3A_158 = arith.index_cast %arg0 : i32 to index
    %get3A_159 = arith.constant 18 : index
    %get3A_160 = memref.load %arg1[%get3A_158, %get3A_159] : memref<6x36xf32, #tpu.memory_space<smem>>
    %convert_element_type3A_161 = arith.truncf %get3A_160 : f32 to bf16
    %convert_element_type3A_162 = arith.extf %convert_element_type3A_161 : bf16 to f32
    %mul3A_163 = vector.broadcast %convert_element_type3A_162 : f32 to vector<1298x128xf32>
    %mul3A_164 = arith.mulf %mul3A_163, %convert_element_type3A_96 : vector<1298x128xf32>
    %get3A_165 = arith.index_cast %arg0 : i32 to index
    %get3A_166 = arith.constant 19 : index
    %get3A_167 = memref.load %arg1[%get3A_165, %get3A_166] : memref<6x36xf32, #tpu.memory_space<smem>>
    %convert_element_type3A_168 = arith.truncf %get3A_167 : f32 to bf16
    %convert_element_type3A_169 = arith.extf %convert_element_type3A_168 : bf16 to f32
    %mul3A_170 = vector.broadcast %convert_element_type3A_169 : f32 to vector<1298x128xf32>
    %mul3A_171 = arith.mulf %mul3A_170, %convert_element_type3A_99 : vector<1298x128xf32>
    %add3A_172 = arith.addf %mul3A_164, %mul3A_171 : vector<1298x128xf32>
    %get3A_173 = arith.index_cast %arg0 : i32 to index
    %get3A_174 = arith.constant 20 : index
    %get3A_175 = memref.load %arg1[%get3A_173, %get3A_174] : memref<6x36xf32, #tpu.memory_space<smem>>
    %convert_element_type3A_176 = arith.truncf %get3A_175 : f32 to bf16
    %convert_element_type3A_177 = arith.extf %convert_element_type3A_176 : bf16 to f32
    %mul3A_178 = vector.broadcast %convert_element_type3A_177 : f32 to vector<1298x128xf32>
    %mul3A_179 = arith.mulf %mul3A_178, %convert_element_type3A_101 : vector<1298x128xf32>
    %add3A_180 = arith.addf %add3A_172, %mul3A_179 : vector<1298x128xf32>
    %get3A_181 = arith.index_cast %arg0 : i32 to index
    %get3A_182 = arith.constant 23 : index
    %get3A_183 = memref.load %arg1[%get3A_181, %get3A_182] : memref<6x36xf32, #tpu.memory_space<smem>>
    %add3A_184 = vector.broadcast %get3A_183 : f32 to vector<1298x128xf32>
    %add3A_185 = arith.addf %add3A_180, %add3A_184 : vector<1298x128xf32>
    %convert_element_type3A_186 = arith.truncf %add3A_129 : vector<1298x128xf32> to vector<1298x128xbf16>
    %convert_element_type3A_187 = arith.extf %convert_element_type3A_186 : vector<1298x128xbf16> to vector<1298x128xf32>
    %convert_element_type3A_188 = arith.truncf %add3A_157 : vector<1298x128xf32> to vector<1298x128xbf16>
    %convert_element_type3A_189 = arith.extf %convert_element_type3A_188 : vector<1298x128xbf16> to vector<1298x128xf32>
    %convert_element_type3A_190 = arith.truncf %add3A_185 : vector<1298x128xf32> to vector<1298x128xbf16>
    %convert_element_type3A_191 = arith.extf %convert_element_type3A_190 : vector<1298x128xbf16> to vector<1298x128xf32>
    %get3A_192 = arith.index_cast %arg0 : i32 to index
    %get3A_193 = arith.constant 24 : index
    %get3A_194 = memref.load %arg1[%get3A_192, %get3A_193] : memref<6x36xf32, #tpu.memory_space<smem>>
    %convert_element_type3A_195 = arith.truncf %get3A_194 : f32 to bf16
    %convert_element_type3A_196 = arith.extf %convert_element_type3A_195 : bf16 to f32
    %mul3A_197 = vector.broadcast %convert_element_type3A_196 : f32 to vector<1298x128xf32>
    %mul3A_198 = arith.mulf %mul3A_197, %convert_element_type3A_187 : vector<1298x128xf32>
    %get3A_199 = arith.index_cast %arg0 : i32 to index
    %get3A_200 = arith.constant 25 : index
    %get3A_201 = memref.load %arg1[%get3A_199, %get3A_200] : memref<6x36xf32, #tpu.memory_space<smem>>
    %convert_element_type3A_202 = arith.truncf %get3A_201 : f32 to bf16
    %convert_element_type3A_203 = arith.extf %convert_element_type3A_202 : bf16 to f32
    %mul3A_204 = vector.broadcast %convert_element_type3A_203 : f32 to vector<1298x128xf32>
    %mul3A_205 = arith.mulf %mul3A_204, %convert_element_type3A_189 : vector<1298x128xf32>
    %add3A_206 = arith.addf %mul3A_198, %mul3A_205 : vector<1298x128xf32>
    %get3A_207 = arith.index_cast %arg0 : i32 to index
    %get3A_208 = arith.constant 26 : index
    %get3A_209 = memref.load %arg1[%get3A_207, %get3A_208] : memref<6x36xf32, #tpu.memory_space<smem>>
    %convert_element_type3A_210 = arith.truncf %get3A_209 : f32 to bf16
    %convert_element_type3A_211 = arith.extf %convert_element_type3A_210 : bf16 to f32
    %mul3A_212 = vector.broadcast %convert_element_type3A_211 : f32 to vector<1298x128xf32>
    %mul3A_213 = arith.mulf %mul3A_212, %convert_element_type3A_191 : vector<1298x128xf32>
    %add3A_214 = arith.addf %add3A_206, %mul3A_213 : vector<1298x128xf32>
    %get3A_215 = arith.index_cast %arg0 : i32 to index
    %get3A_216 = arith.constant 33 : index
    %get3A_217 = memref.load %arg1[%get3A_215, %get3A_216] : memref<6x36xf32, #tpu.memory_space<smem>>
    %add3A_218 = vector.broadcast %get3A_217 : f32 to vector<1298x128xf32>
    %add3A_219 = arith.addf %add3A_214, %add3A_218 : vector<1298x128xf32>
    %get3A_220 = arith.index_cast %arg0 : i32 to index
    %get3A_221 = arith.constant 27 : index
    %get3A_222 = memref.load %arg1[%get3A_220, %get3A_221] : memref<6x36xf32, #tpu.memory_space<smem>>
    %convert_element_type3A_223 = arith.truncf %get3A_222 : f32 to bf16
    %convert_element_type3A_224 = arith.extf %convert_element_type3A_223 : bf16 to f32
    %mul3A_225 = vector.broadcast %convert_element_type3A_224 : f32 to vector<1298x128xf32>
    %mul3A_226 = arith.mulf %mul3A_225, %convert_element_type3A_187 : vector<1298x128xf32>
    %get3A_227 = arith.index_cast %arg0 : i32 to index
    %get3A_228 = arith.constant 28 : index
    %get3A_229 = memref.load %arg1[%get3A_227, %get3A_228] : memref<6x36xf32, #tpu.memory_space<smem>>
    %convert_element_type3A_230 = arith.truncf %get3A_229 : f32 to bf16
    %convert_element_type3A_231 = arith.extf %convert_element_type3A_230 : bf16 to f32
    %mul3A_232 = vector.broadcast %convert_element_type3A_231 : f32 to vector<1298x128xf32>
    %mul3A_233 = arith.mulf %mul3A_232, %convert_element_type3A_189 : vector<1298x128xf32>
    %add3A_234 = arith.addf %mul3A_226, %mul3A_233 : vector<1298x128xf32>
    %get3A_235 = arith.index_cast %arg0 : i32 to index
    %get3A_236 = arith.constant 29 : index
    %get3A_237 = memref.load %arg1[%get3A_235, %get3A_236] : memref<6x36xf32, #tpu.memory_space<smem>>
    %convert_element_type3A_238 = arith.truncf %get3A_237 : f32 to bf16
    %convert_element_type3A_239 = arith.extf %convert_element_type3A_238 : bf16 to f32
    %mul3A_240 = vector.broadcast %convert_element_type3A_239 : f32 to vector<1298x128xf32>
    %mul3A_241 = arith.mulf %mul3A_240, %convert_element_type3A_191 : vector<1298x128xf32>
    %add3A_242 = arith.addf %add3A_234, %mul3A_241 : vector<1298x128xf32>
    %get3A_243 = arith.index_cast %arg0 : i32 to index
    %get3A_244 = arith.constant 34 : index
    %get3A_245 = memref.load %arg1[%get3A_243, %get3A_244] : memref<6x36xf32, #tpu.memory_space<smem>>
    %add3A_246 = vector.broadcast %get3A_245 : f32 to vector<1298x128xf32>
    %add3A_247 = arith.addf %add3A_242, %add3A_246 : vector<1298x128xf32>
    %get3A_248 = arith.index_cast %arg0 : i32 to index
    %get3A_249 = arith.constant 30 : index
    %get3A_250 = memref.load %arg1[%get3A_248, %get3A_249] : memref<6x36xf32, #tpu.memory_space<smem>>
    %convert_element_type3A_251 = arith.truncf %get3A_250 : f32 to bf16
    %convert_element_type3A_252 = arith.extf %convert_element_type3A_251 : bf16 to f32
    %mul3A_253 = vector.broadcast %convert_element_type3A_252 : f32 to vector<1298x128xf32>
    %mul3A_254 = arith.mulf %mul3A_253, %convert_element_type3A_187 : vector<1298x128xf32>
    %get3A_255 = arith.index_cast %arg0 : i32 to index
    %get3A_256 = arith.constant 31 : index
    %get3A_257 = memref.load %arg1[%get3A_255, %get3A_256] : memref<6x36xf32, #tpu.memory_space<smem>>
    %convert_element_type3A_258 = arith.truncf %get3A_257 : f32 to bf16
    %convert_element_type3A_259 = arith.extf %convert_element_type3A_258 : bf16 to f32
    %mul3A_260 = vector.broadcast %convert_element_type3A_259 : f32 to vector<1298x128xf32>
    %mul3A_261 = arith.mulf %mul3A_260, %convert_element_type3A_189 : vector<1298x128xf32>
    %add3A_262 = arith.addf %mul3A_254, %mul3A_261 : vector<1298x128xf32>
    %get3A_263 = arith.index_cast %arg0 : i32 to index
    %get3A_264 = arith.constant 32 : index
    %get3A_265 = memref.load %arg1[%get3A_263, %get3A_264] : memref<6x36xf32, #tpu.memory_space<smem>>
    %convert_element_type3A_266 = arith.truncf %get3A_265 : f32 to bf16
    %convert_element_type3A_267 = arith.extf %convert_element_type3A_266 : bf16 to f32
    %mul3A_268 = vector.broadcast %convert_element_type3A_267 : f32 to vector<1298x128xf32>
    %mul3A_269 = arith.mulf %mul3A_268, %convert_element_type3A_191 : vector<1298x128xf32>
    %add3A_270 = arith.addf %add3A_262, %mul3A_269 : vector<1298x128xf32>
    %get3A_271 = arith.index_cast %arg0 : i32 to index
    %get3A_272 = arith.constant 35 : index
    %get3A_273 = memref.load %arg1[%get3A_271, %get3A_272] : memref<6x36xf32, #tpu.memory_space<smem>>
    %add3A_274 = vector.broadcast %get3A_273 : f32 to vector<1298x128xf32>
    %add3A_275 = arith.addf %add3A_270, %add3A_274 : vector<1298x128xf32>
    %sub3A_276 = arith.constant -5.400000e+01 : f32
    %sub3A_277 = vector.broadcast %sub3A_276 : f32 to vector<1298x128xf32>
    %sub3A_278 = arith.subf %add3A_219, %sub3A_277 : vector<1298x128xf32>
    %mul3A_279 = arith.constant 3.33333325 : f32
    %mul3A_280 = vector.broadcast %mul3A_279 : f32 to vector<1298x128xf32>
    %mul3A_281 = arith.mulf %sub3A_278, %mul3A_280 : vector<1298x128xf32>
    %convert_element_type3A_282 = arith.fptosi %mul3A_281 : vector<1298x128xf32> to vector<1298x128xi32>
    %sub3A_283 = arith.constant -5.400000e+01 : f32
    %sub3A_284 = vector.broadcast %sub3A_283 : f32 to vector<1298x128xf32>
    %sub3A_285 = arith.subf %add3A_247, %sub3A_284 : vector<1298x128xf32>
    %mul3A_286 = arith.constant 3.33333325 : f32
    %mul3A_287 = vector.broadcast %mul3A_286 : f32 to vector<1298x128xf32>
    %mul3A_288 = arith.mulf %sub3A_285, %mul3A_287 : vector<1298x128xf32>
    %convert_element_type3A_289 = arith.fptosi %mul3A_288 : vector<1298x128xf32> to vector<1298x128xi32>
    %sub3A_290 = arith.constant -1.000000e+01 : f32
    %sub3A_291 = vector.broadcast %sub3A_290 : f32 to vector<1298x128xf32>
    %sub3A_292 = arith.subf %add3A_275, %sub3A_291 : vector<1298x128xf32>
    %mul3A_293 = arith.constant 5.000000e-02 : f32
    %mul3A_294 = vector.broadcast %mul3A_293 : f32 to vector<1298x128xf32>
    %mul3A_295 = arith.mulf %sub3A_292, %mul3A_294 : vector<1298x128xf32>
    %convert_element_type3A_296 = arith.fptosi %mul3A_295 : vector<1298x128xf32> to vector<1298x128xi32>
    %ge3A = arith.constant 0 : i32
    %ge3A_297 = vector.broadcast %ge3A : i32 to vector<1298x128xi32>
    %ge3A_298 = arith.cmpi sge, %convert_element_type3A_282, %ge3A_297 : vector<1298x128xi32>
    %lt3A = arith.constant 360 : i32
    %lt3A_299 = vector.broadcast %lt3A : i32 to vector<1298x128xi32>
    %lt3A_300 = arith.cmpi slt, %convert_element_type3A_282, %lt3A_299 : vector<1298x128xi32>
    %and3A = arith.andi %ge3A_298, %lt3A_300 : vector<1298x128xi1>
    %ge3A_301 = arith.constant 0 : i32
    %ge3A_302 = vector.broadcast %ge3A_301 : i32 to vector<1298x128xi32>
    %ge3A_303 = arith.cmpi sge, %convert_element_type3A_289, %ge3A_302 : vector<1298x128xi32>
    %and3A_304 = arith.andi %and3A, %ge3A_303 : vector<1298x128xi1>
    %lt3A_305 = arith.constant 360 : i32
    %lt3A_306 = vector.broadcast %lt3A_305 : i32 to vector<1298x128xi32>
    %lt3A_307 = arith.cmpi slt, %convert_element_type3A_289, %lt3A_306 : vector<1298x128xi32>
    %and3A_308 = arith.andi %and3A_304, %lt3A_307 : vector<1298x128xi1>
    %ge3A_309 = arith.constant 0 : i32
    %ge3A_310 = vector.broadcast %ge3A_309 : i32 to vector<1298x128xi32>
    %ge3A_311 = arith.cmpi sge, %convert_element_type3A_296, %ge3A_310 : vector<1298x128xi32>
    %and3A_312 = arith.andi %and3A_308, %ge3A_311 : vector<1298x128xi1>
    %lt3A_313 = arith.constant 1 : i32
    %lt3A_314 = vector.broadcast %lt3A_313 : i32 to vector<1298x128xi32>
    %lt3A_315 = arith.cmpi slt, %convert_element_type3A_296, %lt3A_314 : vector<1298x128xi32>
    %and3A_316 = arith.andi %and3A_312, %lt3A_315 : vector<1298x128xi1>
    %mul3A_317 = arith.constant 360 : i32
    %mul3A_318 = vector.broadcast %mul3A_317 : i32 to vector<1298x128xi32>
    %mul3A_319 = arith.muli %convert_element_type3A_282, %mul3A_318 : vector<1298x128xi32>
    %add3A_320 = arith.addi %mul3A_319, %convert_element_type3A_289 : vector<1298x128xi32>
    %jit3A = arith.constant 129600 : i32
    %broadcast_in_dim3A = vector.broadcast %jit3A : i32 to vector<1298x128xi32>
    %select_n3A = arith.select %and3A_316, %add3A_320, %broadcast_in_dim3A : vector<1298x128xi1>, vector<1298x128xi32>
    %broadcast_in_dim3A_321 = vector.shape_cast %select_n3A : vector<1298x128xi32> to vector<1x1298x128xi32>
    %swap3A = arith.constant 0 : index
    %swap3A_322 = arith.constant 0 : index
    %swap3A_323 = arith.constant 0 : index
    %swap3A_324 = vector.load %arg5[%swap3A, %swap3A_322, %swap3A_323] : memref<1x1298x128xi32, #tpu.memory_space<vmem>>, vector<1x1298x128xi32>
    tpu.vector_store %arg5[%swap3A, %swap3A_322, %swap3A_323], %broadcast_in_dim3A_321 {strides = array<i32>} : memref<1x1298x128xi32, #tpu.memory_space<vmem>>, vector<1x1298x128xi32>,
    return
  }
  func.func @transform_0(%arg0: i32) -> (i32, i32) {
    %c0_i32 = arith.constant 0 : i32
    %c0_i32_0 = arith.constant 0 : i32
    %c0_i32_1 = arith.constant 0 : i32
    return %c0_i32, %c0_i32_0 : i32, i32
  }
  func.func @transform_1(%arg0: i32) -> (i32, i32) {
    %c0_i32 = arith.constant 0 : i32
    %c0_i32_0 = arith.constant 0 : i32
    %c0_i32_1 = arith.constant 0 : i32
    return %c0_i32, %c0_i32_0 : i32, i32
  }
  func.func @transform_2(%arg0: i32) -> (i32, i32) {
    %c0_i32 = arith.constant 0 : i32
    %c0_i32_0 = arith.constant 0 : i32
    %c0_i32_1 = arith.constant 0 : i32
    return %c0_i32, %c0_i32_0 : i32, i32
  }
  func.func @transform_3(%arg0: i32) -> (i32, i32) {
    %c0_i32 = arith.constant 0 : i32
    %c0_i32_0 = arith.constant 0 : i32
    %c0_i32_1 = arith.constant 0 : i32
    return %c0_i32, %c0_i32_0 : i32, i32
  }
  func.func @transform_4(%arg0: i32) -> (i32, i32, i32) {
    %c0_i32 = arith.constant 0 : i32
    %c0_i32_0 = arith.constant 0 : i32
    %c0_i32_1 = arith.constant 0 : i32
    return %arg0, %c0_i32, %c0_i32_0 : i32, i32, i32
  }
}

</mosaic_0001>

<sc_bundles>
// kernel: kernel.4.cloned.1.call-start
scs
__scs_entry_jumppad:
0x0: {  	(pc) =	sbr.rel $0x88, $3  }
0x1: {  	(tag) =	ssettag $0x0;
	lr =	simm.s32 $0x1  }
0x2: {  	[smem:$0x3F9C] =	sst lr;
	_ =	strace $0xD0000000  }
0x3: {  	_ = 	snop  }
0x4: {  	_ = 	snop  }
0x5: {  	_ = 	snop  }
0x6: {  	_ = 	snop  }
0x7: {  	_ = 	snop  }
__scs_overlays_trampoline_lowered:
0x8: {  	[smem:$0x3FAB] =	sst s0  }
0x9: {  	[smem:$0x3FAC] =	sst s1  }
0xa: {  	[smem:$0x3FAD] =	sst s2  }
0xb: {  	[smem:$0x3FAE] =	sst s3  }
0xc: {  	[smem:$0x3FAF] =	sst s4  }
0xd: {  	[smem:$0x3FB0] =	sst s5  }
0xe: {  	[smem:$0x3FB1] =	sst s6  }
0xf: {  	[smem:$0x3FB2] =	sst s7  }
0x10: {  	[smem:$0x3FB3] =	sst s8  }
0x11: {  	[smem:$0x3FB4] =	sst s9;
	s0 =	simm.s32 @!p0 $0x0  }
0x12: {  	s1 =	sld [smem:$0x3F9A];
	s0 =	simm.s32 @p0 $0x1  }
0x13: {  	[smem:$0x3FB5] =	sst s0;
	s0 =	simm.s32 @!p1 $0x0  }
0x14: {  	s2 =	sld [smem:$0x3F99];
	s0 =	simm.s32 @p1 $0x1  }
0x15: {  	[smem:$0x3FB6] =	sst s0;
	s0 =	simm.s32 @!p2 $0x0  }
0x16: {  	s3 =	sld [smem:$0x3FDB];
	s0 =	simm.s32 @p2 $0x1  }
0x17: {  	s4 =	simm.s32 $0x1BF5;
	[smem:$0x3FB8] =	sst s0  }
0x18: {  	s0 =	sld [smem:$0x3F9B];
	_ =	swait.ge [sflag:s4], $0x0  }
0x19: {  	s7 =	sld [smem:$0x3F9C]  }
0x1a: {  	s8 =	sadd.s32 $0xFFFFE003, lr  }
0x1b: {  	s9 =	sadd.s32 $0xFFFFFEF7, lr;
	s5 =	simm.s32 $0xFFFFFFFF;
	p2 =	slt.u32 s8, $0xFFFFF086  }
0x1c: {  	p1 =	slt.u32 s9, $0xF7A;
	s5 =	simm.s32 @!p2 $0x0  }
0x1d: {  	s5 =	simm.s32 @p1 $0x1;
	p0 =	seq.s32 s7, s2  }
0x1e: {  	s7 =	smul.u32 @!p0 $0xF7A, s2;
	p2 =	seq.s32 @!p0 s5, $0x0  }
0x1f: {  	s9 =	smul.u32 $0xF7A, s1;
	s8 =	simm.s32 @!p0 $0x1BF5;
	p2 =	por !p2, p0  }
0x20: {  	[sflag:s8] =	ssyncset.s32 @!p0 $0xFFFFF086;
	s6 =	sadd.s32 @!p0 s3, s7;
	s7 =	simm.s32 @!p0 $0x108  }
0x21: {  	s3 =	sadd.s32 s3, s9;
	s6 =	sadd.s32 @!p0 $0x88, s6;
	s7 =	simm.s32 @p2 $0x1082  }
0x22: {  	[simem:s7], [sflag:s8] =	dma.local @!p0 [hbm:s6], $0xF7A  }
0x23: {  	s9 =	sor.u32 $0xD0000000, s2;
	s6 =	simm.s32 $0x108;
	_ =	swait.ge @!p0 [sflag:s8], $0x0  }
0x24: {  	s3 =	sadd.s32 $0x88, s3;
	s6 =	simm.s32 @!p1 $0x1082;
	[sflag:s4] =	ssyncset.s32 $0xFFFFF086  }
0x25: {  	[simem:s6], [sflag:s4] =	dma.local [hbm:s3], $0xF7A  }
0x26: {  	[smem:$0x3F9C] =	sst s1;
	(tag) =	ssettag s2;
	_ =	strace s9  }
0x27: {  	s1 =	sld [smem:$0x3FAC]  }
0x28: {  	s2 =	sld [smem:$0x3FAD]  }
0x29: {  	s4 =	sld [smem:$0x3FAF]  }
0x2a: {  	p0 =	seq.s32 s5, $0x0;
	s5 =	sld [smem:$0x3FB0]  }
0x2b: {  	s6 =	sld [smem:$0x3FB1]  }
0x2c: {  	s7 =	sld [smem:$0x3FB2]  }
0x2d: {  	s3 =	simm.s32 $0x108;
	s8 =	sld [smem:$0x3FB3]  }
0x2e: {  	s3 =	simm.s32 @!p0 $0x1082;
	s9 =	sld [smem:$0x3FB4]  }
0x2f: {  	lr =	sadd.s32 s0, s3;
	s0 =	sld [smem:$0x3FAB]  }
0x30: {  	s3 =	sld [smem:$0x3FAE]  }
0x31: {  	[smem:$0x3FB7] =	sst s10  }
0x32: {  	s10 =	sld [smem:$0x3FB5];
	_ =	sdelay $0x3  }
0x33: {  	p0 =	seq.s32 s10, $0x1;
	s10 =	sld [smem:$0x3FB7];
	_ =	sdelay $0x3  }
0x34: {  	[smem:$0x3FB7] =	sst s10  }
0x35: {  	s10 =	sld [smem:$0x3FB6];
	_ =	sdelay $0x3  }
0x36: {  	p1 =	seq.s32 s10, $0x1;
	s10 =	sld [smem:$0x3FB7];
	_ =	sdelay $0x3  }
0x37: {  	[smem:$0x3FB7] =	sst s10  }
0x38: {  	s10 =	sld [smem:$0x3FB8]  }
0x39: {  	_ = 	snop;
	(pc) =	sbr.ind lr, $3  }
0x3a: {  	_ = 	snop  }
0x3b: {  	_ = 	snop  }
0x3c: {  	p2 =	seq.s32 s10, $0x1;
	s10 =	sld [smem:$0x3FB7]  }
0x3d: {  	_ =	shalt  }
0x3e: {  	_ =	shalt  }
0x3f: {  	_ =	shalt  }
0x40: {  	_ =	shalt  }
0x41: {  	_ =	shalt  }
0x42: {  	_ =	shalt  }
0x43: {  	_ =	shalt  }
0x44: {  	_ =	shalt  }
0x45: {  	_ =	shalt  }
0x46: {  	_ =	shalt  }
0x47: {  	_ =	shalt  }
0x48: {  	_ =	shalt  }
0x49: {  	_ =	shalt  }
0x4a: {  	_ =	shalt  }
0x4b: {  	_ =	shalt  }
0x4c: {  	_ =	shalt  }
0x4d: {  	_ =	shalt  }
0x4e: {  	_ =	shalt  }
0x4f: {  	_ =	shalt  }
0x50: {  	_ =	shalt  }
0x51: {  	_ =	shalt  }
0x52: {  	_ =	shalt  }
0x53: {  	_ =	shalt  }
0x54: {  	_ =	shalt  }
0x55: {  	_ =	shalt  }
0x56: {  	_ =	shalt  }
0x57: {  	_ =	shalt  }
0x58: {  	_ =	shalt  }
0x59: {  	_ =	shalt  }
0x5a: {  	_ =	shalt  }
0x5b: {  	_ =	shalt  }
0x5c: {  	_ =	shalt  }
0x5d: {  	_ =	shalt  }
0x5e: {  	_ =	shalt  }
0x5f: {  	_ =	shalt  }
0x60: {  	_ =	shalt  }
0x61: {  	_ =	shalt  }
0x62: {  	_ =	shalt  }
0x63: {  	_ =	shalt  }
0x64: {  	_ =	shalt  }
0x65: {  	_ =	shalt  }
0x66: {  	_ =	shalt  }
0x67: {  	_ =	shalt  }
0x68: {  	_ =	shalt  }
0x69: {  	_ =	shalt  }
0x6a: {  	_ =	shalt  }
0x6b: {  	_ =	shalt  }
0x6c: {  	_ =	shalt  }
0x6d: {  	_ =	shalt  }
0x6e: {  	_ =	shalt  }
0x6f: {  	_ =	shalt  }
0x70: {  	_ =	shalt  }
0x71: {  	_ =	shalt  }
0x72: {  	_ =	shalt  }
0x73: {  	_ =	shalt  }
0x74: {  	_ =	shalt  }
0x75: {  	_ =	shalt  }
0x76: {  	_ =	shalt  }
0x77: {  	_ =	shalt  }
0x78: {  	_ =	shalt  }
0x79: {  	_ =	shalt  }
0x7a: {  	_ =	shalt  }
0x7b: {  	_ =	shalt  }
0x7c: {  	_ =	shalt  }
0x7d: {  	_ =	shalt  }
0x7e: {  	_ =	shalt  }
0x7f: {  	_ =	shalt  }
0x80: {  	_ =	shalt  }
0x81: {  	_ =	shalt  }
0x82: {  	_ =	shalt  }
0x83: {  	_ =	shalt  }
0x84: {  	_ =	shalt  }
0x85: {  	_ =	shalt  }
0x86: {  	_ =	shalt  }
0x87: {  	_ =	shalt  }
.Lfunc_end0:
.L_simem_size_0:
called_computation.1_lowered:
.L_overlay_start_0:
0x88: {  	s2 =	sld [smem:$0x3FD9]  }
0x89: {  	s3 =	sld [smem:$0x3FFE];
	_ =	sdelay $0x1  }
0x8a: {  	s1 =	srdreg.scid  }
0x8b: {  	s0 =	sand.u32 $0x1, s1  }
0x8c: {  	s17 =	sshll.u32 s0, $0xA;
	s2 =	sadd.s32 s3, s2  }
0x8d: {  	s2 =	sadd.s32 s2, s17  }
0x8e: {  	[smem:$0x3FC3] =	sst s2  }
0x8f: {  	_ = 	snop  }
0x90: {  	s2 =	sld [smem:$0x3FD0];
	(tm) =	ssettm $0x1  }
0x91: {  	s18 =	sld [smem:$0x3FFB];
	_ =	sdelay $0x3  }
0x92: {  	_ =	strace s18  }
0x93: {  	s3 =	sld [smem:$0x3FFC];
	_ =	sdelay $0x3  }
0x94: {  	_ =	strace s3  }
0x95: {  	s3 =	sld [smem:$0x3FFD];
	_ =	sdelay $0x3  }
0x96: {  	_ =	strace s3  }
0x97: {  	_ =	strace $0x8FFFFFFF  }
0x98: {  	s19 =	sld [smem:$0x3FDB];
	_ =	sdelay $0x1  }
0x99: {  	s4 =	simm.s32 $_scs_section_size  }
0x9a: {  	s5 =	simm.s32 $_size__tile_overlayer_lowered;
	s6 =	simm.s32 $_tile_overlayer_lowered  }
0x9b: {  	s22 =	simm.s32 $0x1BFF;
	s21 =	sshll.u32 s6, $0x1;
	s3 =	sadd.s32 s4, s19  }
0x9c: {  	s7 =	simm.s32 $0x0;
	s20 =	sshll.u32 s5, $0x1;
	s5 =	sadd.s32 s21, s3  }
0x9d: {  	[timem:s7], [sflag:s22] =	dma.local [hbm:s5], s20  }
0x9e: {  	_ =	swait.ge [sflag:s22], s20  }
0x9f: {  	s4 =	ssub.s32 $0x0, s20;
	[sflag:s22] =	ssyncset.done $0x0  }
0xa0: {  	[sflag:s22] =	ssyncadd.s32 s4;
	_ =	sdelay $0x1  }
0xa1: {  	s23 =	simm.s32 $0x1B8B  }
0xa2: {  	_ =	swait.ge [sflag:s23], $0x1  }
0xa3: {  	[sflag:s23] =	ssyncset.done $0x0  }
0xa4: {  	s25 =	simm.s32 $0x1B8E;
	s24 =	sld [smem:$0x3FFE];
	[sflag:s23] =	ssyncadd.s32 $0xFFFFFFFF  }
0xa5: {  	s26 =	simm.s32 $execute0_lowered;
	[smem:$0x3FD2] =	sst s25  }
0xa6: {  	s5 =	sshll.u32 s26, $0x1;
	_ =	strace $0x80000046;
	[dreg:$0x1] =	wrdreg $0xFFFFFFFF  }
0xa7: {  	s28 =	simm.s32 $_size_execute0_lowered;
	s3 =	sadd.s32 s3, s5;
	[dreg:$0x0] =	wrdreg $0x0  }
0xa8: {  	s5 =	sshll.u32 s28, $0x1;
	[dreg:$0x2] =	wrdreg s3  }
0xa9: {  	[dreg:$0x3] =	wrdreg s5  }
0xaa: {  	[dreg:$0x4] =	wrdreg $0xC0  }
0xab: {  	_ =	task [dreg:s7], $0x5FFFF  }
0xac: {  	[dreg:$0x1] =	wrdreg $0xFFFFFFFF  }
0xad: {  	[dreg:$0x0] =	wrdreg $0x60  }
0xae: {  	[dreg:$0x2] =	wrdreg s24  }
0xaf: {  	[dreg:$0x3] =	wrdreg s2  }
0xb0: {  	[dreg:$0x4] =	wrdreg $0x0  }
0xb1: {  	[dreg:$0x5] =	wrdreg $0x9  }
0xb2: {  	_ =	task.clear_ibuf [dreg:s7], $0x6FFFF;
	_ =	strace $0x90000046  }
0xb3: {  	s29 =	simm.s32 $0x9;
	_ =	strace $0x80000048  }
0xb4: {  	_ =	swait.ge [sflag:s29], $0x1  }
0xb5: {  	[sflag:s29] =	ssyncadd.s32 $0xFFFFFFFF  }
0xb6: {  	_ =	strace $0x90000048  }
0xb7: {  	_ =	sfence  }
0xb8: {  	s30 =	sld [smem:$0x0];
	_ =	sdelay $0x2  }
0xb9: {  	s31 =	sshll.u32 s1, $0xD;
	s1 =	sshrl.u32 s1, $0x2  }
0xba: {  	s3 =	sand.u32 $0x4000, s31;
	s1 =	sadd.s32 s1, s30  }
0xbb: {  	s0 =	sor.u32 s3, s0;
	s1 =	sshll.u32 s1, $0x11  }
0xbc: {  	s0 =	sor.u32 s1, s0  }
0xbd: {  	s0 =	sadd.s32 $0x8F2B, s0  }
0xbe: {  	[sflag:s0] =	ssyncadd.remote.s32 $0x1  }
0xbf: {  	_ =	sfence.sel $0xFFFF  }
0xc0: {  	[dreg:$0x0] =	wrdreg $0xFFFFFFFF;
	(pc) =	sbr.abs _section_cstart, $3  }
0xc1: {  	[dreg:$0x1] =	wrdreg $0xFFFFFFFF  }
0xc2: {  	_ =	task.clear_ibuf [dreg:s7], $0x2FFFF;
	_ =	strace $0x9FFFFFFF  }
0xc3: {  	(tm) =	ssettm $0x7FFFFFFF  }
tec
execute0_lowered:
.L_overlay_start_1:
0x0: {  	(tag) =	ssettag $0x1  }
0x1: {  	s0 =	rddreg [dreg:$0x0]  }
0x2: {  	s1 =	rddreg [dreg:$0x1]  }
0x3: {  	s2 =	rddreg [dreg:$0x2];
	s14 =	stileid.u32;
	s4 =	simm.s32 $0x0  }
0x4: {  	s5 =	simm.s32 $0x0;
	s3 =	srdreg.scid;
	[dreg:$0x4] =	wrdreg s4  }
0x5: {  	[smem:$0x7FF] =	sst s5;
	s6 =	smul.u32 $0x13D80, s14;
	s3 =	sand.u32 $0x1, s3  }
0x6: {  	s4 =	sadd.s32 $0x1200, s0;
	s10 =	smul.u32 $0x3F8, s14;
	s5 =	sadd.s32 $0xF55A00, s0  }
0x7: {  	s18 =	sshll.u32 s14, $0x6;
	s25 =	sadd.s32 $0x129A80, s2;
	p0 =	seq.s32 s14, $0xF  }
0x8: {  	_ =	strace $0x80000047;
	s7 =	smul.u32 $0xFD20, s3;
	s8 =	ssub.s32 $0x2, s3  }
0x9: {  	s15 =	sor.u32 $0x1C07, s18;
	s20 =	smul.u32 $0x4F1A00, s3;
	[dreg:$0xa] =	wrdreg s25  }
0xa: {  	s9 =	sshrl.u32 s6, $0x3;
	s11 =	sshrl.u32 s8, $0x1;
	s6 =	sadd.s32 s6, s2  }
0xb: {  	s3 =	smov.u32 s15;
	s0 =	sadd.s32 s9, s0;
	s8 =	ssub.s32 s8, s11  }
0xc: {  	s17 =	sadd.s32 s10, s7;
	[dreg:$0x5] =	wrdreg s6;
	s9 =	smul.u32 $0xF360, s14  }
0xd: {  	s21 =	sadd.s32 $0x3F48, s7;
	s23 =	sadd.s32 $0x7E90, s7;
	s12 =	sadd.s32 $0xBDD8, s7  }
0xe: {  	[dreg:$0x7] =	wrdreg s3;
	s19 =	smul.u32 $0xA, s17;
	s0 =	sadd.s32 $0x1FA00, s0  }
0xf: {  	s24 =	sadd.s32 s10, s21;
	s13 =	sadd.s32 s10, s23;
	s31 =	smax.u32 s8, $0x1  }
0x10: {  	[dreg:$0x6] =	wrdreg s0;
	s0 =	sshrl.u32 s20, $0x3;
	s11 =	smul.u32 $0xA, s24  }
0x11: {  	[dreg:$0x11] =	wrdreg s31;
	s22 =	sadd.s32 s1, s19;
	s0 =	sadd.s32 s1, s0  }
0x12: {  	s10 =	sadd.s32 s10, s12;
	[dreg:$0x8] =	wrdreg s22;
	s16 =	sadd.s32 $0x25350, s0  }
0x13: {  	s13 =	smul.u32 $0xA, s13;
	s11 =	sadd.s32 s1, s11;
	[dreg:$0x9] =	wrdreg s16  }
0x14: {  	s10 =	smul.u32 $0xA, s10;
	s26 =	sadd.s32 $0x4CC20, s0;
	[dreg:$0xb] =	wrdreg s11  }
.Ltmp0:
0x15: {  	s28 =	sadd.s32 s1, s13;
	[dreg:$0xc] =	wrdreg s26;
	(pc) =	sbr.rel .LBB2_1-.Ltmp0, $4  }
0x16: {  	s30 =	sadd.s32 $0xFD20, s7;
	s29 =	sadd.s32 $0x744F0, s0;
	[dreg:$0xd] =	wrdreg s28  }
0x17: {  	v5 =	vimm.s32 $0x0;
	v2 =	vmov s23;
	s23 =	simm.s32 $0x16AA0;
	s1 =	sadd.s32 s1, s10;
	[dreg:$0xe] =	wrdreg s29  }
0x18: {  	v6 =	vlaneseq.u32;
	v7 =	vimm.s32 $0x3F48;
	v0 =	vmov s7;
	s20 =	simm.s32 $0x7;
	s0 =	sadd.s32 $0x9BDC0, s0;
	[dreg:$0xf] =	wrdreg s1  }
0x19: {  	v1 =	vmov s21;
	v3 =	vmov s12;
	v4 =	vmov s30;
	s24 =	simm.s32 $0x80;
	s22 =	simm.s32 $0x153A0;
	[dreg:$0x10] =	wrdreg s0  }
.LBB2_49:
0x1a: {  	[bflag:$0x0] =	sbarrier.arrive $0xFFFF  }
0x1b: {  	s3 =	rddreg [dreg:$0x7]  }
0x1c: {  	s0 =	rddreg [dreg:$0x10]  }
0x1d: {  	s1 =	rddreg [dreg:$0x13]  }
0x1e: {  	[hbm:s0], [sflag:s3] =	dma.local @p0 [spmem:s1], $0x2580  }
0x1f: {  	s0 =	simm.s32 @p0 $0x7  }
0x20: {  	_ =	swait.ge @p0 [sflag:s0], $0x2580  }
0x21: {  	[sflag:s0] =	ssyncset.done @p0 $0x0;
	s1 =	rddreg [dreg:$0x14]  }
0x22: {  	[sflag:s0] =	ssyncadd.s32 @p0 $0xFFFFDA80;
	s0 =	rddreg [dreg:$0xf]  }
0x23: {  	[hbm:s0], [sflag:s3] =	dma.local @!p0 [spmem:s1], $0x27B0  }
0x24: {  	s0 =	simm.s32 @!p0 $0x7  }
0x25: {  	_ =	swait.ge @!p0 [sflag:s0], $0x27B0  }
0x26: {  	s30 =	rddreg [dreg:$0x4]  }
0x27: {  	s31 =	rddreg [dreg:$0x11];
	s1 =	sadd.s32 $0x1, s30  }
0x28: {  	p1 =	sne.s32 s1, s31  }
.Ltmp1:
0x29: {  	_ = 	snop;
	(pc) =	sbr.rel @!p1 .LBB2_50-.Ltmp1, $3  }
0x2a: {  	[sflag:s0] =	ssyncset.done @!p0 $0x0  }
0x2b: {  	[sflag:s0] =	ssyncadd.s32 @!p0 $0xFFFFD850;
	[dreg:$0x4] =	wrdreg s1  }
0x2c: {  	[bflag:$0x0] =	sbarrier.arrive $0xFFFF;
	_ =	sdelay $0x1  }
.LBB2_1:
0x2d: {  	s0 =	rddreg [dreg:$0x5]  }
0x2e: {  	s31 =	rddreg [dreg:$0x6];
	s1 =	sshrl.u32 s0, $0x3  }
0x2f: {  	[dreg:$0x12] =	wrdreg s1  }
0x30: {  	[spmem:s1], [sflag:s3] =	dma.local [hbm:s31], $0x27B0  }
.Ltmp2:
0x31: {  	_ =	swait.ge [sflag:s20], $0x27B0;
	(pc) =	sbr.rel .LBB2_2-.Ltmp2, $4  }
0x32: {  	[sflag:s20] =	ssyncset.done $0x0  }
0x33: {  	[sflag:s20] =	ssyncadd.s32 $0xFFFFD850  }
0x34: {  	[bflag:$0x0] =	sbarrier.arrive $0xFFFF  }
0x35: {  	s28 =	smov.u32 s9;
	s29 =	simm.s32 $0x0  }
.LBB2_6:
0x36: {  	s12 =	simm.s32 $0x0  }
.LBB2_11:
0x37: {  	s14 =	smul.u32 $0xFFFFFFF4, s13  }
0x38: {  	s7 =	sadd.s32 @!p4 s8, s7;
	s8 =	sshra.s32 s11, $0x2;
	s3 =	sadd.s32 @p2 s6, s3  }
0x39: {  	s6 =	sadd.s32 @p2 s15, s18;
	s30 =	sshra.s32 s30, $0x2;
	[tilespmem:s17+$0x70] =	vst @p2 v8;
	s14 =	sshra.s32 s14, $0x2  }
0x3a: {  	[spmem:s2] =	stream.indirect.scatter.add.f32 @p2 [tilespmem:s3], [sflag:s6], $0x50, s17, s24, $0xb8;
	[tilespmem:$0x1FB20] =	vst v63  }
0x3b: {  	s3 =	sshra.s32 @!p3 s11, $0x2;
	s6 =	sadd.s32 s30, s10;
	_ =	swait.ge @!p4 [sflag:s7], $0x2800  }
0x3c: {  	s3 =	sadd.s32 @!p3 s3, s31;
	s16 =	sadd.s32 $0x1, s14;
	[sflag:s7] =	ssyncset.done @!p4 $0x0  }
0x3d: {  	s10 =	sadd.s32 s8, s16;
	[sflag:s7] =	ssyncadd.s32 @!p4 $0xFFFFD800;
	s7 =	simm.s32 @!p3 $0x80  }
0x3e: {  	[tilespmem:s6], [sflag:s3] =	stream.indirect.gather @!p3 [hbm4b:s5+s7], $0x50, s26, s7, $0xb8;
	[tilespmem:$0x1FB20] =	vst v63  }
0x3f: {  	_ =	swait.ge [sflag:s10], $0x2800  }
0x40: {  	[sflag:s10] =	ssyncset.done $0x0  }
0x41: {  	s17 =	sshra.s32 s12, $0x2;
	[sflag:s10] =	ssyncadd.s32 $0xFFFFD800  }
0x42: {  	s18 =	smul.u32 $0xFFFFFA00, s13;
	v8 =	vld [tilespmem:s17+$0x16AA0];
	_ =	sdelay $0x1  }
0x43: {  	s6 =	sshra.s32 s18, $0x2  }
0x44: {  	s6 =	sadd.s32 $0x1F9A0, s6  }
0x45: {  	s6 =	sadd.s32 s17, s6  }
0x46: {  	[tilespmem:s6+$0x0] =	vst v8  }
0x47: {  	v8 =	vld [tilespmem:s17+$0x16AB0];
	_ =	sdelay $0x4  }
0x48: {  	[tilespmem:s6+$0x10] =	vst v8  }
0x49: {  	v8 =	vld [tilespmem:s17+$0x16AC0];
	_ =	sdelay $0x4  }
0x4a: {  	[tilespmem:s6+$0x20] =	vst v8  }
0x4b: {  	v8 =	vld [tilespmem:s17+$0x16AD0];
	_ =	sdelay $0x4  }
0x4c: {  	[tilespmem:s6+$0x30] =	vst v8  }
0x4d: {  	v8 =	vld [tilespmem:s17+$0x16AE0];
	_ =	sdelay $0x4  }
0x4e: {  	[tilespmem:s6+$0x40] =	vst v8  }
0x4f: {  	v8 =	vld [tilespmem:s17+$0x16AF0];
	_ =	sdelay $0x4  }
0x50: {  	[tilespmem:s6+$0x50] =	vst v8  }
0x51: {  	v8 =	vld [tilespmem:s17+$0x16B00];
	_ =	sdelay $0x4  }
0x52: {  	[tilespmem:s6+$0x60] =	vst v8  }
0x53: {  	v8 =	vld [tilespmem:s17+$0x16B10]  }
0x54: {  	s19 =	smul.u32 $0xFFFE2000, s13;
	s12 =	sadd.s32 @!p1 $0xFFFFFFFE, s0  }
0x55: {  	s21 =	sadd.s32 $0xFFFFFFFF, s0;
	s13 =	smulhi.u32 @!p1 $0x55555556, s12  }
0x56: {  	s25 =	sadd.s32 $0x4, s14;
	s26 =	smulhi.u32 $0xAAAAAAAB, s21  }
0x57: {  	s14 =	sshra.s32 @!p1 s12, $0x1F;
	s30 =	sadd.s32 s8, s25;
	s3 =	sshra.s32 s19, $0x2  }
0x58: {  	s8 =	smul.u32 @!p1 $0x55555556, s14;
	s1 =	sadd.s32 s3, s1;
	s31 =	sshrl.u32 s26, $0x1;
	[tilespmem:s6+$0x70] =	vst v8  }
0x59: {  	[spmem:s2] =	stream.indirect.scatter.add.f32 [tilespmem:s1], [sflag:s30], $0x50, s6, s24, $0xb8;
	[tilespmem:$0x1FB20] =	vst v63  }
0x5a: {  	p2 =	slt.s32 s0, $0x3;
	s3 =	sadd.s32 @!p1 s8, s13;
	s1 =	smul.u32 $0x3, s31  }
0x5b: {  	s0 =	sadd.s32 @!p2 $0xFFFFFFFD, s0;
	s6 =	sshrl.u32 @!p1 s3, $0x1F  }
0x5c: {  	s3 =	sadd.s32 @!p1 s6, s3;
	s6 =	smulhi.u32 @!p2 $0xAAAAAAAB, s0;
	s1 =	ssub.s32 s21, s1  }
0x5d: {  	s3 =	smul.u32 @!p1 $0x3, s3;
	s1 =	sor.u32 $0x4, s1  }
0x5e: {  	_ =	swait.ge [sflag:s1], $0x2800  }
0x5f: {  	s6 =	sshrl.u32 @!p2 s6, $0x1;
	s3 =	ssub.s32 @!p1 s12, s3;
	[sflag:s1] =	ssyncset.done $0x0  }
0x60: {  	[sflag:s1] =	ssyncadd.s32 $0xFFFFD800;
	s1 =	sadd.s32 @!p1 $0x4, s3;
	s3 =	smul.u32 @!p2 $0x3, s6  }
0x61: {  	_ =	swait.ge @!p1 [sflag:s1], $0x2800  }
0x62: {  	[sflag:s1] =	ssyncset.done @!p1 $0x0;
	s0 =	ssub.s32 @!p2 s0, s3  }
0x63: {  	[sflag:s1] =	ssyncadd.s32 @!p1 $0xFFFFD800;
	s0 =	sor.u32 @!p2 $0x4, s0  }
0x64: {  	_ =	swait.ge @!p2 [sflag:s0], $0x2800  }
0x65: {  	[sflag:s0] =	ssyncset.done @!p2 $0x0  }
0x66: {  	[sflag:s0] =	ssyncadd.s32 @!p2 $0xFFFFD800  }
.LBB2_12:
0x67: {  	s29 =	sadd.s32 $0x1, s29  }
0x68: {  	p1 =	sne.s32 s29, $0xB  }
.Ltmp3:
0x69: {  	_ = 	snop;
	(pc) =	sbr.rel @!p1 .LBB2_13-.Ltmp3, $2  }
0x6a: {  	_ =	sdelay $0x2  }
0x6b: {  	s28 =	sadd.s32 $0x1620, s28  }
.LBB2_2:
0x6c: {  	s0 =	smul.u32 $0x1620, s29;
	_ =	sdelay $0x1  }
0x6d: {  	s0 =	sadd.s32 s9, s0  }
0x6e: {  	s0 =	sshrl.u32 s0, $0x3  }
0x6f: {  	s3 =	simm.s32 $0x13D80;
	s1 =	sadd.s32 s4, s0;
	s0 =	simm.s32 $0x0  }
0x70: {  	[tilespmem:s3], [sflag:$0x7] =	stream.linear.gather [hbm4b:s1+s0], $0x1620, $0x38;
	[tilespmem:$0x1FB20] =	vst v63  }
0x71: {  	_ =	swait.ge [sflag:s20], $0x1620  }
0x72: {  	[sflag:s20] =	ssyncset.done $0x0  }
0x73: {  	s30 =	simm.s32 $0x0;
	[sflag:s20] =	ssyncadd.s32 $0xFFFFE9E0  }
0x74: {  	v8 =	vld [tilespmem:s30+$0x13D80];
	_ =	sdelay $0x4  }
0x75: {  	vm0 =	vge.s32 v8, v0;
	vm1 =	vlt.s32 v8, v1  }
0x76: {  	vm0 =	vmand vm0, vm1  }
0x77: {  	v9 =	vsel vm0, $0x1, v5  }
0x78: {  	(xrf0) =	vadd.scan.msk.s32 $0xffff, v9;
	_ =	sdelay $0x5  }
0x79: {  	s31 =	simm.s32 $0xFFFFFFFF;
	v9, _, _ =	vpop (xrf0)  }
0x7a: {  	v10 =	vadd.s32 s31, v9;
	(v2sf) =	vpush v9, $0xF;
	_ =	sdelay $0x3  }
0x7b: {  	v11 =	vor.u32 s28, v6  }
0x7c: {  	v8 =	vsub.s32 v8, v0;
	[tilespmem:v10+s22+$0x0] =	vst.idx.msk vm0, v11  }
0x7d: {  	s6 =	simm.s32 $0x10;
	s3 =	simm.s32 $0x80;
	s1 =	smov.u32 s28;
	[tilespmem:v10+s23+$0x0] =	vst.idx.msk vm0, v8  }
.LBB2_3:
0x7e: {  	p1 =	sne.s32 s3, $0x5840;
	v8 =	vld [tilespmem:s6+$0x13D80];
	_ =	sdelay $0x4  }
0x7f: {  	vm0 =	vge.s32 v8, v0;
	vm1 =	vlt.s32 v8, v1;
	v8 =	vsub.s32 v8, v0  }
0x80: {  	vm0 =	vmand vm0, vm1  }
0x81: {  	v9 =	vsel vm0, $0x1, v5  }
0x82: {  	(xrf0) =	vadd.scan.msk.s32 $0xffff, v9;
	s6 =	spop (v2sf)  }
0x83: {  	s0 =	sadd.s32 s0, s6  }
0x84: {  	s6 =	sadd.s32 $0xFFFFFFFF, s0;
	_ =	sdelay $0x3  }
0x85: {  	v9, _, _ =	vpop (xrf0)  }
0x86: {  	v10 =	vadd.s32 s6, v9;
	(v2sf) =	vpush v9, $0xF;
	_ =	sdelay $0x1  }
.Ltmp4:
0x87: {  	(pc) =	sbr.rel @p1 .LBB2_3-.Ltmp4, $4  }
0x88: {  	s1 =	sadd.s32 $0x10, s1  }
0x89: {  	v9 =	vor.u32 s1, v6  }
0x8a: {  	[tilespmem:v10+s22+$0x0] =	vst.idx.msk vm0, v9  }
0x8b: {  	s6 =	sshra.s32 s3, $0x2;
	s3 =	sadd.s32 $0x40, s3;
	[tilespmem:v10+s23+$0x0] =	vst.idx.msk vm0, v8  }
0x8c: {  	v8 =	vld [tilespmem:s6+$0x13D80];
	_ =	sdelay $0x4  }
0x8d: {  	vm0 =	vge.s32 v8, v0;
	vm1 =	vlt.s32 v8, v1  }
0x8e: {  	vm0 =	vmand vm0, vm1  }
0x8f: {  	v9 =	vsel vm0, $0x1, v5  }
0x90: {  	(xrf0) =	vadd.scan.msk.s32 $0xffff, v9;
	_ =	sdelay $0x5  }
0x91: {  	v9, _, _ =	vpop (xrf0)  }
0x92: {  	(v2sf) =	vpush v9, $0xF;
	_ =	sdelay $0xb  }
0x93: {  	s3 =	spop (v2sf)  }
0x94: {  	s0 =	sadd.s32 s0, s3  }
0x95: {  	s3 =	sadd.s32 $0xFFFFFFFF, s0  }
0x96: {  	v9 =	vadd.s32 s3, v9;
	s16 =	spop (v2sf)  }
0x97: {  	s0 =	sadd.s32 s0, s16  }
0x98: {  	v10 =	vadd.s32 s0, v6  }
0x99: {  	s1 =	sadd.s32 $0x10, s1;
	s3 =	sadd.s32 $0x10, s0  }
0x9a: {  	v11 =	vor.u32 s1, v6;
	v12 =	vadd.s32 s3, v6  }
0x9b: {  	v8 =	vsub.s32 v8, v0;
	[tilespmem:v9+s22+$0x0] =	vst.idx.msk vm0, v11;
	s17 =	sadd.s32 $0x20, s0  }
0x9c: {  	[tilespmem:v9+s23+$0x0] =	vst.idx.msk vm0, v8;
	v8 =	vadd.s32 s17, v6  }
0x9d: {  	s18 =	sadd.s32 $0x30, s0;
	[tilespmem:v10+s22+$0x0] =	vst.idx.msk $0xffff, v5  }
0x9e: {  	v60 =	vadd.s32 s18, v6;
	[tilespmem:v10+s23+$0x0] =	vst.idx.msk $0xffff, v7  }
0x9f: {  	s19 =	sadd.s32 $0x40, s0;
	[tilespmem:v12+s22+$0x0] =	vst.idx.msk $0xffff, v5  }
0xa0: {  	s21 =	sadd.s32 $0x50, s0;
	s26 =	sadd.s32 $0x7F, s0;
	v61 =	vadd.s32 s19, v6;
	[tilespmem:v12+s23+$0x0] =	vst.idx.msk $0xffff, v7  }
0xa1: {  	s25 =	sadd.s32 $0x60, s0;
	s0 =	sadd.s32 $0x70, s0;
	s30 =	sand.u32 $0x7F, s26;
	[tilespmem:v8+s22+$0x0] =	vst.idx.msk $0xffff, v5  }
0xa2: {  	s31 =	sshra.s32 s26, $0x1F;
	p1 =	slt.s32 s26, $0x1;
	p2 =	sne.s32 s30, $0x0;
	[tilespmem:v8+s23+$0x0] =	vst.idx.msk $0xffff, v7;
	v8 =	vadd.s32 s21, v6  }
0xa3: {  	v63 =	vadd.s32 s0, v6;
	s0 =	sshrl.u32 s31, $0x19;
	p1 =	por !p1, !p2;
	[tilespmem:v60+s22+$0x0] =	vst.idx.msk $0xffff, v5  }
0xa4: {  	s1 =	simm.s32 $0x1;
	v62 =	vadd.s32 s25, v6;
	s0 =	sadd.s32 s0, s26;
	p1 =	por !p1, !p1;
	[tilespmem:v60+s23+$0x0] =	vst.idx.msk $0xffff, v7  }
0xa5: {  	s0 =	sshra.s32 s0, $0x7;
	s1 =	simm.s32 @!p1 $0x0;
	[tilespmem:v61+s22+$0x0] =	vst.idx.msk $0xffff, v5  }
0xa6: {  	s0 =	ssub.s32 s0, s1;
	[tilespmem:v61+s23+$0x0] =	vst.idx.msk $0xffff, v7  }
0xa7: {  	p1 =	slt.s32 s0, $0x1;
	[tilespmem:v8+s22+$0x0] =	vst.idx.msk $0xffff, v5  }
.Ltmp5:
0xa8: {  	[tilespmem:v8+s23+$0x0] =	vst.idx.msk $0xffff, v7;
	(pc) =	sbr.rel @p1 .LBB2_12-.Ltmp5, $4  }
0xa9: {  	[tilespmem:v62+s22+$0x0] =	vst.idx.msk $0xffff, v5  }
0xaa: {  	[tilespmem:v62+s23+$0x0] =	vst.idx.msk $0xffff, v7  }
0xab: {  	[tilespmem:v63+s22+$0x0] =	vst.idx.msk $0xffff, v5  }
0xac: {  	[tilespmem:v63+s23+$0x0] =	vst.idx.msk $0xffff, v7  }
0xad: {  	s1 =	simm.s32 $0x181A0;
	p1 =	seq.s32 s0, $0x1;
	s19 =	simm.s32 $0x2  }
0xae: {  	[tilespmem:s1], [sflag:$0x1] =	stream.indirect.gather [hbm4b:s5+s24], $0x50, s22, s24, $0xb8;
	[tilespmem:$0x1FB20] =	vst v63  }
0xaf: {  	s1 =	simm.s32 @!p1 $0x80;
	s3 =	simm.s32 @!p1 $0x15420;
	s6 =	simm.s32 @!p1 $0x1A9A0  }
0xb0: {  	[tilespmem:s6], [sflag:$0x2] =	stream.indirect.gather @!p1 [hbm4b:s5+s1], $0x50, s3, s1, $0xb8;
	[tilespmem:$0x1FB20] =	vst v63  }
0xb1: {  	s11 =	simm.s32 $0x0;
	s10 =	simm.s32 $0x1D1A0;
	s1 =	smulhi.u32 $0xAAAAAAAB, s19  }
0xb2: {  	p5 =	sne.s32 s0, $0x1;
	p3 =	sle.s32 s0, $0x2;
	s21 =	smulhi.u32 $0xAAAAAAAB, s11  }
.Ltmp6:
0xb3: {  	p2 =	por @!p3 $0x1, $0x1;
	s7 =	sshrl.u32 s1, $0x1;
	(pc) =	sbr.rel @!p5 .LBB2_6-.Ltmp6, $4  }
0xb4: {  	s26 =	simm.s32 @!p3 $0x154A0;
	p4 =	por p2, p3;
	s8 =	smul.u32 $0xFFFFFFF4, s7  }
0xb5: {  	p2 =	por $0x0, $0x0;
	s3 =	simm.s32 $0x1;
	s13 =	sshrl.u32 s21, $0x1  }
0xb6: {  	s1 =	simm.s32 $0x181A0;
	s30 =	smul.u32 $0xFFFE2000, s7;
	s25 =	sshra.s32 s8, $0x2  }
0xb7: {  	s8 =	simm.s32 @!p4 $0x0;
	s7 =	sadd.s32 $0x6, s25;
	s31 =	sadd.s32 $0x3, s25  }
0xb8: {  	s6 =	smul.u32 $0xFFFFFFF4, s13  }
0xb9: {  	s7 =	sadd.s32 @!p4 $0x0, s7;
	s8 =	sshra.s32 s30, $0x2  }
0xba: {  	s10 =	sadd.s32 @!p3 $0x0, s31;
	_ =	swait.ge @!p4 [sflag:s7], $0x2800;
	s6 =	sshra.s32 s6, $0x2  }
0xbb: {  	s8 =	sadd.s32 $0x1D1A0, s8;
	[sflag:s7] =	ssyncset.done @!p4 $0x0;
	s11 =	sadd.s32 $0x1, s6  }
0xbc: {  	[sflag:s7] =	ssyncadd.s32 @!p4 $0xFFFFD800;
	s7 =	simm.s32 @!p3 $0x80;
	s11 =	sadd.s32 $0x0, s11  }
0xbd: {  	[tilespmem:s8], [sflag:s10] =	stream.indirect.gather @!p3 [hbm4b:s5+s7], $0x50, s26, s7, $0xb8;
	[tilespmem:$0x1FB20] =	vst v63  }
0xbe: {  	_ =	swait.ge [sflag:s11], $0x2800  }
0xbf: {  	[sflag:s11] =	ssyncset.done $0x0  }
0xc0: {  	s15 =	simm.s32 $0x0;
	[sflag:s11] =	ssyncadd.s32 $0xFFFFD800  }
0xc1: {  	s12 =	smul.u32 $0xFFFFFA00, s13;
	v8 =	vld [tilespmem:s15+$0x16AA0];
	_ =	sdelay $0x1  }
0xc2: {  	s7 =	sshra.s32 s12, $0x2  }
0xc3: {  	s7 =	sadd.s32 $0x1F9A0, s7  }
0xc4: {  	s17 =	sadd.s32 $0x0, s7  }
0xc5: {  	[tilespmem:s17+$0x0] =	vst v8  }
0xc6: {  	v8 =	vld [tilespmem:s15+$0x16AB0];
	_ =	sdelay $0x4  }
0xc7: {  	[tilespmem:s17+$0x10] =	vst v8  }
0xc8: {  	v8 =	vld [tilespmem:s15+$0x16AC0];
	_ =	sdelay $0x4  }
0xc9: {  	[tilespmem:s17+$0x20] =	vst v8  }
0xca: {  	v8 =	vld [tilespmem:s15+$0x16AD0];
	_ =	sdelay $0x4  }
0xcb: {  	[tilespmem:s17+$0x30] =	vst v8  }
0xcc: {  	v8 =	vld [tilespmem:s15+$0x16AE0];
	_ =	sdelay $0x4  }
0xcd: {  	[tilespmem:s17+$0x40] =	vst v8  }
0xce: {  	v8 =	vld [tilespmem:s15+$0x16AF0];
	_ =	sdelay $0x4  }
0xcf: {  	s14 =	simm.s32 $0x3;
	[tilespmem:s17+$0x50] =	vst v8  }
0xd0: {  	s19 =	smulhi.u32 $0xAAAAAAAB, s14;
	v8 =	vld [tilespmem:s15+$0x16B00]  }
0xd1: {  	s13 =	smul.u32 $0xFFFE2000, s13;
	s16 =	simm.s32 $0x2;
	p5 =	sne.s32 s0, $0x2  }
0xd2: {  	s3 =	smulhi.u32 $0xAAAAAAAB, s3;
	s18 =	sadd.s32 $0x4, s6;
	s21 =	sshrl.u32 s19, $0x1  }
0xd3: {  	s6 =	sshra.s32 s13, $0x2;
	s19 =	simm.s32 $0x1A9A0;
	s8 =	smul.u32 $0xFFFFFFF4, s21  }
.Ltmp7:
0xd4: {  	s13 =	sshrl.u32 s3, $0x1;
	s10 =	simm.s32 $0x1F9A0;
	(pc) =	sbr.rel @!p5 .LBB2_8-.Ltmp7, $4  }
0xd5: {  	s12 =	simm.s32 $0x200;
	p3 =	sle.s32 s0, $0x3;
	s30 =	smul.u32 $0xFFFE2000, s21;
	[tilespmem:s17+$0x60] =	vst v8  }
0xd6: {  	p2 =	por @!p3 $0x0, $0x0;
	s26 =	simm.s32 @!p3 $0x15520;
	s25 =	sshra.s32 s8, $0x2;
	v8 =	vld [tilespmem:s15+$0x16B10]  }
0xd7: {  	p4 =	por p2, p3;
	p2 =	por $0x1, $0x1;
	s11 =	simm.s32 $0x4  }
0xd8: {  	s7 =	sadd.s32 $0x6, s25;
	s31 =	sadd.s32 $0x3, s25;
	s8 =	simm.s32 @!p4 $0x1  }
.LBB2_9:
0xd9: {  	s3 =	smul.u32 $0xFFFFFFF4, s13  }
0xda: {  	s8 =	sadd.s32 @!p4 s8, s7;
	s25 =	sshra.s32 s11, $0x2;
	s7 =	smov.u32 s16  }
0xdb: {  	s21 =	smul.u32 $0xFFFFFA00, s13;
	s1 =	sadd.s32 s6, s1;
	s6 =	sadd.s32 s15, s18  }
0xdc: {  	s15 =	sshra.s32 s30, $0x2;
	s18 =	sshra.s32 @!p3 s11, $0x2;
	s3 =	sshra.s32 s3, $0x2;
	[tilespmem:s17+$0x70] =	vst v8  }
0xdd: {  	[spmem:s2] =	stream.indirect.scatter.add.f32 [tilespmem:s1], [sflag:s6], $0x50, s17, s24, $0xb8;
	[tilespmem:$0x1FB20] =	vst v63  }
0xde: {  	s1 =	sadd.s32 s15, s10;
	s6 =	sadd.s32 @!p3 s18, s31;
	_ =	swait.ge @!p4 [sflag:s8], $0x2800  }
0xdf: {  	s15 =	sshra.s32 s21, $0x2;
	s17 =	sadd.s32 $0x1, s3;
	[sflag:s8] =	ssyncset.done @!p4 $0x0  }
0xe0: {  	s17 =	sadd.s32 s25, s17;
	[sflag:s8] =	ssyncadd.s32 @!p4 $0xFFFFD800;
	s8 =	simm.s32 @!p3 $0x80  }
0xe1: {  	[tilespmem:s1], [sflag:s6] =	stream.indirect.gather @!p3 [hbm4b:s5+s8], $0x50, s26, s8, $0xb8;
	[tilespmem:$0x1FB20] =	vst v63  }
0xe2: {  	s18 =	sadd.s32 $0x4, s3;
	s8 =	sadd.s32 $0x1F9A0, s15;
	_ =	swait.ge [sflag:s17], $0x2800  }
0xe3: {  	s16 =	sadd.s32 $0x1, s16;
	s1 =	smul.u32 $0xFFFE2000, s13;
	[sflag:s17] =	ssyncset.done $0x0  }
0xe4: {  	p5 =	sne.s32 s0, s16;
	s26 =	sshra.s32 s12, $0x2;
	[sflag:s17] =	ssyncadd.s32 $0xFFFFD800  }
0xe5: {  	s15 =	smov.u32 s25;
	s6 =	sshra.s32 s1, $0x2;
	s1 =	smov.u32 s19;
	v8 =	vld [tilespmem:s26+$0x16AA0]  }
0xe6: {  	_ =	sdelay $0x2  }
0xe7: {  	s17 =	sadd.s32 s26, s8  }
0xe8: {  	[tilespmem:s17+$0x0] =	vst v8  }
0xe9: {  	v8 =	vld [tilespmem:s26+$0x16AB0];
	_ =	sdelay $0x4  }
0xea: {  	[tilespmem:s17+$0x10] =	vst v8  }
0xeb: {  	v8 =	vld [tilespmem:s26+$0x16AC0];
	_ =	sdelay $0x4  }
0xec: {  	[tilespmem:s17+$0x20] =	vst v8  }
0xed: {  	v8 =	vld [tilespmem:s26+$0x16AD0];
	_ =	sdelay $0x4  }
0xee: {  	[tilespmem:s17+$0x30] =	vst v8  }
0xef: {  	v8 =	vld [tilespmem:s26+$0x16AE0];
	_ =	sdelay $0x4  }
0xf0: {  	[tilespmem:s17+$0x40] =	vst v8  }
0xf1: {  	v8 =	vld [tilespmem:s26+$0x16AF0];
	_ =	sdelay $0x4  }
0xf2: {  	[tilespmem:s17+$0x50] =	vst v8  }
0xf3: {  	v8 =	vld [tilespmem:s26+$0x16B00]  }
0xf4: {  	s14 =	sadd.s32 $0x1, s14  }
0xf5: {  	s3 =	smulhi.u32 $0xAAAAAAAB, s14;
	s10 =	sadd.s32 $0x2800, s10;
	s19 =	sadd.s32 $0x2800, s19  }
0xf6: {  	s11 =	sadd.s32 $0x4, s11;
	s12 =	sadd.s32 $0x200, s12;
	s8 =	smulhi.u32 $0xAAAAAAAB, s7  }
.Ltmp8:
0xf7: {  	s21 =	sadd.s32 $0x2, s7;
	s3 =	sshrl.u32 s3, $0x1;
	(pc) =	sbr.rel @p5 .LBB2_9-.Ltmp8, $4  }
0xf8: {  	s25 =	smul.u32 $0xFFFFFFF4, s3;
	p3 =	sge.s32 s21, s0;
	s13 =	sshrl.u32 s8, $0x1;
	[tilespmem:s17+$0x60] =	vst v8  }
0xf9: {  	s30 =	smul.u32 $0xFFFE2000, s3;
	p4 =	seq.s32 @!p3 s7, $0x0;
	s3 =	sshra.s32 @!p3 s12, $0x2;
	v8 =	vld [tilespmem:s26+$0x16B10]  }
0xfa: {  	p4 =	por p4, p3;
	s8 =	sshra.s32 s25, $0x2;
	s26 =	sadd.s32 @!p3 $0x154A0, s3  }
0xfb: {  	s7 =	sadd.s32 $0x6, s8;
	s31 =	sadd.s32 $0x3, s8;
	s8 =	sshra.s32 @!p4 s11, $0x2  }
.Ltmp9:
0xfc: {  	(pc) =	sbr.rel .LBB2_11-.Ltmp9, $2  }
0xfd: {  	_ =	sdelay $0x2  }
0xfe: {  	s3 =	smov.u32 s1;
	s1 =	smov.u32 s19  }
.LBB2_8:
.Ltmp10:
0xff: {  	(pc) =	sbr.rel .LBB2_11-.Ltmp10, $2  }
0x100: {  	_ =	sdelay $0x2  }
0x101: {  	s3 =	simm.s32 $0x181A0;
	s1 =	simm.s32 $0x1A9A0  }
.LBB2_13:
0x102: {  	[bflag:$0x0] =	sbarrier.arrive $0xFFFF  }
0x103: {  	s0 =	rddreg [dreg:$0xa]  }
0x104: {  	s1 =	rddreg [dreg:$0x7]  }
0x105: {  	s3 =	sshrl.u32 @p0 s0, $0x3;
	s0 =	rddreg [dreg:$0x9]  }
0x106: {  	[dreg:$0x13] =	wrdreg s3  }
0x107: {  	[hbm:s0], [sflag:s1] =	dma.local @p0 [spmem:s3], $0x2580  }
0x108: {  	s0 =	simm.s32 @p0 $0x7  }
0x109: {  	_ =	swait.ge @p0 [sflag:s0], $0x2580  }
0x10a: {  	[sflag:s0] =	ssyncset.done @p0 $0x0  }
0x10b: {  	[sflag:s0] =	ssyncadd.s32 @p0 $0xFFFFDA80;
	s0 =	rddreg [dreg:$0x5]  }
0x10c: {  	s3 =	sshrl.u32 @!p0 s0, $0x3;
	s0 =	rddreg [dreg:$0x8]  }
0x10d: {  	[dreg:$0x14] =	wrdreg s3  }
0x10e: {  	[hbm:s0], [sflag:s1] =	dma.local @!p0 [spmem:s3], $0x27B0  }
0x10f: {  	s0 =	simm.s32 @!p0 $0x7  }
0x110: {  	_ =	swait.ge @!p0 [sflag:s0], $0x27B0  }
0x111: {  	[sflag:s0] =	ssyncset.done @!p0 $0x0  }
0x112: {  	[sflag:s0] =	ssyncadd.s32 @!p0 $0xFFFFD850  }
0x113: {  	[bflag:$0x0] =	sbarrier.arrive $0xFFFF  }
0x114: {  	s29 =	rddreg [dreg:$0x6]  }
0x115: {  	s30 =	rddreg [dreg:$0x12]  }
0x116: {  	[spmem:s30], [sflag:s1] =	dma.local [hbm:s29], $0x27B0  }
.Ltmp11:
0x117: {  	_ =	swait.ge [sflag:s20], $0x27B0;
	(pc) =	sbr.rel .LBB2_14-.Ltmp11, $4  }
0x118: {  	[sflag:s20] =	ssyncset.done $0x0  }
0x119: {  	[sflag:s20] =	ssyncadd.s32 $0xFFFFD850  }
0x11a: {  	[bflag:$0x0] =	sbarrier.arrive $0xFFFF  }
0x11b: {  	s31 =	smov.u32 s9;
	s0 =	simm.s32 $0x0  }
.LBB2_18:
0x11c: {  	s13 =	simm.s32 $0x0  }
.LBB2_23:
0x11d: {  	s10 =	smul.u32 $0xFFFFFFF4, s14  }
0x11e: {  	s8 =	sadd.s32 @!p4 s8, s26;
	s17 =	sshra.s32 s12, $0x2;
	s30 =	sshra.s32 s29, $0x2  }
0x11f: {  	s7 =	sadd.s32 @p2 s7, s15;
	s15 =	sadd.s32 @p2 s16, s19;
	[tilespmem:s18+$0x70] =	vst @p2 v8;
	s11 =	sadd.s32 s30, s11  }
0x120: {  	[spmem:s2] =	stream.indirect.scatter.add.f32 @p2 [tilespmem:s7], [sflag:s15], $0x50, s18, s24, $0xb8;
	[tilespmem:$0x1FB20] =	vst v63  }
0x121: {  	s10 =	sshra.s32 s10, $0x2;
	s7 =	sshra.s32 @!p3 s12, $0x2;
	_ =	swait.ge @!p4 [sflag:s8], $0x2800  }
0x122: {  	s3 =	sadd.s32 @!p3 s7, s3;
	s18 =	sadd.s32 $0x1, s10;
	[sflag:s8] =	ssyncset.done @!p4 $0x0  }
0x123: {  	s7 =	sadd.s32 s17, s18;
	[sflag:s8] =	ssyncadd.s32 @!p4 $0xFFFFD800;
	s8 =	simm.s32 @!p3 $0x80  }
0x124: {  	[tilespmem:s11], [sflag:s3] =	stream.indirect.gather @!p3 [hbm4b:s5+s8], $0x50, s28, s8, $0xb8;
	[tilespmem:$0x1FB20] =	vst v63  }
0x125: {  	_ =	swait.ge [sflag:s7], $0x2800  }
0x126: {  	[sflag:s7] =	ssyncset.done $0x0  }
0x127: {  	s19 =	sshra.s32 s13, $0x2;
	[sflag:s7] =	ssyncadd.s32 $0xFFFFD800  }
0x128: {  	s21 =	smul.u32 $0xFFFFFA00, s14;
	v8 =	vld [tilespmem:s19+$0x16AA0];
	_ =	sdelay $0x1  }
0x129: {  	s7 =	sshra.s32 s21, $0x2  }
0x12a: {  	s7 =	sadd.s32 $0x1F9A0, s7  }
0x12b: {  	s7 =	sadd.s32 s19, s7  }
0x12c: {  	[tilespmem:s7+$0x0] =	vst v8  }
0x12d: {  	v8 =	vld [tilespmem:s19+$0x16AB0];
	_ =	sdelay $0x4  }
0x12e: {  	[tilespmem:s7+$0x10] =	vst v8  }
0x12f: {  	v8 =	vld [tilespmem:s19+$0x16AC0];
	_ =	sdelay $0x4  }
0x130: {  	[tilespmem:s7+$0x20] =	vst v8  }
0x131: {  	v8 =	vld [tilespmem:s19+$0x16AD0];
	_ =	sdelay $0x4  }
0x132: {  	[tilespmem:s7+$0x30] =	vst v8  }
0x133: {  	v8 =	vld [tilespmem:s19+$0x16AE0];
	_ =	sdelay $0x4  }
0x134: {  	[tilespmem:s7+$0x40] =	vst v8  }
0x135: {  	v8 =	vld [tilespmem:s19+$0x16AF0];
	_ =	sdelay $0x4  }
0x136: {  	[tilespmem:s7+$0x50] =	vst v8  }
0x137: {  	v8 =	vld [tilespmem:s19+$0x16B00];
	_ =	sdelay $0x4  }
0x138: {  	[tilespmem:s7+$0x60] =	vst v8  }
0x139: {  	v8 =	vld [tilespmem:s19+$0x16B10]  }
0x13a: {  	s25 =	smul.u32 $0xFFFE2000, s14;
	s12 =	sadd.s32 @!p1 $0xFFFFFFFE, s1  }
0x13b: {  	s26 =	sadd.s32 $0xFFFFFFFF, s1;
	s13 =	smulhi.u32 @!p1 $0x55555556, s12  }
0x13c: {  	s10 =	sadd.s32 $0x4, s10;
	s28 =	smulhi.u32 $0xAAAAAAAB, s26  }
0x13d: {  	s14 =	sshra.s32 @!p1 s12, $0x1F;
	s29 =	sadd.s32 s17, s10;
	s3 =	sshra.s32 s25, $0x2  }
0x13e: {  	s10 =	smul.u32 @!p1 $0x55555556, s14;
	s3 =	sadd.s32 s3, s6;
	s30 =	sshrl.u32 s28, $0x1;
	[tilespmem:s7+$0x70] =	vst v8  }
0x13f: {  	[spmem:s2] =	stream.indirect.scatter.add.f32 [tilespmem:s3], [sflag:s29], $0x50, s7, s24, $0xb8;
	[tilespmem:$0x1FB20] =	vst v63  }
0x140: {  	p2 =	slt.s32 s1, $0x3;
	s6 =	sadd.s32 @!p1 s10, s13;
	s3 =	smul.u32 $0x3, s30  }
0x141: {  	s1 =	sadd.s32 @!p2 $0xFFFFFFFD, s1;
	s7 =	sshrl.u32 @!p1 s6, $0x1F  }
0x142: {  	s6 =	sadd.s32 @!p1 s7, s6;
	s7 =	smulhi.u32 @!p2 $0xAAAAAAAB, s1;
	s3 =	ssub.s32 s26, s3  }
0x143: {  	s6 =	smul.u32 @!p1 $0x3, s6;
	s3 =	sor.u32 $0x4, s3  }
0x144: {  	_ =	swait.ge [sflag:s3], $0x2800  }
0x145: {  	s7 =	sshrl.u32 @!p2 s7, $0x1;
	s6 =	ssub.s32 @!p1 s12, s6;
	[sflag:s3] =	ssyncset.done $0x0  }
0x146: {  	[sflag:s3] =	ssyncadd.s32 $0xFFFFD800;
	s3 =	sadd.s32 @!p1 $0x4, s6;
	s6 =	smul.u32 @!p2 $0x3, s7  }
0x147: {  	_ =	swait.ge @!p1 [sflag:s3], $0x2800  }
0x148: {  	[sflag:s3] =	ssyncset.done @!p1 $0x0;
	s1 =	ssub.s32 @!p2 s1, s6  }
0x149: {  	[sflag:s3] =	ssyncadd.s32 @!p1 $0xFFFFD800;
	s1 =	sor.u32 @!p2 $0x4, s1  }
0x14a: {  	_ =	swait.ge @!p2 [sflag:s1], $0x2800  }
0x14b: {  	[sflag:s1] =	ssyncset.done @!p2 $0x0  }
0x14c: {  	[sflag:s1] =	ssyncadd.s32 @!p2 $0xFFFFD800  }
.LBB2_24:
0x14d: {  	s0 =	sadd.s32 $0x1, s0  }
0x14e: {  	p1 =	sne.s32 s0, $0xB  }
.Ltmp12:
0x14f: {  	_ = 	snop;
	(pc) =	sbr.rel @!p1 .LBB2_25-.Ltmp12, $2  }
0x150: {  	_ =	sdelay $0x2  }
0x151: {  	s31 =	sadd.s32 $0x1620, s31  }
.LBB2_14:
0x152: {  	s1 =	smul.u32 $0x1620, s0;
	_ =	sdelay $0x1  }
0x153: {  	s1 =	sadd.s32 s9, s1  }
0x154: {  	s1 =	sshrl.u32 s1, $0x3  }
0x155: {  	s3 =	simm.s32 $0x13D80;
	s6 =	simm.s32 $0x0;
	s1 =	sadd.s32 s4, s1  }
0x156: {  	[tilespmem:s3], [sflag:$0x7] =	stream.linear.gather [hbm4b:s1+s6], $0x1620, $0x38;
	[tilespmem:$0x1FB20] =	vst v63  }
0x157: {  	_ =	swait.ge [sflag:s20], $0x1620  }
0x158: {  	[sflag:s20] =	ssyncset.done $0x0  }
0x159: {  	s29 =	simm.s32 $0x0;
	[sflag:s20] =	ssyncadd.s32 $0xFFFFE9E0  }
0x15a: {  	v8 =	vld [tilespmem:s29+$0x13D80];
	_ =	sdelay $0x4  }
0x15b: {  	vm0 =	vge.s32 v8, v1;
	vm1 =	vlt.s32 v8, v2  }
0x15c: {  	vm0 =	vmand vm0, vm1  }
0x15d: {  	v9 =	vsel vm0, $0x1, v5  }
0x15e: {  	(xrf0) =	vadd.scan.msk.s32 $0xffff, v9;
	_ =	sdelay $0x5  }
0x15f: {  	s30 =	simm.s32 $0xFFFFFFFF;
	v9, _, _ =	vpop (xrf0)  }
0x160: {  	v10 =	vadd.s32 s30, v9;
	(v2sf) =	vpush v9, $0xF;
	_ =	sdelay $0x3  }
0x161: {  	v11 =	vor.u32 s31, v6  }
0x162: {  	s7 =	simm.s32 $0x10;
	v8 =	vsub.s32 v8, v1;
	[tilespmem:v10+s22+$0x0] =	vst.idx.msk vm0, v11  }
0x163: {  	s6 =	simm.s32 $0x80;
	s3 =	simm.s32 $0x0;
	s1 =	smov.u32 s31;
	[tilespmem:v10+s23+$0x0] =	vst.idx.msk vm0, v8  }
.LBB2_15:
0x164: {  	p1 =	sne.s32 s6, $0x5840;
	v8 =	vld [tilespmem:s7+$0x13D80];
	_ =	sdelay $0x4  }
0x165: {  	vm0 =	vge.s32 v8, v1;
	vm1 =	vlt.s32 v8, v2;
	v8 =	vsub.s32 v8, v1  }
0x166: {  	vm0 =	vmand vm0, vm1  }
0x167: {  	v9 =	vsel vm0, $0x1, v5  }
0x168: {  	(xrf0) =	vadd.scan.msk.s32 $0xffff, v9;
	s7 =	spop (v2sf)  }
0x169: {  	s3 =	sadd.s32 s3, s7  }
0x16a: {  	s7 =	sadd.s32 $0xFFFFFFFF, s3;
	_ =	sdelay $0x3  }
0x16b: {  	v9, _, _ =	vpop (xrf0)  }
0x16c: {  	v10 =	vadd.s32 s7, v9;
	(v2sf) =	vpush v9, $0xF;
	_ =	sdelay $0x1  }
.Ltmp13:
0x16d: {  	(pc) =	sbr.rel @p1 .LBB2_15-.Ltmp13, $4  }
0x16e: {  	s1 =	sadd.s32 $0x10, s1  }
0x16f: {  	v9 =	vor.u32 s1, v6  }
0x170: {  	[tilespmem:v10+s22+$0x0] =	vst.idx.msk vm0, v9  }
0x171: {  	s7 =	sshra.s32 s6, $0x2;
	s6 =	sadd.s32 $0x40, s6;
	[tilespmem:v10+s23+$0x0] =	vst.idx.msk vm0, v8  }
0x172: {  	v8 =	vld [tilespmem:s7+$0x13D80];
	_ =	sdelay $0x4  }
0x173: {  	vm0 =	vge.s32 v8, v1;
	vm1 =	vlt.s32 v8, v2  }
0x174: {  	vm0 =	vmand vm0, vm1  }
0x175: {  	v9 =	vsel vm0, $0x1, v5  }
0x176: {  	(xrf0) =	vadd.scan.msk.s32 $0xffff, v9;
	_ =	sdelay $0x5  }
0x177: {  	v9, _, _ =	vpop (xrf0)  }
0x178: {  	(v2sf) =	vpush v9, $0xF;
	_ =	sdelay $0xb  }
0x179: {  	s6 =	spop (v2sf)  }
0x17a: {  	s3 =	sadd.s32 s3, s6  }
0x17b: {  	s6 =	sadd.s32 $0xFFFFFFFF, s3  }
0x17c: {  	v9 =	vadd.s32 s6, v9;
	s17 =	spop (v2sf)  }
0x17d: {  	s3 =	sadd.s32 s3, s17  }
0x17e: {  	v10 =	vadd.s32 s3, v6  }
0x17f: {  	s1 =	sadd.s32 $0x10, s1;
	s6 =	sadd.s32 $0x10, s3  }
0x180: {  	v11 =	vor.u32 s1, v6;
	v12 =	vadd.s32 s6, v6  }
0x181: {  	v8 =	vsub.s32 v8, v1;
	[tilespmem:v9+s22+$0x0] =	vst.idx.msk vm0, v11;
	s18 =	sadd.s32 $0x20, s3  }
0x182: {  	[tilespmem:v9+s23+$0x0] =	vst.idx.msk vm0, v8;
	v8 =	vadd.s32 s18, v6  }
0x183: {  	s19 =	sadd.s32 $0x30, s3;
	[tilespmem:v10+s22+$0x0] =	vst.idx.msk $0xffff, v5  }
0x184: {  	v60 =	vadd.s32 s19, v6;
	[tilespmem:v10+s23+$0x0] =	vst.idx.msk $0xffff, v7  }
0x185: {  	s21 =	sadd.s32 $0x40, s3;
	[tilespmem:v12+s22+$0x0] =	vst.idx.msk $0xffff, v5  }
0x186: {  	s25 =	sadd.s32 $0x50, s3;
	s28 =	sadd.s32 $0x7F, s3;
	v61 =	vadd.s32 s21, v6;
	[tilespmem:v12+s23+$0x0] =	vst.idx.msk $0xffff, v7  }
0x187: {  	s26 =	sadd.s32 $0x60, s3;
	s3 =	sadd.s32 $0x70, s3;
	s29 =	sand.u32 $0x7F, s28;
	[tilespmem:v8+s22+$0x0] =	vst.idx.msk $0xffff, v5  }
0x188: {  	s30 =	sshra.s32 s28, $0x1F;
	p1 =	slt.s32 s28, $0x1;
	p2 =	sne.s32 s29, $0x0;
	[tilespmem:v8+s23+$0x0] =	vst.idx.msk $0xffff, v7;
	v8 =	vadd.s32 s25, v6  }
0x189: {  	v63 =	vadd.s32 s3, v6;
	s3 =	sshrl.u32 s30, $0x19;
	p1 =	por !p1, !p2;
	[tilespmem:v60+s22+$0x0] =	vst.idx.msk $0xffff, v5  }
0x18a: {  	v62 =	vadd.s32 s26, v6;
	s1 =	sadd.s32 s3, s28;
	s3 =	simm.s32 $0x1;
	p1 =	por !p1, !p1;
	[tilespmem:v60+s23+$0x0] =	vst.idx.msk $0xffff, v7  }
0x18b: {  	s1 =	sshra.s32 s1, $0x7;
	s3 =	simm.s32 @!p1 $0x0;
	[tilespmem:v61+s22+$0x0] =	vst.idx.msk $0xffff, v5  }
0x18c: {  	s1 =	ssub.s32 s1, s3;
	[tilespmem:v61+s23+$0x0] =	vst.idx.msk $0xffff, v7  }
0x18d: {  	p1 =	slt.s32 s1, $0x1;
	[tilespmem:v8+s22+$0x0] =	vst.idx.msk $0xffff, v5  }
.Ltmp14:
0x18e: {  	[tilespmem:v8+s23+$0x0] =	vst.idx.msk $0xffff, v7;
	(pc) =	sbr.rel @p1 .LBB2_24-.Ltmp14, $4  }
0x18f: {  	[tilespmem:v62+s22+$0x0] =	vst.idx.msk $0xffff, v5  }
0x190: {  	[tilespmem:v62+s23+$0x0] =	vst.idx.msk $0xffff, v7  }
0x191: {  	[tilespmem:v63+s22+$0x0] =	vst.idx.msk $0xffff, v5  }
0x192: {  	[tilespmem:v63+s23+$0x0] =	vst.idx.msk $0xffff, v7  }
0x193: {  	s3 =	simm.s32 $0x181A0;
	p1 =	seq.s32 s1, $0x1;
	s25 =	simm.s32 $0x2  }
0x194: {  	[tilespmem:s3], [sflag:$0x1] =	stream.indirect.gather [hbm4b:s5+s24], $0x50, s22, s24, $0xb8;
	[tilespmem:$0x1FB20] =	vst v63  }
0x195: {  	s3 =	simm.s32 @!p1 $0x80;
	s6 =	simm.s32 @!p1 $0x15420;
	s7 =	simm.s32 @!p1 $0x1A9A0  }
0x196: {  	[tilespmem:s7], [sflag:$0x2] =	stream.indirect.gather @!p1 [hbm4b:s5+s3], $0x50, s6, s3, $0xb8;
	[tilespmem:$0x1FB20] =	vst v63  }
0x197: {  	s12 =	simm.s32 $0x0;
	s11 =	simm.s32 $0x1D1A0;
	s3 =	smulhi.u32 $0xAAAAAAAB, s25  }
0x198: {  	s10 =	simm.s32 $0x1;
	p5 =	sne.s32 s1, $0x1;
	s26 =	smulhi.u32 $0xAAAAAAAB, s12  }
.Ltmp15:
0x199: {  	p3 =	sle.s32 s1, $0x2;
	s3 =	sshrl.u32 s3, $0x1;
	(pc) =	sbr.rel @!p5 .LBB2_18-.Ltmp15, $4  }
0x19a: {  	p2 =	por @!p3 $0x1, $0x1;
	s28 =	simm.s32 @!p3 $0x154A0;
	s8 =	smul.u32 $0xFFFFFFF4, s3  }
0x19b: {  	p4 =	por p2, p3;
	p2 =	por $0x0, $0x0;
	s6 =	simm.s32 $0x181A0  }
0x19c: {  	s14 =	sshrl.u32 s26, $0x1;
	s29 =	smul.u32 $0xFFFE2000, s3;
	s30 =	sshra.s32 s8, $0x2  }
0x19d: {  	s8 =	simm.s32 @!p4 $0x0;
	s26 =	sadd.s32 $0x6, s30;
	s3 =	sadd.s32 $0x3, s30  }
0x19e: {  	s7 =	smul.u32 $0xFFFFFFF4, s14  }
0x19f: {  	s8 =	sadd.s32 @!p4 $0x0, s26;
	s11 =	sshra.s32 s29, $0x2  }
0x1a0: {  	s3 =	sadd.s32 @!p3 $0x0, s3;
	_ =	swait.ge @!p4 [sflag:s8], $0x2800;
	s7 =	sshra.s32 s7, $0x2  }
0x1a1: {  	s11 =	sadd.s32 $0x1D1A0, s11;
	[sflag:s8] =	ssyncset.done @!p4 $0x0;
	s12 =	sadd.s32 $0x1, s7  }
0x1a2: {  	[sflag:s8] =	ssyncadd.s32 @!p4 $0xFFFFD800;
	s8 =	simm.s32 @!p3 $0x80;
	s12 =	sadd.s32 $0x0, s12  }
0x1a3: {  	[tilespmem:s11], [sflag:s3] =	stream.indirect.gather @!p3 [hbm4b:s5+s8], $0x50, s28, s8, $0xb8;
	[tilespmem:$0x1FB20] =	vst v63  }
0x1a4: {  	_ =	swait.ge [sflag:s12], $0x2800  }
0x1a5: {  	[sflag:s12] =	ssyncset.done $0x0  }
0x1a6: {  	s16 =	simm.s32 $0x0;
	[sflag:s12] =	ssyncadd.s32 $0xFFFFD800  }
0x1a7: {  	s19 =	smul.u32 $0xFFFFFA00, s14;
	v8 =	vld [tilespmem:s16+$0x16AA0];
	_ =	sdelay $0x1  }
0x1a8: {  	s3 =	sshra.s32 s19, $0x2  }
0x1a9: {  	s3 =	sadd.s32 $0x1F9A0, s3  }
0x1aa: {  	s18 =	sadd.s32 $0x0, s3  }
0x1ab: {  	[tilespmem:s18+$0x0] =	vst v8  }
0x1ac: {  	v8 =	vld [tilespmem:s16+$0x16AB0];
	_ =	sdelay $0x4  }
0x1ad: {  	[tilespmem:s18+$0x10] =	vst v8  }
0x1ae: {  	v8 =	vld [tilespmem:s16+$0x16AC0];
	_ =	sdelay $0x4  }
0x1af: {  	[tilespmem:s18+$0x20] =	vst v8  }
0x1b0: {  	v8 =	vld [tilespmem:s16+$0x16AD0];
	_ =	sdelay $0x4  }
0x1b1: {  	[tilespmem:s18+$0x30] =	vst v8  }
0x1b2: {  	v8 =	vld [tilespmem:s16+$0x16AE0];
	_ =	sdelay $0x4  }
0x1b3: {  	[tilespmem:s18+$0x40] =	vst v8  }
0x1b4: {  	v8 =	vld [tilespmem:s16+$0x16AF0];
	_ =	sdelay $0x4  }
0x1b5: {  	[tilespmem:s18+$0x50] =	vst v8  }
0x1b6: {  	s21 =	smul.u32 $0xFFFE2000, s14;
	s15 =	simm.s32 $0x3;
	v8 =	vld [tilespmem:s16+$0x16B00]  }
0x1b7: {  	s17 =	simm.s32 $0x2;
	p5 =	sne.s32 s1, $0x2;
	s26 =	smulhi.u32 $0xAAAAAAAB, s10  }
0x1b8: {  	s10 =	simm.s32 $0x1A9A0;
	s13 =	simm.s32 $0x200;
	s25 =	smulhi.u32 $0xAAAAAAAB, s15  }
0x1b9: {  	s14 =	sshrl.u32 s26, $0x1;
	s19 =	sadd.s32 $0x4, s7;
	s7 =	sshra.s32 s21, $0x2  }
.Ltmp16:
0x1ba: {  	s8 =	sshrl.u32 s25, $0x1;
	p3 =	sle.s32 s1, $0x3;
	(pc) =	sbr.rel @!p5 .LBB2_20-.Ltmp16, $4  }
0x1bb: {  	s11 =	simm.s32 $0x1F9A0;
	s21 =	smul.u32 $0xFFFFFFF4, s8;
	p2 =	por @!p3 $0x0, $0x0;
	[tilespmem:s18+$0x60] =	vst v8  }
0x1bc: {  	s29 =	smul.u32 $0xFFFE2000, s8;
	s28 =	simm.s32 @!p3 $0x15520;
	p4 =	por p2, p3;
	v8 =	vld [tilespmem:s16+$0x16B10]  }
0x1bd: {  	p2 =	por $0x1, $0x1;
	s12 =	simm.s32 $0x4;
	s30 =	sshra.s32 s21, $0x2  }
0x1be: {  	s8 =	simm.s32 @!p4 $0x1;
	s26 =	sadd.s32 $0x6, s30;
	s3 =	sadd.s32 $0x3, s30  }
.LBB2_21:
0x1bf: {  	s21 =	smul.u32 $0xFFFFFFF4, s14  }
0x1c0: {  	s8 =	sadd.s32 @!p4 s8, s26;
	s25 =	sshra.s32 s12, $0x2;
	s26 =	smov.u32 s17  }
0x1c1: {  	s30 =	smul.u32 $0xFFFFFA00, s14;
	s6 =	sadd.s32 s7, s6;
	s7 =	sadd.s32 s16, s19  }
0x1c2: {  	s16 =	sshra.s32 s29, $0x2;
	s19 =	sshra.s32 s21, $0x2;
	s21 =	sshra.s32 @!p3 s12, $0x2;
	[tilespmem:s18+$0x70] =	vst v8  }
0x1c3: {  	[spmem:s2] =	stream.indirect.scatter.add.f32 [tilespmem:s6], [sflag:s7], $0x50, s18, s24, $0xb8;
	[tilespmem:$0x1FB20] =	vst v63  }
0x1c4: {  	s6 =	sadd.s32 s16, s11;
	s3 =	sadd.s32 @!p3 s21, s3;
	_ =	swait.ge @!p4 [sflag:s8], $0x2800  }
0x1c5: {  	s7 =	sshra.s32 s30, $0x2;
	s16 =	sadd.s32 $0x1, s19;
	[sflag:s8] =	ssyncset.done @!p4 $0x0  }
0x1c6: {  	s16 =	sadd.s32 s25, s16;
	[sflag:s8] =	ssyncadd.s32 @!p4 $0xFFFFD800;
	s8 =	simm.s32 @!p3 $0x80  }
0x1c7: {  	[tilespmem:s6], [sflag:s3] =	stream.indirect.gather @!p3 [hbm4b:s5+s8], $0x50, s28, s8, $0xb8;
	[tilespmem:$0x1FB20] =	vst v63  }
0x1c8: {  	s19 =	sadd.s32 $0x4, s19;
	s3 =	sadd.s32 $0x1F9A0, s7;
	_ =	swait.ge [sflag:s16], $0x2800  }
0x1c9: {  	s17 =	sadd.s32 $0x1, s17;
	s6 =	smul.u32 $0xFFFE2000, s14;
	[sflag:s16] =	ssyncset.done $0x0  }
0x1ca: {  	p5 =	sne.s32 s1, s17;
	s28 =	sshra.s32 s13, $0x2;
	[sflag:s16] =	ssyncadd.s32 $0xFFFFD800  }
0x1cb: {  	s7 =	sshra.s32 s6, $0x2;
	s6 =	smov.u32 s10;
	s16 =	smov.u32 s25;
	v8 =	vld [tilespmem:s28+$0x16AA0]  }
0x1cc: {  	_ =	sdelay $0x2  }
0x1cd: {  	s18 =	sadd.s32 s28, s3  }
0x1ce: {  	[tilespmem:s18+$0x0] =	vst v8  }
0x1cf: {  	v8 =	vld [tilespmem:s28+$0x16AB0];
	_ =	sdelay $0x4  }
0x1d0: {  	[tilespmem:s18+$0x10] =	vst v8  }
0x1d1: {  	v8 =	vld [tilespmem:s28+$0x16AC0];
	_ =	sdelay $0x4  }
0x1d2: {  	[tilespmem:s18+$0x20] =	vst v8  }
0x1d3: {  	v8 =	vld [tilespmem:s28+$0x16AD0];
	_ =	sdelay $0x4  }
0x1d4: {  	[tilespmem:s18+$0x30] =	vst v8  }
0x1d5: {  	v8 =	vld [tilespmem:s28+$0x16AE0];
	_ =	sdelay $0x4  }
0x1d6: {  	[tilespmem:s18+$0x40] =	vst v8  }
0x1d7: {  	v8 =	vld [tilespmem:s28+$0x16AF0];
	_ =	sdelay $0x4  }
0x1d8: {  	[tilespmem:s18+$0x50] =	vst v8  }
0x1d9: {  	v8 =	vld [tilespmem:s28+$0x16B00]  }
0x1da: {  	s15 =	sadd.s32 $0x1, s15  }
0x1db: {  	s11 =	sadd.s32 $0x2800, s11;
	s3 =	smulhi.u32 $0xAAAAAAAB, s15;
	s10 =	sadd.s32 $0x2800, s10  }
0x1dc: {  	s12 =	sadd.s32 $0x4, s12;
	s8 =	smulhi.u32 $0xAAAAAAAB, s26;
	s13 =	sadd.s32 $0x200, s13  }
.Ltmp17:
0x1dd: {  	s21 =	sadd.s32 $0x2, s26;
	s3 =	sshrl.u32 s3, $0x1;
	(pc) =	sbr.rel @p5 .LBB2_21-.Ltmp17, $4  }
0x1de: {  	p3 =	sge.s32 s21, s1;
	s14 =	sshrl.u32 s8, $0x1;
	s25 =	smul.u32 $0xFFFFFFF4, s3;
	[tilespmem:s18+$0x60] =	vst v8  }
0x1df: {  	p4 =	seq.s32 @!p3 s26, $0x0;
	s29 =	smul.u32 $0xFFFE2000, s3;
	s3 =	sshra.s32 @!p3 s13, $0x2;
	v8 =	vld [tilespmem:s28+$0x16B10]  }
0x1e0: {  	p4 =	por p4, p3;
	s8 =	sshra.s32 s25, $0x2;
	s28 =	sadd.s32 @!p3 $0x154A0, s3  }
0x1e1: {  	s26 =	sadd.s32 $0x6, s8;
	s3 =	sadd.s32 $0x3, s8;
	s8 =	sshra.s32 @!p4 s12, $0x2  }
.Ltmp18:
0x1e2: {  	(pc) =	sbr.rel .LBB2_23-.Ltmp18, $2  }
0x1e3: {  	_ =	sdelay $0x2  }
0x1e4: {  	s15 =	smov.u32 s6;
	s6 =	smov.u32 s10  }
.LBB2_20:
.Ltmp19:
0x1e5: {  	(pc) =	sbr.rel .LBB2_23-.Ltmp19, $2  }
0x1e6: {  	_ =	sdelay $0x2  }
0x1e7: {  	s15 =	simm.s32 $0x181A0;
	s6 =	simm.s32 $0x1A9A0  }
.LBB2_25:
0x1e8: {  	[bflag:$0x0] =	sbarrier.arrive $0xFFFF  }
0x1e9: {  	s1 =	rddreg [dreg:$0x7]  }
0x1ea: {  	s0 =	rddreg [dreg:$0xc]  }
0x1eb: {  	s3 =	rddreg [dreg:$0x13]  }
0x1ec: {  	[hbm:s0], [sflag:s1] =	dma.local @p0 [spmem:s3], $0x2580  }
0x1ed: {  	s0 =	simm.s32 @p0 $0x7  }
0x1ee: {  	_ =	swait.ge @p0 [sflag:s0], $0x2580  }
0x1ef: {  	[sflag:s0] =	ssyncset.done @p0 $0x0;
	s3 =	rddreg [dreg:$0x14]  }
0x1f0: {  	[sflag:s0] =	ssyncadd.s32 @p0 $0xFFFFDA80;
	s0 =	rddreg [dreg:$0xb]  }
0x1f1: {  	[hbm:s0], [sflag:s1] =	dma.local @!p0 [spmem:s3], $0x27B0  }
0x1f2: {  	s0 =	simm.s32 @!p0 $0x7  }
0x1f3: {  	_ =	swait.ge @!p0 [sflag:s0], $0x27B0  }
0x1f4: {  	[sflag:s0] =	ssyncset.done @!p0 $0x0  }
0x1f5: {  	[sflag:s0] =	ssyncadd.s32 @!p0 $0xFFFFD850  }
0x1f6: {  	[bflag:$0x0] =	sbarrier.arrive $0xFFFF  }
0x1f7: {  	s29 =	rddreg [dreg:$0x6]  }
0x1f8: {  	s30 =	rddreg [dreg:$0x12]  }
0x1f9: {  	[spmem:s30], [sflag:s1] =	dma.local [hbm:s29], $0x27B0  }
.Ltmp20:
0x1fa: {  	_ =	swait.ge [sflag:s20], $0x27B0;
	(pc) =	sbr.rel .LBB2_26-.Ltmp20, $4  }
0x1fb: {  	[sflag:s20] =	ssyncset.done $0x0  }
0x1fc: {  	[sflag:s20] =	ssyncadd.s32 $0xFFFFD850  }
0x1fd: {  	[bflag:$0x0] =	sbarrier.arrive $0xFFFF  }
0x1fe: {  	s31 =	smov.u32 s9;
	s0 =	simm.s32 $0x0  }
.LBB2_30:
0x1ff: {  	s13 =	simm.s32 $0x0  }
.LBB2_35:
0x200: {  	s6 =	smul.u32 $0xFFFFFFF4, s14  }
0x201: {  	s8 =	sadd.s32 @!p4 s8, s26;
	s17 =	sshra.s32 s12, $0x2;
	s30 =	sshra.s32 s29, $0x2  }
0x202: {  	s7 =	sadd.s32 @p2 s7, s15;
	s15 =	sadd.s32 @p2 s16, s19;
	[tilespmem:s18+$0x70] =	vst @p2 v8;
	s11 =	sadd.s32 s30, s11  }
0x203: {  	[spmem:s2] =	stream.indirect.scatter.add.f32 @p2 [tilespmem:s7], [sflag:s15], $0x50, s18, s24, $0xb8;
	[tilespmem:$0x1FB20] =	vst v63  }
0x204: {  	s6 =	sshra.s32 s6, $0x2;
	s7 =	sshra.s32 @!p3 s12, $0x2;
	_ =	swait.ge @!p4 [sflag:s8], $0x2800  }
0x205: {  	s3 =	sadd.s32 @!p3 s7, s3;
	s19 =	sadd.s32 $0x1, s6;
	[sflag:s8] =	ssyncset.done @!p4 $0x0  }
0x206: {  	s7 =	sadd.s32 s17, s19;
	[sflag:s8] =	ssyncadd.s32 @!p4 $0xFFFFD800;
	s8 =	simm.s32 @!p3 $0x80  }
0x207: {  	[tilespmem:s11], [sflag:s3] =	stream.indirect.gather @!p3 [hbm4b:s5+s8], $0x50, s28, s8, $0xb8;
	[tilespmem:$0x1FB20] =	vst v63  }
0x208: {  	_ =	swait.ge [sflag:s7], $0x2800  }
0x209: {  	[sflag:s7] =	ssyncset.done $0x0  }
0x20a: {  	s21 =	sshra.s32 s13, $0x2;
	[sflag:s7] =	ssyncadd.s32 $0xFFFFD800  }
0x20b: {  	s25 =	smul.u32 $0xFFFFFA00, s14;
	v8 =	vld [tilespmem:s21+$0x16AA0];
	_ =	sdelay $0x1  }
0x20c: {  	s7 =	sshra.s32 s25, $0x2  }
0x20d: {  	s7 =	sadd.s32 $0x1F9A0, s7  }
0x20e: {  	s7 =	sadd.s32 s21, s7  }
0x20f: {  	[tilespmem:s7+$0x0] =	vst v8  }
0x210: {  	v8 =	vld [tilespmem:s21+$0x16AB0];
	_ =	sdelay $0x4  }
0x211: {  	[tilespmem:s7+$0x10] =	vst v8  }
0x212: {  	v8 =	vld [tilespmem:s21+$0x16AC0];
	_ =	sdelay $0x4  }
0x213: {  	[tilespmem:s7+$0x20] =	vst v8  }
0x214: {  	v8 =	vld [tilespmem:s21+$0x16AD0];
	_ =	sdelay $0x4  }
0x215: {  	[tilespmem:s7+$0x30] =	vst v8  }
0x216: {  	v8 =	vld [tilespmem:s21+$0x16AE0];
	_ =	sdelay $0x4  }
0x217: {  	[tilespmem:s7+$0x40] =	vst v8  }
0x218: {  	v8 =	vld [tilespmem:s21+$0x16AF0];
	_ =	sdelay $0x4  }
0x219: {  	[tilespmem:s7+$0x50] =	vst v8  }
0x21a: {  	v8 =	vld [tilespmem:s21+$0x16B00];
	_ =	sdelay $0x4  }
0x21b: {  	[tilespmem:s7+$0x60] =	vst v8  }
0x21c: {  	v8 =	vld [tilespmem:s21+$0x16B10]  }
0x21d: {  	s26 =	smul.u32 $0xFFFE2000, s14;
	s12 =	sadd.s32 @!p1 $0xFFFFFFFE, s1  }
0x21e: {  	s13 =	smulhi.u32 @!p1 $0x55555556, s12;
	s28 =	sadd.s32 $0xFFFFFFFF, s1  }
0x21f: {  	s6 =	sadd.s32 $0x4, s6;
	s29 =	smulhi.u32 $0xAAAAAAAB, s28  }
0x220: {  	s14 =	sshra.s32 @!p1 s12, $0x1F;
	s6 =	sadd.s32 s17, s6;
	s3 =	sshra.s32 s26, $0x2  }
0x221: {  	s3 =	sadd.s32 s3, s10;
	s10 =	smul.u32 @!p1 $0x55555556, s14;
	s30 =	sshrl.u32 s29, $0x1;
	[tilespmem:s7+$0x70] =	vst v8  }
0x222: {  	[spmem:s2] =	stream.indirect.scatter.add.f32 [tilespmem:s3], [sflag:s6], $0x50, s7, s24, $0xb8;
	[tilespmem:$0x1FB20] =	vst v63  }
0x223: {  	p2 =	slt.s32 s1, $0x3;
	s6 =	sadd.s32 @!p1 s10, s13;
	s3 =	smul.u32 $0x3, s30  }
0x224: {  	s1 =	sadd.s32 @!p2 $0xFFFFFFFD, s1;
	s7 =	sshrl.u32 @!p1 s6, $0x1F  }
0x225: {  	s6 =	sadd.s32 @!p1 s7, s6;
	s3 =	ssub.s32 s28, s3;
	s7 =	smulhi.u32 @!p2 $0xAAAAAAAB, s1  }
0x226: {  	s6 =	smul.u32 @!p1 $0x3, s6;
	s3 =	sor.u32 $0x4, s3  }
0x227: {  	_ =	swait.ge [sflag:s3], $0x2800  }
0x228: {  	s7 =	sshrl.u32 @!p2 s7, $0x1;
	[sflag:s3] =	ssyncset.done $0x0;
	s6 =	ssub.s32 @!p1 s12, s6  }
0x229: {  	[sflag:s3] =	ssyncadd.s32 $0xFFFFD800;
	s3 =	sadd.s32 @!p1 $0x4, s6;
	s6 =	smul.u32 @!p2 $0x3, s7  }
0x22a: {  	_ =	swait.ge @!p1 [sflag:s3], $0x2800  }
0x22b: {  	[sflag:s3] =	ssyncset.done @!p1 $0x0;
	s1 =	ssub.s32 @!p2 s1, s6  }
0x22c: {  	[sflag:s3] =	ssyncadd.s32 @!p1 $0xFFFFD800;
	s1 =	sor.u32 @!p2 $0x4, s1  }
0x22d: {  	_ =	swait.ge @!p2 [sflag:s1], $0x2800  }
0x22e: {  	[sflag:s1] =	ssyncset.done @!p2 $0x0  }
0x22f: {  	[sflag:s1] =	ssyncadd.s32 @!p2 $0xFFFFD800  }
.LBB2_36:
0x230: {  	s0 =	sadd.s32 $0x1, s0  }
0x231: {  	p1 =	sne.s32 s0, $0xB  }
.Ltmp21:
0x232: {  	_ = 	snop;
	(pc) =	sbr.rel @!p1 .LBB2_37-.Ltmp21, $2  }
0x233: {  	_ =	sdelay $0x2  }
0x234: {  	s31 =	sadd.s32 $0x1620, s31  }
.LBB2_26:
0x235: {  	s1 =	smul.u32 $0x1620, s0;
	_ =	sdelay $0x1  }
0x236: {  	s1 =	sadd.s32 s9, s1  }
0x237: {  	s1 =	sshrl.u32 s1, $0x3  }
0x238: {  	s3 =	simm.s32 $0x13D80;
	s6 =	simm.s32 $0x0;
	s1 =	sadd.s32 s4, s1  }
0x239: {  	[tilespmem:s3], [sflag:$0x7] =	stream.linear.gather [hbm4b:s1+s6], $0x1620, $0x38;
	[tilespmem:$0x1FB20] =	vst v63  }
0x23a: {  	_ =	swait.ge [sflag:s20], $0x1620  }
0x23b: {  	[sflag:s20] =	ssyncset.done $0x0  }
0x23c: {  	s29 =	simm.s32 $0x0;
	[sflag:s20] =	ssyncadd.s32 $0xFFFFE9E0  }
0x23d: {  	v8 =	vld [tilespmem:s29+$0x13D80];
	_ =	sdelay $0x4  }
0x23e: {  	vm0 =	vge.s32 v8, v2;
	vm1 =	vlt.s32 v8, v3  }
0x23f: {  	vm0 =	vmand vm0, vm1  }
0x240: {  	v9 =	vsel vm0, $0x1, v5  }
0x241: {  	(xrf0) =	vadd.scan.msk.s32 $0xffff, v9;
	_ =	sdelay $0x5  }
0x242: {  	s30 =	simm.s32 $0xFFFFFFFF;
	v9, _, _ =	vpop (xrf0)  }
0x243: {  	v10 =	vadd.s32 s30, v9;
	(v2sf) =	vpush v9, $0xF;
	_ =	sdelay $0x3  }
0x244: {  	v11 =	vor.u32 s31, v6  }
0x245: {  	s7 =	simm.s32 $0x10;
	v8 =	vsub.s32 v8, v2;
	[tilespmem:v10+s22+$0x0] =	vst.idx.msk vm0, v11  }
0x246: {  	s6 =	simm.s32 $0x80;
	s3 =	simm.s32 $0x0;
	s1 =	smov.u32 s31;
	[tilespmem:v10+s23+$0x0] =	vst.idx.msk vm0, v8  }
.LBB2_27:
0x247: {  	p1 =	sne.s32 s6, $0x5840;
	v8 =	vld [tilespmem:s7+$0x13D80];
	_ =	sdelay $0x4  }
0x248: {  	vm0 =	vge.s32 v8, v2;
	vm1 =	vlt.s32 v8, v3;
	v8 =	vsub.s32 v8, v2  }
0x249: {  	vm0 =	vmand vm0, vm1  }
0x24a: {  	v9 =	vsel vm0, $0x1, v5  }
0x24b: {  	(xrf0) =	vadd.scan.msk.s32 $0xffff, v9;
	s7 =	spop (v2sf)  }
0x24c: {  	s3 =	sadd.s32 s3, s7  }
0x24d: {  	s7 =	sadd.s32 $0xFFFFFFFF, s3;
	_ =	sdelay $0x3  }
0x24e: {  	v9, _, _ =	vpop (xrf0)  }
0x24f: {  	v10 =	vadd.s32 s7, v9;
	(v2sf) =	vpush v9, $0xF;
	_ =	sdelay $0x1  }
.Ltmp22:
0x250: {  	(pc) =	sbr.rel @p1 .LBB2_27-.Ltmp22, $4  }
0x251: {  	s1 =	sadd.s32 $0x10, s1  }
0x252: {  	v9 =	vor.u32 s1, v6  }
0x253: {  	[tilespmem:v10+s22+$0x0] =	vst.idx.msk vm0, v9  }
0x254: {  	s7 =	sshra.s32 s6, $0x2;
	s6 =	sadd.s32 $0x40, s6;
	[tilespmem:v10+s23+$0x0] =	vst.idx.msk vm0, v8  }
0x255: {  	v8 =	vld [tilespmem:s7+$0x13D80];
	_ =	sdelay $0x4  }
0x256: {  	vm0 =	vge.s32 v8, v2;
	vm1 =	vlt.s32 v8, v3  }
0x257: {  	vm0 =	vmand vm0, vm1  }
0x258: {  	v9 =	vsel vm0, $0x1, v5  }
0x259: {  	(xrf0) =	vadd.scan.msk.s32 $0xffff, v9;
	_ =	sdelay $0x5  }
0x25a: {  	v9, _, _ =	vpop (xrf0)  }
0x25b: {  	(v2sf) =	vpush v9, $0xF;
	_ =	sdelay $0xb  }
0x25c: {  	s6 =	spop (v2sf)  }
0x25d: {  	s3 =	sadd.s32 s3, s6  }
0x25e: {  	s6 =	sadd.s32 $0xFFFFFFFF, s3  }
0x25f: {  	v9 =	vadd.s32 s6, v9;
	s17 =	spop (v2sf)  }
0x260: {  	s3 =	sadd.s32 s3, s17  }
0x261: {  	v10 =	vadd.s32 s3, v6  }
0x262: {  	s1 =	sadd.s32 $0x10, s1;
	s6 =	sadd.s32 $0x10, s3  }
0x263: {  	v11 =	vor.u32 s1, v6;
	v12 =	vadd.s32 s6, v6  }
0x264: {  	v8 =	vsub.s32 v8, v2;
	[tilespmem:v9+s22+$0x0] =	vst.idx.msk vm0, v11;
	s18 =	sadd.s32 $0x20, s3  }
0x265: {  	[tilespmem:v9+s23+$0x0] =	vst.idx.msk vm0, v8;
	v8 =	vadd.s32 s18, v6  }
0x266: {  	s19 =	sadd.s32 $0x30, s3;
	[tilespmem:v10+s22+$0x0] =	vst.idx.msk $0xffff, v5  }
0x267: {  	v60 =	vadd.s32 s19, v6;
	[tilespmem:v10+s23+$0x0] =	vst.idx.msk $0xffff, v7  }
0x268: {  	s21 =	sadd.s32 $0x40, s3;
	[tilespmem:v12+s22+$0x0] =	vst.idx.msk $0xffff, v5  }
0x269: {  	s25 =	sadd.s32 $0x50, s3;
	s28 =	sadd.s32 $0x7F, s3;
	v61 =	vadd.s32 s21, v6;
	[tilespmem:v12+s23+$0x0] =	vst.idx.msk $0xffff, v7  }
0x26a: {  	s26 =	sadd.s32 $0x60, s3;
	s3 =	sadd.s32 $0x70, s3;
	s29 =	sand.u32 $0x7F, s28;
	[tilespmem:v8+s22+$0x0] =	vst.idx.msk $0xffff, v5  }
0x26b: {  	s30 =	sshra.s32 s28, $0x1F;
	p1 =	slt.s32 s28, $0x1;
	p2 =	sne.s32 s29, $0x0;
	[tilespmem:v8+s23+$0x0] =	vst.idx.msk $0xffff, v7;
	v8 =	vadd.s32 s25, v6  }
0x26c: {  	v63 =	vadd.s32 s3, v6;
	s3 =	sshrl.u32 s30, $0x19;
	p1 =	por !p1, !p2;
	[tilespmem:v60+s22+$0x0] =	vst.idx.msk $0xffff, v5  }
0x26d: {  	v62 =	vadd.s32 s26, v6;
	s1 =	sadd.s32 s3, s28;
	s3 =	simm.s32 $0x1;
	p1 =	por !p1, !p1;
	[tilespmem:v60+s23+$0x0] =	vst.idx.msk $0xffff, v7  }
0x26e: {  	s1 =	sshra.s32 s1, $0x7;
	s3 =	simm.s32 @!p1 $0x0;
	[tilespmem:v61+s22+$0x0] =	vst.idx.msk $0xffff, v5  }
0x26f: {  	s1 =	ssub.s32 s1, s3;
	[tilespmem:v61+s23+$0x0] =	vst.idx.msk $0xffff, v7  }
0x270: {  	p1 =	slt.s32 s1, $0x1;
	[tilespmem:v8+s22+$0x0] =	vst.idx.msk $0xffff, v5  }
.Ltmp23:
0x271: {  	[tilespmem:v8+s23+$0x0] =	vst.idx.msk $0xffff, v7;
	(pc) =	sbr.rel @p1 .LBB2_36-.Ltmp23, $4  }
0x272: {  	[tilespmem:v62+s22+$0x0] =	vst.idx.msk $0xffff, v5  }
0x273: {  	[tilespmem:v62+s23+$0x0] =	vst.idx.msk $0xffff, v7  }
0x274: {  	[tilespmem:v63+s22+$0x0] =	vst.idx.msk $0xffff, v5  }
0x275: {  	[tilespmem:v63+s23+$0x0] =	vst.idx.msk $0xffff, v7  }
0x276: {  	s3 =	simm.s32 $0x181A0;
	p1 =	seq.s32 s1, $0x1;
	s25 =	simm.s32 $0x2  }
0x277: {  	[tilespmem:s3], [sflag:$0x1] =	stream.indirect.gather [hbm4b:s5+s24], $0x50, s22, s24, $0xb8;
	[tilespmem:$0x1FB20] =	vst v63  }
0x278: {  	s3 =	simm.s32 @!p1 $0x80;
	s6 =	simm.s32 @!p1 $0x15420;
	s7 =	simm.s32 @!p1 $0x1A9A0  }
0x279: {  	[tilespmem:s7], [sflag:$0x2] =	stream.indirect.gather @!p1 [hbm4b:s5+s3], $0x50, s6, s3, $0xb8;
	[tilespmem:$0x1FB20] =	vst v63  }
0x27a: {  	s12 =	simm.s32 $0x0;
	s11 =	simm.s32 $0x1D1A0;
	s3 =	smulhi.u32 $0xAAAAAAAB, s25  }
0x27b: {  	s10 =	simm.s32 $0x181A0;
	p5 =	sne.s32 s1, $0x1;
	s26 =	smulhi.u32 $0xAAAAAAAB, s12  }
.Ltmp24:
0x27c: {  	p3 =	sle.s32 s1, $0x2;
	s3 =	sshrl.u32 s3, $0x1;
	(pc) =	sbr.rel @!p5 .LBB2_30-.Ltmp24, $4  }
0x27d: {  	p2 =	por @!p3 $0x1, $0x1;
	s28 =	simm.s32 @!p3 $0x154A0;
	s8 =	smul.u32 $0xFFFFFFF4, s3  }
0x27e: {  	p4 =	por p2, p3;
	p2 =	por $0x0, $0x0;
	s6 =	simm.s32 $0x1  }
0x27f: {  	s14 =	sshrl.u32 s26, $0x1;
	s29 =	smul.u32 $0xFFFE2000, s3;
	s30 =	sshra.s32 s8, $0x2  }
0x280: {  	s8 =	simm.s32 @!p4 $0x0;
	s26 =	sadd.s32 $0x6, s30;
	s3 =	sadd.s32 $0x3, s30  }
0x281: {  	s7 =	smul.u32 $0xFFFFFFF4, s14  }
0x282: {  	s8 =	sadd.s32 @!p4 $0x0, s26;
	s11 =	sshra.s32 s29, $0x2  }
0x283: {  	s3 =	sadd.s32 @!p3 $0x0, s3;
	_ =	swait.ge @!p4 [sflag:s8], $0x2800;
	s7 =	sshra.s32 s7, $0x2  }
0x284: {  	s11 =	sadd.s32 $0x1D1A0, s11;
	[sflag:s8] =	ssyncset.done @!p4 $0x0;
	s12 =	sadd.s32 $0x1, s7  }
0x285: {  	[sflag:s8] =	ssyncadd.s32 @!p4 $0xFFFFD800;
	s8 =	simm.s32 @!p3 $0x80;
	s12 =	sadd.s32 $0x0, s12  }
0x286: {  	[tilespmem:s11], [sflag:s3] =	stream.indirect.gather @!p3 [hbm4b:s5+s8], $0x50, s28, s8, $0xb8;
	[tilespmem:$0x1FB20] =	vst v63  }
0x287: {  	_ =	swait.ge [sflag:s12], $0x2800  }
0x288: {  	[sflag:s12] =	ssyncset.done $0x0  }
0x289: {  	s16 =	simm.s32 $0x0;
	[sflag:s12] =	ssyncadd.s32 $0xFFFFD800  }
0x28a: {  	s19 =	smul.u32 $0xFFFFFA00, s14;
	v8 =	vld [tilespmem:s16+$0x16AA0];
	_ =	sdelay $0x1  }
0x28b: {  	s3 =	sshra.s32 s19, $0x2  }
0x28c: {  	s3 =	sadd.s32 $0x1F9A0, s3  }
0x28d: {  	s18 =	sadd.s32 $0x0, s3  }
0x28e: {  	[tilespmem:s18+$0x0] =	vst v8  }
0x28f: {  	v8 =	vld [tilespmem:s16+$0x16AB0];
	_ =	sdelay $0x4  }
0x290: {  	[tilespmem:s18+$0x10] =	vst v8  }
0x291: {  	v8 =	vld [tilespmem:s16+$0x16AC0];
	_ =	sdelay $0x4  }
0x292: {  	[tilespmem:s18+$0x20] =	vst v8  }
0x293: {  	v8 =	vld [tilespmem:s16+$0x16AD0];
	_ =	sdelay $0x4  }
0x294: {  	[tilespmem:s18+$0x30] =	vst v8  }
0x295: {  	v8 =	vld [tilespmem:s16+$0x16AE0];
	_ =	sdelay $0x4  }
0x296: {  	[tilespmem:s18+$0x40] =	vst v8  }
0x297: {  	v8 =	vld [tilespmem:s16+$0x16AF0];
	_ =	sdelay $0x4  }
0x298: {  	[tilespmem:s18+$0x50] =	vst v8  }
0x299: {  	s21 =	smul.u32 $0xFFFE2000, s14;
	s15 =	simm.s32 $0x3;
	v8 =	vld [tilespmem:s16+$0x16B00]  }
0x29a: {  	s17 =	simm.s32 $0x2;
	p5 =	sne.s32 s1, $0x2;
	s26 =	smulhi.u32 $0xAAAAAAAB, s6  }
0x29b: {  	s6 =	simm.s32 $0x1A9A0;
	s13 =	simm.s32 $0x200;
	s25 =	smulhi.u32 $0xAAAAAAAB, s15  }
0x29c: {  	s14 =	sshrl.u32 s26, $0x1;
	s19 =	sadd.s32 $0x4, s7;
	s7 =	sshra.s32 s21, $0x2  }
.Ltmp25:
0x29d: {  	s8 =	sshrl.u32 s25, $0x1;
	p3 =	sle.s32 s1, $0x3;
	(pc) =	sbr.rel @!p5 .LBB2_32-.Ltmp25, $4  }
0x29e: {  	s11 =	simm.s32 $0x1F9A0;
	s21 =	smul.u32 $0xFFFFFFF4, s8;
	p2 =	por @!p3 $0x0, $0x0;
	[tilespmem:s18+$0x60] =	vst v8  }
0x29f: {  	s29 =	smul.u32 $0xFFFE2000, s8;
	s28 =	simm.s32 @!p3 $0x15520;
	p4 =	por p2, p3;
	v8 =	vld [tilespmem:s16+$0x16B10]  }
0x2a0: {  	p2 =	por $0x1, $0x1;
	s12 =	simm.s32 $0x4;
	s30 =	sshra.s32 s21, $0x2  }
0x2a1: {  	s8 =	simm.s32 @!p4 $0x1;
	s26 =	sadd.s32 $0x6, s30;
	s3 =	sadd.s32 $0x3, s30  }
.LBB2_33:
0x2a2: {  	s21 =	smul.u32 $0xFFFFFFF4, s14  }
0x2a3: {  	s8 =	sadd.s32 @!p4 s8, s26;
	s25 =	sshra.s32 s12, $0x2;
	s26 =	smov.u32 s17  }
0x2a4: {  	s30 =	smul.u32 $0xFFFFFA00, s14;
	s7 =	sadd.s32 s7, s10;
	s10 =	sadd.s32 s16, s19  }
0x2a5: {  	s16 =	sshra.s32 s29, $0x2;
	s19 =	sshra.s32 s21, $0x2;
	s21 =	sshra.s32 @!p3 s12, $0x2;
	[tilespmem:s18+$0x70] =	vst v8  }
0x2a6: {  	[spmem:s2] =	stream.indirect.scatter.add.f32 [tilespmem:s7], [sflag:s10], $0x50, s18, s24, $0xb8;
	[tilespmem:$0x1FB20] =	vst v63  }
0x2a7: {  	s7 =	sadd.s32 s16, s11;
	s3 =	sadd.s32 @!p3 s21, s3;
	_ =	swait.ge @!p4 [sflag:s8], $0x2800  }
0x2a8: {  	s10 =	sshra.s32 s30, $0x2;
	s16 =	sadd.s32 $0x1, s19;
	[sflag:s8] =	ssyncset.done @!p4 $0x0  }
0x2a9: {  	s16 =	sadd.s32 s25, s16;
	[sflag:s8] =	ssyncadd.s32 @!p4 $0xFFFFD800;
	s8 =	simm.s32 @!p3 $0x80  }
0x2aa: {  	[tilespmem:s7], [sflag:s3] =	stream.indirect.gather @!p3 [hbm4b:s5+s8], $0x50, s28, s8, $0xb8;
	[tilespmem:$0x1FB20] =	vst v63  }
0x2ab: {  	s19 =	sadd.s32 $0x4, s19;
	s3 =	sadd.s32 $0x1F9A0, s10;
	_ =	swait.ge [sflag:s16], $0x2800  }
0x2ac: {  	s17 =	sadd.s32 $0x1, s17;
	s7 =	smul.u32 $0xFFFE2000, s14;
	[sflag:s16] =	ssyncset.done $0x0  }
0x2ad: {  	p5 =	sne.s32 s1, s17;
	s28 =	sshra.s32 s13, $0x2;
	[sflag:s16] =	ssyncadd.s32 $0xFFFFD800  }
0x2ae: {  	s10 =	smov.u32 s6;
	s7 =	sshra.s32 s7, $0x2;
	s16 =	smov.u32 s25;
	v8 =	vld [tilespmem:s28+$0x16AA0]  }
0x2af: {  	_ =	sdelay $0x2  }
0x2b0: {  	s18 =	sadd.s32 s28, s3  }
0x2b1: {  	[tilespmem:s18+$0x0] =	vst v8  }
0x2b2: {  	v8 =	vld [tilespmem:s28+$0x16AB0];
	_ =	sdelay $0x4  }
0x2b3: {  	[tilespmem:s18+$0x10] =	vst v8  }
0x2b4: {  	v8 =	vld [tilespmem:s28+$0x16AC0];
	_ =	sdelay $0x4  }
0x2b5: {  	[tilespmem:s18+$0x20] =	vst v8  }
0x2b6: {  	v8 =	vld [tilespmem:s28+$0x16AD0];
	_ =	sdelay $0x4  }
0x2b7: {  	[tilespmem:s18+$0x30] =	vst v8  }
0x2b8: {  	v8 =	vld [tilespmem:s28+$0x16AE0];
	_ =	sdelay $0x4  }
0x2b9: {  	[tilespmem:s18+$0x40] =	vst v8  }
0x2ba: {  	v8 =	vld [tilespmem:s28+$0x16AF0];
	_ =	sdelay $0x4  }
0x2bb: {  	[tilespmem:s18+$0x50] =	vst v8  }
0x2bc: {  	v8 =	vld [tilespmem:s28+$0x16B00]  }
0x2bd: {  	s15 =	sadd.s32 $0x1, s15  }
0x2be: {  	s11 =	sadd.s32 $0x2800, s11;
	s6 =	sadd.s32 $0x2800, s6;
	s3 =	smulhi.u32 $0xAAAAAAAB, s15  }
0x2bf: {  	s12 =	sadd.s32 $0x4, s12;
	s8 =	smulhi.u32 $0xAAAAAAAB, s26;
	s13 =	sadd.s32 $0x200, s13  }
.Ltmp26:
0x2c0: {  	s21 =	sadd.s32 $0x2, s26;
	s3 =	sshrl.u32 s3, $0x1;
	(pc) =	sbr.rel @p5 .LBB2_33-.Ltmp26, $4  }
0x2c1: {  	p3 =	sge.s32 s21, s1;
	s14 =	sshrl.u32 s8, $0x1;
	s25 =	smul.u32 $0xFFFFFFF4, s3;
	[tilespmem:s18+$0x60] =	vst v8  }
0x2c2: {  	p4 =	seq.s32 @!p3 s26, $0x0;
	s29 =	smul.u32 $0xFFFE2000, s3;
	s3 =	sshra.s32 @!p3 s13, $0x2;
	v8 =	vld [tilespmem:s28+$0x16B10]  }
0x2c3: {  	p4 =	por p4, p3;
	s8 =	sshra.s32 s25, $0x2;
	s28 =	sadd.s32 @!p3 $0x154A0, s3  }
0x2c4: {  	s26 =	sadd.s32 $0x6, s8;
	s3 =	sadd.s32 $0x3, s8;
	s8 =	sshra.s32 @!p4 s12, $0x2  }
.Ltmp27:
0x2c5: {  	(pc) =	sbr.rel .LBB2_35-.Ltmp27, $2  }
0x2c6: {  	_ =	sdelay $0x2  }
0x2c7: {  	s15 =	smov.u32 s10;
	s10 =	smov.u32 s6  }
.LBB2_32:
.Ltmp28:
0x2c8: {  	(pc) =	sbr.rel .LBB2_35-.Ltmp28, $2  }
0x2c9: {  	_ =	sdelay $0x2  }
0x2ca: {  	s15 =	simm.s32 $0x181A0;
	s10 =	simm.s32 $0x1A9A0  }
.LBB2_37:
0x2cb: {  	[bflag:$0x0] =	sbarrier.arrive $0xFFFF  }
0x2cc: {  	s1 =	rddreg [dreg:$0x7]  }
0x2cd: {  	s0 =	rddreg [dreg:$0xe]  }
0x2ce: {  	s3 =	rddreg [dreg:$0x13]  }
0x2cf: {  	[hbm:s0], [sflag:s1] =	dma.local @p0 [spmem:s3], $0x2580  }
0x2d0: {  	s0 =	simm.s32 @p0 $0x7  }
0x2d1: {  	_ =	swait.ge @p0 [sflag:s0], $0x2580  }
0x2d2: {  	[sflag:s0] =	ssyncset.done @p0 $0x0;
	s3 =	rddreg [dreg:$0x14]  }
0x2d3: {  	[sflag:s0] =	ssyncadd.s32 @p0 $0xFFFFDA80;
	s0 =	rddreg [dreg:$0xd]  }
0x2d4: {  	[hbm:s0], [sflag:s1] =	dma.local @!p0 [spmem:s3], $0x27B0  }
0x2d5: {  	s0 =	simm.s32 @!p0 $0x7  }
0x2d6: {  	_ =	swait.ge @!p0 [sflag:s0], $0x27B0  }
0x2d7: {  	[sflag:s0] =	ssyncset.done @!p0 $0x0  }
0x2d8: {  	[sflag:s0] =	ssyncadd.s32 @!p0 $0xFFFFD850  }
0x2d9: {  	[bflag:$0x0] =	sbarrier.arrive $0xFFFF  }
0x2da: {  	s29 =	rddreg [dreg:$0x6]  }
0x2db: {  	s31 =	rddreg [dreg:$0x12]  }
0x2dc: {  	[spmem:s31], [sflag:s1] =	dma.local [hbm:s29], $0x27B0  }
.Ltmp29:
0x2dd: {  	_ =	swait.ge [sflag:s20], $0x27B0;
	(pc) =	sbr.rel .LBB2_38-.Ltmp29, $4  }
0x2de: {  	[sflag:s20] =	ssyncset.done $0x0  }
0x2df: {  	[sflag:s20] =	ssyncadd.s32 $0xFFFFD850  }
0x2e0: {  	[bflag:$0x0] =	sbarrier.arrive $0xFFFF  }
0x2e1: {  	s30 =	smov.u32 s9;
	s0 =	simm.s32 $0x0  }
.LBB2_42:
0x2e2: {  	s13 =	simm.s32 $0x0  }
.LBB2_47:
0x2e3: {  	s6 =	smul.u32 $0xFFFFFFF4, s14  }
0x2e4: {  	s8 =	sadd.s32 @!p4 s8, s31;
	s17 =	sshra.s32 s12, $0x2;
	s31 =	sshra.s32 s29, $0x2  }
0x2e5: {  	s7 =	sadd.s32 @p2 s7, s15;
	s15 =	sadd.s32 @p2 s16, s19;
	[tilespmem:s18+$0x70] =	vst @p2 v8;
	s11 =	sadd.s32 s31, s11  }
0x2e6: {  	[spmem:s2] =	stream.indirect.scatter.add.f32 @p2 [tilespmem:s7], [sflag:s15], $0x50, s18, s24, $0xb8;
	[tilespmem:$0x1FB20] =	vst v63  }
0x2e7: {  	s6 =	sshra.s32 s6, $0x2;
	s7 =	sshra.s32 @!p3 s12, $0x2;
	_ =	swait.ge @!p4 [sflag:s8], $0x2800  }
0x2e8: {  	s3 =	sadd.s32 @!p3 s7, s3;
	s19 =	sadd.s32 $0x1, s6;
	[sflag:s8] =	ssyncset.done @!p4 $0x0  }
0x2e9: {  	s7 =	sadd.s32 s17, s19;
	[sflag:s8] =	ssyncadd.s32 @!p4 $0xFFFFD800;
	s8 =	simm.s32 @!p3 $0x80  }
0x2ea: {  	[tilespmem:s11], [sflag:s3] =	stream.indirect.gather @!p3 [hbm4b:s5+s8], $0x50, s28, s8, $0xb8;
	[tilespmem:$0x1FB20] =	vst v63  }
0x2eb: {  	_ =	swait.ge [sflag:s7], $0x2800  }
0x2ec: {  	[sflag:s7] =	ssyncset.done $0x0  }
0x2ed: {  	s21 =	sshra.s32 s13, $0x2;
	[sflag:s7] =	ssyncadd.s32 $0xFFFFD800  }
0x2ee: {  	s25 =	smul.u32 $0xFFFFFA00, s14;
	v8 =	vld [tilespmem:s21+$0x16AA0];
	_ =	sdelay $0x1  }
0x2ef: {  	s7 =	sshra.s32 s25, $0x2  }
0x2f0: {  	s7 =	sadd.s32 $0x1F9A0, s7  }
0x2f1: {  	s7 =	sadd.s32 s21, s7  }
0x2f2: {  	[tilespmem:s7+$0x0] =	vst v8  }
0x2f3: {  	v8 =	vld [tilespmem:s21+$0x16AB0];
	_ =	sdelay $0x4  }
0x2f4: {  	[tilespmem:s7+$0x10] =	vst v8  }
0x2f5: {  	v8 =	vld [tilespmem:s21+$0x16AC0];
	_ =	sdelay $0x4  }
0x2f6: {  	[tilespmem:s7+$0x20] =	vst v8  }
0x2f7: {  	v8 =	vld [tilespmem:s21+$0x16AD0];
	_ =	sdelay $0x4  }
0x2f8: {  	[tilespmem:s7+$0x30] =	vst v8  }
0x2f9: {  	v8 =	vld [tilespmem:s21+$0x16AE0];
	_ =	sdelay $0x4  }
0x2fa: {  	[tilespmem:s7+$0x40] =	vst v8  }
0x2fb: {  	v8 =	vld [tilespmem:s21+$0x16AF0];
	_ =	sdelay $0x4  }
0x2fc: {  	[tilespmem:s7+$0x50] =	vst v8  }
0x2fd: {  	v8 =	vld [tilespmem:s21+$0x16B00];
	_ =	sdelay $0x4  }
0x2fe: {  	[tilespmem:s7+$0x60] =	vst v8  }
0x2ff: {  	v8 =	vld [tilespmem:s21+$0x16B10]  }
0x300: {  	s26 =	smul.u32 $0xFFFE2000, s14;
	s12 =	sadd.s32 @!p1 $0xFFFFFFFE, s1  }
0x301: {  	s13 =	smulhi.u32 @!p1 $0x55555556, s12;
	s28 =	sadd.s32 $0xFFFFFFFF, s1  }
0x302: {  	s6 =	sadd.s32 $0x4, s6;
	s29 =	smulhi.u32 $0xAAAAAAAB, s28  }
0x303: {  	s14 =	sshra.s32 @!p1 s12, $0x1F;
	s6 =	sadd.s32 s17, s6;
	s3 =	sshra.s32 s26, $0x2  }
0x304: {  	s3 =	sadd.s32 s3, s10;
	s10 =	smul.u32 @!p1 $0x55555556, s14;
	s31 =	sshrl.u32 s29, $0x1;
	[tilespmem:s7+$0x70] =	vst v8  }
0x305: {  	[spmem:s2] =	stream.indirect.scatter.add.f32 [tilespmem:s3], [sflag:s6], $0x50, s7, s24, $0xb8;
	[tilespmem:$0x1FB20] =	vst v63  }
0x306: {  	p2 =	slt.s32 s1, $0x3;
	s6 =	sadd.s32 @!p1 s10, s13;
	s3 =	smul.u32 $0x3, s31  }
0x307: {  	s1 =	sadd.s32 @!p2 $0xFFFFFFFD, s1;
	s7 =	sshrl.u32 @!p1 s6, $0x1F  }
0x308: {  	s6 =	sadd.s32 @!p1 s7, s6;
	s3 =	ssub.s32 s28, s3;
	s7 =	smulhi.u32 @!p2 $0xAAAAAAAB, s1  }
0x309: {  	s6 =	smul.u32 @!p1 $0x3, s6;
	s3 =	sor.u32 $0x4, s3  }
0x30a: {  	_ =	swait.ge [sflag:s3], $0x2800  }
0x30b: {  	s7 =	sshrl.u32 @!p2 s7, $0x1;
	[sflag:s3] =	ssyncset.done $0x0;
	s6 =	ssub.s32 @!p1 s12, s6  }
0x30c: {  	[sflag:s3] =	ssyncadd.s32 $0xFFFFD800;
	s3 =	sadd.s32 @!p1 $0x4, s6;
	s6 =	smul.u32 @!p2 $0x3, s7  }
0x30d: {  	_ =	swait.ge @!p1 [sflag:s3], $0x2800  }
0x30e: {  	[sflag:s3] =	ssyncset.done @!p1 $0x0;
	s1 =	ssub.s32 @!p2 s1, s6  }
0x30f: {  	[sflag:s3] =	ssyncadd.s32 @!p1 $0xFFFFD800;
	s1 =	sor.u32 @!p2 $0x4, s1  }
0x310: {  	_ =	swait.ge @!p2 [sflag:s1], $0x2800  }
0x311: {  	[sflag:s1] =	ssyncset.done @!p2 $0x0  }
0x312: {  	[sflag:s1] =	ssyncadd.s32 @!p2 $0xFFFFD800  }
.LBB2_48:
0x313: {  	s0 =	sadd.s32 $0x1, s0  }
0x314: {  	p1 =	sne.s32 s0, $0xB  }
.Ltmp30:
0x315: {  	_ = 	snop;
	(pc) =	sbr.rel @!p1 .LBB2_49-.Ltmp30, $2  }
0x316: {  	_ =	sdelay $0x2  }
0x317: {  	s30 =	sadd.s32 $0x1620, s30  }
.LBB2_38:
0x318: {  	s1 =	smul.u32 $0x1620, s0;
	_ =	sdelay $0x1  }
0x319: {  	s1 =	sadd.s32 s9, s1  }
0x31a: {  	s1 =	sshrl.u32 s1, $0x3  }
0x31b: {  	s3 =	simm.s32 $0x13D80;
	s6 =	simm.s32 $0x0;
	s1 =	sadd.s32 s4, s1  }
0x31c: {  	[tilespmem:s3], [sflag:$0x7] =	stream.linear.gather [hbm4b:s1+s6], $0x1620, $0x38;
	[tilespmem:$0x1FB20] =	vst v63  }
0x31d: {  	_ =	swait.ge [sflag:s20], $0x1620  }
0x31e: {  	[sflag:s20] =	ssyncset.done $0x0  }
0x31f: {  	s29 =	simm.s32 $0x0;
	[sflag:s20] =	ssyncadd.s32 $0xFFFFE9E0  }
0x320: {  	v8 =	vld [tilespmem:s29+$0x13D80];
	_ =	sdelay $0x4  }
0x321: {  	vm0 =	vge.s32 v8, v3;
	vm1 =	vlt.s32 v8, v4  }
0x322: {  	vm0 =	vmand vm0, vm1  }
0x323: {  	v9 =	vsel vm0, $0x1, v5  }
0x324: {  	(xrf0) =	vadd.scan.msk.s32 $0xffff, v9;
	_ =	sdelay $0x5  }
0x325: {  	s31 =	simm.s32 $0xFFFFFFFF;
	v9, _, _ =	vpop (xrf0)  }
0x326: {  	v10 =	vadd.s32 s31, v9;
	(v2sf) =	vpush v9, $0xF;
	_ =	sdelay $0x3  }
0x327: {  	v11 =	vor.u32 s30, v6  }
0x328: {  	s7 =	simm.s32 $0x10;
	v8 =	vsub.s32 v8, v3;
	[tilespmem:v10+s22+$0x0] =	vst.idx.msk vm0, v11  }
0x329: {  	s6 =	simm.s32 $0x80;
	s3 =	simm.s32 $0x0;
	s1 =	smov.u32 s30;
	[tilespmem:v10+s23+$0x0] =	vst.idx.msk vm0, v8  }
.LBB2_39:
0x32a: {  	p1 =	sne.s32 s6, $0x5840;
	v8 =	vld [tilespmem:s7+$0x13D80];
	_ =	sdelay $0x4  }
0x32b: {  	vm0 =	vge.s32 v8, v3;
	vm1 =	vlt.s32 v8, v4;
	v8 =	vsub.s32 v8, v3  }
0x32c: {  	vm0 =	vmand vm0, vm1  }
0x32d: {  	v9 =	vsel vm0, $0x1, v5  }
0x32e: {  	(xrf0) =	vadd.scan.msk.s32 $0xffff, v9;
	s7 =	spop (v2sf)  }
0x32f: {  	s3 =	sadd.s32 s3, s7  }
0x330: {  	s7 =	sadd.s32 $0xFFFFFFFF, s3;
	_ =	sdelay $0x3  }
0x331: {  	v9, _, _ =	vpop (xrf0)  }
0x332: {  	v10 =	vadd.s32 s7, v9;
	(v2sf) =	vpush v9, $0xF;
	_ =	sdelay $0x1  }
.Ltmp31:
0x333: {  	(pc) =	sbr.rel @p1 .LBB2_39-.Ltmp31, $4  }
0x334: {  	s1 =	sadd.s32 $0x10, s1  }
0x335: {  	v9 =	vor.u32 s1, v6  }
0x336: {  	[tilespmem:v10+s22+$0x0] =	vst.idx.msk vm0, v9  }
0x337: {  	s7 =	sshra.s32 s6, $0x2;
	s6 =	sadd.s32 $0x40, s6;
	[tilespmem:v10+s23+$0x0] =	vst.idx.msk vm0, v8  }
0x338: {  	v8 =	vld [tilespmem:s7+$0x13D80];
	_ =	sdelay $0x4  }
0x339: {  	vm0 =	vge.s32 v8, v3;
	vm1 =	vlt.s32 v8, v4  }
0x33a: {  	vm0 =	vmand vm0, vm1  }
0x33b: {  	v9 =	vsel vm0, $0x1, v5  }
0x33c: {  	(xrf0) =	vadd.scan.msk.s32 $0xffff, v9;
	_ =	sdelay $0x5  }
0x33d: {  	v9, _, _ =	vpop (xrf0)  }
0x33e: {  	(v2sf) =	vpush v9, $0xF;
	_ =	sdelay $0xb  }
0x33f: {  	s6 =	spop (v2sf)  }
0x340: {  	s3 =	sadd.s32 s3, s6  }
0x341: {  	s6 =	sadd.s32 $0xFFFFFFFF, s3  }
0x342: {  	v9 =	vadd.s32 s6, v9;
	s17 =	spop (v2sf)  }
0x343: {  	s3 =	sadd.s32 s3, s17  }
0x344: {  	v10 =	vadd.s32 s3, v6  }
0x345: {  	s1 =	sadd.s32 $0x10, s1;
	s6 =	sadd.s32 $0x10, s3  }
0x346: {  	v11 =	vor.u32 s1, v6;
	v12 =	vadd.s32 s6, v6  }
0x347: {  	v8 =	vsub.s32 v8, v3;
	[tilespmem:v9+s22+$0x0] =	vst.idx.msk vm0, v11;
	s18 =	sadd.s32 $0x20, s3  }
0x348: {  	[tilespmem:v9+s23+$0x0] =	vst.idx.msk vm0, v8;
	v8 =	vadd.s32 s18, v6  }
0x349: {  	s19 =	sadd.s32 $0x30, s3;
	[tilespmem:v10+s22+$0x0] =	vst.idx.msk $0xffff, v5  }
0x34a: {  	v60 =	vadd.s32 s19, v6;
	[tilespmem:v10+s23+$0x0] =	vst.idx.msk $0xffff, v7  }
0x34b: {  	s21 =	sadd.s32 $0x40, s3;
	[tilespmem:v12+s22+$0x0] =	vst.idx.msk $0xffff, v5  }
0x34c: {  	s25 =	sadd.s32 $0x50, s3;
	s28 =	sadd.s32 $0x7F, s3;
	v61 =	vadd.s32 s21, v6;
	[tilespmem:v12+s23+$0x0] =	vst.idx.msk $0xffff, v7  }
0x34d: {  	s26 =	sadd.s32 $0x60, s3;
	s3 =	sadd.s32 $0x70, s3;
	s29 =	sand.u32 $0x7F, s28;
	[tilespmem:v8+s22+$0x0] =	vst.idx.msk $0xffff, v5  }
0x34e: {  	s31 =	sshra.s32 s28, $0x1F;
	p1 =	slt.s32 s28, $0x1;
	p2 =	sne.s32 s29, $0x0;
	[tilespmem:v8+s23+$0x0] =	vst.idx.msk $0xffff, v7;
	v8 =	vadd.s32 s25, v6  }
0x34f: {  	v63 =	vadd.s32 s3, v6;
	s3 =	sshrl.u32 s31, $0x19;
	p1 =	por !p1, !p2;
	[tilespmem:v60+s22+$0x0] =	vst.idx.msk $0xffff, v5  }
0x350: {  	v62 =	vadd.s32 s26, v6;
	s1 =	sadd.s32 s3, s28;
	s3 =	simm.s32 $0x1;
	p1 =	por !p1, !p1;
	[tilespmem:v60+s23+$0x0] =	vst.idx.msk $0xffff, v7  }
0x351: {  	s1 =	sshra.s32 s1, $0x7;
	s3 =	simm.s32 @!p1 $0x0;
	[tilespmem:v61+s22+$0x0] =	vst.idx.msk $0xffff, v5  }
0x352: {  	s1 =	ssub.s32 s1, s3;
	[tilespmem:v61+s23+$0x0] =	vst.idx.msk $0xffff, v7  }
0x353: {  	p1 =	slt.s32 s1, $0x1;
	[tilespmem:v8+s22+$0x0] =	vst.idx.msk $0xffff, v5  }
.Ltmp32:
0x354: {  	[tilespmem:v8+s23+$0x0] =	vst.idx.msk $0xffff, v7;
	(pc) =	sbr.rel @p1 .LBB2_48-.Ltmp32, $4  }
0x355: {  	[tilespmem:v62+s22+$0x0] =	vst.idx.msk $0xffff, v5  }
0x356: {  	[tilespmem:v62+s23+$0x0] =	vst.idx.msk $0xffff, v7  }
0x357: {  	[tilespmem:v63+s22+$0x0] =	vst.idx.msk $0xffff, v5  }
0x358: {  	[tilespmem:v63+s23+$0x0] =	vst.idx.msk $0xffff, v7  }
0x359: {  	s3 =	simm.s32 $0x181A0;
	p1 =	seq.s32 s1, $0x1;
	s21 =	simm.s32 $0x2  }
0x35a: {  	[tilespmem:s3], [sflag:$0x1] =	stream.indirect.gather [hbm4b:s5+s24], $0x50, s22, s24, $0xb8;
	[tilespmem:$0x1FB20] =	vst v63  }
0x35b: {  	s3 =	simm.s32 @!p1 $0x80;
	s6 =	simm.s32 @!p1 $0x15420;
	s7 =	simm.s32 @!p1 $0x1A9A0  }
0x35c: {  	[tilespmem:s7], [sflag:$0x2] =	stream.indirect.gather @!p1 [hbm4b:s5+s3], $0x50, s6, s3, $0xb8;
	[tilespmem:$0x1FB20] =	vst v63  }
0x35d: {  	s12 =	simm.s32 $0x0;
	s11 =	simm.s32 $0x1D1A0;
	s3 =	smulhi.u32 $0xAAAAAAAB, s21  }
0x35e: {  	s10 =	simm.s32 $0x181A0;
	p5 =	sne.s32 s1, $0x1;
	s25 =	smulhi.u32 $0xAAAAAAAB, s12  }
.Ltmp33:
0x35f: {  	p3 =	sle.s32 s1, $0x2;
	s3 =	sshrl.u32 s3, $0x1;
	(pc) =	sbr.rel @!p5 .LBB2_42-.Ltmp33, $4  }
0x360: {  	p2 =	por @!p3 $0x1, $0x1;
	s28 =	simm.s32 @!p3 $0x154A0;
	s8 =	smul.u32 $0xFFFFFFF4, s3  }
0x361: {  	p4 =	por p2, p3;
	p2 =	por $0x0, $0x0;
	s6 =	simm.s32 $0x1  }
0x362: {  	s14 =	sshrl.u32 s25, $0x1;
	s29 =	smul.u32 $0xFFFE2000, s3;
	s26 =	sshra.s32 s8, $0x2  }
0x363: {  	s8 =	simm.s32 @!p4 $0x0;
	s31 =	sadd.s32 $0x6, s26;
	s3 =	sadd.s32 $0x3, s26  }
0x364: {  	s7 =	smul.u32 $0xFFFFFFF4, s14  }
0x365: {  	s8 =	sadd.s32 @!p4 $0x0, s31;
	s11 =	sshra.s32 s29, $0x2  }
0x366: {  	s3 =	sadd.s32 @!p3 $0x0, s3;
	_ =	swait.ge @!p4 [sflag:s8], $0x2800;
	s7 =	sshra.s32 s7, $0x2  }
0x367: {  	s11 =	sadd.s32 $0x1D1A0, s11;
	[sflag:s8] =	ssyncset.done @!p4 $0x0;
	s12 =	sadd.s32 $0x1, s7  }
0x368: {  	[sflag:s8] =	ssyncadd.s32 @!p4 $0xFFFFD800;
	s8 =	simm.s32 @!p3 $0x80;
	s12 =	sadd.s32 $0x0, s12  }
0x369: {  	[tilespmem:s11], [sflag:s3] =	stream.indirect.gather @!p3 [hbm4b:s5+s8], $0x50, s28, s8, $0xb8;
	[tilespmem:$0x1FB20] =	vst v63  }
0x36a: {  	_ =	swait.ge [sflag:s12], $0x2800  }
0x36b: {  	[sflag:s12] =	ssyncset.done $0x0  }
0x36c: {  	s16 =	simm.s32 $0x0;
	[sflag:s12] =	ssyncadd.s32 $0xFFFFD800  }
0x36d: {  	s13 =	smul.u32 $0xFFFFFA00, s14;
	v8 =	vld [tilespmem:s16+$0x16AA0];
	_ =	sdelay $0x1  }
0x36e: {  	s3 =	sshra.s32 s13, $0x2  }
0x36f: {  	s3 =	sadd.s32 $0x1F9A0, s3  }
0x370: {  	s18 =	sadd.s32 $0x0, s3  }
0x371: {  	[tilespmem:s18+$0x0] =	vst v8  }
0x372: {  	v8 =	vld [tilespmem:s16+$0x16AB0];
	_ =	sdelay $0x4  }
0x373: {  	[tilespmem:s18+$0x10] =	vst v8  }
0x374: {  	v8 =	vld [tilespmem:s16+$0x16AC0];
	_ =	sdelay $0x4  }
0x375: {  	[tilespmem:s18+$0x20] =	vst v8  }
0x376: {  	v8 =	vld [tilespmem:s16+$0x16AD0];
	_ =	sdelay $0x4  }
0x377: {  	[tilespmem:s18+$0x30] =	vst v8  }
0x378: {  	v8 =	vld [tilespmem:s16+$0x16AE0];
	_ =	sdelay $0x4  }
0x379: {  	[tilespmem:s18+$0x40] =	vst v8  }
0x37a: {  	v8 =	vld [tilespmem:s16+$0x16AF0];
	_ =	sdelay $0x4  }
0x37b: {  	[tilespmem:s18+$0x50] =	vst v8  }
0x37c: {  	s14 =	smul.u32 $0xFFFE2000, s14;
	s15 =	simm.s32 $0x3;
	v8 =	vld [tilespmem:s16+$0x16B00]  }
0x37d: {  	s17 =	simm.s32 $0x2;
	p5 =	sne.s32 s1, $0x2;
	s25 =	smulhi.u32 $0xAAAAAAAB, s6  }
0x37e: {  	s6 =	simm.s32 $0x1A9A0;
	s21 =	smulhi.u32 $0xAAAAAAAB, s15;
	s19 =	sadd.s32 $0x4, s7  }
0x37f: {  	s7 =	sshra.s32 s14, $0x2;
	s14 =	sshrl.u32 s25, $0x1;
	s11 =	simm.s32 $0x1F9A0  }
.Ltmp34:
0x380: {  	s8 =	sshrl.u32 s21, $0x1;
	p3 =	sle.s32 s1, $0x3;
	(pc) =	sbr.rel @!p5 .LBB2_44-.Ltmp34, $4  }
0x381: {  	s13 =	simm.s32 $0x200;
	s21 =	smul.u32 $0xFFFFFFF4, s8;
	p2 =	por @!p3 $0x0, $0x0;
	[tilespmem:s18+$0x60] =	vst v8  }
0x382: {  	s29 =	smul.u32 $0xFFFE2000, s8;
	s28 =	simm.s32 @!p3 $0x15520;
	p4 =	por p2, p3;
	v8 =	vld [tilespmem:s16+$0x16B10]  }
0x383: {  	p2 =	por $0x1, $0x1;
	s12 =	simm.s32 $0x4;
	s26 =	sshra.s32 s21, $0x2  }
0x384: {  	s8 =	simm.s32 @!p4 $0x1;
	s31 =	sadd.s32 $0x6, s26;
	s3 =	sadd.s32 $0x3, s26  }
.LBB2_45:
0x385: {  	s21 =	smul.u32 $0xFFFFFFF4, s14  }
0x386: {  	s8 =	sadd.s32 @!p4 s8, s31;
	s25 =	sshra.s32 s12, $0x2;
	s31 =	smov.u32 s17  }
0x387: {  	s26 =	smul.u32 $0xFFFFFA00, s14;
	s7 =	sadd.s32 s7, s10;
	s10 =	sadd.s32 s16, s19  }
0x388: {  	s16 =	sshra.s32 s29, $0x2;
	s19 =	sshra.s32 s21, $0x2;
	s21 =	sshra.s32 @!p3 s12, $0x2;
	[tilespmem:s18+$0x70] =	vst v8  }
0x389: {  	[spmem:s2] =	stream.indirect.scatter.add.f32 [tilespmem:s7], [sflag:s10], $0x50, s18, s24, $0xb8;
	[tilespmem:$0x1FB20] =	vst v63  }
0x38a: {  	s7 =	sadd.s32 s16, s11;
	s3 =	sadd.s32 @!p3 s21, s3;
	_ =	swait.ge @!p4 [sflag:s8], $0x2800  }
0x38b: {  	s10 =	sshra.s32 s26, $0x2;
	s16 =	sadd.s32 $0x1, s19;
	[sflag:s8] =	ssyncset.done @!p4 $0x0  }
0x38c: {  	s16 =	sadd.s32 s25, s16;
	[sflag:s8] =	ssyncadd.s32 @!p4 $0xFFFFD800;
	s8 =	simm.s32 @!p3 $0x80  }
0x38d: {  	[tilespmem:s7], [sflag:s3] =	stream.indirect.gather @!p3 [hbm4b:s5+s8], $0x50, s28, s8, $0xb8;
	[tilespmem:$0x1FB20] =	vst v63  }
0x38e: {  	s19 =	sadd.s32 $0x4, s19;
	s3 =	sadd.s32 $0x1F9A0, s10;
	_ =	swait.ge [sflag:s16], $0x2800  }
0x38f: {  	s17 =	sadd.s32 $0x1, s17;
	s7 =	smul.u32 $0xFFFE2000, s14;
	[sflag:s16] =	ssyncset.done $0x0  }
0x390: {  	p5 =	sne.s32 s1, s17;
	s28 =	sshra.s32 s13, $0x2;
	[sflag:s16] =	ssyncadd.s32 $0xFFFFD800  }
0x391: {  	s10 =	smov.u32 s6;
	s7 =	sshra.s32 s7, $0x2;
	s16 =	smov.u32 s25;
	v8 =	vld [tilespmem:s28+$0x16AA0]  }
0x392: {  	_ =	sdelay $0x2  }
0x393: {  	s18 =	sadd.s32 s28, s3  }
0x394: {  	[tilespmem:s18+$0x0] =	vst v8  }
0x395: {  	v8 =	vld [tilespmem:s28+$0x16AB0];
	_ =	sdelay $0x4  }
0x396: {  	[tilespmem:s18+$0x10] =	vst v8  }
0x397: {  	v8 =	vld [tilespmem:s28+$0x16AC0];
	_ =	sdelay $0x4  }
0x398: {  	[tilespmem:s18+$0x20] =	vst v8  }
0x399: {  	v8 =	vld [tilespmem:s28+$0x16AD0];
	_ =	sdelay $0x4  }
0x39a: {  	[tilespmem:s18+$0x30] =	vst v8  }
0x39b: {  	v8 =	vld [tilespmem:s28+$0x16AE0];
	_ =	sdelay $0x4  }
0x39c: {  	[tilespmem:s18+$0x40] =	vst v8  }
0x39d: {  	v8 =	vld [tilespmem:s28+$0x16AF0];
	_ =	sdelay $0x4  }
0x39e: {  	[tilespmem:s18+$0x50] =	vst v8  }
0x39f: {  	v8 =	vld [tilespmem:s28+$0x16B00]  }
0x3a0: {  	s15 =	sadd.s32 $0x1, s15  }
0x3a1: {  	s11 =	sadd.s32 $0x2800, s11;
	s6 =	sadd.s32 $0x2800, s6;
	s3 =	smulhi.u32 $0xAAAAAAAB, s15  }
0x3a2: {  	s12 =	sadd.s32 $0x4, s12;
	s8 =	smulhi.u32 $0xAAAAAAAB, s31;
	s13 =	sadd.s32 $0x200, s13  }
.Ltmp35:
0x3a3: {  	s21 =	sadd.s32 $0x2, s31;
	s3 =	sshrl.u32 s3, $0x1;
	(pc) =	sbr.rel @p5 .LBB2_45-.Ltmp35, $4  }
0x3a4: {  	p3 =	sge.s32 s21, s1;
	s14 =	sshrl.u32 s8, $0x1;
	s25 =	smul.u32 $0xFFFFFFF4, s3;
	[tilespmem:s18+$0x60] =	vst v8  }
0x3a5: {  	p4 =	seq.s32 @!p3 s31, $0x0;
	s29 =	smul.u32 $0xFFFE2000, s3;
	s3 =	sshra.s32 @!p3 s13, $0x2;
	v8 =	vld [tilespmem:s28+$0x16B10]  }
0x3a6: {  	p4 =	por p4, p3;
	s8 =	sshra.s32 s25, $0x2;
	s28 =	sadd.s32 @!p3 $0x154A0, s3  }
0x3a7: {  	s31 =	sadd.s32 $0x6, s8;
	s3 =	sadd.s32 $0x3, s8;
	s8 =	sshra.s32 @!p4 s12, $0x2  }
.Ltmp36:
0x3a8: {  	(pc) =	sbr.rel .LBB2_47-.Ltmp36, $2  }
0x3a9: {  	_ =	sdelay $0x2  }
0x3aa: {  	s15 =	smov.u32 s10;
	s10 =	smov.u32 s6  }
.LBB2_44:
.Ltmp37:
0x3ab: {  	(pc) =	sbr.rel .LBB2_47-.Ltmp37, $2  }
0x3ac: {  	_ =	sdelay $0x2  }
0x3ad: {  	s15 =	simm.s32 $0x181A0;
	s10 =	simm.s32 $0x1A9A0  }
.LBB2_50:
0x3ae: {  	_ =	sfence.sel $0x180000  }
0x3af: {  	[bflag:$0x0] =	sbarrier.arrive $0xFFFF  }
0x3b0: {  	_ =	strace $0x90000047  }
0x3b1: {  	s0 =	stileid.u32;
	[bflag:$0x2] =	sbarrier.arrive $0xFFFF  }
0x3b2: {  	p0 =	sne.s32 s0, $0x0;
	s0 =	rddreg [dreg:$0x3]  }
0x3b3: {  	s0 =	sadd.s32 @!p0 $0x100000, s0  }
0x3b4: {  	[sflag:s0] =	ssyncadd.tile.s32 @!p0 $0x1;
	_ =	shalt  }
.Lfunc_end2:
_tile_overlayer_lowered:
.L_overlay_start_2:
0x3b5: {  	(tag) =	ssettag $0x2  }
0x3b6: {  	s0 =	rddreg [dreg:$0x0];
	s2 =	stileid.u32  }
0x3b7: {  	s1 =	rddreg [dreg:$0x1];
	p0 =	sne.s32 s2, $0x0  }
0x3b8: {  	s3 =	rddreg [dreg:$0x2];
	[bflag:$0x3] =	sbarrier.arrive $0xFFFF;
	s2 =	simm.s32 @!p0 $0x1C07  }
0x3b9: {  	[timem:s3], [sflag:s2] =	dma.local @!p0 [hbm:s0], s1  }
0x3ba: {  	s0 =	simm.s32 @!p0 $0x7  }
0x3bb: {  	_ =	swait.ge @!p0 [sflag:s0], s1  }
0x3bc: {  	s1 =	ssub.s32 @!p0 $0x0, s1;
	[sflag:s0] =	ssyncset.done @!p0 $0x0  }
0x3bd: {  	[sflag:s0] =	ssyncadd.s32 @!p0 s1  }
0x3be: {  	[bflag:$0x3] =	sbarrier.arrive $0xFFFF  }
0x3bf: {  	_ =	shalt  }

// kernel: sparse-core-data-format-call.cloned.1.call-start
scs
called_computation_lowered:
.L_overlay_start_0:
0x0: {  	s2 =	sld [smem:$0x3FD9]  }
0x1: {  	s3 =	sld [smem:$0x3FFE];
	_ =	sdelay $0x1  }
0x2: {  	s1 =	srdreg.scid  }
0x3: {  	s0 =	sand.u32 $0x1, s1  }
0x4: {  	s18 =	sshll.u32 s0, $0xA;
	s2 =	sadd.s32 s3, s2  }
0x5: {  	s2 =	sadd.s32 s2, s18  }
0x6: {  	[smem:$0x3FC3] =	sst s2  }
0x7: {  	_ = 	snop  }
0x8: {  	s2 =	sld [smem:$0x3FD0];
	(tm) =	ssettm $0x1  }
0x9: {  	s19 =	sld [smem:$0x3FFB];
	_ =	sdelay $0x3  }
0xa: {  	_ =	strace s19  }
0xb: {  	s3 =	sld [smem:$0x3FFC];
	_ =	sdelay $0x3  }
0xc: {  	_ =	strace s3  }
0xd: {  	s3 =	sld [smem:$0x3FFD];
	_ =	sdelay $0x3  }
0xe: {  	_ =	strace s3  }
0xf: {  	_ =	strace $0x8FFFFFFF  }
0x10: {  	s20 =	sld [smem:$0x3FDB];
	_ =	sdelay $0x1  }
0x11: {  	s4 =	simm.s32 $_scs_section_size  }
0x12: {  	s5 =	simm.s32 $_size__tile_overlayer_lowered;
	s6 =	simm.s32 $_tile_overlayer_lowered  }
0x13: {  	s23 =	simm.s32 $0x1BFF;
	s22 =	sshll.u32 s6, $0x1;
	s3 =	sadd.s32 s4, s20  }
0x14: {  	s7 =	simm.s32 $0x0;
	s21 =	sshll.u32 s5, $0x1;
	s5 =	sadd.s32 s22, s3  }
0x15: {  	[timem:s7], [sflag:s23] =	dma.local [hbm:s5], s21  }
0x16: {  	_ =	swait.ge [sflag:s23], s21  }
0x17: {  	s4 =	ssub.s32 $0x0, s21;
	[sflag:s23] =	ssyncset.done $0x0  }
0x18: {  	[sflag:s23] =	ssyncadd.s32 s4;
	_ =	sdelay $0x1  }
0x19: {  	s24 =	simm.s32 $0x1B8B  }
0x1a: {  	_ =	swait.ge [sflag:s24], $0x1  }
0x1b: {  	[sflag:s24] =	ssyncset.done $0x0  }
0x1c: {  	s26 =	simm.s32 $0x1B8E;
	s25 =	sld [smem:$0x3FFE];
	[sflag:s24] =	ssyncadd.s32 $0xFFFFFFFF  }
0x1d: {  	s27 =	simm.s32 $execute0_lowered;
	[smem:$0x3FD2] =	sst s26  }
0x1e: {  	s5 =	sshll.u32 s27, $0x1;
	_ =	strace $0x80000049;
	[dreg:$0x1] =	wrdreg $0xFFFFFFFF  }
0x1f: {  	s28 =	simm.s32 $_size_execute0_lowered;
	s3 =	sadd.s32 s3, s5;
	[dreg:$0x0] =	wrdreg $0x0  }
0x20: {  	s5 =	sshll.u32 s28, $0x1;
	[dreg:$0x2] =	wrdreg s3  }
0x21: {  	[dreg:$0x3] =	wrdreg s5  }
0x22: {  	[dreg:$0x4] =	wrdreg $0xC0  }
0x23: {  	_ =	task [dreg:s7], $0x5FFFF  }
0x24: {  	[dreg:$0x1] =	wrdreg $0xFFFFFFFF  }
0x25: {  	[dreg:$0x0] =	wrdreg $0x60  }
0x26: {  	[dreg:$0x2] =	wrdreg s25  }
0x27: {  	[dreg:$0x3] =	wrdreg s2  }
0x28: {  	[dreg:$0x4] =	wrdreg $0x9  }
0x29: {  	_ =	task.clear_ibuf [dreg:s7], $0x5FFFF;
	_ =	strace $0x90000049  }
0x2a: {  	s29 =	simm.s32 $0x9;
	_ =	strace $0x8000004B  }
0x2b: {  	_ =	swait.ge [sflag:s29], $0x1  }
0x2c: {  	[sflag:s29] =	ssyncadd.s32 $0xFFFFFFFF  }
0x2d: {  	_ =	strace $0x9000004B  }
0x2e: {  	_ =	sfence  }
0x2f: {  	s30 =	sld [smem:$0x0];
	_ =	sdelay $0x2  }
0x30: {  	s31 =	sshll.u32 s1, $0xD;
	s1 =	sshrl.u32 s1, $0x2  }
0x31: {  	s3 =	sand.u32 $0x4000, s31;
	s1 =	sadd.s32 s1, s30  }
0x32: {  	s0 =	sor.u32 s3, s0;
	s1 =	sshll.u32 s1, $0x11  }
0x33: {  	s0 =	sor.u32 s1, s0  }
0x34: {  	s0 =	sadd.s32 $0x8F2B, s0  }
0x35: {  	[sflag:s0] =	ssyncadd.remote.s32 $0x1  }
0x36: {  	_ =	sfence.sel $0xFFFF  }
0x37: {  	[dreg:$0x0] =	wrdreg $0xFFFFFFFF;
	(pc) =	sbr.abs _section_cstart, $3  }
0x38: {  	[dreg:$0x1] =	wrdreg $0xFFFFFFFF  }
0x39: {  	_ =	task.clear_ibuf [dreg:s7], $0x2FFFF;
	_ =	strace $0x9FFFFFFF  }
0x3a: {  	(tm) =	ssettm $0x7FFFFFFF  }
0x3b: {  	_ =	shalt  }
tec
execute0_lowered:
.L_overlay_start_1:
0x0: {  	(tag) =	ssettag $0x1  }
0x1: {  	s0 =	srdreg.scid;
	s2 =	stileid.u32  }
0x2: {  	s1 =	rddreg [dreg:$0x0];
	_ =	strace $0x8000004A;
	s0 =	sshll.u32 s0, $0x4  }
0x3: {  	s30 =	simm.s32 $0x1;
	s31 =	simm.s32 $0x2;
	s0 =	sand.u32 $0x10, s0  }
0x4: {  	s14 =	simm.s32 $0x0;
	s15 =	simm.s32 $0x0;
	s5 =	sor.u32 s2, s0  }
0x5: {  	s9 =	simm.s32 $0x0;
	s11 =	simm.s32 $0x0;
	s0 =	ssub.s32 $0x187, s5  }
.Ltmp0:
0x6: {  	s8 =	sadd.s32 $0x1200, s1;
	s0 =	sshrl.u32 s0, $0x5;
	(pc) =	sbr.rel .LBB1_1-.Ltmp0, $4  }
0x7: {  	s10 =	simm.s32 $0x0;
	[dreg:$0x5] =	wrdreg s8;
	s7 =	smul.u32 $0x3, s0  }
0x8: {  	s13 =	simm.s32 $0x0;
	s26 =	simm.s32 $0x0;
	[dreg:$0x3] =	wrdreg s5  }
0x9: {  	[sflag:s30] =	ssyncpa.u1 $0x0;
	s16 =	sadd.s32 $0x1, s7;
	[dreg:$0x4] =	wrdreg s7  }
0xa: {  	[sflag:s31] =	ssyncpa.u1 $0x0;
	s12 =	smov.u32 s5;
	[dreg:$0x6] =	wrdreg s16  }
.LBB1_9:
0xb: {  	s0 =	sshrl.u32 s11, $0x3  }
0xc: {  	s1 =	sshll.u32 s9, $0x3;
	s2 =	sshll.u32 s11, $0x7;
	p0 =	sgt.s32 s9, $0x100  }
0xd: {  	s3 =	smov.u32 s9;
	s27 =	sand.u32 $0x7F, s9;
	s0 =	smul.u32 $0xC00, s0  }
0xe: {  	s28 =	rddreg [dreg:$0x7];
	s1 =	sand.u32 $0xFFFFFC00, s1;
	s3 =	simm.s32 @!p0 $0x100  }
0xf: {  	s25 =	sand.u32 $0x380, s2;
	s2 =	sadd.s32 s28, s3;
	s0 =	sadd.s32 s0, s1  }
0x10: {  	s3 =	sadd.s32 $0xFFFFFF00, s2;
	s2 =	ssub.s32 $0x180, s2;
	s0 =	sor.u32 s25, s0  }
0x11: {  	p0 =	sgt.s32 s3, $0x7F;
	s1 =	sor.u32 s27, s0;
	s0 =	smulhi.u32 $0xAAAAAAAB, s0  }
0x12: {  	s2 =	simm.s32 @p0 $0x0;
	s29 =	smulhi.u32 $0xAAAAAAAB, s1  }
0x13: {  	s2 =	smul.u32 s2, s16;
	s0 =	sshrl.u32 s0, $0x8  }
0x14: {  	s30 =	rddreg [dreg:$0x1];
	s3 =	sshrl.u32 s29, $0x8;
	s4 =	smulhi.u32 $0xB60B61, s0  }
0x15: {  	s5 =	rddreg [dreg:$0x3];
	s3 =	smul.u32 $0x180, s3  }
0x16: {  	s7 =	rddreg [dreg:$0x4];
	s4 =	smul.u32 $0x168, s4  }
0x17: {  	s31 =	simm.s32 $0x21C00;
	s8 =	rddreg [dreg:$0x5]  }
0x18: {  	s2 =	smul.u32 $0x50, s2;
	s1 =	ssub.s32 s1, s3;
	s0 =	ssub.s32 s0, s4  }
0x19: {  	s3 =	sshrl.u32 s1, $0x3;
	s1 =	sand.u32 $0x7, s1;
	s0 =	smul.u32 $0x30, s0  }
0x1a: {  	s16 =	rddreg [dreg:$0x6];
	s3 =	sadd.s32 s30, s3;
	s1 =	sshll.u32 s1, $0x12  }
0x1b: {  	s2 =	sand.u32 $0x3FFFFFF0, s2;
	s1 =	sor.u32 $0x80, s1;
	s0 =	sadd.s32 s0, s3  }
0x1c: {  	[hbm4b:s0+s1] =	stream.strided.scatter [tilespmem:s18], [sflag:$0x2], s2, s31, s1, $0x20;
	[tilespmem:$0x10100] =	vst v63  }
.LBB1_10:
0x1d: {  	p0 =	slt.u32 s13, $0x2  }
0x1e: {  	s1 =	smov.u32 s15;
	s2 =	smov.u32 s14;
	p1 =	sgt.s32 @!p0 s15, $0x167  }
0x1f: {  	s0 =	sshra.s32 @!p0 s15, $0x1F;
	p2 =	sgt.s32 @!p0 s14, $0x100;
	s3 =	sshra.s32 @!p0 s14, $0x1F  }
0x20: {  	p1 =	por !p1, p0;
	s0 =	sand.u32 @!p0 s0, s15;
	p2 =	por !p2, p0  }
0x21: {  	s3 =	sand.u32 @!p0 s3, s14;
	s1 =	simm.s32 @p1 $0x167;
	s2 =	simm.s32 @p2 $0x100  }
0x22: {  	s0 =	ssub.s32 @!p0 s1, s0;
	s1 =	ssub.s32 @!p0 s2, s3  }
0x23: {  	s2 =	sadd.s32 @!p0 $0xFFFFFE99, s0;
	s0 =	ssub.s32 @!p0 $0x168, s0;
	s3 =	sadd.s32 @!p0 $0xFFFFFF00, s1  }
0x24: {  	p1 =	sgt.s32 @!p0 s2, $0x0;
	s0 =	smul.u32 @!p0 $0x50, s0;
	p2 =	sgt.s32 @!p0 s3, $0x7F  }
0x25: {  	s1 =	ssub.s32 @!p0 $0x180, s1;
	p1 =	por !p1, p0;
	p2 =	por !p2, p0  }
0x26: {  	s0 =	simm.s32 @!p1 $0x0;
	s1 =	simm.s32 @!p2 $0x0  }
0x27: {  	s0 =	smul.u32 @!p0 s1, s0;
	s1 =	sadd.s32 $0x80, s10  }
0x28: {  	s4 =	smov.u32 s12;
	s3 =	sadd.s32 $0x20, s12;
	p1 =	sgt.s32 s1, $0x167  }
0x29: {  	s4 =	smov.u32 @p1 s3  }
0x2a: {  	s1 =	simm.s32 @p1 $0x0;
	p1 =	sgt.s32 s4, $0x167  }
0x2b: {  	s4 =	smov.u32 @p1 s5;
	p1 =	sne.s32 s13, s16  }
.Ltmp1:
0x2c: {  	s14 =	smov.u32 s9;
	(pc) =	sbr.rel @!p1 .LBB1_11-.Ltmp1, $4  }
0x2d: {  	s15 =	smov.u32 s11;
	s2 =	simm.s32 @!p0 $0x2;
	s0 =	sand.u32 @!p0 $0x3FFFFFF0, s0  }
0x2e: {  	s9 =	smov.u32 s10;
	s11 =	smov.u32 s12;
	_ =	swait.ge @!p0 [sflag:s2], s0  }
0x2f: {  	s0 =	ssub.s32 @!p0 $0x0, s0;
	s10 =	smov.u32 s1;
	[sflag:s2] =	ssyncset.done @!p0 $0x0  }
0x30: {  	s13 =	sadd.s32 $0x1, s13;
	[sflag:s2] =	ssyncadd.s32 @!p0 s0;
	s12 =	smov.u32 s4  }
.LBB1_1:
0x31: {  	p0 =	sge.u32 s13, s7;
	s0 =	smov.u32 s12  }
0x32: {  	s3 =	smov.u32 s10;
	s31 =	sadd.s32 $0xFFFFFFFF, s13;
	p1 =	sgt.s32 @!p0 s12, $0x167  }
0x33: {  	s1 =	sand.u32 @!p0 $0x1FFFFFF, s10;
	s2 =	sshra.s32 @!p0 s12, $0x1F;
	p1 =	por !p1, p0  }
0x34: {  	s4 =	sshra.s32 @!p0 s10, $0x1F;
	s0 =	simm.s32 @p1 $0x167;
	p1 =	sgt.s32 @!p0 s10, $0xE8  }
0x35: {  	s2 =	sand.u32 @!p0 s2, s12;
	s6 =	smulhi.u32 @!p0 $0xB60B61, s1;
	p1 =	por !p1, p0  }
0x36: {  	s4 =	sand.u32 @!p0 s4, s10;
	s0 =	ssub.s32 @!p0 s0, s2;
	s3 =	simm.s32 @p1 $0xE8  }
0x37: {  	s0 =	sadd.s32 @!p0 $0xFFFFFE99, s0;
	s2 =	ssub.s32 @!p0 s3, s4;
	s4 =	smul.u32 @!p0 $0x168, s6  }
0x38: {  	p1 =	sgt.s32 @!p0 s0, $0x0;
	s0 =	sshll.u32 @!p0 s0, $0x7;
	s3 =	sadd.s32 @!p0 $0xFFFFFF18, s2  }
0x39: {  	s6 =	smul.u32 @!p0 $0x1680, s12;
	s2 =	ssub.s32 @!p0 $0x168, s2;
	p2 =	sgt.s32 @!p0 s3, $0x7F  }
0x3a: {  	s0 =	ssub.s32 @!p0 $0x80, s0;
	p1 =	por !p1, p0;
	p2 =	por !p2, p0  }
0x3b: {  	s3 =	sxor.u32 @!p0 $0xFFFFFFFF, s13;
	s0 =	simm.s32 @!p1 $0x0;
	s2 =	simm.s32 @!p2 $0x0  }
0x3c: {  	s1 =	ssub.s32 @!p0 s1, s4;
	s3 =	sshll.u32 @!p0 s3, $0xE;
	s0 =	smul.u32 @!p0 s2, s0  }
0x3d: {  	s1 =	sshll.u32 @!p0 s1, $0x4;
	s2 =	sand.u32 @!p0 $0x4000, s3;
	s3 =	sadd.s32 @!p0 s8, s6  }
0x3e: {  	s1 =	sadd.s32 @!p0 s1, s3;
	s3 =	simm.s32 @!p0 $0x0;
	s0 =	sand.u32 @!p0 $0x3FFFFF80, s0  }
0x3f: {  	[tilespmem:s2], [sflag:$0x1] =	stream.linear.gather @!p0 [hbm4b:s1+s3], s0, $0x38;
	[tilespmem:$0x10100] =	vst v63  }
0x40: {  	p0 =	sge.u32 s31, s7  }
.Ltmp2:
0x41: {  	_ = 	snop;
	(pc) =	sbr.rel @p0 .LBB1_10-.Ltmp2, $1  }
0x42: {  	_ =	sdelay $0x3  }
0x43: {  	p0 =	sgt.s32 s11, $0x167;
	s0 =	smov.u32 s11  }
0x44: {  	s1 =	sshra.s32 s11, $0x1F;
	s2 =	ssub.s32 $0x0, s9;
	s3 =	sshra.s32 s9, $0x1F  }
0x45: {  	s4 =	smov.u32 s9;
	s0 =	simm.s32 @!p0 $0x167;
	s1 =	sand.u32 s1, s11  }
0x46: {  	p0 =	sgt.s32 s9, $0xE8;
	s2 =	sand.u32 s2, s3;
	s0 =	ssub.s32 s0, s1  }
0x47: {  	s4 =	simm.s32 @!p0 $0xE8;
	[dreg:$0x7] =	wrdreg s2;
	s1 =	sadd.s32 $0xFFFFFE99, s0  }
0x48: {  	s2 =	sadd.s32 s2, s4;
	s16 =	ssub.s32 $0x168, s0;
	p0 =	sgt.s32 s1, $0x0  }
0x49: {  	s27 =	sadd.s32 $0xFFFFFF18, s2;
	s0 =	ssub.s32 $0x168, s2;
	s2 =	sadd.s32 $0x1, s11  }
0x4a: {  	s3 =	sadd.s32 $0x80, s9;
	s16 =	simm.s32 @p0 $0x0;
	p0 =	slt.s32 s2, $0x168  }
0x4b: {  	s2 =	simm.s32 @!p0 $0x168;
	p0 =	slt.s32 s3, $0x168  }
0x4c: {  	p1 =	sgt.s32 s27, $0x7F;
	s19 =	ssub.s32 s2, s11;
	s3 =	simm.s32 @!p0 $0x168  }
0x4d: {  	s0 =	simm.s32 @p1 $0x0;
	s20 =	ssub.s32 s3, s9;
	p0 =	slt.s32 s19, $0x1  }
0x4e: {  	s28 =	smul.u32 s0, s16;
	p1 =	slt.s32 @!p0 s20, $0x1  }
0x4f: {  	p0 =	por p0, p1  }
.Ltmp3:
0x50: {  	s0 =	sand.u32 $0x1, s13;
	s1 =	sshll.u32 s28, $0x7;
	(pc) =	sbr.rel @p0 .LBB1_9-.Ltmp3, $4  }
0x51: {  	s30 =	simm.s32 $0x1;
	s29 =	smul.u32 $0x10200, s0;
	s1 =	sand.u32 $0x3FFFFF80, s1  }
0x52: {  	_ =	swait.ge [sflag:s30], s1  }
0x53: {  	s31 =	ssub.s32 $0x0, s1;
	s1 =	sshrl.u32 s29, $0x2;
	[sflag:s30] =	ssyncset.done $0x0  }
0x54: {  	s18 =	sor.u32 $0x8000, s1;
	[sflag:s30] =	ssyncadd.s32 s31  }
0x55: {  	s21 =	sshll.u32 s0, $0xE;
	s22 =	sadd.s32 $0x8810, s1;
	s23 =	sadd.s32 $0x9020, s1  }
0x56: {  	s24 =	sadd.s32 $0x9830, s1;
	s25 =	sadd.s32 $0xA040, s1;
	s27 =	simm.s32 $0x0  }
.LBB1_4:
0x57: {  	s0 =	sshll.u32 s27, $0x10  }
0x58: {  	p1 =	sne.s32 s20, $0x1;
	s0 =	sshra.s32 s0, $0x2  }
.Ltmp4:
0x59: {  	s1 =	sand.u32 $0x7, s27;
	s0 =	sadd.s32 s0, s21;
	(pc) =	sbr.rel @!p1 .LBB1_5-.Ltmp4, $4  }
0x5a: {  	s1 =	smul.u32 $0x81, s1;
	v0 =	vmov s0  }
0x5b: {  	s3 =	simm.s32 $0x1;
	p0 =	por $0x0, $0x0  }
0x5c: {  	s29 =	sadd.s32 s1, s18;
	s28 =	sadd.s32 s1, s22;
	s30 =	sadd.s32 s1, s23  }
0x5d: {  	s31 =	sadd.s32 s1, s24;
	s1 =	sadd.s32 s1, s25;
	s0 =	sand.u32 $0x3F80, s26  }
0x5e: {  	_ =	sdelay $0x2  }
0x5f: {  	p1 =	sne.s32 s20, $0x2  }
.Ltmp5:
0x60: {  	v1 =	vld.idx.msk [tilespmem:v0+s0+$0x40 ss:$0x1], $0xffff;
	(pc) =	sbr.rel @!p1 .LBB1_8-.Ltmp5, $4  }
0x61: {  	v3 =	vld.idx.msk [tilespmem:v0+s0+$0x30 ss:$0x1], $0xffff  }
0x62: {  	v4 =	vld.idx.msk [tilespmem:v0+s0+$0x0 ss:$0x1], $0xffff;
	s4 =	simm.s32 $0x2  }
0x63: {  	v2 =	vld.idx.msk [tilespmem:v0+s0+$0x20 ss:$0x1], $0xffff;
	s6 =	simm.s32 $0x80;
	s8 =	sand.u32 $0x7F, s26;
	p0 =	por $0x1, $0x1  }
0x64: {  	v5 =	vld.idx.msk [tilespmem:v0+s0+$0x10 ss:$0x1], $0xffff;
	s0 =	sand.u32 $0x3F80, s6;
	s7 =	sadd.s32 s8, s31;
	s2 =	sadd.s32 s8, s1  }
.LBB1_7:
0x65: {  	[tilespmem:s2+$0x0 ss:$0x81] =	vst.msk $0xffff, v1;
	s2 =	smov.u32 s4;
	s4 =	sadd.s32 $0x1, s4  }
0x66: {  	v1 =	vld.idx.msk [tilespmem:v0+s0+$0x40 ss:$0x1], $0xffff;
	p1 =	sne.s32 s20, s4  }
.Ltmp6:
0x67: {  	s5 =	sadd.s32 s8, s29;
	s17 =	sadd.s32 s8, s30;
	[tilespmem:s7+$0x0 ss:$0x81] =	vst.msk $0xffff, v3;
	v3 =	vld.idx.msk [tilespmem:v0+s0+$0x30 ss:$0x1], $0xffff;
	(pc) =	sbr.rel @p1 .LBB1_7-.Ltmp6, $4  }
0x68: {  	[tilespmem:s5+$0x0 ss:$0x81] =	vst.msk $0xffff, v4;
	v4 =	vld.idx.msk [tilespmem:v0+s0+$0x0 ss:$0x1], $0xffff;
	s5 =	sadd.s32 s8, s28  }
0x69: {  	[tilespmem:s17+$0x0 ss:$0x81] =	vst.msk $0xffff, v2;
	v2 =	vld.idx.msk [tilespmem:v0+s0+$0x20 ss:$0x1], $0xffff  }
0x6a: {  	s6 =	sadd.s32 $0x80, s6;
	s8 =	sand.u32 $0x7F, s3;
	s3 =	smov.u32 s2;
	[tilespmem:s5+$0x0 ss:$0x81] =	vst.msk $0xffff, v5;
	v5 =	vld.idx.msk [tilespmem:v0+s0+$0x10 ss:$0x1], $0xffff  }
0x6b: {  	s7 =	sadd.s32 s8, s31;
	s2 =	sadd.s32 s8, s1;
	s0 =	sand.u32 $0x3F80, s6  }
.LBB1_8:
0x6c: {  	_ =	sdelay $0x3  }
0x6d: {  	v6 =	vld.idx.msk [tilespmem:v0+s0+$0x40 ss:$0x1], $0xffff;
	[tilespmem:s2+$0x0 ss:$0x81] =	vst.msk @p0 $0xffff, v1  }
0x6e: {  	v60 =	vld.idx.msk [tilespmem:v0+s0+$0x30 ss:$0x1], $0xffff;
	s2 =	sadd.s32 @p0 s8, s29;
	[tilespmem:s7+$0x0 ss:$0x81] =	vst.msk @p0 $0xffff, v3  }
0x6f: {  	s4 =	sadd.s32 @p0 s8, s30;
	v61 =	vld.idx.msk [tilespmem:v0+s0+$0x0 ss:$0x1], $0xffff;
	[tilespmem:s2+$0x0 ss:$0x81] =	vst.msk @p0 $0xffff, v4  }
0x70: {  	v62 =	vld.idx.msk [tilespmem:v0+s0+$0x20 ss:$0x1], $0xffff;
	s3 =	sand.u32 $0x7F, s3;
	s27 =	sadd.s32 $0x1, s27;
	s2 =	sadd.s32 @p0 s8, s28;
	[tilespmem:s4+$0x0 ss:$0x81] =	vst.msk @p0 $0xffff, v2  }
0x71: {  	v63 =	vld.idx.msk [tilespmem:v0+s0+$0x10 ss:$0x1], $0xffff;
	s8 =	sadd.s32 s3, s1;
	[tilespmem:s2+$0x0 ss:$0x81] =	vst.msk @p0 $0xffff, v5;
	p0 =	sne.s32 s27, s19  }
.Ltmp7:
0x72: {  	s17 =	sadd.s32 s3, s31;
	[tilespmem:s8+$0x0 ss:$0x81] =	vst.msk $0xffff, v6;
	(pc) =	sbr.rel @p0 .LBB1_4-.Ltmp7, $4  }
.Ltmp8:
0x73: {  	s29 =	sadd.s32 s3, s29;
	[tilespmem:s17+$0x0 ss:$0x81] =	vst.msk $0xffff, v60;
	(pc) =	sbr.rel @!p0 .LBB1_9-.Ltmp8, $4  }
0x74: {  	s30 =	sadd.s32 s3, s30;
	[tilespmem:s29+$0x0 ss:$0x81] =	vst.msk $0xffff, v61  }
0x75: {  	s31 =	sadd.s32 s3, s28;
	[tilespmem:s30+$0x0 ss:$0x81] =	vst.msk $0xffff, v62  }
0x76: {  	[tilespmem:s31+$0x0 ss:$0x81] =	vst.msk $0xffff, v63  }
0x77: {  	_ = 	snop  }
.LBB1_5:
.Ltmp9:
0x78: {  	(pc) =	sbr.rel .LBB1_8-.Ltmp9, $2  }
0x79: {  	_ =	sdelay $0x2  }
0x7a: {  	s3 =	simm.s32 $0x0  }
.LBB1_11:
0x7b: {  	_ =	sfence.sel $0x180000  }
0x7c: {  	s0 =	simm.s32 $0x1;
	[bflag:$0x0] =	sbarrier.arrive $0xFFFF  }
0x7d: {  	s30 =	simm.s32 $0x2;
	[sflag:s0] =	ssyncpa.u1 $0x1  }
0x7e: {  	[sflag:s30] =	ssyncpa.u1 $0x1  }
0x7f: {  	_ =	strace $0x9000004A  }
0x80: {  	s31 =	stileid.u32;
	[bflag:$0x2] =	sbarrier.arrive $0xFFFF  }
0x81: {  	p0 =	sne.s32 s31, $0x0;
	s0 =	rddreg [dreg:$0x2]  }
0x82: {  	s0 =	sadd.s32 @!p0 $0x100000, s0  }
0x83: {  	[sflag:s0] =	ssyncadd.tile.s32 @!p0 $0x1;
	_ =	shalt  }
.Lfunc_end1:
_tile_overlayer_lowered:
.L_overlay_start_2:
0x84: {  	(tag) =	ssettag $0x2  }
0x85: {  	s0 =	rddreg [dreg:$0x0];
	s2 =	stileid.u32  }
0x86: {  	s1 =	rddreg [dreg:$0x1];
	p0 =	sne.s32 s2, $0x0  }
0x87: {  	s3 =	rddreg [dreg:$0x2];
	[bflag:$0x3] =	sbarrier.arrive $0xFFFF;
	s2 =	simm.s32 @!p0 $0x1C01  }
0x88: {  	[timem:s3], [sflag:s2] =	dma.local @!p0 [hbm:s0], s1  }
0x89: {  	s0 =	simm.s32 @!p0 $0x1  }
0x8a: {  	_ =	swait.ge @!p0 [sflag:s0], s1  }
0x8b: {  	s1 =	ssub.s32 @!p0 $0x0, s1;
	[sflag:s0] =	ssyncset.done @!p0 $0x0  }
0x8c: {  	[sflag:s0] =	ssyncadd.s32 @!p0 s1  }
0x8d: {  	[bflag:$0x3] =	sbarrier.arrive $0xFFFF  }
0x8e: {  	_ =	shalt  }

</sc_bundles>
